<compile_context>
chip_gen: v7x
topology: tpu7x:2x2x1
jax: 0.10.2.dev20260603
libtpu: 0.0.44.dev20260713+nightly
codegen_flags: <defaults>
</compile_context>

<pallas_src>
import functools

import jax
import jax.numpy as jnp
from jax import lax
from jax.experimental import pallas as pl
from jax.experimental.pallas import tpu as pltpu
from jax.experimental.pallas import tpu_sc as plsc

N = 10000
E = 320000
D = 128

NC = 2
NS = 16
NW = NC * NS
L = 16

NP = 10240
SLICE = NP // NS
ET = E // NW
CHUNK = 128
CT = -(-E // (NW * CHUNK))
EP = NW * CT * CHUNK

_mesh = plsc.VectorSubcoreMesh(core_axis_name="c", subcore_axis_name="s")
_sc_params = pltpu.CompilerParams(needs_layout_passes=False)


def _zero_1d(ref, n):
    zeros = jnp.zeros((L,), jnp.float32)

    def body(i, _):
        ref[pl.ds(i * L, L)] = zeros
        return 0

    lax.fori_loop(0, n // L, body, 0)


@functools.partial(
    pl.kernel,
    out_type=jax.ShapeDtypeStruct((2, NW, NP), jnp.float32),
    mesh=_mesh,
    compiler_params=_sc_params,
    scratch_types=[
        pltpu.VMEM((NP,), jnp.float32),
        pltpu.VMEM((NP,), jnp.float32),
        pltpu.VMEM((ET,), jnp.int32),
        pltpu.VMEM((ET,), jnp.int32),
    ],
)
def _sc_degrees(src_hbm, dst_hbm, out_hbm, ho, hi, sb, db):
    cid = lax.axis_index("c")
    sid = lax.axis_index("s")
    w = cid * NS + sid

    _zero_1d(ho, NP)
    _zero_1d(hi, NP)
    pltpu.sync_copy(src_hbm.at[pl.ds(w * ET, ET)], sb)
    pltpu.sync_copy(dst_hbm.at[pl.ds(w * ET, ET)], db)

    ones = jnp.ones((L,), jnp.float32)

    def hist_body(j, _):
        si = sb[pl.ds(j * L, L)]
        plsc.addupdate_scatter(ho, [si], ones)
        di = db[pl.ds(j * L, L)]
        plsc.addupdate_scatter(hi, [di], ones)
        return 0

    lax.fori_loop(0, ET // L, hist_body, 0)

    pltpu.sync_copy(ho, out_hbm.at[0, w])
    pltpu.sync_copy(hi, out_hbm.at[1, w])


@functools.partial(
    pl.kernel,
    out_type=jax.ShapeDtypeStruct((NW, NP), jnp.float32),
    mesh=_mesh,
    compiler_params=_sc_params,
    scratch_types=[
        pltpu.VMEM((ET,), jnp.int32),
        pltpu.VMEM((ET,), jnp.int32),
        pltpu.VMEM((ET,), jnp.float32),
        pltpu.VMEM((NP,), jnp.float32),
        pltpu.VMEM((NP,), jnp.float32),
    ],
)
def _sc_ssum(src_hbm, dst_hbm, ew_hbm, nin_hbm, s_out, sb, db, eb, ninl, sl):
    cid = lax.axis_index("c")
    sid = lax.axis_index("s")
    w = cid * NS + sid

    _zero_1d(sl, NP)
    pltpu.sync_copy(src_hbm.at[pl.ds(w * ET, ET)], sb)
    pltpu.sync_copy(dst_hbm.at[pl.ds(w * ET, ET)], db)
    pltpu.sync_copy(ew_hbm.at[pl.ds(w * ET, ET)], eb)
    pltpu.sync_copy(nin_hbm, ninl)

    def body(j, _):
        di = db[pl.ds(j * L, L)]
        ni16 = plsc.load_gather(ninl, [di])
        ew16 = eb[pl.ds(j * L, L)]
        si = sb[pl.ds(j * L, L)]
        plsc.addupdate_scatter(sl, [si], ew16 * ni16)
        return 0

    lax.fori_loop(0, ET // L, body, 0)
    pltpu.sync_copy(sl, s_out.at[w])


def _tc_prep_body(do_ref, di_ref, x_ref, w1_ref, nor_ref, ni_ref, hw_ref):
    dego = jnp.sum(do_ref[...], axis=0, keepdims=True)
    degi = jnp.sum(di_ref[...], axis=0, keepdims=True)
    no_row = lax.rsqrt(jnp.clip(dego, 1.0, None))
    ni_row = lax.rsqrt(jnp.clip(degi, 1.0, None))
    nor_ref[...] = no_row
    ni_ref[...] = ni_row.T
    h = x_ref[...] * no_row.T[:N]
    hw_ref[...] = jnp.dot(h, w1_ref[...], preferred_element_type=jnp.float32)


def _tc_prep(d_o, d_i, x, w1):
    return pl.pallas_call(
        _tc_prep_body,
        out_shape=(
            jax.ShapeDtypeStruct((1, NP), jnp.float32),
            jax.ShapeDtypeStruct((NP, 1), jnp.float32),
            jax.ShapeDtypeStruct((N, D), jnp.float32),
        ),
    )(d_o, d_i, x, w1)


@functools.partial(
    pl.kernel,
    out_type=jax.ShapeDtypeStruct((NC, NP, D), jnp.float32),
    mesh=_mesh,
    compiler_params=_sc_params,
    scratch_types=[
        pltpu.VMEM((1, 4, CHUNK), jnp.int32),
        pltpu.VMEM((1, CHUNK, D), jnp.float32),
        pltpu.VMEM_SHARED((NP, D), jnp.float32),
        pltpu.SemaphoreType.DMA,
    ],
)
def _sc_msgpass(hw_hbm, idxp, agg_out, ibuf, rows, agg_sh, gsem0):
    cid = lax.axis_index("c")
    sid = lax.axis_index("s")
    w = cid * NS + sid
    lo = sid * SLICE

    zeros = jnp.zeros((L,), jnp.float32)

    def zbody(e, _):
        for v in range(D // L):
            rows[0, e, pl.ds(v * L, L)] = zeros
        return 0

    lax.fori_loop(0, CHUNK, zbody, 0)
    for k in range(SLICE // CHUNK):
        pltpu.sync_copy(rows.at[0],
                        agg_sh.at[pl.ds(sid * SLICE + k * CHUNK, CHUNK)])
    plsc.subcore_barrier()

    def chunk_body(c, _):
        pltpu.sync_copy(idxp.at[w, c], ibuf.at[0])
        pltpu.async_copy(hw_hbm.at[ibuf.at[0, 0]], rows.at[0], gsem0).wait()

        @plsc.parallel_loop(0, CHUNK // L, unroll=2)
        def mbody(j):
            ew16 = plsc.bitcast(ibuf[0, 2, pl.ds(j * L, L)], jnp.float32)
            for k in range(L):
                e = j * L + k
                wv = jnp.broadcast_to(ew16[k], (L,))
                for v in range(D // L):
                    rows[0, e, pl.ds(v * L, L)] = (
                        rows[0, e, pl.ds(v * L, L)] * wv)

        pltpu.sync_copy(rows.at[0], agg_sh.at[ibuf.at[0, 1]], add=True)
        return 0

    lax.fori_loop(0, CT, chunk_body, 0)
    plsc.subcore_barrier()

    pltpu.sync_copy(agg_sh.at[pl.ds(lo, SLICE)],
                    agg_out.at[cid, pl.ds(lo, SLICE)])


def _tc_finish_body(a0_ref, a1_ref, ni_ref, sp_ref, nor_ref, b1_ref, w2_ref,
                    b2_ref, out_ref):
    a = a0_ref[...] + a1_ref[...]
    h1 = jnp.maximum(a[:N] * ni_ref[...][:N] + b1_ref[...], 0.0)
    s_row = jnp.sum(sp_ref[...], axis=0, keepdims=True)
    w_row = (s_row * nor_ref[...])[:, :N]
    u = jnp.dot(w_row, h1, preferred_element_type=jnp.float32)
    out_ref[...] = b2_ref[...] + jnp.dot(
        u, w2_ref[...], preferred_element_type=jnp.float32) * (1.0 / N)


def _tc_finish(a0, a1, ni, sp, no_row, b1, w2, b2):
    return pl.pallas_call(
        _tc_finish_body,
        out_shape=jax.ShapeDtypeStruct((1, D), jnp.float32),
    )(a0, a1, ni, sp, no_row, b1, w2, b2)


def kernel(x, edge_index, edge_weight, W1, b1, W2, b2):
    src = edge_index[0]
    dst = edge_index[1]

    degs = _sc_degrees(src, dst)
    no_row, ni, hw = _tc_prep(degs[0], degs[1], x, W1)

    pad = EP - E
    ew_bits = lax.bitcast_convert_type(
        jnp.pad(edge_weight, (0, pad)), jnp.int32)
    idxp = jnp.stack([
        jnp.pad(src, (0, pad)).reshape(NW, CT, CHUNK),
        jnp.pad(dst, (0, pad)).reshape(NW, CT, CHUNK),
        ew_bits.reshape(NW, CT, CHUNK),
        jnp.zeros((NW, CT, CHUNK), jnp.int32),
    ], axis=2)

    aggp = _sc_msgpass(hw, idxp)
    sp = _sc_ssum(src, dst, edge_weight, ni.reshape(NP))
    out = _tc_finish(aggp[0], aggp[1], ni, sp, no_row,
                     b1.reshape(1, D), W2, b2.reshape(1, D))
    return out

# --- scband reference (transcript-rebuilt; emitter-appended) ---
"""Pipeline reference for scband-gcn-52209622450558 (READ-ONLY COPY).

The authoritative reference and input builder live on the scoring server;
editing this copy changes nothing except your own understanding.
"""

import jax, jax.numpy as jnp
import numpy as np

N = 10000
E = 320000
D_IN = 128
D_HID = 128
D_OUT = 128


def setup_inputs(seed: int = 0) -> dict:
    key = jax.random.key(seed)
    ks = jax.random.split(key, 8)
    x = jax.random.normal(ks[0], (N, D_IN), dtype=jnp.float32)
    edge_index = jax.random.randint(ks[1], (2, E), 0, N, dtype=jnp.int32)
    edge_weight = jax.random.uniform(ks[2], (E,), dtype=jnp.float32)
    W1 = jax.random.normal(ks[3], (D_IN, D_HID), dtype=jnp.float32) * (1.0 / np.sqrt(D_IN))
    b1 = jnp.zeros((D_HID,), dtype=jnp.float32)
    W2 = jax.random.normal(ks[4], (D_HID, D_OUT), dtype=jnp.float32) * (1.0 / np.sqrt(D_HID))
    b2 = jnp.zeros((D_OUT,), dtype=jnp.float32)
    return {"x": x, "edge_index": edge_index, "edge_weight": edge_weight,
            "W1": W1, "b1": b1, "W2": W2, "b2": b2}


def _graph_conv(h, src, dst, edge_weight, W, b, n_nodes):
    # DGL GraphConv with norm='both':
    # h_i = b + sum_{j->i} (1/sqrt(d_out(j) * d_in(i))) * e_ji * (h_j W)
    ones = jnp.ones((src.shape[0],), dtype=h.dtype)
    deg_out = jax.ops.segment_sum(ones, src, num_segments=n_nodes)
    deg_in = jax.ops.segment_sum(ones, dst, num_segments=n_nodes)
    norm_out = jax.lax.rsqrt(jnp.clip(deg_out, 1.0, None))
    norm_in = jax.lax.rsqrt(jnp.clip(deg_in, 1.0, None))
    h = h * norm_out[:, None]
    h = h @ W
    msg = jnp.take(h, src, axis=0) * edge_weight[:, None]
    agg = jax.ops.segment_sum(msg, dst, num_segments=n_nodes)
    agg = agg * norm_in[:, None]
    return agg + b


def reference(x, edge_index, edge_weight, W1, b1, W2, b2):
    src = edge_index[0]
    dst = edge_index[1]
    h = _graph_conv(x, src, dst, edge_weight, W1, b1, N)
    h = jax.nn.relu(h)
    h = _graph_conv(h, src, dst, edge_weight, W2, b2, N)
    # dgl.mean_nodes with a single graph in the batch -> [1, out_dim]
    return jnp.mean(h, axis=0, keepdims=True)

if __name__ == "__main__":
    import jax
    _d = setup_inputs()
    print(jax.jit(kernel)(*tuple(_d.values())))

</pallas_src>

<mosaic_0001>
#map = affine_map<(d0, d1) -> (0, 0)>
#map1 = affine_map<(d0, d1) -> (0, 0, 0, 0)>
#map2 = affine_map<(d0, d1) -> (0, 0, 0)>
module attributes {stable_mosaic.version = 14 : i64} {
  func.func @_sc_msgpass(%arg0: i32, %arg1: i32, %arg2: memref<10000x128xf32, #tpu.memory_space<hbm>>, %arg3: memref<32x79x4x128xi32, #tpu.memory_space<hbm>>, %arg4: memref<2x10240x128xf32, #tpu.memory_space<hbm>>, %arg5: memref<1x4x128xi32, #tpu.memory_space<vmem>>, %arg6: memref<1x128x128xf32, #tpu.memory_space<vmem>>, %arg7: memref<10240x128xf32, #tpu.memory_space<vmem_shared>>, %arg8: memref<!tpu.dma_semaphore, #tpu.memory_space<semaphore_mem>>) attributes {dimension_semantics = [#tpu.dimension_semantics<core_parallel>, #tpu.dimension_semantics<subcore_parallel>], iteration_bounds = array<i64: 2, 16>, scalar_prefetch = 0 : i64, scratch_operands = 4 : i64, tpu.core_type = #tpu.core_type<sc_vector_subcore>, window_params = [{transform_indices = #map}, {transform_indices = #map1}, {transform_indices = #map2}]} {
    %mul3A = arith.constant 16 : i32
    %mul3A_0 = arith.muli %arg0, %mul3A : i32
    %add3A = arith.addi %mul3A_0, %arg1 : i32
    %mul3A_1 = arith.constant 640 : i32
    %mul3A_2 = arith.muli %arg1, %mul3A_1 : i32
    %broadcast_in_dim3A = arith.constant 0.000000e+00 : f32
    %broadcast_in_dim3A_3 = vector.broadcast %broadcast_in_dim3A : f32 to vector<16xf32>
    %scan3A = arith.constant 0 : i32
    %scan3A_4 = arith.constant 0 : i32
    %scan3A_5 = arith.constant 128 : i32
    %scan3A_6 = arith.addi %scan3A_4, %scan3A_5 : i32
    %scan3A_7 = arith.constant 1 : i32
    %scan3A_8 = scf.for %scan3A_42 = %scan3A_4 to %scan3A_6 step %scan3A_7 iter_args(%scan3A_43 = %scan3A) -> (i32)  : i32 {
      %swap3A = arith.constant 0 : i32
      %swap3A_44 = arith.index_cast %swap3A : i32 to index
      %swap3A_45 = arith.index_cast %scan3A_42 : i32 to index
      %swap3A_46 = arith.constant 0 : index
      %swap3A_47 = tpu.vector_load %arg6[%swap3A_44, %swap3A_45, %swap3A_46] {strides = array<i32>} : memref<1x128x128xf32, #tpu.memory_space<vmem>>, vector<16xf32>,
      tpu.vector_store %arg6[%swap3A_44, %swap3A_45, %swap3A_46], %broadcast_in_dim3A_3 {strides = array<i32>} : memref<1x128x128xf32, #tpu.memory_space<vmem>>, vector<16xf32>,
      %swap3A_48 = arith.constant 0 : i32
      %swap3A_49 = arith.index_cast %swap3A_48 : i32 to index
      %swap3A_50 = arith.index_cast %scan3A_42 : i32 to index
      %swap3A_51 = arith.constant 16 : index
      %swap3A_52 = tpu.vector_load %arg6[%swap3A_49, %swap3A_50, %swap3A_51] {strides = array<i32>} : memref<1x128x128xf32, #tpu.memory_space<vmem>>, vector<16xf32>,
      tpu.vector_store %arg6[%swap3A_49, %swap3A_50, %swap3A_51], %broadcast_in_dim3A_3 {strides = array<i32>} : memref<1x128x128xf32, #tpu.memory_space<vmem>>, vector<16xf32>,
      %swap3A_53 = arith.constant 0 : i32
      %swap3A_54 = arith.index_cast %swap3A_53 : i32 to index
      %swap3A_55 = arith.index_cast %scan3A_42 : i32 to index
      %swap3A_56 = arith.constant 32 : index
      %swap3A_57 = tpu.vector_load %arg6[%swap3A_54, %swap3A_55, %swap3A_56] {strides = array<i32>} : memref<1x128x128xf32, #tpu.memory_space<vmem>>, vector<16xf32>,
      tpu.vector_store %arg6[%swap3A_54, %swap3A_55, %swap3A_56], %broadcast_in_dim3A_3 {strides = array<i32>} : memref<1x128x128xf32, #tpu.memory_space<vmem>>, vector<16xf32>,
      %swap3A_58 = arith.constant 0 : i32
      %swap3A_59 = arith.index_cast %swap3A_58 : i32 to index
      %swap3A_60 = arith.index_cast %scan3A_42 : i32 to index
      %swap3A_61 = arith.constant 48 : index
      %swap3A_62 = tpu.vector_load %arg6[%swap3A_59, %swap3A_60, %swap3A_61] {strides = array<i32>} : memref<1x128x128xf32, #tpu.memory_space<vmem>>, vector<16xf32>,
      tpu.vector_store %arg6[%swap3A_59, %swap3A_60, %swap3A_61], %broadcast_in_dim3A_3 {strides = array<i32>} : memref<1x128x128xf32, #tpu.memory_space<vmem>>, vector<16xf32>,
      %swap3A_63 = arith.constant 0 : i32
      %swap3A_64 = arith.index_cast %swap3A_63 : i32 to index
      %swap3A_65 = arith.index_cast %scan3A_42 : i32 to index
      %swap3A_66 = arith.constant 64 : index
      %swap3A_67 = tpu.vector_load %arg6[%swap3A_64, %swap3A_65, %swap3A_66] {strides = array<i32>} : memref<1x128x128xf32, #tpu.memory_space<vmem>>, vector<16xf32>,
      tpu.vector_store %arg6[%swap3A_64, %swap3A_65, %swap3A_66], %broadcast_in_dim3A_3 {strides = array<i32>} : memref<1x128x128xf32, #tpu.memory_space<vmem>>, vector<16xf32>,
      %swap3A_68 = arith.constant 0 : i32
      %swap3A_69 = arith.index_cast %swap3A_68 : i32 to index
      %swap3A_70 = arith.index_cast %scan3A_42 : i32 to index
      %swap3A_71 = arith.constant 80 : index
      %swap3A_72 = tpu.vector_load %arg6[%swap3A_69, %swap3A_70, %swap3A_71] {strides = array<i32>} : memref<1x128x128xf32, #tpu.memory_space<vmem>>, vector<16xf32>,
      tpu.vector_store %arg6[%swap3A_69, %swap3A_70, %swap3A_71], %broadcast_in_dim3A_3 {strides = array<i32>} : memref<1x128x128xf32, #tpu.memory_space<vmem>>, vector<16xf32>,
      %swap3A_73 = arith.constant 0 : i32
      %swap3A_74 = arith.index_cast %swap3A_73 : i32 to index
      %swap3A_75 = arith.index_cast %scan3A_42 : i32 to index
      %swap3A_76 = arith.constant 96 : index
      %swap3A_77 = tpu.vector_load %arg6[%swap3A_74, %swap3A_75, %swap3A_76] {strides = array<i32>} : memref<1x128x128xf32, #tpu.memory_space<vmem>>, vector<16xf32>,
      tpu.vector_store %arg6[%swap3A_74, %swap3A_75, %swap3A_76], %broadcast_in_dim3A_3 {strides = array<i32>} : memref<1x128x128xf32, #tpu.memory_space<vmem>>, vector<16xf32>,
      %swap3A_78 = arith.constant 0 : i32
      %swap3A_79 = arith.index_cast %swap3A_78 : i32 to index
      %swap3A_80 = arith.index_cast %scan3A_42 : i32 to index
      %swap3A_81 = arith.constant 112 : index
      %swap3A_82 = tpu.vector_load %arg6[%swap3A_79, %swap3A_80, %swap3A_81] {strides = array<i32>} : memref<1x128x128xf32, #tpu.memory_space<vmem>>, vector<16xf32>,
      tpu.vector_store %arg6[%swap3A_79, %swap3A_80, %swap3A_81], %broadcast_in_dim3A_3 {strides = array<i32>} : memref<1x128x128xf32, #tpu.memory_space<vmem>>, vector<16xf32>,
      %scan3A_83 = arith.constant 0 : i32
      scf.yield %scan3A_83 : i32
    }
    %scan3A_9 = arith.constant 128 : i32
    %mul3A_10 = arith.constant 640 : i32
    %mul3A_11 = arith.muli %arg1, %mul3A_10 : i32
    %add3A_12 = arith.constant 0 : i32
    %add3A_13 = arith.addi %mul3A_11, %add3A_12 : i32
    %run_scoped3A = arith.constant 0 : i32
    "tpu.region"() ({
      %run_scoped3A_42 = tpu.sem_alloc : memref<!tpu.dma_semaphore, #tpu.memory_space<semaphore_mem>>
      %dma_start3A = arith.constant 0 : i32
      %dma_start3A_43 = arith.constant 0 : i32
      %dma_start3A_44 = tpu.memref_slice %arg6[%run_scoped3A, %dma_start3A, %dma_start3A_43] : memref<1x128x128xf32, #tpu.memory_space<vmem>> -> memref<1x128x128xf32, #tpu.memory_space<vmem>>
      %dma_start3A_45 = tpu.memref_squeeze %dma_start3A_44 : memref<1x128x128xf32, #tpu.memory_space<vmem>> -> memref<128x128xf32, #tpu.memory_space<vmem>>
      %dma_start3A_46 = arith.constant 0 : i32
      %dma_start3A_47 = tpu.memref_slice %arg7[%add3A_13, %dma_start3A_46] : memref<10240x128xf32, #tpu.memory_space<vmem_shared>> -> memref<128x128xf32, #tpu.memory_space<vmem_shared>>
      %dma_start3A_48 = arith.constant 0 : i32
      %dma_start3A_49 = tpu.memref_slice %arg7[%add3A_13, %dma_start3A_48] : memref<10240x128xf32, #tpu.memory_space<vmem_shared>> -> memref<128x128xf32, #tpu.memory_space<vmem_shared>>
      %dma_start3A_50 = arith.constant 0 : i32
      %dma_start3A_51 = arith.constant 0 : i32
      %dma_start3A_52 = tpu.memref_slice %arg6[%run_scoped3A, %dma_start3A_50, %dma_start3A_51] : memref<1x128x128xf32, #tpu.memory_space<vmem>> -> memref<1x128x128xf32, #tpu.memory_space<vmem>>
      %dma_start3A_53 = tpu.memref_squeeze %dma_start3A_52 : memref<1x128x128xf32, #tpu.memory_space<vmem>> -> memref<128x128xf32, #tpu.memory_space<vmem>>
      tpu.enqueue_dma source(%dma_start3A_53 : memref<128x128xf32, #tpu.memory_space<vmem>>) target(%dma_start3A_49 : memref<128x128xf32, #tpu.memory_space<vmem_shared>>) target_semaphore(%run_scoped3A_42 : memref<!tpu.dma_semaphore, #tpu.memory_space<semaphore_mem>>)
      %dma_wait3A = arith.constant 0 : i32
      %dma_wait3A_54 = arith.constant 0 : i32
      %dma_wait3A_55 = tpu.memref_slice %arg6[%run_scoped3A, %dma_wait3A, %dma_wait3A_54] : memref<1x128x128xf32, #tpu.memory_space<vmem>> -> memref<1x128x128xf32, #tpu.memory_space<vmem>>
      %dma_wait3A_56 = tpu.memref_squeeze %dma_wait3A_55 : memref<1x128x128xf32, #tpu.memory_space<vmem>> -> memref<128x128xf32, #tpu.memory_space<vmem>>
      %dma_wait3A_57 = arith.constant 0 : i32
      %dma_wait3A_58 = tpu.memref_slice %arg7[%add3A_13, %dma_wait3A_57] : memref<10240x128xf32, #tpu.memory_space<vmem_shared>> -> memref<128x128xf32, #tpu.memory_space<vmem_shared>>
      %dma_wait3A_59 = arith.constant 0 : i32
      %dma_wait3A_60 = tpu.memref_slice %arg7[%add3A_13, %dma_wait3A_59] : memref<10240x128xf32, #tpu.memory_space<vmem_shared>> -> memref<128x128xf32, #tpu.memory_space<vmem_shared>>
      %dma_wait3A_61 = arith.constant 0 : i32
      %dma_wait3A_62 = arith.constant 0 : i32
      %dma_wait3A_63 = tpu.memref_slice %arg6[%run_scoped3A, %dma_wait3A_61, %dma_wait3A_62] : memref<1x128x128xf32, #tpu.memory_space<vmem>> -> memref<1x128x128xf32, #tpu.memory_space<vmem>>
      %dma_wait3A_64 = tpu.memref_squeeze %dma_wait3A_63 : memref<1x128x128xf32, #tpu.memory_space<vmem>> -> memref<128x128xf32, #tpu.memory_space<vmem>>
      tpu.wait_dma2 semaphore(%run_scoped3A_42 : memref<!tpu.dma_semaphore, #tpu.memory_space<semaphore_mem>>) src(%dma_wait3A_64 : memref<128x128xf32, #tpu.memory_space<vmem>>) dst(%dma_wait3A_60 : memref<128x128xf32, #tpu.memory_space<vmem_shared>>)
      tpu.yield
    }) : () -> ()
    %mul3A_14 = arith.constant 640 : i32
    %mul3A_15 = arith.muli %arg1, %mul3A_14 : i32
    %add3A_16 = arith.constant 128 : i32
    %add3A_17 = arith.addi %mul3A_15, %add3A_16 : i32
    %run_scoped3A_18 = arith.constant 0 : i32
    "tpu.region"() ({
      %run_scoped3A_42 = tpu.sem_alloc : memref<!tpu.dma_semaphore, #tpu.memory_space<semaphore_mem>>
      %dma_start3A = arith.constant 0 : i32
      %dma_start3A_43 = arith.constant 0 : i32
      %dma_start3A_44 = tpu.memref_slice %arg6[%run_scoped3A_18, %dma_start3A, %dma_start3A_43] : memref<1x128x128xf32, #tpu.memory_space<vmem>> -> memref<1x128x128xf32, #tpu.memory_space<vmem>>
      %dma_start3A_45 = tpu.memref_squeeze %dma_start3A_44 : memref<1x128x128xf32, #tpu.memory_space<vmem>> -> memref<128x128xf32, #tpu.memory_space<vmem>>
      %dma_start3A_46 = arith.constant 0 : i32
      %dma_start3A_47 = tpu.memref_slice %arg7[%add3A_17, %dma_start3A_46] : memref<10240x128xf32, #tpu.memory_space<vmem_shared>> -> memref<128x128xf32, #tpu.memory_space<vmem_shared>>
      %dma_start3A_48 = arith.constant 0 : i32
      %dma_start3A_49 = tpu.memref_slice %arg7[%add3A_17, %dma_start3A_48] : memref<10240x128xf32, #tpu.memory_space<vmem_shared>> -> memref<128x128xf32, #tpu.memory_space<vmem_shared>>
      %dma_start3A_50 = arith.constant 0 : i32
      %dma_start3A_51 = arith.constant 0 : i32
      %dma_start3A_52 = tpu.memref_slice %arg6[%run_scoped3A_18, %dma_start3A_50, %dma_start3A_51] : memref<1x128x128xf32, #tpu.memory_space<vmem>> -> memref<1x128x128xf32, #tpu.memory_space<vmem>>
      %dma_start3A_53 = tpu.memref_squeeze %dma_start3A_52 : memref<1x128x128xf32, #tpu.memory_space<vmem>> -> memref<128x128xf32, #tpu.memory_space<vmem>>
      tpu.enqueue_dma source(%dma_start3A_53 : memref<128x128xf32, #tpu.memory_space<vmem>>) target(%dma_start3A_49 : memref<128x128xf32, #tpu.memory_space<vmem_shared>>) target_semaphore(%run_scoped3A_42 : memref<!tpu.dma_semaphore, #tpu.memory_space<semaphore_mem>>)
      %dma_wait3A = arith.constant 0 : i32
      %dma_wait3A_54 = arith.constant 0 : i32
      %dma_wait3A_55 = tpu.memref_slice %arg6[%run_scoped3A_18, %dma_wait3A, %dma_wait3A_54] : memref<1x128x128xf32, #tpu.memory_space<vmem>> -> memref<1x128x128xf32, #tpu.memory_space<vmem>>
      %dma_wait3A_56 = tpu.memref_squeeze %dma_wait3A_55 : memref<1x128x128xf32, #tpu.memory_space<vmem>> -> memref<128x128xf32, #tpu.memory_space<vmem>>
      %dma_wait3A_57 = arith.constant 0 : i32
      %dma_wait3A_58 = tpu.memref_slice %arg7[%add3A_17, %dma_wait3A_57] : memref<10240x128xf32, #tpu.memory_space<vmem_shared>> -> memref<128x128xf32, #tpu.memory_space<vmem_shared>>
      %dma_wait3A_59 = arith.constant 0 : i32
      %dma_wait3A_60 = tpu.memref_slice %arg7[%add3A_17, %dma_wait3A_59] : memref<10240x128xf32, #tpu.memory_space<vmem_shared>> -> memref<128x128xf32, #tpu.memory_space<vmem_shared>>
      %dma_wait3A_61 = arith.constant 0 : i32
      %dma_wait3A_62 = arith.constant 0 : i32
      %dma_wait3A_63 = tpu.memref_slice %arg6[%run_scoped3A_18, %dma_wait3A_61, %dma_wait3A_62] : memref<1x128x128xf32, #tpu.memory_space<vmem>> -> memref<1x128x128xf32, #tpu.memory_space<vmem>>
      %dma_wait3A_64 = tpu.memref_squeeze %dma_wait3A_63 : memref<1x128x128xf32, #tpu.memory_space<vmem>> -> memref<128x128xf32, #tpu.memory_space<vmem>>
      tpu.wait_dma2 semaphore(%run_scoped3A_42 : memref<!tpu.dma_semaphore, #tpu.memory_space<semaphore_mem>>) src(%dma_wait3A_64 : memref<128x128xf32, #tpu.memory_space<vmem>>) dst(%dma_wait3A_60 : memref<128x128xf32, #tpu.memory_space<vmem_shared>>)
      tpu.yield
    }) : () -> ()
    %mul3A_19 = arith.constant 640 : i32
    %mul3A_20 = arith.muli %arg1, %mul3A_19 : i32
    %add3A_21 = arith.constant 256 : i32
    %add3A_22 = arith.addi %mul3A_20, %add3A_21 : i32
    %run_scoped3A_23 = arith.constant 0 : i32
    "tpu.region"() ({
      %run_scoped3A_42 = tpu.sem_alloc : memref<!tpu.dma_semaphore, #tpu.memory_space<semaphore_mem>>
      %dma_start3A = arith.constant 0 : i32
      %dma_start3A_43 = arith.constant 0 : i32
      %dma_start3A_44 = tpu.memref_slice %arg6[%run_scoped3A_23, %dma_start3A, %dma_start3A_43] : memref<1x128x128xf32, #tpu.memory_space<vmem>> -> memref<1x128x128xf32, #tpu.memory_space<vmem>>
      %dma_start3A_45 = tpu.memref_squeeze %dma_start3A_44 : memref<1x128x128xf32, #tpu.memory_space<vmem>> -> memref<128x128xf32, #tpu.memory_space<vmem>>
      %dma_start3A_46 = arith.constant 0 : i32
      %dma_start3A_47 = tpu.memref_slice %arg7[%add3A_22, %dma_start3A_46] : memref<10240x128xf32, #tpu.memory_space<vmem_shared>> -> memref<128x128xf32, #tpu.memory_space<vmem_shared>>
      %dma_start3A_48 = arith.constant 0 : i32
      %dma_start3A_49 = tpu.memref_slice %arg7[%add3A_22, %dma_start3A_48] : memref<10240x128xf32, #tpu.memory_space<vmem_shared>> -> memref<128x128xf32, #tpu.memory_space<vmem_shared>>
      %dma_start3A_50 = arith.constant 0 : i32
      %dma_start3A_51 = arith.constant 0 : i32
      %dma_start3A_52 = tpu.memref_slice %arg6[%run_scoped3A_23, %dma_start3A_50, %dma_start3A_51] : memref<1x128x128xf32, #tpu.memory_space<vmem>> -> memref<1x128x128xf32, #tpu.memory_space<vmem>>
      %dma_start3A_53 = tpu.memref_squeeze %dma_start3A_52 : memref<1x128x128xf32, #tpu.memory_space<vmem>> -> memref<128x128xf32, #tpu.memory_space<vmem>>
      tpu.enqueue_dma source(%dma_start3A_53 : memref<128x128xf32, #tpu.memory_space<vmem>>) target(%dma_start3A_49 : memref<128x128xf32, #tpu.memory_space<vmem_shared>>) target_semaphore(%run_scoped3A_42 : memref<!tpu.dma_semaphore, #tpu.memory_space<semaphore_mem>>)
      %dma_wait3A = arith.constant 0 : i32
      %dma_wait3A_54 = arith.constant 0 : i32
      %dma_wait3A_55 = tpu.memref_slice %arg6[%run_scoped3A_23, %dma_wait3A, %dma_wait3A_54] : memref<1x128x128xf32, #tpu.memory_space<vmem>> -> memref<1x128x128xf32, #tpu.memory_space<vmem>>
      %dma_wait3A_56 = tpu.memref_squeeze %dma_wait3A_55 : memref<1x128x128xf32, #tpu.memory_space<vmem>> -> memref<128x128xf32, #tpu.memory_space<vmem>>
      %dma_wait3A_57 = arith.constant 0 : i32
      %dma_wait3A_58 = tpu.memref_slice %arg7[%add3A_22, %dma_wait3A_57] : memref<10240x128xf32, #tpu.memory_space<vmem_shared>> -> memref<128x128xf32, #tpu.memory_space<vmem_shared>>
      %dma_wait3A_59 = arith.constant 0 : i32
      %dma_wait3A_60 = tpu.memref_slice %arg7[%add3A_22, %dma_wait3A_59] : memref<10240x128xf32, #tpu.memory_space<vmem_shared>> -> memref<128x128xf32, #tpu.memory_space<vmem_shared>>
      %dma_wait3A_61 = arith.constant 0 : i32
      %dma_wait3A_62 = arith.constant 0 : i32
      %dma_wait3A_63 = tpu.memref_slice %arg6[%run_scoped3A_23, %dma_wait3A_61, %dma_wait3A_62] : memref<1x128x128xf32, #tpu.memory_space<vmem>> -> memref<1x128x128xf32, #tpu.memory_space<vmem>>
      %dma_wait3A_64 = tpu.memref_squeeze %dma_wait3A_63 : memref<1x128x128xf32, #tpu.memory_space<vmem>> -> memref<128x128xf32, #tpu.memory_space<vmem>>
      tpu.wait_dma2 semaphore(%run_scoped3A_42 : memref<!tpu.dma_semaphore, #tpu.memory_space<semaphore_mem>>) src(%dma_wait3A_64 : memref<128x128xf32, #tpu.memory_space<vmem>>) dst(%dma_wait3A_60 : memref<128x128xf32, #tpu.memory_space<vmem_shared>>)
      tpu.yield
    }) : () -> ()
    %mul3A_24 = arith.constant 640 : i32
    %mul3A_25 = arith.muli %arg1, %mul3A_24 : i32
    %add3A_26 = arith.constant 384 : i32
    %add3A_27 = arith.addi %mul3A_25, %add3A_26 : i32
    %run_scoped3A_28 = arith.constant 0 : i32
    "tpu.region"() ({
      %run_scoped3A_42 = tpu.sem_alloc : memref<!tpu.dma_semaphore, #tpu.memory_space<semaphore_mem>>
      %dma_start3A = arith.constant 0 : i32
      %dma_start3A_43 = arith.constant 0 : i32
      %dma_start3A_44 = tpu.memref_slice %arg6[%run_scoped3A_28, %dma_start3A, %dma_start3A_43] : memref<1x128x128xf32, #tpu.memory_space<vmem>> -> memref<1x128x128xf32, #tpu.memory_space<vmem>>
      %dma_start3A_45 = tpu.memref_squeeze %dma_start3A_44 : memref<1x128x128xf32, #tpu.memory_space<vmem>> -> memref<128x128xf32, #tpu.memory_space<vmem>>
      %dma_start3A_46 = arith.constant 0 : i32
      %dma_start3A_47 = tpu.memref_slice %arg7[%add3A_27, %dma_start3A_46] : memref<10240x128xf32, #tpu.memory_space<vmem_shared>> -> memref<128x128xf32, #tpu.memory_space<vmem_shared>>
      %dma_start3A_48 = arith.constant 0 : i32
      %dma_start3A_49 = tpu.memref_slice %arg7[%add3A_27, %dma_start3A_48] : memref<10240x128xf32, #tpu.memory_space<vmem_shared>> -> memref<128x128xf32, #tpu.memory_space<vmem_shared>>
      %dma_start3A_50 = arith.constant 0 : i32
      %dma_start3A_51 = arith.constant 0 : i32
      %dma_start3A_52 = tpu.memref_slice %arg6[%run_scoped3A_28, %dma_start3A_50, %dma_start3A_51] : memref<1x128x128xf32, #tpu.memory_space<vmem>> -> memref<1x128x128xf32, #tpu.memory_space<vmem>>
      %dma_start3A_53 = tpu.memref_squeeze %dma_start3A_52 : memref<1x128x128xf32, #tpu.memory_space<vmem>> -> memref<128x128xf32, #tpu.memory_space<vmem>>
      tpu.enqueue_dma source(%dma_start3A_53 : memref<128x128xf32, #tpu.memory_space<vmem>>) target(%dma_start3A_49 : memref<128x128xf32, #tpu.memory_space<vmem_shared>>) target_semaphore(%run_scoped3A_42 : memref<!tpu.dma_semaphore, #tpu.memory_space<semaphore_mem>>)
      %dma_wait3A = arith.constant 0 : i32
      %dma_wait3A_54 = arith.constant 0 : i32
      %dma_wait3A_55 = tpu.memref_slice %arg6[%run_scoped3A_28, %dma_wait3A, %dma_wait3A_54] : memref<1x128x128xf32, #tpu.memory_space<vmem>> -> memref<1x128x128xf32, #tpu.memory_space<vmem>>
      %dma_wait3A_56 = tpu.memref_squeeze %dma_wait3A_55 : memref<1x128x128xf32, #tpu.memory_space<vmem>> -> memref<128x128xf32, #tpu.memory_space<vmem>>
      %dma_wait3A_57 = arith.constant 0 : i32
      %dma_wait3A_58 = tpu.memref_slice %arg7[%add3A_27, %dma_wait3A_57] : memref<10240x128xf32, #tpu.memory_space<vmem_shared>> -> memref<128x128xf32, #tpu.memory_space<vmem_shared>>
      %dma_wait3A_59 = arith.constant 0 : i32
      %dma_wait3A_60 = tpu.memref_slice %arg7[%add3A_27, %dma_wait3A_59] : memref<10240x128xf32, #tpu.memory_space<vmem_shared>> -> memref<128x128xf32, #tpu.memory_space<vmem_shared>>
      %dma_wait3A_61 = arith.constant 0 : i32
      %dma_wait3A_62 = arith.constant 0 : i32
      %dma_wait3A_63 = tpu.memref_slice %arg6[%run_scoped3A_28, %dma_wait3A_61, %dma_wait3A_62] : memref<1x128x128xf32, #tpu.memory_space<vmem>> -> memref<1x128x128xf32, #tpu.memory_space<vmem>>
      %dma_wait3A_64 = tpu.memref_squeeze %dma_wait3A_63 : memref<1x128x128xf32, #tpu.memory_space<vmem>> -> memref<128x128xf32, #tpu.memory_space<vmem>>
      tpu.wait_dma2 semaphore(%run_scoped3A_42 : memref<!tpu.dma_semaphore, #tpu.memory_space<semaphore_mem>>) src(%dma_wait3A_64 : memref<128x128xf32, #tpu.memory_space<vmem>>) dst(%dma_wait3A_60 : memref<128x128xf32, #tpu.memory_space<vmem_shared>>)
      tpu.yield
    }) : () -> ()
    %mul3A_29 = arith.constant 640 : i32
    %mul3A_30 = arith.muli %arg1, %mul3A_29 : i32
    %add3A_31 = arith.constant 512 : i32
    %add3A_32 = arith.addi %mul3A_30, %add3A_31 : i32
    %run_scoped3A_33 = arith.constant 0 : i32
    "tpu.region"() ({
      %run_scoped3A_42 = tpu.sem_alloc : memref<!tpu.dma_semaphore, #tpu.memory_space<semaphore_mem>>
      %dma_start3A = arith.constant 0 : i32
      %dma_start3A_43 = arith.constant 0 : i32
      %dma_start3A_44 = tpu.memref_slice %arg6[%run_scoped3A_33, %dma_start3A, %dma_start3A_43] : memref<1x128x128xf32, #tpu.memory_space<vmem>> -> memref<1x128x128xf32, #tpu.memory_space<vmem>>
      %dma_start3A_45 = tpu.memref_squeeze %dma_start3A_44 : memref<1x128x128xf32, #tpu.memory_space<vmem>> -> memref<128x128xf32, #tpu.memory_space<vmem>>
      %dma_start3A_46 = arith.constant 0 : i32
      %dma_start3A_47 = tpu.memref_slice %arg7[%add3A_32, %dma_start3A_46] : memref<10240x128xf32, #tpu.memory_space<vmem_shared>> -> memref<128x128xf32, #tpu.memory_space<vmem_shared>>
      %dma_start3A_48 = arith.constant 0 : i32
      %dma_start3A_49 = tpu.memref_slice %arg7[%add3A_32, %dma_start3A_48] : memref<10240x128xf32, #tpu.memory_space<vmem_shared>> -> memref<128x128xf32, #tpu.memory_space<vmem_shared>>
      %dma_start3A_50 = arith.constant 0 : i32
      %dma_start3A_51 = arith.constant 0 : i32
      %dma_start3A_52 = tpu.memref_slice %arg6[%run_scoped3A_33, %dma_start3A_50, %dma_start3A_51] : memref<1x128x128xf32, #tpu.memory_space<vmem>> -> memref<1x128x128xf32, #tpu.memory_space<vmem>>
      %dma_start3A_53 = tpu.memref_squeeze %dma_start3A_52 : memref<1x128x128xf32, #tpu.memory_space<vmem>> -> memref<128x128xf32, #tpu.memory_space<vmem>>
      tpu.enqueue_dma source(%dma_start3A_53 : memref<128x128xf32, #tpu.memory_space<vmem>>) target(%dma_start3A_49 : memref<128x128xf32, #tpu.memory_space<vmem_shared>>) target_semaphore(%run_scoped3A_42 : memref<!tpu.dma_semaphore, #tpu.memory_space<semaphore_mem>>)
      %dma_wait3A = arith.constant 0 : i32
      %dma_wait3A_54 = arith.constant 0 : i32
      %dma_wait3A_55 = tpu.memref_slice %arg6[%run_scoped3A_33, %dma_wait3A, %dma_wait3A_54] : memref<1x128x128xf32, #tpu.memory_space<vmem>> -> memref<1x128x128xf32, #tpu.memory_space<vmem>>
      %dma_wait3A_56 = tpu.memref_squeeze %dma_wait3A_55 : memref<1x128x128xf32, #tpu.memory_space<vmem>> -> memref<128x128xf32, #tpu.memory_space<vmem>>
      %dma_wait3A_57 = arith.constant 0 : i32
      %dma_wait3A_58 = tpu.memref_slice %arg7[%add3A_32, %dma_wait3A_57] : memref<10240x128xf32, #tpu.memory_space<vmem_shared>> -> memref<128x128xf32, #tpu.memory_space<vmem_shared>>
      %dma_wait3A_59 = arith.constant 0 : i32
      %dma_wait3A_60 = tpu.memref_slice %arg7[%add3A_32, %dma_wait3A_59] : memref<10240x128xf32, #tpu.memory_space<vmem_shared>> -> memref<128x128xf32, #tpu.memory_space<vmem_shared>>
      %dma_wait3A_61 = arith.constant 0 : i32
      %dma_wait3A_62 = arith.constant 0 : i32
      %dma_wait3A_63 = tpu.memref_slice %arg6[%run_scoped3A_33, %dma_wait3A_61, %dma_wait3A_62] : memref<1x128x128xf32, #tpu.memory_space<vmem>> -> memref<1x128x128xf32, #tpu.memory_space<vmem>>
      %dma_wait3A_64 = tpu.memref_squeeze %dma_wait3A_63 : memref<1x128x128xf32, #tpu.memory_space<vmem>> -> memref<128x128xf32, #tpu.memory_space<vmem>>
      tpu.wait_dma2 semaphore(%run_scoped3A_42 : memref<!tpu.dma_semaphore, #tpu.memory_space<semaphore_mem>>) src(%dma_wait3A_64 : memref<128x128xf32, #tpu.memory_space<vmem>>) dst(%dma_wait3A_60 : memref<128x128xf32, #tpu.memory_space<vmem_shared>>)
      tpu.yield
    }) : () -> ()
    %barrier3A = arith.constant 0 : index
    tpu.barrier barrier_id(%barrier3A)
    %scan3A_34 = arith.constant 0 : i32
    %scan3A_35 = arith.constant 0 : i32
    %scan3A_36 = arith.constant 79 : i32
    %scan3A_37 = arith.addi %scan3A_35, %scan3A_36 : i32
    %scan3A_38 = arith.constant 1 : i32
    %scan3A_39 = scf.for %scan3A_42 = %scan3A_35 to %scan3A_37 step %scan3A_38 iter_args(%scan3A_43 = %scan3A_34) -> (i32)  : i32 {
      %run_scoped3A_44 = arith.constant 0 : i32
      "tpu.region"() ({
        %run_scoped3A_75 = tpu.sem_alloc : memref<!tpu.dma_semaphore, #tpu.memory_space<semaphore_mem>>
        %dma_start3A_76 = arith.constant 0 : i32
        %dma_start3A_77 = arith.constant 0 : i32
        %dma_start3A_78 = tpu.memref_slice %arg5[%run_scoped3A_44, %dma_start3A_76, %dma_start3A_77] : memref<1x4x128xi32, #tpu.memory_space<vmem>> -> memref<1x4x128xi32, #tpu.memory_space<vmem>>
        %dma_start3A_79 = tpu.memref_squeeze %dma_start3A_78 : memref<1x4x128xi32, #tpu.memory_space<vmem>> -> memref<4x128xi32, #tpu.memory_space<vmem>>
        %dma_start3A_80 = arith.constant 0 : i32
        %dma_start3A_81 = arith.constant 0 : i32
        %dma_start3A_82 = tpu.memref_slice %arg3[%add3A, %scan3A_42, %dma_start3A_80, %dma_start3A_81] : memref<32x79x4x128xi32, #tpu.memory_space<hbm>> -> memref<1x1x4x128xi32, #tpu.memory_space<hbm>>
        %dma_start3A_83 = tpu.memref_squeeze %dma_start3A_82 : memref<1x1x4x128xi32, #tpu.memory_space<hbm>> -> memref<4x128xi32, #tpu.memory_space<hbm>>
        %dma_start3A_84 = arith.constant 0 : i32
        %dma_start3A_85 = arith.constant 0 : i32
        %dma_start3A_86 = tpu.memref_slice %arg5[%run_scoped3A_44, %dma_start3A_84, %dma_start3A_85] : memref<1x4x128xi32, #tpu.memory_space<vmem>> -> memref<1x4x128xi32, #tpu.memory_space<vmem>>
        %dma_start3A_87 = tpu.memref_squeeze %dma_start3A_86 : memref<1x4x128xi32, #tpu.memory_space<vmem>> -> memref<4x128xi32, #tpu.memory_space<vmem>>
        %dma_start3A_88 = arith.constant 0 : i32
        %dma_start3A_89 = arith.constant 0 : i32
        %dma_start3A_90 = tpu.memref_slice %arg3[%add3A, %scan3A_42, %dma_start3A_88, %dma_start3A_89] : memref<32x79x4x128xi32, #tpu.memory_space<hbm>> -> memref<1x1x4x128xi32, #tpu.memory_space<hbm>>
        %dma_start3A_91 = tpu.memref_squeeze %dma_start3A_90 : memref<1x1x4x128xi32, #tpu.memory_space<hbm>> -> memref<4x128xi32, #tpu.memory_space<hbm>>
        tpu.enqueue_dma source(%dma_start3A_91 : memref<4x128xi32, #tpu.memory_space<hbm>>) target(%dma_start3A_87 : memref<4x128xi32, #tpu.memory_space<vmem>>) target_semaphore(%run_scoped3A_75 : memref<!tpu.dma_semaphore, #tpu.memory_space<semaphore_mem>>)
        %dma_wait3A_92 = arith.constant 0 : i32
        %dma_wait3A_93 = arith.constant 0 : i32
        %dma_wait3A_94 = tpu.memref_slice %arg5[%run_scoped3A_44, %dma_wait3A_92, %dma_wait3A_93] : memref<1x4x128xi32, #tpu.memory_space<vmem>> -> memref<1x4x128xi32, #tpu.memory_space<vmem>>
        %dma_wait3A_95 = tpu.memref_squeeze %dma_wait3A_94 : memref<1x4x128xi32, #tpu.memory_space<vmem>> -> memref<4x128xi32, #tpu.memory_space<vmem>>
        %dma_wait3A_96 = arith.constant 0 : i32
        %dma_wait3A_97 = arith.constant 0 : i32
        %dma_wait3A_98 = tpu.memref_slice %arg3[%add3A, %scan3A_42, %dma_wait3A_96, %dma_wait3A_97] : memref<32x79x4x128xi32, #tpu.memory_space<hbm>> -> memref<1x1x4x128xi32, #tpu.memory_space<hbm>>
        %dma_wait3A_99 = tpu.memref_squeeze %dma_wait3A_98 : memref<1x1x4x128xi32, #tpu.memory_space<hbm>> -> memref<4x128xi32, #tpu.memory_space<hbm>>
        %dma_wait3A_100 = arith.constant 0 : i32
        %dma_wait3A_101 = arith.constant 0 : i32
        %dma_wait3A_102 = tpu.memref_slice %arg5[%run_scoped3A_44, %dma_wait3A_100, %dma_wait3A_101] : memref<1x4x128xi32, #tpu.memory_space<vmem>> -> memref<1x4x128xi32, #tpu.memory_space<vmem>>
        %dma_wait3A_103 = tpu.memref_squeeze %dma_wait3A_102 : memref<1x4x128xi32, #tpu.memory_space<vmem>> -> memref<4x128xi32, #tpu.memory_space<vmem>>
        %dma_wait3A_104 = arith.constant 0 : i32
        %dma_wait3A_105 = arith.constant 0 : i32
        %dma_wait3A_106 = tpu.memref_slice %arg3[%add3A, %scan3A_42, %dma_wait3A_104, %dma_wait3A_105] : memref<32x79x4x128xi32, #tpu.memory_space<hbm>> -> memref<1x1x4x128xi32, #tpu.memory_space<hbm>>
        %dma_wait3A_107 = tpu.memref_squeeze %dma_wait3A_106 : memref<1x1x4x128xi32, #tpu.memory_space<hbm>> -> memref<4x128xi32, #tpu.memory_space<hbm>>
        tpu.wait_dma2 semaphore(%run_scoped3A_75 : memref<!tpu.dma_semaphore, #tpu.memory_space<semaphore_mem>>) src(%dma_wait3A_107 : memref<4x128xi32, #tpu.memory_space<hbm>>) dst(%dma_wait3A_103 : memref<4x128xi32, #tpu.memory_space<vmem>>)
        tpu.yield
      }) : () -> ()
      %dma_start3A = arith.constant 0 : i32
      %dma_start3A_45 = arith.constant 0 : i32
      %dma_start3A_46 = arith.constant 0 : i32
      %dma_start3A_47 = arith.constant 0 : i32
      %dma_start3A_48 = arith.constant 0 : i32
      %dma_start3A_49 = tpu.memref_slice %arg6[%dma_start3A_46, %dma_start3A_47, %dma_start3A_48] : memref<1x128x128xf32, #tpu.memory_space<vmem>> -> memref<1x128x128xf32, #tpu.memory_space<vmem>>
      %dma_start3A_50 = tpu.memref_squeeze %dma_start3A_49 : memref<1x128x128xf32, #tpu.memory_space<vmem>> -> memref<128x128xf32, #tpu.memory_space<vmem>>
      %dma_start3A_51 = arith.constant 0 : i32
      %dma_start3A_52 = tpu.memref_slice %arg5[%dma_start3A, %dma_start3A_45, %dma_start3A_51] : memref<1x4x128xi32, #tpu.memory_space<vmem>> -> memref<1x1x128xi32, #tpu.memory_space<vmem>>
      %dma_start3A_53 = tpu.memref_squeeze %dma_start3A_52 : memref<1x1x128xi32, #tpu.memory_space<vmem>> -> memref<128xi32, #tpu.memory_space<vmem>>
      %dma_start3A_54 = arith.constant 0 : i32
      %dma_start3A_55 = arith.constant 0 : i32
      %dma_start3A_56 = tpu.memref_slice %arg2[%dma_start3A_54, %dma_start3A_55] : memref<10000x128xf32, #tpu.memory_space<hbm>> -> memref<10000x128xf32, #tpu.memory_space<hbm>>
      tpu.enqueue_indirect_dma source(%dma_start3A_56 : memref<10000x128xf32, #tpu.memory_space<hbm>>) target(%dma_start3A_50 : memref<128x128xf32, #tpu.memory_space<vmem>>) offsets(%dma_start3A_53 : memref<128xi32, #tpu.memory_space<vmem>>) semaphore(%arg8 : memref<!tpu.dma_semaphore, #tpu.memory_space<semaphore_mem>>)
      %dma_wait3A = arith.constant 0 : i32
      %dma_wait3A_57 = arith.constant 0 : i32
      %dma_wait3A_58 = arith.constant 0 : i32
      %dma_wait3A_59 = arith.constant 0 : i32
      %dma_wait3A_60 = arith.constant 0 : i32
      %dma_wait3A_61 = tpu.memref_slice %arg6[%dma_wait3A_58, %dma_wait3A_59, %dma_wait3A_60] : memref<1x128x128xf32, #tpu.memory_space<vmem>> -> memref<1x128x128xf32, #tpu.memory_space<vmem>>
      %dma_wait3A_62 = tpu.memref_squeeze %dma_wait3A_61 : memref<1x128x128xf32, #tpu.memory_space<vmem>> -> memref<128x128xf32, #tpu.memory_space<vmem>>
      %dma_wait3A_63 = arith.constant 0 : i32
      %dma_wait3A_64 = tpu.memref_slice %arg5[%dma_wait3A, %dma_wait3A_57, %dma_wait3A_63] : memref<1x4x128xi32, #tpu.memory_space<vmem>> -> memref<1x1x128xi32, #tpu.memory_space<vmem>>
      %dma_wait3A_65 = tpu.memref_squeeze %dma_wait3A_64 : memref<1x1x128xi32, #tpu.memory_space<vmem>> -> memref<128xi32, #tpu.memory_space<vmem>>
      %dma_wait3A_66 = arith.constant 0 : i32
      %dma_wait3A_67 = arith.constant 0 : i32
      %dma_wait3A_68 = tpu.memref_slice %arg2[%dma_wait3A_66, %dma_wait3A_67] : memref<10000x128xf32, #tpu.memory_space<hbm>> -> memref<10000x128xf32, #tpu.memory_space<hbm>>
      tpu.wait_indirect_dma semaphore(%arg8 : memref<!tpu.dma_semaphore, #tpu.memory_space<semaphore_mem>>) src(%dma_wait3A_68 : memref<10000x128xf32, #tpu.memory_space<hbm>>) dst(%dma_wait3A_62 : memref<128x128xf32, #tpu.memory_space<vmem>>)
      %parallel_loop3A = arith.constant 0 : i32
      %parallel_loop3A_69 = arith.constant 8 : i32
      %parallel_loop3A_70 = arith.constant 1 : i32
      scf.for %parallel_loop3A_75 = %parallel_loop3A to %parallel_loop3A_69 step %parallel_loop3A_70  : i32 {
        %parallel_loop3A_76 = arith.constant 16 : i32
        %parallel_loop3A_77 = arith.muli %parallel_loop3A_75, %parallel_loop3A_76 : i32
        %parallel_loop3A_78 = arith.constant 0 : i32
        %parallel_loop3A_79 = arith.constant 2 : i32
        %parallel_loop3A_80 = arith.index_cast %parallel_loop3A_78 : i32 to index
        %parallel_loop3A_81 = arith.index_cast %parallel_loop3A_79 : i32 to index
        %parallel_loop3A_82 = arith.index_cast %parallel_loop3A_77 : i32 to index
        %parallel_loop3A_83 = tpu.vector_load %arg5[%parallel_loop3A_80, %parallel_loop3A_81, %parallel_loop3A_82] {strides = array<i32>} : memref<1x4x128xi32, #tpu.memory_space<vmem>>, vector<16xi32>,
        %parallel_loop3A_84 = vector.bitcast %parallel_loop3A_83 : vector<16xi32> to vector<16xf32>
        %parallel_loop3A_85 = arith.constant 16 : i32
        %parallel_loop3A_86 = arith.muli %parallel_loop3A_75, %parallel_loop3A_85 : i32
        %parallel_loop3A_87 = arith.constant 0 : i32
        %parallel_loop3A_88 = arith.addi %parallel_loop3A_86, %parallel_loop3A_87 : i32
        %parallel_loop3A_89 = vector.extract_strided_slice %parallel_loop3A_84 {offsets = [0], sizes = [1], strides = [1]} : vector<16xf32> to vector<1xf32>
        %parallel_loop3A_90 = vector.extract %parallel_loop3A_89[0] : f32 from vector<1xf32>
        %parallel_loop3A_91 = vector.broadcast %parallel_loop3A_90 : f32 to vector<16xf32>
        %parallel_loop3A_92 = arith.constant 0 : i32
        %parallel_loop3A_93 = arith.index_cast %parallel_loop3A_92 : i32 to index
        %parallel_loop3A_94 = arith.index_cast %parallel_loop3A_88 : i32 to index
        %parallel_loop3A_95 = arith.constant 0 : index
        %parallel_loop3A_96 = tpu.vector_load %arg6[%parallel_loop3A_93, %parallel_loop3A_94, %parallel_loop3A_95] {strides = array<i32>} : memref<1x128x128xf32, #tpu.memory_space<vmem>>, vector<16xf32>,
        %parallel_loop3A_97 = arith.mulf %parallel_loop3A_96, %parallel_loop3A_91 : vector<16xf32>
        %parallel_loop3A_98 = arith.constant 0 : i32
        %parallel_loop3A_99 = arith.index_cast %parallel_loop3A_98 : i32 to index
        %parallel_loop3A_100 = arith.index_cast %parallel_loop3A_88 : i32 to index
        %parallel_loop3A_101 = arith.constant 0 : index
        %parallel_loop3A_102 = tpu.vector_load %arg6[%parallel_loop3A_99, %parallel_loop3A_100, %parallel_loop3A_101] {strides = array<i32>} : memref<1x128x128xf32, #tpu.memory_space<vmem>>, vector<16xf32>,
        tpu.vector_store %arg6[%parallel_loop3A_99, %parallel_loop3A_100, %parallel_loop3A_101], %parallel_loop3A_97 {strides = array<i32>} : memref<1x128x128xf32, #tpu.memory_space<vmem>>, vector<16xf32>,
        %parallel_loop3A_103 = arith.constant 0 : i32
        %parallel_loop3A_104 = arith.index_cast %parallel_loop3A_103 : i32 to index
        %parallel_loop3A_105 = arith.index_cast %parallel_loop3A_88 : i32 to index
        %parallel_loop3A_106 = arith.constant 16 : index
        %parallel_loop3A_107 = tpu.vector_load %arg6[%parallel_loop3A_104, %parallel_loop3A_105, %parallel_loop3A_106] {strides = array<i32>} : memref<1x128x128xf32, #tpu.memory_space<vmem>>, vector<16xf32>,
        %parallel_loop3A_108 = arith.mulf %parallel_loop3A_107, %parallel_loop3A_91 : vector<16xf32>
        %parallel_loop3A_109 = arith.constant 0 : i32
        %parallel_loop3A_110 = arith.index_cast %parallel_loop3A_109 : i32 to index
        %parallel_loop3A_111 = arith.index_cast %parallel_loop3A_88 : i32 to index
        %parallel_loop3A_112 = arith.constant 16 : index
        %parallel_loop3A_113 = tpu.vector_load %arg6[%parallel_loop3A_110, %parallel_loop3A_111, %parallel_loop3A_112] {strides = array<i32>} : memref<1x128x128xf32, #tpu.memory_space<vmem>>, vector<16xf32>,
        tpu.vector_store %arg6[%parallel_loop3A_110, %parallel_loop3A_111, %parallel_loop3A_112], %parallel_loop3A_108 {strides = array<i32>} : memref<1x128x128xf32, #tpu.memory_space<vmem>>, vector<16xf32>,
        %parallel_loop3A_114 = arith.constant 0 : i32
        %parallel_loop3A_115 = arith.index_cast %parallel_loop3A_114 : i32 to index
        %parallel_loop3A_116 = arith.index_cast %parallel_loop3A_88 : i32 to index
        %parallel_loop3A_117 = arith.constant 32 : index
        %parallel_loop3A_118 = tpu.vector_load %arg6[%parallel_loop3A_115, %parallel_loop3A_116, %parallel_loop3A_117] {strides = array<i32>} : memref<1x128x128xf32, #tpu.memory_space<vmem>>, vector<16xf32>,
        %parallel_loop3A_119 = arith.mulf %parallel_loop3A_118, %parallel_loop3A_91 : vector<16xf32>
        %parallel_loop3A_120 = arith.constant 0 : i32
        %parallel_loop3A_121 = arith.index_cast %parallel_loop3A_120 : i32 to index
        %parallel_loop3A_122 = arith.index_cast %parallel_loop3A_88 : i32 to index
        %parallel_loop3A_123 = arith.constant 32 : index
        %parallel_loop3A_124 = tpu.vector_load %arg6[%parallel_loop3A_121, %parallel_loop3A_122, %parallel_loop3A_123] {strides = array<i32>} : memref<1x128x128xf32, #tpu.memory_space<vmem>>, vector<16xf32>,
        tpu.vector_store %arg6[%parallel_loop3A_121, %parallel_loop3A_122, %parallel_loop3A_123], %parallel_loop3A_119 {strides = array<i32>} : memref<1x128x128xf32, #tpu.memory_space<vmem>>, vector<16xf32>,
        %parallel_loop3A_125 = arith.constant 0 : i32
        %parallel_loop3A_126 = arith.index_cast %parallel_loop3A_125 : i32 to index
        %parallel_loop3A_127 = arith.index_cast %parallel_loop3A_88 : i32 to index
        %parallel_loop3A_128 = arith.constant 48 : index
        %parallel_loop3A_129 = tpu.vector_load %arg6[%parallel_loop3A_126, %parallel_loop3A_127, %parallel_loop3A_128] {strides = array<i32>} : memref<1x128x128xf32, #tpu.memory_space<vmem>>, vector<16xf32>,
        %parallel_loop3A_130 = arith.mulf %parallel_loop3A_129, %parallel_loop3A_91 : vector<16xf32>
        %parallel_loop3A_131 = arith.constant 0 : i32
        %parallel_loop3A_132 = arith.index_cast %parallel_loop3A_131 : i32 to index
        %parallel_loop3A_133 = arith.index_cast %parallel_loop3A_88 : i32 to index
        %parallel_loop3A_134 = arith.constant 48 : index
        %parallel_loop3A_135 = tpu.vector_load %arg6[%parallel_loop3A_132, %parallel_loop3A_133, %parallel_loop3A_134] {strides = array<i32>} : memref<1x128x128xf32, #tpu.memory_space<vmem>>, vector<16xf32>,
        tpu.vector_store %arg6[%parallel_loop3A_132, %parallel_loop3A_133, %parallel_loop3A_134], %parallel_loop3A_130 {strides = array<i32>} : memref<1x128x128xf32, #tpu.memory_space<vmem>>, vector<16xf32>,
        %parallel_loop3A_136 = arith.constant 0 : i32
        %parallel_loop3A_137 = arith.index_cast %parallel_loop3A_136 : i32 to index
        %parallel_loop3A_138 = arith.index_cast %parallel_loop3A_88 : i32 to index
        %parallel_loop3A_139 = arith.constant 64 : index
        %parallel_loop3A_140 = tpu.vector_load %arg6[%parallel_loop3A_137, %parallel_loop3A_138, %parallel_loop3A_139] {strides = array<i32>} : memref<1x128x128xf32, #tpu.memory_space<vmem>>, vector<16xf32>,
        %parallel_loop3A_141 = arith.mulf %parallel_loop3A_140, %parallel_loop3A_91 : vector<16xf32>
        %parallel_loop3A_142 = arith.constant 0 : i32
        %parallel_loop3A_143 = arith.index_cast %parallel_loop3A_142 : i32 to index
        %parallel_loop3A_144 = arith.index_cast %parallel_loop3A_88 : i32 to index
        %parallel_loop3A_145 = arith.constant 64 : index
        %parallel_loop3A_146 = tpu.vector_load %arg6[%parallel_loop3A_143, %parallel_loop3A_144, %parallel_loop3A_145] {strides = array<i32>} : memref<1x128x128xf32, #tpu.memory_space<vmem>>, vector<16xf32>,
        tpu.vector_store %arg6[%parallel_loop3A_143, %parallel_loop3A_144, %parallel_loop3A_145], %parallel_loop3A_141 {strides = array<i32>} : memref<1x128x128xf32, #tpu.memory_space<vmem>>, vector<16xf32>,
        %parallel_loop3A_147 = arith.constant 0 : i32
        %parallel_loop3A_148 = arith.index_cast %parallel_loop3A_147 : i32 to index
        %parallel_loop3A_149 = arith.index_cast %parallel_loop3A_88 : i32 to index
        %parallel_loop3A_150 = arith.constant 80 : index
        %parallel_loop3A_151 = tpu.vector_load %arg6[%parallel_loop3A_148, %parallel_loop3A_149, %parallel_loop3A_150] {strides = array<i32>} : memref<1x128x128xf32, #tpu.memory_space<vmem>>, vector<16xf32>,
        %parallel_loop3A_152 = arith.mulf %parallel_loop3A_151, %parallel_loop3A_91 : vector<16xf32>
        %parallel_loop3A_153 = arith.constant 0 : i32
        %parallel_loop3A_154 = arith.index_cast %parallel_loop3A_153 : i32 to index
        %parallel_loop3A_155 = arith.index_cast %parallel_loop3A_88 : i32 to index
        %parallel_loop3A_156 = arith.constant 80 : index
        %parallel_loop3A_157 = tpu.vector_load %arg6[%parallel_loop3A_154, %parallel_loop3A_155, %parallel_loop3A_156] {strides = array<i32>} : memref<1x128x128xf32, #tpu.memory_space<vmem>>, vector<16xf32>,
        tpu.vector_store %arg6[%parallel_loop3A_154, %parallel_loop3A_155, %parallel_loop3A_156], %parallel_loop3A_152 {strides = array<i32>} : memref<1x128x128xf32, #tpu.memory_space<vmem>>, vector<16xf32>,
        %parallel_loop3A_158 = arith.constant 0 : i32
        %parallel_loop3A_159 = arith.index_cast %parallel_loop3A_158 : i32 to index
        %parallel_loop3A_160 = arith.index_cast %parallel_loop3A_88 : i32 to index
        %parallel_loop3A_161 = arith.constant 96 : index
        %parallel_loop3A_162 = tpu.vector_load %arg6[%parallel_loop3A_159, %parallel_loop3A_160, %parallel_loop3A_161] {strides = array<i32>} : memref<1x128x128xf32, #tpu.memory_space<vmem>>, vector<16xf32>,
        %parallel_loop3A_163 = arith.mulf %parallel_loop3A_162, %parallel_loop3A_91 : vector<16xf32>
        %parallel_loop3A_164 = arith.constant 0 : i32
        %parallel_loop3A_165 = arith.index_cast %parallel_loop3A_164 : i32 to index
        %parallel_loop3A_166 = arith.index_cast %parallel_loop3A_88 : i32 to index
        %parallel_loop3A_167 = arith.constant 96 : index
        %parallel_loop3A_168 = tpu.vector_load %arg6[%parallel_loop3A_165, %parallel_loop3A_166, %parallel_loop3A_167] {strides = array<i32>} : memref<1x128x128xf32, #tpu.memory_space<vmem>>, vector<16xf32>,
        tpu.vector_store %arg6[%parallel_loop3A_165, %parallel_loop3A_166, %parallel_loop3A_167], %parallel_loop3A_163 {strides = array<i32>} : memref<1x128x128xf32, #tpu.memory_space<vmem>>, vector<16xf32>,
        %parallel_loop3A_169 = arith.constant 0 : i32
        %parallel_loop3A_170 = arith.index_cast %parallel_loop3A_169 : i32 to index
        %parallel_loop3A_171 = arith.index_cast %parallel_loop3A_88 : i32 to index
        %parallel_loop3A_172 = arith.constant 112 : index
        %parallel_loop3A_173 = tpu.vector_load %arg6[%parallel_loop3A_170, %parallel_loop3A_171, %parallel_loop3A_172] {strides = array<i32>} : memref<1x128x128xf32, #tpu.memory_space<vmem>>, vector<16xf32>,
        %parallel_loop3A_174 = arith.mulf %parallel_loop3A_173, %parallel_loop3A_91 : vector<16xf32>
        %parallel_loop3A_175 = arith.constant 0 : i32
        %parallel_loop3A_176 = arith.index_cast %parallel_loop3A_175 : i32 to index
        %parallel_loop3A_177 = arith.index_cast %parallel_loop3A_88 : i32 to index
        %parallel_loop3A_178 = arith.constant 112 : index
        %parallel_loop3A_179 = tpu.vector_load %arg6[%parallel_loop3A_176, %parallel_loop3A_177, %parallel_loop3A_178] {strides = array<i32>} : memref<1x128x128xf32, #tpu.memory_space<vmem>>, vector<16xf32>,
        tpu.vector_store %arg6[%parallel_loop3A_176, %parallel_loop3A_177, %parallel_loop3A_178], %parallel_loop3A_174 {strides = array<i32>} : memref<1x128x128xf32, #tpu.memory_space<vmem>>, vector<16xf32>,
        %parallel_loop3A_180 = arith.constant 16 : i32
        %parallel_loop3A_181 = arith.muli %parallel_loop3A_75, %parallel_loop3A_180 : i32
        %parallel_loop3A_182 = arith.constant 1 : i32
        %parallel_loop3A_183 = arith.addi %parallel_loop3A_181, %parallel_loop3A_182 : i32
        %parallel_loop3A_184 = vector.extract_strided_slice %parallel_loop3A_84 {offsets = [1], sizes = [1], strides = [1]} : vector<16xf32> to vector<1xf32>
        %parallel_loop3A_185 = vector.extract %parallel_loop3A_184[0] : f32 from vector<1xf32>
        %parallel_loop3A_186 = vector.broadcast %parallel_loop3A_185 : f32 to vector<16xf32>
        %parallel_loop3A_187 = arith.constant 0 : i32
        %parallel_loop3A_188 = arith.index_cast %parallel_loop3A_187 : i32 to index
        %parallel_loop3A_189 = arith.index_cast %parallel_loop3A_183 : i32 to index
        %parallel_loop3A_190 = arith.constant 0 : index
        %parallel_loop3A_191 = tpu.vector_load %arg6[%parallel_loop3A_188, %parallel_loop3A_189, %parallel_loop3A_190] {strides = array<i32>} : memref<1x128x128xf32, #tpu.memory_space<vmem>>, vector<16xf32>,
        %parallel_loop3A_192 = arith.mulf %parallel_loop3A_191, %parallel_loop3A_186 : vector<16xf32>
        %parallel_loop3A_193 = arith.constant 0 : i32
        %parallel_loop3A_194 = arith.index_cast %parallel_loop3A_193 : i32 to index
        %parallel_loop3A_195 = arith.index_cast %parallel_loop3A_183 : i32 to index
        %parallel_loop3A_196 = arith.constant 0 : index
        %parallel_loop3A_197 = tpu.vector_load %arg6[%parallel_loop3A_194, %parallel_loop3A_195, %parallel_loop3A_196] {strides = array<i32>} : memref<1x128x128xf32, #tpu.memory_space<vmem>>, vector<16xf32>,
        tpu.vector_store %arg6[%parallel_loop3A_194, %parallel_loop3A_195, %parallel_loop3A_196], %parallel_loop3A_192 {strides = array<i32>} : memref<1x128x128xf32, #tpu.memory_space<vmem>>, vector<16xf32>,
        %parallel_loop3A_198 = arith.constant 0 : i32
        %parallel_loop3A_199 = arith.index_cast %parallel_loop3A_198 : i32 to index
        %parallel_loop3A_200 = arith.index_cast %parallel_loop3A_183 : i32 to index
        %parallel_loop3A_201 = arith.constant 16 : index
        %parallel_loop3A_202 = tpu.vector_load %arg6[%parallel_loop3A_199, %parallel_loop3A_200, %parallel_loop3A_201] {strides = array<i32>} : memref<1x128x128xf32, #tpu.memory_space<vmem>>, vector<16xf32>,
        %parallel_loop3A_203 = arith.mulf %parallel_loop3A_202, %parallel_loop3A_186 : vector<16xf32>
        %parallel_loop3A_204 = arith.constant 0 : i32
        %parallel_loop3A_205 = arith.index_cast %parallel_loop3A_204 : i32 to index
        %parallel_loop3A_206 = arith.index_cast %parallel_loop3A_183 : i32 to index
        %parallel_loop3A_207 = arith.constant 16 : index
        %parallel_loop3A_208 = tpu.vector_load %arg6[%parallel_loop3A_205, %parallel_loop3A_206, %parallel_loop3A_207] {strides = array<i32>} : memref<1x128x128xf32, #tpu.memory_space<vmem>>, vector<16xf32>,
        tpu.vector_store %arg6[%parallel_loop3A_205, %parallel_loop3A_206, %parallel_loop3A_207], %parallel_loop3A_203 {strides = array<i32>} : memref<1x128x128xf32, #tpu.memory_space<vmem>>, vector<16xf32>,
        %parallel_loop3A_209 = arith.constant 0 : i32
        %parallel_loop3A_210 = arith.index_cast %parallel_loop3A_209 : i32 to index
        %parallel_loop3A_211 = arith.index_cast %parallel_loop3A_183 : i32 to index
        %parallel_loop3A_212 = arith.constant 32 : index
        %parallel_loop3A_213 = tpu.vector_load %arg6[%parallel_loop3A_210, %parallel_loop3A_211, %parallel_loop3A_212] {strides = array<i32>} : memref<1x128x128xf32, #tpu.memory_space<vmem>>, vector<16xf32>,
        %parallel_loop3A_214 = arith.mulf %parallel_loop3A_213, %parallel_loop3A_186 : vector<16xf32>
        %parallel_loop3A_215 = arith.constant 0 : i32
        %parallel_loop3A_216 = arith.index_cast %parallel_loop3A_215 : i32 to index
        %parallel_loop3A_217 = arith.index_cast %parallel_loop3A_183 : i32 to index
        %parallel_loop3A_218 = arith.constant 32 : index
        %parallel_loop3A_219 = tpu.vector_load %arg6[%parallel_loop3A_216, %parallel_loop3A_217, %parallel_loop3A_218] {strides = array<i32>} : memref<1x128x128xf32, #tpu.memory_space<vmem>>, vector<16xf32>,
        tpu.vector_store %arg6[%parallel_loop3A_216, %parallel_loop3A_217, %parallel_loop3A_218], %parallel_loop3A_214 {strides = array<i32>} : memref<1x128x128xf32, #tpu.memory_space<vmem>>, vector<16xf32>,
        %parallel_loop3A_220 = arith.constant 0 : i32
        %parallel_loop3A_221 = arith.index_cast %parallel_loop3A_220 : i32 to index
        %parallel_loop3A_222 = arith.index_cast %parallel_loop3A_183 : i32 to index
        %parallel_loop3A_223 = arith.constant 48 : index
        %parallel_loop3A_224 = tpu.vector_load %arg6[%parallel_loop3A_221, %parallel_loop3A_222, %parallel_loop3A_223] {strides = array<i32>} : memref<1x128x128xf32, #tpu.memory_space<vmem>>, vector<16xf32>,
        %parallel_loop3A_225 = arith.mulf %parallel_loop3A_224, %parallel_loop3A_186 : vector<16xf32>
        %parallel_loop3A_226 = arith.constant 0 : i32
        %parallel_loop3A_227 = arith.index_cast %parallel_loop3A_226 : i32 to index
        %parallel_loop3A_228 = arith.index_cast %parallel_loop3A_183 : i32 to index
        %parallel_loop3A_229 = arith.constant 48 : index
        %parallel_loop3A_230 = tpu.vector_load %arg6[%parallel_loop3A_227, %parallel_loop3A_228, %parallel_loop3A_229] {strides = array<i32>} : memref<1x128x128xf32, #tpu.memory_space<vmem>>, vector<16xf32>,
        tpu.vector_store %arg6[%parallel_loop3A_227, %parallel_loop3A_228, %parallel_loop3A_229], %parallel_loop3A_225 {strides = array<i32>} : memref<1x128x128xf32, #tpu.memory_space<vmem>>, vector<16xf32>,
        %parallel_loop3A_231 = arith.constant 0 : i32
        %parallel_loop3A_232 = arith.index_cast %parallel_loop3A_231 : i32 to index
        %parallel_loop3A_233 = arith.index_cast %parallel_loop3A_183 : i32 to index
        %parallel_loop3A_234 = arith.constant 64 : index
        %parallel_loop3A_235 = tpu.vector_load %arg6[%parallel_loop3A_232, %parallel_loop3A_233, %parallel_loop3A_234] {strides = array<i32>} : memref<1x128x128xf32, #tpu.memory_space<vmem>>, vector<16xf32>,
        %parallel_loop3A_236 = arith.mulf %parallel_loop3A_235, %parallel_loop3A_186 : vector<16xf32>
        %parallel_loop3A_237 = arith.constant 0 : i32
        %parallel_loop3A_238 = arith.index_cast %parallel_loop3A_237 : i32 to index
        %parallel_loop3A_239 = arith.index_cast %parallel_loop3A_183 : i32 to index
        %parallel_loop3A_240 = arith.constant 64 : index
        %parallel_loop3A_241 = tpu.vector_load %arg6[%parallel_loop3A_238, %parallel_loop3A_239, %parallel_loop3A_240] {strides = array<i32>} : memref<1x128x128xf32, #tpu.memory_space<vmem>>, vector<16xf32>,
        tpu.vector_store %arg6[%parallel_loop3A_238, %parallel_loop3A_239, %parallel_loop3A_240], %parallel_loop3A_236 {strides = array<i32>} : memref<1x128x128xf32, #tpu.memory_space<vmem>>, vector<16xf32>,
        %parallel_loop3A_242 = arith.constant 0 : i32
        %parallel_loop3A_243 = arith.index_cast %parallel_loop3A_242 : i32 to index
        %parallel_loop3A_244 = arith.index_cast %parallel_loop3A_183 : i32 to index
        %parallel_loop3A_245 = arith.constant 80 : index
        %parallel_loop3A_246 = tpu.vector_load %arg6[%parallel_loop3A_243, %parallel_loop3A_244, %parallel_loop3A_245] {strides = array<i32>} : memref<1x128x128xf32, #tpu.memory_space<vmem>>, vector<16xf32>,
        %parallel_loop3A_247 = arith.mulf %parallel_loop3A_246, %parallel_loop3A_186 : vector<16xf32>
        %parallel_loop3A_248 = arith.constant 0 : i32
        %parallel_loop3A_249 = arith.index_cast %parallel_loop3A_248 : i32 to index
        %parallel_loop3A_250 = arith.index_cast %parallel_loop3A_183 : i32 to index
        %parallel_loop3A_251 = arith.constant 80 : index
        %parallel_loop3A_252 = tpu.vector_load %arg6[%parallel_loop3A_249, %parallel_loop3A_250, %parallel_loop3A_251] {strides = array<i32>} : memref<1x128x128xf32, #tpu.memory_space<vmem>>, vector<16xf32>,
        tpu.vector_store %arg6[%parallel_loop3A_249, %parallel_loop3A_250, %parallel_loop3A_251], %parallel_loop3A_247 {strides = array<i32>} : memref<1x128x128xf32, #tpu.memory_space<vmem>>, vector<16xf32>,
        %parallel_loop3A_253 = arith.constant 0 : i32
        %parallel_loop3A_254 = arith.index_cast %parallel_loop3A_253 : i32 to index
        %parallel_loop3A_255 = arith.index_cast %parallel_loop3A_183 : i32 to index
        %parallel_loop3A_256 = arith.constant 96 : index
        %parallel_loop3A_257 = tpu.vector_load %arg6[%parallel_loop3A_254, %parallel_loop3A_255, %parallel_loop3A_256] {strides = array<i32>} : memref<1x128x128xf32, #tpu.memory_space<vmem>>, vector<16xf32>,
        %parallel_loop3A_258 = arith.mulf %parallel_loop3A_257, %parallel_loop3A_186 : vector<16xf32>
        %parallel_loop3A_259 = arith.constant 0 : i32
        %parallel_loop3A_260 = arith.index_cast %parallel_loop3A_259 : i32 to index
        %parallel_loop3A_261 = arith.index_cast %parallel_loop3A_183 : i32 to index
        %parallel_loop3A_262 = arith.constant 96 : index
        %parallel_loop3A_263 = tpu.vector_load %arg6[%parallel_loop3A_260, %parallel_loop3A_261, %parallel_loop3A_262] {strides = array<i32>} : memref<1x128x128xf32, #tpu.memory_space<vmem>>, vector<16xf32>,
        tpu.vector_store %arg6[%parallel_loop3A_260, %parallel_loop3A_261, %parallel_loop3A_262], %parallel_loop3A_258 {strides = array<i32>} : memref<1x128x128xf32, #tpu.memory_space<vmem>>, vector<16xf32>,
        %parallel_loop3A_264 = arith.constant 0 : i32
        %parallel_loop3A_265 = arith.index_cast %parallel_loop3A_264 : i32 to index
        %parallel_loop3A_266 = arith.index_cast %parallel_loop3A_183 : i32 to index
        %parallel_loop3A_267 = arith.constant 112 : index
        %parallel_loop3A_268 = tpu.vector_load %arg6[%parallel_loop3A_265, %parallel_loop3A_266, %parallel_loop3A_267] {strides = array<i32>} : memref<1x128x128xf32, #tpu.memory_space<vmem>>, vector<16xf32>,
        %parallel_loop3A_269 = arith.mulf %parallel_loop3A_268, %parallel_loop3A_186 : vector<16xf32>
        %parallel_loop3A_270 = arith.constant 0 : i32
        %parallel_loop3A_271 = arith.index_cast %parallel_loop3A_270 : i32 to index
        %parallel_loop3A_272 = arith.index_cast %parallel_loop3A_183 : i32 to index
        %parallel_loop3A_273 = arith.constant 112 : index
        %parallel_loop3A_274 = tpu.vector_load %arg6[%parallel_loop3A_271, %parallel_loop3A_272, %parallel_loop3A_273] {strides = array<i32>} : memref<1x128x128xf32, #tpu.memory_space<vmem>>, vector<16xf32>,
        tpu.vector_store %arg6[%parallel_loop3A_271, %parallel_loop3A_272, %parallel_loop3A_273], %parallel_loop3A_269 {strides = array<i32>} : memref<1x128x128xf32, #tpu.memory_space<vmem>>, vector<16xf32>,
        %parallel_loop3A_275 = arith.constant 16 : i32
        %parallel_loop3A_276 = arith.muli %parallel_loop3A_75, %parallel_loop3A_275 : i32
        %parallel_loop3A_277 = arith.constant 2 : i32
        %parallel_loop3A_278 = arith.addi %parallel_loop3A_276, %parallel_loop3A_277 : i32
        %parallel_loop3A_279 = vector.extract_strided_slice %parallel_loop3A_84 {offsets = [2], sizes = [1], strides = [1]} : vector<16xf32> to vector<1xf32>
        %parallel_loop3A_280 = vector.extract %parallel_loop3A_279[0] : f32 from vector<1xf32>
        %parallel_loop3A_281 = vector.broadcast %parallel_loop3A_280 : f32 to vector<16xf32>
        %parallel_loop3A_282 = arith.constant 0 : i32
        %parallel_loop3A_283 = arith.index_cast %parallel_loop3A_282 : i32 to index
        %parallel_loop3A_284 = arith.index_cast %parallel_loop3A_278 : i32 to index
        %parallel_loop3A_285 = arith.constant 0 : index
        %parallel_loop3A_286 = tpu.vector_load %arg6[%parallel_loop3A_283, %parallel_loop3A_284, %parallel_loop3A_285] {strides = array<i32>} : memref<1x128x128xf32, #tpu.memory_space<vmem>>, vector<16xf32>,
        %parallel_loop3A_287 = arith.mulf %parallel_loop3A_286, %parallel_loop3A_281 : vector<16xf32>
        %parallel_loop3A_288 = arith.constant 0 : i32
        %parallel_loop3A_289 = arith.index_cast %parallel_loop3A_288 : i32 to index
        %parallel_loop3A_290 = arith.index_cast %parallel_loop3A_278 : i32 to index
        %parallel_loop3A_291 = arith.constant 0 : index
        %parallel_loop3A_292 = tpu.vector_load %arg6[%parallel_loop3A_289, %parallel_loop3A_290, %parallel_loop3A_291] {strides = array<i32>} : memref<1x128x128xf32, #tpu.memory_space<vmem>>, vector<16xf32>,
        tpu.vector_store %arg6[%parallel_loop3A_289, %parallel_loop3A_290, %parallel_loop3A_291], %parallel_loop3A_287 {strides = array<i32>} : memref<1x128x128xf32, #tpu.memory_space<vmem>>, vector<16xf32>,
        %parallel_loop3A_293 = arith.constant 0 : i32
        %parallel_loop3A_294 = arith.index_cast %parallel_loop3A_293 : i32 to index
        %parallel_loop3A_295 = arith.index_cast %parallel_loop3A_278 : i32 to index
        %parallel_loop3A_296 = arith.constant 16 : index
        %parallel_loop3A_297 = tpu.vector_load %arg6[%parallel_loop3A_294, %parallel_loop3A_295, %parallel_loop3A_296] {strides = array<i32>} : memref<1x128x128xf32, #tpu.memory_space<vmem>>, vector<16xf32>,
        %parallel_loop3A_298 = arith.mulf %parallel_loop3A_297, %parallel_loop3A_281 : vector<16xf32>
        %parallel_loop3A_299 = arith.constant 0 : i32
        %parallel_loop3A_300 = arith.index_cast %parallel_loop3A_299 : i32 to index
        %parallel_loop3A_301 = arith.index_cast %parallel_loop3A_278 : i32 to index
        %parallel_loop3A_302 = arith.constant 16 : index
        %parallel_loop3A_303 = tpu.vector_load %arg6[%parallel_loop3A_300, %parallel_loop3A_301, %parallel_loop3A_302] {strides = array<i32>} : memref<1x128x128xf32, #tpu.memory_space<vmem>>, vector<16xf32>,
        tpu.vector_store %arg6[%parallel_loop3A_300, %parallel_loop3A_301, %parallel_loop3A_302], %parallel_loop3A_298 {strides = array<i32>} : memref<1x128x128xf32, #tpu.memory_space<vmem>>, vector<16xf32>,
        %parallel_loop3A_304 = arith.constant 0 : i32
        %parallel_loop3A_305 = arith.index_cast %parallel_loop3A_304 : i32 to index
        %parallel_loop3A_306 = arith.index_cast %parallel_loop3A_278 : i32 to index
        %parallel_loop3A_307 = arith.constant 32 : index
        %parallel_loop3A_308 = tpu.vector_load %arg6[%parallel_loop3A_305, %parallel_loop3A_306, %parallel_loop3A_307] {strides = array<i32>} : memref<1x128x128xf32, #tpu.memory_space<vmem>>, vector<16xf32>,
        %parallel_loop3A_309 = arith.mulf %parallel_loop3A_308, %parallel_loop3A_281 : vector<16xf32>
        %parallel_loop3A_310 = arith.constant 0 : i32
        %parallel_loop3A_311 = arith.index_cast %parallel_loop3A_310 : i32 to index
        %parallel_loop3A_312 = arith.index_cast %parallel_loop3A_278 : i32 to index
        %parallel_loop3A_313 = arith.constant 32 : index
        %parallel_loop3A_314 = tpu.vector_load %arg6[%parallel_loop3A_311, %parallel_loop3A_312, %parallel_loop3A_313] {strides = array<i32>} : memref<1x128x128xf32, #tpu.memory_space<vmem>>, vector<16xf32>,
        tpu.vector_store %arg6[%parallel_loop3A_311, %parallel_loop3A_312, %parallel_loop3A_313], %parallel_loop3A_309 {strides = array<i32>} : memref<1x128x128xf32, #tpu.memory_space<vmem>>, vector<16xf32>,
        %parallel_loop3A_315 = arith.constant 0 : i32
        %parallel_loop3A_316 = arith.index_cast %parallel_loop3A_315 : i32 to index
        %parallel_loop3A_317 = arith.index_cast %parallel_loop3A_278 : i32 to index
        %parallel_loop3A_318 = arith.constant 48 : index
        %parallel_loop3A_319 = tpu.vector_load %arg6[%parallel_loop3A_316, %parallel_loop3A_317, %parallel_loop3A_318] {strides = array<i32>} : memref<1x128x128xf32, #tpu.memory_space<vmem>>, vector<16xf32>,
        %parallel_loop3A_320 = arith.mulf %parallel_loop3A_319, %parallel_loop3A_281 : vector<16xf32>
        %parallel_loop3A_321 = arith.constant 0 : i32
        %parallel_loop3A_322 = arith.index_cast %parallel_loop3A_321 : i32 to index
        %parallel_loop3A_323 = arith.index_cast %parallel_loop3A_278 : i32 to index
        %parallel_loop3A_324 = arith.constant 48 : index
        %parallel_loop3A_325 = tpu.vector_load %arg6[%parallel_loop3A_322, %parallel_loop3A_323, %parallel_loop3A_324] {strides = array<i32>} : memref<1x128x128xf32, #tpu.memory_space<vmem>>, vector<16xf32>,
        tpu.vector_store %arg6[%parallel_loop3A_322, %parallel_loop3A_323, %parallel_loop3A_324], %parallel_loop3A_320 {strides = array<i32>} : memref<1x128x128xf32, #tpu.memory_space<vmem>>, vector<16xf32>,
        %parallel_loop3A_326 = arith.constant 0 : i32
        %parallel_loop3A_327 = arith.index_cast %parallel_loop3A_326 : i32 to index
        %parallel_loop3A_328 = arith.index_cast %parallel_loop3A_278 : i32 to index
        %parallel_loop3A_329 = arith.constant 64 : index
        %parallel_loop3A_330 = tpu.vector_load %arg6[%parallel_loop3A_327, %parallel_loop3A_328, %parallel_loop3A_329] {strides = array<i32>} : memref<1x128x128xf32, #tpu.memory_space<vmem>>, vector<16xf32>,
        %parallel_loop3A_331 = arith.mulf %parallel_loop3A_330, %parallel_loop3A_281 : vector<16xf32>
        %parallel_loop3A_332 = arith.constant 0 : i32
        %parallel_loop3A_333 = arith.index_cast %parallel_loop3A_332 : i32 to index
        %parallel_loop3A_334 = arith.index_cast %parallel_loop3A_278 : i32 to index
        %parallel_loop3A_335 = arith.constant 64 : index
        %parallel_loop3A_336 = tpu.vector_load %arg6[%parallel_loop3A_333, %parallel_loop3A_334, %parallel_loop3A_335] {strides = array<i32>} : memref<1x128x128xf32, #tpu.memory_space<vmem>>, vector<16xf32>,
        tpu.vector_store %arg6[%parallel_loop3A_333, %parallel_loop3A_334, %parallel_loop3A_335], %parallel_loop3A_331 {strides = array<i32>} : memref<1x128x128xf32, #tpu.memory_space<vmem>>, vector<16xf32>,
        %parallel_loop3A_337 = arith.constant 0 : i32
        %parallel_loop3A_338 = arith.index_cast %parallel_loop3A_337 : i32 to index
        %parallel_loop3A_339 = arith.index_cast %parallel_loop3A_278 : i32 to index
        %parallel_loop3A_340 = arith.constant 80 : index
        %parallel_loop3A_341 = tpu.vector_load %arg6[%parallel_loop3A_338, %parallel_loop3A_339, %parallel_loop3A_340] {strides = array<i32>} : memref<1x128x128xf32, #tpu.memory_space<vmem>>, vector<16xf32>,
        %parallel_loop3A_342 = arith.mulf %parallel_loop3A_341, %parallel_loop3A_281 : vector<16xf32>
        %parallel_loop3A_343 = arith.constant 0 : i32
        %parallel_loop3A_344 = arith.index_cast %parallel_loop3A_343 : i32 to index
        %parallel_loop3A_345 = arith.index_cast %parallel_loop3A_278 : i32 to index
        %parallel_loop3A_346 = arith.constant 80 : index
        %parallel_loop3A_347 = tpu.vector_load %arg6[%parallel_loop3A_344, %parallel_loop3A_345, %parallel_loop3A_346] {strides = array<i32>} : memref<1x128x128xf32, #tpu.memory_space<vmem>>, vector<16xf32>,
        tpu.vector_store %arg6[%parallel_loop3A_344, %parallel_loop3A_345, %parallel_loop3A_346], %parallel_loop3A_342 {strides = array<i32>} : memref<1x128x128xf32, #tpu.memory_space<vmem>>, vector<16xf32>,
        %parallel_loop3A_348 = arith.constant 0 : i32
        %parallel_loop3A_349 = arith.index_cast %parallel_loop3A_348 : i32 to index
        %parallel_loop3A_350 = arith.index_cast %parallel_loop3A_278 : i32 to index
        %parallel_loop3A_351 = arith.constant 96 : index
        %parallel_loop3A_352 = tpu.vector_load %arg6[%parallel_loop3A_349, %parallel_loop3A_350, %parallel_loop3A_351] {strides = array<i32>} : memref<1x128x128xf32, #tpu.memory_space<vmem>>, vector<16xf32>,
        %parallel_loop3A_353 = arith.mulf %parallel_loop3A_352, %parallel_loop3A_281 : vector<16xf32>
        %parallel_loop3A_354 = arith.constant 0 : i32
        %parallel_loop3A_355 = arith.index_cast %parallel_loop3A_354 : i32 to index
        %parallel_loop3A_356 = arith.index_cast %parallel_loop3A_278 : i32 to index
        %parallel_loop3A_357 = arith.constant 96 : index
        %parallel_loop3A_358 = tpu.vector_load %arg6[%parallel_loop3A_355, %parallel_loop3A_356, %parallel_loop3A_357] {strides = array<i32>} : memref<1x128x128xf32, #tpu.memory_space<vmem>>, vector<16xf32>,
        tpu.vector_store %arg6[%parallel_loop3A_355, %parallel_loop3A_356, %parallel_loop3A_357], %parallel_loop3A_353 {strides = array<i32>} : memref<1x128x128xf32, #tpu.memory_space<vmem>>, vector<16xf32>,
        %parallel_loop3A_359 = arith.constant 0 : i32
        %parallel_loop3A_360 = arith.index_cast %parallel_loop3A_359 : i32 to index
        %parallel_loop3A_361 = arith.index_cast %parallel_loop3A_278 : i32 to index
        %parallel_loop3A_362 = arith.constant 112 : index
        %parallel_loop3A_363 = tpu.vector_load %arg6[%parallel_loop3A_360, %parallel_loop3A_361, %parallel_loop3A_362] {strides = array<i32>} : memref<1x128x128xf32, #tpu.memory_space<vmem>>, vector<16xf32>,
        %parallel_loop3A_364 = arith.mulf %parallel_loop3A_363, %parallel_loop3A_281 : vector<16xf32>
        %parallel_loop3A_365 = arith.constant 0 : i32
        %parallel_loop3A_366 = arith.index_cast %parallel_loop3A_365 : i32 to index
        %parallel_loop3A_367 = arith.index_cast %parallel_loop3A_278 : i32 to index
        %parallel_loop3A_368 = arith.constant 112 : index
        %parallel_loop3A_369 = tpu.vector_load %arg6[%parallel_loop3A_366, %parallel_loop3A_367, %parallel_loop3A_368] {strides = array<i32>} : memref<1x128x128xf32, #tpu.memory_space<vmem>>, vector<16xf32>,
        tpu.vector_store %arg6[%parallel_loop3A_366, %parallel_loop3A_367, %parallel_loop3A_368], %parallel_loop3A_364 {strides = array<i32>} : memref<1x128x128xf32, #tpu.memory_space<vmem>>, vector<16xf32>,
        %parallel_loop3A_370 = arith.constant 16 : i32
        %parallel_loop3A_371 = arith.muli %parallel_loop3A_75, %parallel_loop3A_370 : i32
        %parallel_loop3A_372 = arith.constant 3 : i32
        %parallel_loop3A_373 = arith.addi %parallel_loop3A_371, %parallel_loop3A_372 : i32
        %parallel_loop3A_374 = vector.extract_strided_slice %parallel_loop3A_84 {offsets = [3], sizes = [1], strides = [1]} : vector<16xf32> to vector<1xf32>
        %parallel_loop3A_375 = vector.extract %parallel_loop3A_374[0] : f32 from vector<1xf32>
        %parallel_loop3A_376 = vector.broadcast %parallel_loop3A_375 : f32 to vector<16xf32>
        %parallel_loop3A_377 = arith.constant 0 : i32
        %parallel_loop3A_378 = arith.index_cast %parallel_loop3A_377 : i32 to index
        %parallel_loop3A_379 = arith.index_cast %parallel_loop3A_373 : i32 to index
        %parallel_loop3A_380 = arith.constant 0 : index
        %parallel_loop3A_381 = tpu.vector_load %arg6[%parallel_loop3A_378, %parallel_loop3A_379, %parallel_loop3A_380] {strides = array<i32>} : memref<1x128x128xf32, #tpu.memory_space<vmem>>, vector<16xf32>,
        %parallel_loop3A_382 = arith.mulf %parallel_loop3A_381, %parallel_loop3A_376 : vector<16xf32>
        %parallel_loop3A_383 = arith.constant 0 : i32
        %parallel_loop3A_384 = arith.index_cast %parallel_loop3A_383 : i32 to index
        %parallel_loop3A_385 = arith.index_cast %parallel_loop3A_373 : i32 to index
        %parallel_loop3A_386 = arith.constant 0 : index
        %parallel_loop3A_387 = tpu.vector_load %arg6[%parallel_loop3A_384, %parallel_loop3A_385, %parallel_loop3A_386] {strides = array<i32>} : memref<1x128x128xf32, #tpu.memory_space<vmem>>, vector<16xf32>,
        tpu.vector_store %arg6[%parallel_loop3A_384, %parallel_loop3A_385, %parallel_loop3A_386], %parallel_loop3A_382 {strides = array<i32>} : memref<1x128x128xf32, #tpu.memory_space<vmem>>, vector<16xf32>,
        %parallel_loop3A_388 = arith.constant 0 : i32
        %parallel_loop3A_389 = arith.index_cast %parallel_loop3A_388 : i32 to index
        %parallel_loop3A_390 = arith.index_cast %parallel_loop3A_373 : i32 to index
        %parallel_loop3A_391 = arith.constant 16 : index
        %parallel_loop3A_392 = tpu.vector_load %arg6[%parallel_loop3A_389, %parallel_loop3A_390, %parallel_loop3A_391] {strides = array<i32>} : memref<1x128x128xf32, #tpu.memory_space<vmem>>, vector<16xf32>,
        %parallel_loop3A_393 = arith.mulf %parallel_loop3A_392, %parallel_loop3A_376 : vector<16xf32>
        %parallel_loop3A_394 = arith.constant 0 : i32
        %parallel_loop3A_395 = arith.index_cast %parallel_loop3A_394 : i32 to index
        %parallel_loop3A_396 = arith.index_cast %parallel_loop3A_373 : i32 to index
        %parallel_loop3A_397 = arith.constant 16 : index
        %parallel_loop3A_398 = tpu.vector_load %arg6[%parallel_loop3A_395, %parallel_loop3A_396, %parallel_loop3A_397] {strides = array<i32>} : memref<1x128x128xf32, #tpu.memory_space<vmem>>, vector<16xf32>,
        tpu.vector_store %arg6[%parallel_loop3A_395, %parallel_loop3A_396, %parallel_loop3A_397], %parallel_loop3A_393 {strides = array<i32>} : memref<1x128x128xf32, #tpu.memory_space<vmem>>, vector<16xf32>,
        %parallel_loop3A_399 = arith.constant 0 : i32
        %parallel_loop3A_400 = arith.index_cast %parallel_loop3A_399 : i32 to index
        %parallel_loop3A_401 = arith.index_cast %parallel_loop3A_373 : i32 to index
        %parallel_loop3A_402 = arith.constant 32 : index
        %parallel_loop3A_403 = tpu.vector_load %arg6[%parallel_loop3A_400, %parallel_loop3A_401, %parallel_loop3A_402] {strides = array<i32>} : memref<1x128x128xf32, #tpu.memory_space<vmem>>, vector<16xf32>,
        %parallel_loop3A_404 = arith.mulf %parallel_loop3A_403, %parallel_loop3A_376 : vector<16xf32>
        %parallel_loop3A_405 = arith.constant 0 : i32
        %parallel_loop3A_406 = arith.index_cast %parallel_loop3A_405 : i32 to index
        %parallel_loop3A_407 = arith.index_cast %parallel_loop3A_373 : i32 to index
        %parallel_loop3A_408 = arith.constant 32 : index
        %parallel_loop3A_409 = tpu.vector_load %arg6[%parallel_loop3A_406, %parallel_loop3A_407, %parallel_loop3A_408] {strides = array<i32>} : memref<1x128x128xf32, #tpu.memory_space<vmem>>, vector<16xf32>,
        tpu.vector_store %arg6[%parallel_loop3A_406, %parallel_loop3A_407, %parallel_loop3A_408], %parallel_loop3A_404 {strides = array<i32>} : memref<1x128x128xf32, #tpu.memory_space<vmem>>, vector<16xf32>,
        %parallel_loop3A_410 = arith.constant 0 : i32
        %parallel_loop3A_411 = arith.index_cast %parallel_loop3A_410 : i32 to index
        %parallel_loop3A_412 = arith.index_cast %parallel_loop3A_373 : i32 to index
        %parallel_loop3A_413 = arith.constant 48 : index
        %parallel_loop3A_414 = tpu.vector_load %arg6[%parallel_loop3A_411, %parallel_loop3A_412, %parallel_loop3A_413] {strides = array<i32>} : memref<1x128x128xf32, #tpu.memory_space<vmem>>, vector<16xf32>,
        %parallel_loop3A_415 = arith.mulf %parallel_loop3A_414, %parallel_loop3A_376 : vector<16xf32>
        %parallel_loop3A_416 = arith.constant 0 : i32
        %parallel_loop3A_417 = arith.index_cast %parallel_loop3A_416 : i32 to index
        %parallel_loop3A_418 = arith.index_cast %parallel_loop3A_373 : i32 to index
        %parallel_loop3A_419 = arith.constant 48 : index
        %parallel_loop3A_420 = tpu.vector_load %arg6[%parallel_loop3A_417, %parallel_loop3A_418, %parallel_loop3A_419] {strides = array<i32>} : memref<1x128x128xf32, #tpu.memory_space<vmem>>, vector<16xf32>,
        tpu.vector_store %arg6[%parallel_loop3A_417, %parallel_loop3A_418, %parallel_loop3A_419], %parallel_loop3A_415 {strides = array<i32>} : memref<1x128x128xf32, #tpu.memory_space<vmem>>, vector<16xf32>,
        %parallel_loop3A_421 = arith.constant 0 : i32
        %parallel_loop3A_422 = arith.index_cast %parallel_loop3A_421 : i32 to index
        %parallel_loop3A_423 = arith.index_cast %parallel_loop3A_373 : i32 to index
        %parallel_loop3A_424 = arith.constant 64 : index
        %parallel_loop3A_425 = tpu.vector_load %arg6[%parallel_loop3A_422, %parallel_loop3A_423, %parallel_loop3A_424] {strides = array<i32>} : memref<1x128x128xf32, #tpu.memory_space<vmem>>, vector<16xf32>,
        %parallel_loop3A_426 = arith.mulf %parallel_loop3A_425, %parallel_loop3A_376 : vector<16xf32>
        %parallel_loop3A_427 = arith.constant 0 : i32
        %parallel_loop3A_428 = arith.index_cast %parallel_loop3A_427 : i32 to index
        %parallel_loop3A_429 = arith.index_cast %parallel_loop3A_373 : i32 to index
        %parallel_loop3A_430 = arith.constant 64 : index
        %parallel_loop3A_431 = tpu.vector_load %arg6[%parallel_loop3A_428, %parallel_loop3A_429, %parallel_loop3A_430] {strides = array<i32>} : memref<1x128x128xf32, #tpu.memory_space<vmem>>, vector<16xf32>,
        tpu.vector_store %arg6[%parallel_loop3A_428, %parallel_loop3A_429, %parallel_loop3A_430], %parallel_loop3A_426 {strides = array<i32>} : memref<1x128x128xf32, #tpu.memory_space<vmem>>, vector<16xf32>,
        %parallel_loop3A_432 = arith.constant 0 : i32
        %parallel_loop3A_433 = arith.index_cast %parallel_loop3A_432 : i32 to index
        %parallel_loop3A_434 = arith.index_cast %parallel_loop3A_373 : i32 to index
        %parallel_loop3A_435 = arith.constant 80 : index
        %parallel_loop3A_436 = tpu.vector_load %arg6[%parallel_loop3A_433, %parallel_loop3A_434, %parallel_loop3A_435] {strides = array<i32>} : memref<1x128x128xf32, #tpu.memory_space<vmem>>, vector<16xf32>,
        %parallel_loop3A_437 = arith.mulf %parallel_loop3A_436, %parallel_loop3A_376 : vector<16xf32>
        %parallel_loop3A_438 = arith.constant 0 : i32
        %parallel_loop3A_439 = arith.index_cast %parallel_loop3A_438 : i32 to index
        %parallel_loop3A_440 = arith.index_cast %parallel_loop3A_373 : i32 to index
        %parallel_loop3A_441 = arith.constant 80 : index
        %parallel_loop3A_442 = tpu.vector_load %arg6[%parallel_loop3A_439, %parallel_loop3A_440, %parallel_loop3A_441] {strides = array<i32>} : memref<1x128x128xf32, #tpu.memory_space<vmem>>, vector<16xf32>,
        tpu.vector_store %arg6[%parallel_loop3A_439, %parallel_loop3A_440, %parallel_loop3A_441], %parallel_loop3A_437 {strides = array<i32>} : memref<1x128x128xf32, #tpu.memory_space<vmem>>, vector<16xf32>,
        %parallel_loop3A_443 = arith.constant 0 : i32
        %parallel_loop3A_444 = arith.index_cast %parallel_loop3A_443 : i32 to index
        %parallel_loop3A_445 = arith.index_cast %parallel_loop3A_373 : i32 to index
        %parallel_loop3A_446 = arith.constant 96 : index
        %parallel_loop3A_447 = tpu.vector_load %arg6[%parallel_loop3A_444, %parallel_loop3A_445, %parallel_loop3A_446] {strides = array<i32>} : memref<1x128x128xf32, #tpu.memory_space<vmem>>, vector<16xf32>,
        %parallel_loop3A_448 = arith.mulf %parallel_loop3A_447, %parallel_loop3A_376 : vector<16xf32>
        %parallel_loop3A_449 = arith.constant 0 : i32
        %parallel_loop3A_450 = arith.index_cast %parallel_loop3A_449 : i32 to index
        %parallel_loop3A_451 = arith.index_cast %parallel_loop3A_373 : i32 to index
        %parallel_loop3A_452 = arith.constant 96 : index
        %parallel_loop3A_453 = tpu.vector_load %arg6[%parallel_loop3A_450, %parallel_loop3A_451, %parallel_loop3A_452] {strides = array<i32>} : memref<1x128x128xf32, #tpu.memory_space<vmem>>, vector<16xf32>,
        tpu.vector_store %arg6[%parallel_loop3A_450, %parallel_loop3A_451, %parallel_loop3A_452], %parallel_loop3A_448 {strides = array<i32>} : memref<1x128x128xf32, #tpu.memory_space<vmem>>, vector<16xf32>,
        %parallel_loop3A_454 = arith.constant 0 : i32
        %parallel_loop3A_455 = arith.index_cast %parallel_loop3A_454 : i32 to index
        %parallel_loop3A_456 = arith.index_cast %parallel_loop3A_373 : i32 to index
        %parallel_loop3A_457 = arith.constant 112 : index
        %parallel_loop3A_458 = tpu.vector_load %arg6[%parallel_loop3A_455, %parallel_loop3A_456, %parallel_loop3A_457] {strides = array<i32>} : memref<1x128x128xf32, #tpu.memory_space<vmem>>, vector<16xf32>,
        %parallel_loop3A_459 = arith.mulf %parallel_loop3A_458, %parallel_loop3A_376 : vector<16xf32>
        %parallel_loop3A_460 = arith.constant 0 : i32
        %parallel_loop3A_461 = arith.index_cast %parallel_loop3A_460 : i32 to index
        %parallel_loop3A_462 = arith.index_cast %parallel_loop3A_373 : i32 to index
        %parallel_loop3A_463 = arith.constant 112 : index
        %parallel_loop3A_464 = tpu.vector_load %arg6[%parallel_loop3A_461, %parallel_loop3A_462, %parallel_loop3A_463] {strides = array<i32>} : memref<1x128x128xf32, #tpu.memory_space<vmem>>, vector<16xf32>,
        tpu.vector_store %arg6[%parallel_loop3A_461, %parallel_loop3A_462, %parallel_loop3A_463], %parallel_loop3A_459 {strides = array<i32>} : memref<1x128x128xf32, #tpu.memory_space<vmem>>, vector<16xf32>,
        %parallel_loop3A_465 = arith.constant 16 : i32
        %parallel_loop3A_466 = arith.muli %parallel_loop3A_75, %parallel_loop3A_465 : i32
        %parallel_loop3A_467 = arith.constant 4 : i32
        %parallel_loop3A_468 = arith.addi %parallel_loop3A_466, %parallel_loop3A_467 : i32
        %parallel_loop3A_469 = vector.extract_strided_slice %parallel_loop3A_84 {offsets = [4], sizes = [1], strides = [1]} : vector<16xf32> to vector<1xf32>
        %parallel_loop3A_470 = vector.extract %parallel_loop3A_469[0] : f32 from vector<1xf32>
        %parallel_loop3A_471 = vector.broadcast %parallel_loop3A_470 : f32 to vector<16xf32>
        %parallel_loop3A_472 = arith.constant 0 : i32
        %parallel_loop3A_473 = arith.index_cast %parallel_loop3A_472 : i32 to index
        %parallel_loop3A_474 = arith.index_cast %parallel_loop3A_468 : i32 to index
        %parallel_loop3A_475 = arith.constant 0 : index
        %parallel_loop3A_476 = tpu.vector_load %arg6[%parallel_loop3A_473, %parallel_loop3A_474, %parallel_loop3A_475] {strides = array<i32>} : memref<1x128x128xf32, #tpu.memory_space<vmem>>, vector<16xf32>,
        %parallel_loop3A_477 = arith.mulf %parallel_loop3A_476, %parallel_loop3A_471 : vector<16xf32>
        %parallel_loop3A_478 = arith.constant 0 : i32
        %parallel_loop3A_479 = arith.index_cast %parallel_loop3A_478 : i32 to index
        %parallel_loop3A_480 = arith.index_cast %parallel_loop3A_468 : i32 to index
        %parallel_loop3A_481 = arith.constant 0 : index
        %parallel_loop3A_482 = tpu.vector_load %arg6[%parallel_loop3A_479, %parallel_loop3A_480, %parallel_loop3A_481] {strides = array<i32>} : memref<1x128x128xf32, #tpu.memory_space<vmem>>, vector<16xf32>,
        tpu.vector_store %arg6[%parallel_loop3A_479, %parallel_loop3A_480, %parallel_loop3A_481], %parallel_loop3A_477 {strides = array<i32>} : memref<1x128x128xf32, #tpu.memory_space<vmem>>, vector<16xf32>,
        %parallel_loop3A_483 = arith.constant 0 : i32
        %parallel_loop3A_484 = arith.index_cast %parallel_loop3A_483 : i32 to index
        %parallel_loop3A_485 = arith.index_cast %parallel_loop3A_468 : i32 to index
        %parallel_loop3A_486 = arith.constant 16 : index
        %parallel_loop3A_487 = tpu.vector_load %arg6[%parallel_loop3A_484, %parallel_loop3A_485, %parallel_loop3A_486] {strides = array<i32>} : memref<1x128x128xf32, #tpu.memory_space<vmem>>, vector<16xf32>,
        %parallel_loop3A_488 = arith.mulf %parallel_loop3A_487, %parallel_loop3A_471 : vector<16xf32>
        %parallel_loop3A_489 = arith.constant 0 : i32
        %parallel_loop3A_490 = arith.index_cast %parallel_loop3A_489 : i32 to index
        %parallel_loop3A_491 = arith.index_cast %parallel_loop3A_468 : i32 to index
        %parallel_loop3A_492 = arith.constant 16 : index
        %parallel_loop3A_493 = tpu.vector_load %arg6[%parallel_loop3A_490, %parallel_loop3A_491, %parallel_loop3A_492] {strides = array<i32>} : memref<1x128x128xf32, #tpu.memory_space<vmem>>, vector<16xf32>,
        tpu.vector_store %arg6[%parallel_loop3A_490, %parallel_loop3A_491, %parallel_loop3A_492], %parallel_loop3A_488 {strides = array<i32>} : memref<1x128x128xf32, #tpu.memory_space<vmem>>, vector<16xf32>,
        %parallel_loop3A_494 = arith.constant 0 : i32
        %parallel_loop3A_495 = arith.index_cast %parallel_loop3A_494 : i32 to index
        %parallel_loop3A_496 = arith.index_cast %parallel_loop3A_468 : i32 to index
        %parallel_loop3A_497 = arith.constant 32 : index
        %parallel_loop3A_498 = tpu.vector_load %arg6[%parallel_loop3A_495, %parallel_loop3A_496, %parallel_loop3A_497] {strides = array<i32>} : memref<1x128x128xf32, #tpu.memory_space<vmem>>, vector<16xf32>,
        %parallel_loop3A_499 = arith.mulf %parallel_loop3A_498, %parallel_loop3A_471 : vector<16xf32>
        %parallel_loop3A_500 = arith.constant 0 : i32
        %parallel_loop3A_501 = arith.index_cast %parallel_loop3A_500 : i32 to index
        %parallel_loop3A_502 = arith.index_cast %parallel_loop3A_468 : i32 to index
        %parallel_loop3A_503 = arith.constant 32 : index
        %parallel_loop3A_504 = tpu.vector_load %arg6[%parallel_loop3A_501, %parallel_loop3A_502, %parallel_loop3A_503] {strides = array<i32>} : memref<1x128x128xf32, #tpu.memory_space<vmem>>, vector<16xf32>,
        tpu.vector_store %arg6[%parallel_loop3A_501, %parallel_loop3A_502, %parallel_loop3A_503], %parallel_loop3A_499 {strides = array<i32>} : memref<1x128x128xf32, #tpu.memory_space<vmem>>, vector<16xf32>,
        %parallel_loop3A_505 = arith.constant 0 : i32
        %parallel_loop3A_506 = arith.index_cast %parallel_loop3A_505 : i32 to index
        %parallel_loop3A_507 = arith.index_cast %parallel_loop3A_468 : i32 to index
        %parallel_loop3A_508 = arith.constant 48 : index
        %parallel_loop3A_509 = tpu.vector_load %arg6[%parallel_loop3A_506, %parallel_loop3A_507, %parallel_loop3A_508] {strides = array<i32>} : memref<1x128x128xf32, #tpu.memory_space<vmem>>, vector<16xf32>,
        %parallel_loop3A_510 = arith.mulf %parallel_loop3A_509, %parallel_loop3A_471 : vector<16xf32>
        %parallel_loop3A_511 = arith.constant 0 : i32
        %parallel_loop3A_512 = arith.index_cast %parallel_loop3A_511 : i32 to index
        %parallel_loop3A_513 = arith.index_cast %parallel_loop3A_468 : i32 to index
        %parallel_loop3A_514 = arith.constant 48 : index
        %parallel_loop3A_515 = tpu.vector_load %arg6[%parallel_loop3A_512, %parallel_loop3A_513, %parallel_loop3A_514] {strides = array<i32>} : memref<1x128x128xf32, #tpu.memory_space<vmem>>, vector<16xf32>,
        tpu.vector_store %arg6[%parallel_loop3A_512, %parallel_loop3A_513, %parallel_loop3A_514], %parallel_loop3A_510 {strides = array<i32>} : memref<1x128x128xf32, #tpu.memory_space<vmem>>, vector<16xf32>,
        %parallel_loop3A_516 = arith.constant 0 : i32
        %parallel_loop3A_517 = arith.index_cast %parallel_loop3A_516 : i32 to index
        %parallel_loop3A_518 = arith.index_cast %parallel_loop3A_468 : i32 to index
        %parallel_loop3A_519 = arith.constant 64 : index
        %parallel_loop3A_520 = tpu.vector_load %arg6[%parallel_loop3A_517, %parallel_loop3A_518, %parallel_loop3A_519] {strides = array<i32>} : memref<1x128x128xf32, #tpu.memory_space<vmem>>, vector<16xf32>,
        %parallel_loop3A_521 = arith.mulf %parallel_loop3A_520, %parallel_loop3A_471 : vector<16xf32>
        %parallel_loop3A_522 = arith.constant 0 : i32
        %parallel_loop3A_523 = arith.index_cast %parallel_loop3A_522 : i32 to index
        %parallel_loop3A_524 = arith.index_cast %parallel_loop3A_468 : i32 to index
        %parallel_loop3A_525 = arith.constant 64 : index
        %parallel_loop3A_526 = tpu.vector_load %arg6[%parallel_loop3A_523, %parallel_loop3A_524, %parallel_loop3A_525] {strides = array<i32>} : memref<1x128x128xf32, #tpu.memory_space<vmem>>, vector<16xf32>,
        tpu.vector_store %arg6[%parallel_loop3A_523, %parallel_loop3A_524, %parallel_loop3A_525], %parallel_loop3A_521 {strides = array<i32>} : memref<1x128x128xf32, #tpu.memory_space<vmem>>, vector<16xf32>,
        %parallel_loop3A_527 = arith.constant 0 : i32
        %parallel_loop3A_528 = arith.index_cast %parallel_loop3A_527 : i32 to index
        %parallel_loop3A_529 = arith.index_cast %parallel_loop3A_468 : i32 to index
        %parallel_loop3A_530 = arith.constant 80 : index
        %parallel_loop3A_531 = tpu.vector_load %arg6[%parallel_loop3A_528, %parallel_loop3A_529, %parallel_loop3A_530] {strides = array<i32>} : memref<1x128x128xf32, #tpu.memory_space<vmem>>, vector<16xf32>,
        %parallel_loop3A_532 = arith.mulf %parallel_loop3A_531, %parallel_loop3A_471 : vector<16xf32>
        %parallel_loop3A_533 = arith.constant 0 : i32
        %parallel_loop3A_534 = arith.index_cast %parallel_loop3A_533 : i32 to index
        %parallel_loop3A_535 = arith.index_cast %parallel_loop3A_468 : i32 to index
        %parallel_loop3A_536 = arith.constant 80 : index
        %parallel_loop3A_537 = tpu.vector_load %arg6[%parallel_loop3A_534, %parallel_loop3A_535, %parallel_loop3A_536] {strides = array<i32>} : memref<1x128x128xf32, #tpu.memory_space<vmem>>, vector<16xf32>,
        tpu.vector_store %arg6[%parallel_loop3A_534, %parallel_loop3A_535, %parallel_loop3A_536], %parallel_loop3A_532 {strides = array<i32>} : memref<1x128x128xf32, #tpu.memory_space<vmem>>, vector<16xf32>,
        %parallel_loop3A_538 = arith.constant 0 : i32
        %parallel_loop3A_539 = arith.index_cast %parallel_loop3A_538 : i32 to index
        %parallel_loop3A_540 = arith.index_cast %parallel_loop3A_468 : i32 to index
        %parallel_loop3A_541 = arith.constant 96 : index
        %parallel_loop3A_542 = tpu.vector_load %arg6[%parallel_loop3A_539, %parallel_loop3A_540, %parallel_loop3A_541] {strides = array<i32>} : memref<1x128x128xf32, #tpu.memory_space<vmem>>, vector<16xf32>,
        %parallel_loop3A_543 = arith.mulf %parallel_loop3A_542, %parallel_loop3A_471 : vector<16xf32>
        %parallel_loop3A_544 = arith.constant 0 : i32
        %parallel_loop3A_545 = arith.index_cast %parallel_loop3A_544 : i32 to index
        %parallel_loop3A_546 = arith.index_cast %parallel_loop3A_468 : i32 to index
        %parallel_loop3A_547 = arith.constant 96 : index
        %parallel_loop3A_548 = tpu.vector_load %arg6[%parallel_loop3A_545, %parallel_loop3A_546, %parallel_loop3A_547] {strides = array<i32>} : memref<1x128x128xf32, #tpu.memory_space<vmem>>, vector<16xf32>,
        tpu.vector_store %arg6[%parallel_loop3A_545, %parallel_loop3A_546, %parallel_loop3A_547], %parallel_loop3A_543 {strides = array<i32>} : memref<1x128x128xf32, #tpu.memory_space<vmem>>, vector<16xf32>,
        %parallel_loop3A_549 = arith.constant 0 : i32
        %parallel_loop3A_550 = arith.index_cast %parallel_loop3A_549 : i32 to index
        %parallel_loop3A_551 = arith.index_cast %parallel_loop3A_468 : i32 to index
        %parallel_loop3A_552 = arith.constant 112 : index
        %parallel_loop3A_553 = tpu.vector_load %arg6[%parallel_loop3A_550, %parallel_loop3A_551, %parallel_loop3A_552] {strides = array<i32>} : memref<1x128x128xf32, #tpu.memory_space<vmem>>, vector<16xf32>,
        %parallel_loop3A_554 = arith.mulf %parallel_loop3A_553, %parallel_loop3A_471 : vector<16xf32>
        %parallel_loop3A_555 = arith.constant 0 : i32
        %parallel_loop3A_556 = arith.index_cast %parallel_loop3A_555 : i32 to index
        %parallel_loop3A_557 = arith.index_cast %parallel_loop3A_468 : i32 to index
        %parallel_loop3A_558 = arith.constant 112 : index
        %parallel_loop3A_559 = tpu.vector_load %arg6[%parallel_loop3A_556, %parallel_loop3A_557, %parallel_loop3A_558] {strides = array<i32>} : memref<1x128x128xf32, #tpu.memory_space<vmem>>, vector<16xf32>,
        tpu.vector_store %arg6[%parallel_loop3A_556, %parallel_loop3A_557, %parallel_loop3A_558], %parallel_loop3A_554 {strides = array<i32>} : memref<1x128x128xf32, #tpu.memory_space<vmem>>, vector<16xf32>,
        %parallel_loop3A_560 = arith.constant 16 : i32
        %parallel_loop3A_561 = arith.muli %parallel_loop3A_75, %parallel_loop3A_560 : i32
        %parallel_loop3A_562 = arith.constant 5 : i32
        %parallel_loop3A_563 = arith.addi %parallel_loop3A_561, %parallel_loop3A_562 : i32
        %parallel_loop3A_564 = vector.extract_strided_slice %parallel_loop3A_84 {offsets = [5], sizes = [1], strides = [1]} : vector<16xf32> to vector<1xf32>
        %parallel_loop3A_565 = vector.extract %parallel_loop3A_564[0] : f32 from vector<1xf32>
        %parallel_loop3A_566 = vector.broadcast %parallel_loop3A_565 : f32 to vector<16xf32>
        %parallel_loop3A_567 = arith.constant 0 : i32
        %parallel_loop3A_568 = arith.index_cast %parallel_loop3A_567 : i32 to index
        %parallel_loop3A_569 = arith.index_cast %parallel_loop3A_563 : i32 to index
        %parallel_loop3A_570 = arith.constant 0 : index
        %parallel_loop3A_571 = tpu.vector_load %arg6[%parallel_loop3A_568, %parallel_loop3A_569, %parallel_loop3A_570] {strides = array<i32>} : memref<1x128x128xf32, #tpu.memory_space<vmem>>, vector<16xf32>,
        %parallel_loop3A_572 = arith.mulf %parallel_loop3A_571, %parallel_loop3A_566 : vector<16xf32>
        %parallel_loop3A_573 = arith.constant 0 : i32
        %parallel_loop3A_574 = arith.index_cast %parallel_loop3A_573 : i32 to index
        %parallel_loop3A_575 = arith.index_cast %parallel_loop3A_563 : i32 to index
        %parallel_loop3A_576 = arith.constant 0 : index
        %parallel_loop3A_577 = tpu.vector_load %arg6[%parallel_loop3A_574, %parallel_loop3A_575, %parallel_loop3A_576] {strides = array<i32>} : memref<1x128x128xf32, #tpu.memory_space<vmem>>, vector<16xf32>,
        tpu.vector_store %arg6[%parallel_loop3A_574, %parallel_loop3A_575, %parallel_loop3A_576], %parallel_loop3A_572 {strides = array<i32>} : memref<1x128x128xf32, #tpu.memory_space<vmem>>, vector<16xf32>,
        %parallel_loop3A_578 = arith.constant 0 : i32
        %parallel_loop3A_579 = arith.index_cast %parallel_loop3A_578 : i32 to index
        %parallel_loop3A_580 = arith.index_cast %parallel_loop3A_563 : i32 to index
        %parallel_loop3A_581 = arith.constant 16 : index
        %parallel_loop3A_582 = tpu.vector_load %arg6[%parallel_loop3A_579, %parallel_loop3A_580, %parallel_loop3A_581] {strides = array<i32>} : memref<1x128x128xf32, #tpu.memory_space<vmem>>, vector<16xf32>,
        %parallel_loop3A_583 = arith.mulf %parallel_loop3A_582, %parallel_loop3A_566 : vector<16xf32>
        %parallel_loop3A_584 = arith.constant 0 : i32
        %parallel_loop3A_585 = arith.index_cast %parallel_loop3A_584 : i32 to index
        %parallel_loop3A_586 = arith.index_cast %parallel_loop3A_563 : i32 to index
        %parallel_loop3A_587 = arith.constant 16 : index
        %parallel_loop3A_588 = tpu.vector_load %arg6[%parallel_loop3A_585, %parallel_loop3A_586, %parallel_loop3A_587] {strides = array<i32>} : memref<1x128x128xf32, #tpu.memory_space<vmem>>, vector<16xf32>,
        tpu.vector_store %arg6[%parallel_loop3A_585, %parallel_loop3A_586, %parallel_loop3A_587], %parallel_loop3A_583 {strides = array<i32>} : memref<1x128x128xf32, #tpu.memory_space<vmem>>, vector<16xf32>,
        %parallel_loop3A_589 = arith.constant 0 : i32
        %parallel_loop3A_590 = arith.index_cast %parallel_loop3A_589 : i32 to index
        %parallel_loop3A_591 = arith.index_cast %parallel_loop3A_563 : i32 to index
        %parallel_loop3A_592 = arith.constant 32 : index
        %parallel_loop3A_593 = tpu.vector_load %arg6[%parallel_loop3A_590, %parallel_loop3A_591, %parallel_loop3A_592] {strides = array<i32>} : memref<1x128x128xf32, #tpu.memory_space<vmem>>, vector<16xf32>,
        %parallel_loop3A_594 = arith.mulf %parallel_loop3A_593, %parallel_loop3A_566 : vector<16xf32>
        %parallel_loop3A_595 = arith.constant 0 : i32
        %parallel_loop3A_596 = arith.index_cast %parallel_loop3A_595 : i32 to index
        %parallel_loop3A_597 = arith.index_cast %parallel_loop3A_563 : i32 to index
        %parallel_loop3A_598 = arith.constant 32 : index
        %parallel_loop3A_599 = tpu.vector_load %arg6[%parallel_loop3A_596, %parallel_loop3A_597, %parallel_loop3A_598] {strides = array<i32>} : memref<1x128x128xf32, #tpu.memory_space<vmem>>, vector<16xf32>,
        tpu.vector_store %arg6[%parallel_loop3A_596, %parallel_loop3A_597, %parallel_loop3A_598], %parallel_loop3A_594 {strides = array<i32>} : memref<1x128x128xf32, #tpu.memory_space<vmem>>, vector<16xf32>,
        %parallel_loop3A_600 = arith.constant 0 : i32
        %parallel_loop3A_601 = arith.index_cast %parallel_loop3A_600 : i32 to index
        %parallel_loop3A_602 = arith.index_cast %parallel_loop3A_563 : i32 to index
        %parallel_loop3A_603 = arith.constant 48 : index
        %parallel_loop3A_604 = tpu.vector_load %arg6[%parallel_loop3A_601, %parallel_loop3A_602, %parallel_loop3A_603] {strides = array<i32>} : memref<1x128x128xf32, #tpu.memory_space<vmem>>, vector<16xf32>,
        %parallel_loop3A_605 = arith.mulf %parallel_loop3A_604, %parallel_loop3A_566 : vector<16xf32>
        %parallel_loop3A_606 = arith.constant 0 : i32
        %parallel_loop3A_607 = arith.index_cast %parallel_loop3A_606 : i32 to index
        %parallel_loop3A_608 = arith.index_cast %parallel_loop3A_563 : i32 to index
        %parallel_loop3A_609 = arith.constant 48 : index
        %parallel_loop3A_610 = tpu.vector_load %arg6[%parallel_loop3A_607, %parallel_loop3A_608, %parallel_loop3A_609] {strides = array<i32>} : memref<1x128x128xf32, #tpu.memory_space<vmem>>, vector<16xf32>,
        tpu.vector_store %arg6[%parallel_loop3A_607, %parallel_loop3A_608, %parallel_loop3A_609], %parallel_loop3A_605 {strides = array<i32>} : memref<1x128x128xf32, #tpu.memory_space<vmem>>, vector<16xf32>,
        %parallel_loop3A_611 = arith.constant 0 : i32
        %parallel_loop3A_612 = arith.index_cast %parallel_loop3A_611 : i32 to index
        %parallel_loop3A_613 = arith.index_cast %parallel_loop3A_563 : i32 to index
        %parallel_loop3A_614 = arith.constant 64 : index
        %parallel_loop3A_615 = tpu.vector_load %arg6[%parallel_loop3A_612, %parallel_loop3A_613, %parallel_loop3A_614] {strides = array<i32>} : memref<1x128x128xf32, #tpu.memory_space<vmem>>, vector<16xf32>,
        %parallel_loop3A_616 = arith.mulf %parallel_loop3A_615, %parallel_loop3A_566 : vector<16xf32>
        %parallel_loop3A_617 = arith.constant 0 : i32
        %parallel_loop3A_618 = arith.index_cast %parallel_loop3A_617 : i32 to index
        %parallel_loop3A_619 = arith.index_cast %parallel_loop3A_563 : i32 to index
        %parallel_loop3A_620 = arith.constant 64 : index
        %parallel_loop3A_621 = tpu.vector_load %arg6[%parallel_loop3A_618, %parallel_loop3A_619, %parallel_loop3A_620] {strides = array<i32>} : memref<1x128x128xf32, #tpu.memory_space<vmem>>, vector<16xf32>,
        tpu.vector_store %arg6[%parallel_loop3A_618, %parallel_loop3A_619, %parallel_loop3A_620], %parallel_loop3A_616 {strides = array<i32>} : memref<1x128x128xf32, #tpu.memory_space<vmem>>, vector<16xf32>,
        %parallel_loop3A_622 = arith.constant 0 : i32
        %parallel_loop3A_623 = arith.index_cast %parallel_loop3A_622 : i32 to index
        %parallel_loop3A_624 = arith.index_cast %parallel_loop3A_563 : i32 to index
        %parallel_loop3A_625 = arith.constant 80 : index
        %parallel_loop3A_626 = tpu.vector_load %arg6[%parallel_loop3A_623, %parallel_loop3A_624, %parallel_loop3A_625] {strides = array<i32>} : memref<1x128x128xf32, #tpu.memory_space<vmem>>, vector<16xf32>,
        %parallel_loop3A_627 = arith.mulf %parallel_loop3A_626, %parallel_loop3A_566 : vector<16xf32>
        %parallel_loop3A_628 = arith.constant 0 : i32
        %parallel_loop3A_629 = arith.index_cast %parallel_loop3A_628 : i32 to index
        %parallel_loop3A_630 = arith.index_cast %parallel_loop3A_563 : i32 to index
        %parallel_loop3A_631 = arith.constant 80 : index
        %parallel_loop3A_632 = tpu.vector_load %arg6[%parallel_loop3A_629, %parallel_loop3A_630, %parallel_loop3A_631] {strides = array<i32>} : memref<1x128x128xf32, #tpu.memory_space<vmem>>, vector<16xf32>,
        tpu.vector_store %arg6[%parallel_loop3A_629, %parallel_loop3A_630, %parallel_loop3A_631], %parallel_loop3A_627 {strides = array<i32>} : memref<1x128x128xf32, #tpu.memory_space<vmem>>, vector<16xf32>,
        %parallel_loop3A_633 = arith.constant 0 : i32
        %parallel_loop3A_634 = arith.index_cast %parallel_loop3A_633 : i32 to index
        %parallel_loop3A_635 = arith.index_cast %parallel_loop3A_563 : i32 to index
        %parallel_loop3A_636 = arith.constant 96 : index
        %parallel_loop3A_637 = tpu.vector_load %arg6[%parallel_loop3A_634, %parallel_loop3A_635, %parallel_loop3A_636] {strides = array<i32>} : memref<1x128x128xf32, #tpu.memory_space<vmem>>, vector<16xf32>,
        %parallel_loop3A_638 = arith.mulf %parallel_loop3A_637, %parallel_loop3A_566 : vector<16xf32>
        %parallel_loop3A_639 = arith.constant 0 : i32
        %parallel_loop3A_640 = arith.index_cast %parallel_loop3A_639 : i32 to index
        %parallel_loop3A_641 = arith.index_cast %parallel_loop3A_563 : i32 to index
        %parallel_loop3A_642 = arith.constant 96 : index
        %parallel_loop3A_643 = tpu.vector_load %arg6[%parallel_loop3A_640, %parallel_loop3A_641, %parallel_loop3A_642] {strides = array<i32>} : memref<1x128x128xf32, #tpu.memory_space<vmem>>, vector<16xf32>,
        tpu.vector_store %arg6[%parallel_loop3A_640, %parallel_loop3A_641, %parallel_loop3A_642], %parallel_loop3A_638 {strides = array<i32>} : memref<1x128x128xf32, #tpu.memory_space<vmem>>, vector<16xf32>,
        %parallel_loop3A_644 = arith.constant 0 : i32
        %parallel_loop3A_645 = arith.index_cast %parallel_loop3A_644 : i32 to index
        %parallel_loop3A_646 = arith.index_cast %parallel_loop3A_563 : i32 to index
        %parallel_loop3A_647 = arith.constant 112 : index
        %parallel_loop3A_648 = tpu.vector_load %arg6[%parallel_loop3A_645, %parallel_loop3A_646, %parallel_loop3A_647] {strides = array<i32>} : memref<1x128x128xf32, #tpu.memory_space<vmem>>, vector<16xf32>,
        %parallel_loop3A_649 = arith.mulf %parallel_loop3A_648, %parallel_loop3A_566 : vector<16xf32>
        %parallel_loop3A_650 = arith.constant 0 : i32
        %parallel_loop3A_651 = arith.index_cast %parallel_loop3A_650 : i32 to index
        %parallel_loop3A_652 = arith.index_cast %parallel_loop3A_563 : i32 to index
        %parallel_loop3A_653 = arith.constant 112 : index
        %parallel_loop3A_654 = tpu.vector_load %arg6[%parallel_loop3A_651, %parallel_loop3A_652, %parallel_loop3A_653] {strides = array<i32>} : memref<1x128x128xf32, #tpu.memory_space<vmem>>, vector<16xf32>,
        tpu.vector_store %arg6[%parallel_loop3A_651, %parallel_loop3A_652, %parallel_loop3A_653], %parallel_loop3A_649 {strides = array<i32>} : memref<1x128x128xf32, #tpu.memory_space<vmem>>, vector<16xf32>,
        %parallel_loop3A_655 = arith.constant 16 : i32
        %parallel_loop3A_656 = arith.muli %parallel_loop3A_75, %parallel_loop3A_655 : i32
        %parallel_loop3A_657 = arith.constant 6 : i32
        %parallel_loop3A_658 = arith.addi %parallel_loop3A_656, %parallel_loop3A_657 : i32
        %parallel_loop3A_659 = vector.extract_strided_slice %parallel_loop3A_84 {offsets = [6], sizes = [1], strides = [1]} : vector<16xf32> to vector<1xf32>
        %parallel_loop3A_660 = vector.extract %parallel_loop3A_659[0] : f32 from vector<1xf32>
        %parallel_loop3A_661 = vector.broadcast %parallel_loop3A_660 : f32 to vector<16xf32>
        %parallel_loop3A_662 = arith.constant 0 : i32
        %parallel_loop3A_663 = arith.index_cast %parallel_loop3A_662 : i32 to index
        %parallel_loop3A_664 = arith.index_cast %parallel_loop3A_658 : i32 to index
        %parallel_loop3A_665 = arith.constant 0 : index
        %parallel_loop3A_666 = tpu.vector_load %arg6[%parallel_loop3A_663, %parallel_loop3A_664, %parallel_loop3A_665] {strides = array<i32>} : memref<1x128x128xf32, #tpu.memory_space<vmem>>, vector<16xf32>,
        %parallel_loop3A_667 = arith.mulf %parallel_loop3A_666, %parallel_loop3A_661 : vector<16xf32>
        %parallel_loop3A_668 = arith.constant 0 : i32
        %parallel_loop3A_669 = arith.index_cast %parallel_loop3A_668 : i32 to index
        %parallel_loop3A_670 = arith.index_cast %parallel_loop3A_658 : i32 to index
        %parallel_loop3A_671 = arith.constant 0 : index
        %parallel_loop3A_672 = tpu.vector_load %arg6[%parallel_loop3A_669, %parallel_loop3A_670, %parallel_loop3A_671] {strides = array<i32>} : memref<1x128x128xf32, #tpu.memory_space<vmem>>, vector<16xf32>,
        tpu.vector_store %arg6[%parallel_loop3A_669, %parallel_loop3A_670, %parallel_loop3A_671], %parallel_loop3A_667 {strides = array<i32>} : memref<1x128x128xf32, #tpu.memory_space<vmem>>, vector<16xf32>,
        %parallel_loop3A_673 = arith.constant 0 : i32
        %parallel_loop3A_674 = arith.index_cast %parallel_loop3A_673 : i32 to index
        %parallel_loop3A_675 = arith.index_cast %parallel_loop3A_658 : i32 to index
        %parallel_loop3A_676 = arith.constant 16 : index
        %parallel_loop3A_677 = tpu.vector_load %arg6[%parallel_loop3A_674, %parallel_loop3A_675, %parallel_loop3A_676] {strides = array<i32>} : memref<1x128x128xf32, #tpu.memory_space<vmem>>, vector<16xf32>,
        %parallel_loop3A_678 = arith.mulf %parallel_loop3A_677, %parallel_loop3A_661 : vector<16xf32>
        %parallel_loop3A_679 = arith.constant 0 : i32
        %parallel_loop3A_680 = arith.index_cast %parallel_loop3A_679 : i32 to index
        %parallel_loop3A_681 = arith.index_cast %parallel_loop3A_658 : i32 to index
        %parallel_loop3A_682 = arith.constant 16 : index
        %parallel_loop3A_683 = tpu.vector_load %arg6[%parallel_loop3A_680, %parallel_loop3A_681, %parallel_loop3A_682] {strides = array<i32>} : memref<1x128x128xf32, #tpu.memory_space<vmem>>, vector<16xf32>,
        tpu.vector_store %arg6[%parallel_loop3A_680, %parallel_loop3A_681, %parallel_loop3A_682], %parallel_loop3A_678 {strides = array<i32>} : memref<1x128x128xf32, #tpu.memory_space<vmem>>, vector<16xf32>,
        %parallel_loop3A_684 = arith.constant 0 : i32
        %parallel_loop3A_685 = arith.index_cast %parallel_loop3A_684 : i32 to index
        %parallel_loop3A_686 = arith.index_cast %parallel_loop3A_658 : i32 to index
        %parallel_loop3A_687 = arith.constant 32 : index
        %parallel_loop3A_688 = tpu.vector_load %arg6[%parallel_loop3A_685, %parallel_loop3A_686, %parallel_loop3A_687] {strides = array<i32>} : memref<1x128x128xf32, #tpu.memory_space<vmem>>, vector<16xf32>,
        %parallel_loop3A_689 = arith.mulf %parallel_loop3A_688, %parallel_loop3A_661 : vector<16xf32>
        %parallel_loop3A_690 = arith.constant 0 : i32
        %parallel_loop3A_691 = arith.index_cast %parallel_loop3A_690 : i32 to index
        %parallel_loop3A_692 = arith.index_cast %parallel_loop3A_658 : i32 to index
        %parallel_loop3A_693 = arith.constant 32 : index
        %parallel_loop3A_694 = tpu.vector_load %arg6[%parallel_loop3A_691, %parallel_loop3A_692, %parallel_loop3A_693] {strides = array<i32>} : memref<1x128x128xf32, #tpu.memory_space<vmem>>, vector<16xf32>,
        tpu.vector_store %arg6[%parallel_loop3A_691, %parallel_loop3A_692, %parallel_loop3A_693], %parallel_loop3A_689 {strides = array<i32>} : memref<1x128x128xf32, #tpu.memory_space<vmem>>, vector<16xf32>,
        %parallel_loop3A_695 = arith.constant 0 : i32
        %parallel_loop3A_696 = arith.index_cast %parallel_loop3A_695 : i32 to index
        %parallel_loop3A_697 = arith.index_cast %parallel_loop3A_658 : i32 to index
        %parallel_loop3A_698 = arith.constant 48 : index
        %parallel_loop3A_699 = tpu.vector_load %arg6[%parallel_loop3A_696, %parallel_loop3A_697, %parallel_loop3A_698] {strides = array<i32>} : memref<1x128x128xf32, #tpu.memory_space<vmem>>, vector<16xf32>,
        %parallel_loop3A_700 = arith.mulf %parallel_loop3A_699, %parallel_loop3A_661 : vector<16xf32>
        %parallel_loop3A_701 = arith.constant 0 : i32
        %parallel_loop3A_702 = arith.index_cast %parallel_loop3A_701 : i32 to index
        %parallel_loop3A_703 = arith.index_cast %parallel_loop3A_658 : i32 to index
        %parallel_loop3A_704 = arith.constant 48 : index
        %parallel_loop3A_705 = tpu.vector_load %arg6[%parallel_loop3A_702, %parallel_loop3A_703, %parallel_loop3A_704] {strides = array<i32>} : memref<1x128x128xf32, #tpu.memory_space<vmem>>, vector<16xf32>,
        tpu.vector_store %arg6[%parallel_loop3A_702, %parallel_loop3A_703, %parallel_loop3A_704], %parallel_loop3A_700 {strides = array<i32>} : memref<1x128x128xf32, #tpu.memory_space<vmem>>, vector<16xf32>,
        %parallel_loop3A_706 = arith.constant 0 : i32
        %parallel_loop3A_707 = arith.index_cast %parallel_loop3A_706 : i32 to index
        %parallel_loop3A_708 = arith.index_cast %parallel_loop3A_658 : i32 to index
        %parallel_loop3A_709 = arith.constant 64 : index
        %parallel_loop3A_710 = tpu.vector_load %arg6[%parallel_loop3A_707, %parallel_loop3A_708, %parallel_loop3A_709] {strides = array<i32>} : memref<1x128x128xf32, #tpu.memory_space<vmem>>, vector<16xf32>,
        %parallel_loop3A_711 = arith.mulf %parallel_loop3A_710, %parallel_loop3A_661 : vector<16xf32>
        %parallel_loop3A_712 = arith.constant 0 : i32
        %parallel_loop3A_713 = arith.index_cast %parallel_loop3A_712 : i32 to index
        %parallel_loop3A_714 = arith.index_cast %parallel_loop3A_658 : i32 to index
        %parallel_loop3A_715 = arith.constant 64 : index
        %parallel_loop3A_716 = tpu.vector_load %arg6[%parallel_loop3A_713, %parallel_loop3A_714, %parallel_loop3A_715] {strides = array<i32>} : memref<1x128x128xf32, #tpu.memory_space<vmem>>, vector<16xf32>,
        tpu.vector_store %arg6[%parallel_loop3A_713, %parallel_loop3A_714, %parallel_loop3A_715], %parallel_loop3A_711 {strides = array<i32>} : memref<1x128x128xf32, #tpu.memory_space<vmem>>, vector<16xf32>,
        %parallel_loop3A_717 = arith.constant 0 : i32
        %parallel_loop3A_718 = arith.index_cast %parallel_loop3A_717 : i32 to index
        %parallel_loop3A_719 = arith.index_cast %parallel_loop3A_658 : i32 to index
        %parallel_loop3A_720 = arith.constant 80 : index
        %parallel_loop3A_721 = tpu.vector_load %arg6[%parallel_loop3A_718, %parallel_loop3A_719, %parallel_loop3A_720] {strides = array<i32>} : memref<1x128x128xf32, #tpu.memory_space<vmem>>, vector<16xf32>,
        %parallel_loop3A_722 = arith.mulf %parallel_loop3A_721, %parallel_loop3A_661 : vector<16xf32>
        %parallel_loop3A_723 = arith.constant 0 : i32
        %parallel_loop3A_724 = arith.index_cast %parallel_loop3A_723 : i32 to index
        %parallel_loop3A_725 = arith.index_cast %parallel_loop3A_658 : i32 to index
        %parallel_loop3A_726 = arith.constant 80 : index
        %parallel_loop3A_727 = tpu.vector_load %arg6[%parallel_loop3A_724, %parallel_loop3A_725, %parallel_loop3A_726] {strides = array<i32>} : memref<1x128x128xf32, #tpu.memory_space<vmem>>, vector<16xf32>,
        tpu.vector_store %arg6[%parallel_loop3A_724, %parallel_loop3A_725, %parallel_loop3A_726], %parallel_loop3A_722 {strides = array<i32>} : memref<1x128x128xf32, #tpu.memory_space<vmem>>, vector<16xf32>,
        %parallel_loop3A_728 = arith.constant 0 : i32
        %parallel_loop3A_729 = arith.index_cast %parallel_loop3A_728 : i32 to index
        %parallel_loop3A_730 = arith.index_cast %parallel_loop3A_658 : i32 to index
        %parallel_loop3A_731 = arith.constant 96 : index
        %parallel_loop3A_732 = tpu.vector_load %arg6[%parallel_loop3A_729, %parallel_loop3A_730, %parallel_loop3A_731] {strides = array<i32>} : memref<1x128x128xf32, #tpu.memory_space<vmem>>, vector<16xf32>,
        %parallel_loop3A_733 = arith.mulf %parallel_loop3A_732, %parallel_loop3A_661 : vector<16xf32>
        %parallel_loop3A_734 = arith.constant 0 : i32
        %parallel_loop3A_735 = arith.index_cast %parallel_loop3A_734 : i32 to index
        %parallel_loop3A_736 = arith.index_cast %parallel_loop3A_658 : i32 to index
        %parallel_loop3A_737 = arith.constant 96 : index
        %parallel_loop3A_738 = tpu.vector_load %arg6[%parallel_loop3A_735, %parallel_loop3A_736, %parallel_loop3A_737] {strides = array<i32>} : memref<1x128x128xf32, #tpu.memory_space<vmem>>, vector<16xf32>,
        tpu.vector_store %arg6[%parallel_loop3A_735, %parallel_loop3A_736, %parallel_loop3A_737], %parallel_loop3A_733 {strides = array<i32>} : memref<1x128x128xf32, #tpu.memory_space<vmem>>, vector<16xf32>,
        %parallel_loop3A_739 = arith.constant 0 : i32
        %parallel_loop3A_740 = arith.index_cast %parallel_loop3A_739 : i32 to index
        %parallel_loop3A_741 = arith.index_cast %parallel_loop3A_658 : i32 to index
        %parallel_loop3A_742 = arith.constant 112 : index
        %parallel_loop3A_743 = tpu.vector_load %arg6[%parallel_loop3A_740, %parallel_loop3A_741, %parallel_loop3A_742] {strides = array<i32>} : memref<1x128x128xf32, #tpu.memory_space<vmem>>, vector<16xf32>,
        %parallel_loop3A_744 = arith.mulf %parallel_loop3A_743, %parallel_loop3A_661 : vector<16xf32>
        %parallel_loop3A_745 = arith.constant 0 : i32
        %parallel_loop3A_746 = arith.index_cast %parallel_loop3A_745 : i32 to index
        %parallel_loop3A_747 = arith.index_cast %parallel_loop3A_658 : i32 to index
        %parallel_loop3A_748 = arith.constant 112 : index
        %parallel_loop3A_749 = tpu.vector_load %arg6[%parallel_loop3A_746, %parallel_loop3A_747, %parallel_loop3A_748] {strides = array<i32>} : memref<1x128x128xf32, #tpu.memory_space<vmem>>, vector<16xf32>,
        tpu.vector_store %arg6[%parallel_loop3A_746, %parallel_loop3A_747, %parallel_loop3A_748], %parallel_loop3A_744 {strides = array<i32>} : memref<1x128x128xf32, #tpu.memory_space<vmem>>, vector<16xf32>,
        %parallel_loop3A_750 = arith.constant 16 : i32
        %parallel_loop3A_751 = arith.muli %parallel_loop3A_75, %parallel_loop3A_750 : i32
        %parallel_loop3A_752 = arith.constant 7 : i32
        %parallel_loop3A_753 = arith.addi %parallel_loop3A_751, %parallel_loop3A_752 : i32
        %parallel_loop3A_754 = vector.extract_strided_slice %parallel_loop3A_84 {offsets = [7], sizes = [1], strides = [1]} : vector<16xf32> to vector<1xf32>
        %parallel_loop3A_755 = vector.extract %parallel_loop3A_754[0] : f32 from vector<1xf32>
        %parallel_loop3A_756 = vector.broadcast %parallel_loop3A_755 : f32 to vector<16xf32>
        %parallel_loop3A_757 = arith.constant 0 : i32
        %parallel_loop3A_758 = arith.index_cast %parallel_loop3A_757 : i32 to index
        %parallel_loop3A_759 = arith.index_cast %parallel_loop3A_753 : i32 to index
        %parallel_loop3A_760 = arith.constant 0 : index
        %parallel_loop3A_761 = tpu.vector_load %arg6[%parallel_loop3A_758, %parallel_loop3A_759, %parallel_loop3A_760] {strides = array<i32>} : memref<1x128x128xf32, #tpu.memory_space<vmem>>, vector<16xf32>,
        %parallel_loop3A_762 = arith.mulf %parallel_loop3A_761, %parallel_loop3A_756 : vector<16xf32>
        %parallel_loop3A_763 = arith.constant 0 : i32
        %parallel_loop3A_764 = arith.index_cast %parallel_loop3A_763 : i32 to index
        %parallel_loop3A_765 = arith.index_cast %parallel_loop3A_753 : i32 to index
        %parallel_loop3A_766 = arith.constant 0 : index
        %parallel_loop3A_767 = tpu.vector_load %arg6[%parallel_loop3A_764, %parallel_loop3A_765, %parallel_loop3A_766] {strides = array<i32>} : memref<1x128x128xf32, #tpu.memory_space<vmem>>, vector<16xf32>,
        tpu.vector_store %arg6[%parallel_loop3A_764, %parallel_loop3A_765, %parallel_loop3A_766], %parallel_loop3A_762 {strides = array<i32>} : memref<1x128x128xf32, #tpu.memory_space<vmem>>, vector<16xf32>,
        %parallel_loop3A_768 = arith.constant 0 : i32
        %parallel_loop3A_769 = arith.index_cast %parallel_loop3A_768 : i32 to index
        %parallel_loop3A_770 = arith.index_cast %parallel_loop3A_753 : i32 to index
        %parallel_loop3A_771 = arith.constant 16 : index
        %parallel_loop3A_772 = tpu.vector_load %arg6[%parallel_loop3A_769, %parallel_loop3A_770, %parallel_loop3A_771] {strides = array<i32>} : memref<1x128x128xf32, #tpu.memory_space<vmem>>, vector<16xf32>,
        %parallel_loop3A_773 = arith.mulf %parallel_loop3A_772, %parallel_loop3A_756 : vector<16xf32>
        %parallel_loop3A_774 = arith.constant 0 : i32
        %parallel_loop3A_775 = arith.index_cast %parallel_loop3A_774 : i32 to index
        %parallel_loop3A_776 = arith.index_cast %parallel_loop3A_753 : i32 to index
        %parallel_loop3A_777 = arith.constant 16 : index
        %parallel_loop3A_778 = tpu.vector_load %arg6[%parallel_loop3A_775, %parallel_loop3A_776, %parallel_loop3A_777] {strides = array<i32>} : memref<1x128x128xf32, #tpu.memory_space<vmem>>, vector<16xf32>,
        tpu.vector_store %arg6[%parallel_loop3A_775, %parallel_loop3A_776, %parallel_loop3A_777], %parallel_loop3A_773 {strides = array<i32>} : memref<1x128x128xf32, #tpu.memory_space<vmem>>, vector<16xf32>,
        %parallel_loop3A_779 = arith.constant 0 : i32
        %parallel_loop3A_780 = arith.index_cast %parallel_loop3A_779 : i32 to index
        %parallel_loop3A_781 = arith.index_cast %parallel_loop3A_753 : i32 to index
        %parallel_loop3A_782 = arith.constant 32 : index
        %parallel_loop3A_783 = tpu.vector_load %arg6[%parallel_loop3A_780, %parallel_loop3A_781, %parallel_loop3A_782] {strides = array<i32>} : memref<1x128x128xf32, #tpu.memory_space<vmem>>, vector<16xf32>,
        %parallel_loop3A_784 = arith.mulf %parallel_loop3A_783, %parallel_loop3A_756 : vector<16xf32>
        %parallel_loop3A_785 = arith.constant 0 : i32
        %parallel_loop3A_786 = arith.index_cast %parallel_loop3A_785 : i32 to index
        %parallel_loop3A_787 = arith.index_cast %parallel_loop3A_753 : i32 to index
        %parallel_loop3A_788 = arith.constant 32 : index
        %parallel_loop3A_789 = tpu.vector_load %arg6[%parallel_loop3A_786, %parallel_loop3A_787, %parallel_loop3A_788] {strides = array<i32>} : memref<1x128x128xf32, #tpu.memory_space<vmem>>, vector<16xf32>,
        tpu.vector_store %arg6[%parallel_loop3A_786, %parallel_loop3A_787, %parallel_loop3A_788], %parallel_loop3A_784 {strides = array<i32>} : memref<1x128x128xf32, #tpu.memory_space<vmem>>, vector<16xf32>,
        %parallel_loop3A_790 = arith.constant 0 : i32
        %parallel_loop3A_791 = arith.index_cast %parallel_loop3A_790 : i32 to index
        %parallel_loop3A_792 = arith.index_cast %parallel_loop3A_753 : i32 to index
        %parallel_loop3A_793 = arith.constant 48 : index
        %parallel_loop3A_794 = tpu.vector_load %arg6[%parallel_loop3A_791, %parallel_loop3A_792, %parallel_loop3A_793] {strides = array<i32>} : memref<1x128x128xf32, #tpu.memory_space<vmem>>, vector<16xf32>,
        %parallel_loop3A_795 = arith.mulf %parallel_loop3A_794, %parallel_loop3A_756 : vector<16xf32>
        %parallel_loop3A_796 = arith.constant 0 : i32
        %parallel_loop3A_797 = arith.index_cast %parallel_loop3A_796 : i32 to index
        %parallel_loop3A_798 = arith.index_cast %parallel_loop3A_753 : i32 to index
        %parallel_loop3A_799 = arith.constant 48 : index
        %parallel_loop3A_800 = tpu.vector_load %arg6[%parallel_loop3A_797, %parallel_loop3A_798, %parallel_loop3A_799] {strides = array<i32>} : memref<1x128x128xf32, #tpu.memory_space<vmem>>, vector<16xf32>,
        tpu.vector_store %arg6[%parallel_loop3A_797, %parallel_loop3A_798, %parallel_loop3A_799], %parallel_loop3A_795 {strides = array<i32>} : memref<1x128x128xf32, #tpu.memory_space<vmem>>, vector<16xf32>,
        %parallel_loop3A_801 = arith.constant 0 : i32
        %parallel_loop3A_802 = arith.index_cast %parallel_loop3A_801 : i32 to index
        %parallel_loop3A_803 = arith.index_cast %parallel_loop3A_753 : i32 to index
        %parallel_loop3A_804 = arith.constant 64 : index
        %parallel_loop3A_805 = tpu.vector_load %arg6[%parallel_loop3A_802, %parallel_loop3A_803, %parallel_loop3A_804] {strides = array<i32>} : memref<1x128x128xf32, #tpu.memory_space<vmem>>, vector<16xf32>,
        %parallel_loop3A_806 = arith.mulf %parallel_loop3A_805, %parallel_loop3A_756 : vector<16xf32>
        %parallel_loop3A_807 = arith.constant 0 : i32
        %parallel_loop3A_808 = arith.index_cast %parallel_loop3A_807 : i32 to index
        %parallel_loop3A_809 = arith.index_cast %parallel_loop3A_753 : i32 to index
        %parallel_loop3A_810 = arith.constant 64 : index
        %parallel_loop3A_811 = tpu.vector_load %arg6[%parallel_loop3A_808, %parallel_loop3A_809, %parallel_loop3A_810] {strides = array<i32>} : memref<1x128x128xf32, #tpu.memory_space<vmem>>, vector<16xf32>,
        tpu.vector_store %arg6[%parallel_loop3A_808, %parallel_loop3A_809, %parallel_loop3A_810], %parallel_loop3A_806 {strides = array<i32>} : memref<1x128x128xf32, #tpu.memory_space<vmem>>, vector<16xf32>,
        %parallel_loop3A_812 = arith.constant 0 : i32
        %parallel_loop3A_813 = arith.index_cast %parallel_loop3A_812 : i32 to index
        %parallel_loop3A_814 = arith.index_cast %parallel_loop3A_753 : i32 to index
        %parallel_loop3A_815 = arith.constant 80 : index
        %parallel_loop3A_816 = tpu.vector_load %arg6[%parallel_loop3A_813, %parallel_loop3A_814, %parallel_loop3A_815] {strides = array<i32>} : memref<1x128x128xf32, #tpu.memory_space<vmem>>, vector<16xf32>,
        %parallel_loop3A_817 = arith.mulf %parallel_loop3A_816, %parallel_loop3A_756 : vector<16xf32>
        %parallel_loop3A_818 = arith.constant 0 : i32
        %parallel_loop3A_819 = arith.index_cast %parallel_loop3A_818 : i32 to index
        %parallel_loop3A_820 = arith.index_cast %parallel_loop3A_753 : i32 to index
        %parallel_loop3A_821 = arith.constant 80 : index
        %parallel_loop3A_822 = tpu.vector_load %arg6[%parallel_loop3A_819, %parallel_loop3A_820, %parallel_loop3A_821] {strides = array<i32>} : memref<1x128x128xf32, #tpu.memory_space<vmem>>, vector<16xf32>,
        tpu.vector_store %arg6[%parallel_loop3A_819, %parallel_loop3A_820, %parallel_loop3A_821], %parallel_loop3A_817 {strides = array<i32>} : memref<1x128x128xf32, #tpu.memory_space<vmem>>, vector<16xf32>,
        %parallel_loop3A_823 = arith.constant 0 : i32
        %parallel_loop3A_824 = arith.index_cast %parallel_loop3A_823 : i32 to index
        %parallel_loop3A_825 = arith.index_cast %parallel_loop3A_753 : i32 to index
        %parallel_loop3A_826 = arith.constant 96 : index
        %parallel_loop3A_827 = tpu.vector_load %arg6[%parallel_loop3A_824, %parallel_loop3A_825, %parallel_loop3A_826] {strides = array<i32>} : memref<1x128x128xf32, #tpu.memory_space<vmem>>, vector<16xf32>,
        %parallel_loop3A_828 = arith.mulf %parallel_loop3A_827, %parallel_loop3A_756 : vector<16xf32>
        %parallel_loop3A_829 = arith.constant 0 : i32
        %parallel_loop3A_830 = arith.index_cast %parallel_loop3A_829 : i32 to index
        %parallel_loop3A_831 = arith.index_cast %parallel_loop3A_753 : i32 to index
        %parallel_loop3A_832 = arith.constant 96 : index
        %parallel_loop3A_833 = tpu.vector_load %arg6[%parallel_loop3A_830, %parallel_loop3A_831, %parallel_loop3A_832] {strides = array<i32>} : memref<1x128x128xf32, #tpu.memory_space<vmem>>, vector<16xf32>,
        tpu.vector_store %arg6[%parallel_loop3A_830, %parallel_loop3A_831, %parallel_loop3A_832], %parallel_loop3A_828 {strides = array<i32>} : memref<1x128x128xf32, #tpu.memory_space<vmem>>, vector<16xf32>,
        %parallel_loop3A_834 = arith.constant 0 : i32
        %parallel_loop3A_835 = arith.index_cast %parallel_loop3A_834 : i32 to index
        %parallel_loop3A_836 = arith.index_cast %parallel_loop3A_753 : i32 to index
        %parallel_loop3A_837 = arith.constant 112 : index
        %parallel_loop3A_838 = tpu.vector_load %arg6[%parallel_loop3A_835, %parallel_loop3A_836, %parallel_loop3A_837] {strides = array<i32>} : memref<1x128x128xf32, #tpu.memory_space<vmem>>, vector<16xf32>,
        %parallel_loop3A_839 = arith.mulf %parallel_loop3A_838, %parallel_loop3A_756 : vector<16xf32>
        %parallel_loop3A_840 = arith.constant 0 : i32
        %parallel_loop3A_841 = arith.index_cast %parallel_loop3A_840 : i32 to index
        %parallel_loop3A_842 = arith.index_cast %parallel_loop3A_753 : i32 to index
        %parallel_loop3A_843 = arith.constant 112 : index
        %parallel_loop3A_844 = tpu.vector_load %arg6[%parallel_loop3A_841, %parallel_loop3A_842, %parallel_loop3A_843] {strides = array<i32>} : memref<1x128x128xf32, #tpu.memory_space<vmem>>, vector<16xf32>,
        tpu.vector_store %arg6[%parallel_loop3A_841, %parallel_loop3A_842, %parallel_loop3A_843], %parallel_loop3A_839 {strides = array<i32>} : memref<1x128x128xf32, #tpu.memory_space<vmem>>, vector<16xf32>,
        %parallel_loop3A_845 = arith.constant 16 : i32
        %parallel_loop3A_846 = arith.muli %parallel_loop3A_75, %parallel_loop3A_845 : i32
        %parallel_loop3A_847 = arith.constant 8 : i32
        %parallel_loop3A_848 = arith.addi %parallel_loop3A_846, %parallel_loop3A_847 : i32
        %parallel_loop3A_849 = vector.extract_strided_slice %parallel_loop3A_84 {offsets = [8], sizes = [1], strides = [1]} : vector<16xf32> to vector<1xf32>
        %parallel_loop3A_850 = vector.extract %parallel_loop3A_849[0] : f32 from vector<1xf32>
        %parallel_loop3A_851 = vector.broadcast %parallel_loop3A_850 : f32 to vector<16xf32>
        %parallel_loop3A_852 = arith.constant 0 : i32
        %parallel_loop3A_853 = arith.index_cast %parallel_loop3A_852 : i32 to index
        %parallel_loop3A_854 = arith.index_cast %parallel_loop3A_848 : i32 to index
        %parallel_loop3A_855 = arith.constant 0 : index
        %parallel_loop3A_856 = tpu.vector_load %arg6[%parallel_loop3A_853, %parallel_loop3A_854, %parallel_loop3A_855] {strides = array<i32>} : memref<1x128x128xf32, #tpu.memory_space<vmem>>, vector<16xf32>,
        %parallel_loop3A_857 = arith.mulf %parallel_loop3A_856, %parallel_loop3A_851 : vector<16xf32>
        %parallel_loop3A_858 = arith.constant 0 : i32
        %parallel_loop3A_859 = arith.index_cast %parallel_loop3A_858 : i32 to index
        %parallel_loop3A_860 = arith.index_cast %parallel_loop3A_848 : i32 to index
        %parallel_loop3A_861 = arith.constant 0 : index
        %parallel_loop3A_862 = tpu.vector_load %arg6[%parallel_loop3A_859, %parallel_loop3A_860, %parallel_loop3A_861] {strides = array<i32>} : memref<1x128x128xf32, #tpu.memory_space<vmem>>, vector<16xf32>,
        tpu.vector_store %arg6[%parallel_loop3A_859, %parallel_loop3A_860, %parallel_loop3A_861], %parallel_loop3A_857 {strides = array<i32>} : memref<1x128x128xf32, #tpu.memory_space<vmem>>, vector<16xf32>,
        %parallel_loop3A_863 = arith.constant 0 : i32
        %parallel_loop3A_864 = arith.index_cast %parallel_loop3A_863 : i32 to index
        %parallel_loop3A_865 = arith.index_cast %parallel_loop3A_848 : i32 to index
        %parallel_loop3A_866 = arith.constant 16 : index
        %parallel_loop3A_867 = tpu.vector_load %arg6[%parallel_loop3A_864, %parallel_loop3A_865, %parallel_loop3A_866] {strides = array<i32>} : memref<1x128x128xf32, #tpu.memory_space<vmem>>, vector<16xf32>,
        %parallel_loop3A_868 = arith.mulf %parallel_loop3A_867, %parallel_loop3A_851 : vector<16xf32>
        %parallel_loop3A_869 = arith.constant 0 : i32
        %parallel_loop3A_870 = arith.index_cast %parallel_loop3A_869 : i32 to index
        %parallel_loop3A_871 = arith.index_cast %parallel_loop3A_848 : i32 to index
        %parallel_loop3A_872 = arith.constant 16 : index
        %parallel_loop3A_873 = tpu.vector_load %arg6[%parallel_loop3A_870, %parallel_loop3A_871, %parallel_loop3A_872] {strides = array<i32>} : memref<1x128x128xf32, #tpu.memory_space<vmem>>, vector<16xf32>,
        tpu.vector_store %arg6[%parallel_loop3A_870, %parallel_loop3A_871, %parallel_loop3A_872], %parallel_loop3A_868 {strides = array<i32>} : memref<1x128x128xf32, #tpu.memory_space<vmem>>, vector<16xf32>,
        %parallel_loop3A_874 = arith.constant 0 : i32
        %parallel_loop3A_875 = arith.index_cast %parallel_loop3A_874 : i32 to index
        %parallel_loop3A_876 = arith.index_cast %parallel_loop3A_848 : i32 to index
        %parallel_loop3A_877 = arith.constant 32 : index
        %parallel_loop3A_878 = tpu.vector_load %arg6[%parallel_loop3A_875, %parallel_loop3A_876, %parallel_loop3A_877] {strides = array<i32>} : memref<1x128x128xf32, #tpu.memory_space<vmem>>, vector<16xf32>,
        %parallel_loop3A_879 = arith.mulf %parallel_loop3A_878, %parallel_loop3A_851 : vector<16xf32>
        %parallel_loop3A_880 = arith.constant 0 : i32
        %parallel_loop3A_881 = arith.index_cast %parallel_loop3A_880 : i32 to index
        %parallel_loop3A_882 = arith.index_cast %parallel_loop3A_848 : i32 to index
        %parallel_loop3A_883 = arith.constant 32 : index
        %parallel_loop3A_884 = tpu.vector_load %arg6[%parallel_loop3A_881, %parallel_loop3A_882, %parallel_loop3A_883] {strides = array<i32>} : memref<1x128x128xf32, #tpu.memory_space<vmem>>, vector<16xf32>,
        tpu.vector_store %arg6[%parallel_loop3A_881, %parallel_loop3A_882, %parallel_loop3A_883], %parallel_loop3A_879 {strides = array<i32>} : memref<1x128x128xf32, #tpu.memory_space<vmem>>, vector<16xf32>,
        %parallel_loop3A_885 = arith.constant 0 : i32
        %parallel_loop3A_886 = arith.index_cast %parallel_loop3A_885 : i32 to index
        %parallel_loop3A_887 = arith.index_cast %parallel_loop3A_848 : i32 to index
        %parallel_loop3A_888 = arith.constant 48 : index
        %parallel_loop3A_889 = tpu.vector_load %arg6[%parallel_loop3A_886, %parallel_loop3A_887, %parallel_loop3A_888] {strides = array<i32>} : memref<1x128x128xf32, #tpu.memory_space<vmem>>, vector<16xf32>,
        %parallel_loop3A_890 = arith.mulf %parallel_loop3A_889, %parallel_loop3A_851 : vector<16xf32>
        %parallel_loop3A_891 = arith.constant 0 : i32
        %parallel_loop3A_892 = arith.index_cast %parallel_loop3A_891 : i32 to index
        %parallel_loop3A_893 = arith.index_cast %parallel_loop3A_848 : i32 to index
        %parallel_loop3A_894 = arith.constant 48 : index
        %parallel_loop3A_895 = tpu.vector_load %arg6[%parallel_loop3A_892, %parallel_loop3A_893, %parallel_loop3A_894] {strides = array<i32>} : memref<1x128x128xf32, #tpu.memory_space<vmem>>, vector<16xf32>,
        tpu.vector_store %arg6[%parallel_loop3A_892, %parallel_loop3A_893, %parallel_loop3A_894], %parallel_loop3A_890 {strides = array<i32>} : memref<1x128x128xf32, #tpu.memory_space<vmem>>, vector<16xf32>,
        %parallel_loop3A_896 = arith.constant 0 : i32
        %parallel_loop3A_897 = arith.index_cast %parallel_loop3A_896 : i32 to index
        %parallel_loop3A_898 = arith.index_cast %parallel_loop3A_848 : i32 to index
        %parallel_loop3A_899 = arith.constant 64 : index
        %parallel_loop3A_900 = tpu.vector_load %arg6[%parallel_loop3A_897, %parallel_loop3A_898, %parallel_loop3A_899] {strides = array<i32>} : memref<1x128x128xf32, #tpu.memory_space<vmem>>, vector<16xf32>,
        %parallel_loop3A_901 = arith.mulf %parallel_loop3A_900, %parallel_loop3A_851 : vector<16xf32>
        %parallel_loop3A_902 = arith.constant 0 : i32
        %parallel_loop3A_903 = arith.index_cast %parallel_loop3A_902 : i32 to index
        %parallel_loop3A_904 = arith.index_cast %parallel_loop3A_848 : i32 to index
        %parallel_loop3A_905 = arith.constant 64 : index
        %parallel_loop3A_906 = tpu.vector_load %arg6[%parallel_loop3A_903, %parallel_loop3A_904, %parallel_loop3A_905] {strides = array<i32>} : memref<1x128x128xf32, #tpu.memory_space<vmem>>, vector<16xf32>,
        tpu.vector_store %arg6[%parallel_loop3A_903, %parallel_loop3A_904, %parallel_loop3A_905], %parallel_loop3A_901 {strides = array<i32>} : memref<1x128x128xf32, #tpu.memory_space<vmem>>, vector<16xf32>,
        %parallel_loop3A_907 = arith.constant 0 : i32
        %parallel_loop3A_908 = arith.index_cast %parallel_loop3A_907 : i32 to index
        %parallel_loop3A_909 = arith.index_cast %parallel_loop3A_848 : i32 to index
        %parallel_loop3A_910 = arith.constant 80 : index
        %parallel_loop3A_911 = tpu.vector_load %arg6[%parallel_loop3A_908, %parallel_loop3A_909, %parallel_loop3A_910] {strides = array<i32>} : memref<1x128x128xf32, #tpu.memory_space<vmem>>, vector<16xf32>,
        %parallel_loop3A_912 = arith.mulf %parallel_loop3A_911, %parallel_loop3A_851 : vector<16xf32>
        %parallel_loop3A_913 = arith.constant 0 : i32
        %parallel_loop3A_914 = arith.index_cast %parallel_loop3A_913 : i32 to index
        %parallel_loop3A_915 = arith.index_cast %parallel_loop3A_848 : i32 to index
        %parallel_loop3A_916 = arith.constant 80 : index
        %parallel_loop3A_917 = tpu.vector_load %arg6[%parallel_loop3A_914, %parallel_loop3A_915, %parallel_loop3A_916] {strides = array<i32>} : memref<1x128x128xf32, #tpu.memory_space<vmem>>, vector<16xf32>,
        tpu.vector_store %arg6[%parallel_loop3A_914, %parallel_loop3A_915, %parallel_loop3A_916], %parallel_loop3A_912 {strides = array<i32>} : memref<1x128x128xf32, #tpu.memory_space<vmem>>, vector<16xf32>,
        %parallel_loop3A_918 = arith.constant 0 : i32
        %parallel_loop3A_919 = arith.index_cast %parallel_loop3A_918 : i32 to index
        %parallel_loop3A_920 = arith.index_cast %parallel_loop3A_848 : i32 to index
        %parallel_loop3A_921 = arith.constant 96 : index
        %parallel_loop3A_922 = tpu.vector_load %arg6[%parallel_loop3A_919, %parallel_loop3A_920, %parallel_loop3A_921] {strides = array<i32>} : memref<1x128x128xf32, #tpu.memory_space<vmem>>, vector<16xf32>,
        %parallel_loop3A_923 = arith.mulf %parallel_loop3A_922, %parallel_loop3A_851 : vector<16xf32>
        %parallel_loop3A_924 = arith.constant 0 : i32
        %parallel_loop3A_925 = arith.index_cast %parallel_loop3A_924 : i32 to index
        %parallel_loop3A_926 = arith.index_cast %parallel_loop3A_848 : i32 to index
        %parallel_loop3A_927 = arith.constant 96 : index
        %parallel_loop3A_928 = tpu.vector_load %arg6[%parallel_loop3A_925, %parallel_loop3A_926, %parallel_loop3A_927] {strides = array<i32>} : memref<1x128x128xf32, #tpu.memory_space<vmem>>, vector<16xf32>,
        tpu.vector_store %arg6[%parallel_loop3A_925, %parallel_loop3A_926, %parallel_loop3A_927], %parallel_loop3A_923 {strides = array<i32>} : memref<1x128x128xf32, #tpu.memory_space<vmem>>, vector<16xf32>,
        %parallel_loop3A_929 = arith.constant 0 : i32
        %parallel_loop3A_930 = arith.index_cast %parallel_loop3A_929 : i32 to index
        %parallel_loop3A_931 = arith.index_cast %parallel_loop3A_848 : i32 to index
        %parallel_loop3A_932 = arith.constant 112 : index
        %parallel_loop3A_933 = tpu.vector_load %arg6[%parallel_loop3A_930, %parallel_loop3A_931, %parallel_loop3A_932] {strides = array<i32>} : memref<1x128x128xf32, #tpu.memory_space<vmem>>, vector<16xf32>,
        %parallel_loop3A_934 = arith.mulf %parallel_loop3A_933, %parallel_loop3A_851 : vector<16xf32>
        %parallel_loop3A_935 = arith.constant 0 : i32
        %parallel_loop3A_936 = arith.index_cast %parallel_loop3A_935 : i32 to index
        %parallel_loop3A_937 = arith.index_cast %parallel_loop3A_848 : i32 to index
        %parallel_loop3A_938 = arith.constant 112 : index
        %parallel_loop3A_939 = tpu.vector_load %arg6[%parallel_loop3A_936, %parallel_loop3A_937, %parallel_loop3A_938] {strides = array<i32>} : memref<1x128x128xf32, #tpu.memory_space<vmem>>, vector<16xf32>,
        tpu.vector_store %arg6[%parallel_loop3A_936, %parallel_loop3A_937, %parallel_loop3A_938], %parallel_loop3A_934 {strides = array<i32>} : memref<1x128x128xf32, #tpu.memory_space<vmem>>, vector<16xf32>,
        %parallel_loop3A_940 = arith.constant 16 : i32
        %parallel_loop3A_941 = arith.muli %parallel_loop3A_75, %parallel_loop3A_940 : i32
        %parallel_loop3A_942 = arith.constant 9 : i32
        %parallel_loop3A_943 = arith.addi %parallel_loop3A_941, %parallel_loop3A_942 : i32
        %parallel_loop3A_944 = vector.extract_strided_slice %parallel_loop3A_84 {offsets = [9], sizes = [1], strides = [1]} : vector<16xf32> to vector<1xf32>
        %parallel_loop3A_945 = vector.extract %parallel_loop3A_944[0] : f32 from vector<1xf32>
        %parallel_loop3A_946 = vector.broadcast %parallel_loop3A_945 : f32 to vector<16xf32>
        %parallel_loop3A_947 = arith.constant 0 : i32
        %parallel_loop3A_948 = arith.index_cast %parallel_loop3A_947 : i32 to index
        %parallel_loop3A_949 = arith.index_cast %parallel_loop3A_943 : i32 to index
        %parallel_loop3A_950 = arith.constant 0 : index
        %parallel_loop3A_951 = tpu.vector_load %arg6[%parallel_loop3A_948, %parallel_loop3A_949, %parallel_loop3A_950] {strides = array<i32>} : memref<1x128x128xf32, #tpu.memory_space<vmem>>, vector<16xf32>,
        %parallel_loop3A_952 = arith.mulf %parallel_loop3A_951, %parallel_loop3A_946 : vector<16xf32>
        %parallel_loop3A_953 = arith.constant 0 : i32
        %parallel_loop3A_954 = arith.index_cast %parallel_loop3A_953 : i32 to index
        %parallel_loop3A_955 = arith.index_cast %parallel_loop3A_943 : i32 to index
        %parallel_loop3A_956 = arith.constant 0 : index
        %parallel_loop3A_957 = tpu.vector_load %arg6[%parallel_loop3A_954, %parallel_loop3A_955, %parallel_loop3A_956] {strides = array<i32>} : memref<1x128x128xf32, #tpu.memory_space<vmem>>, vector<16xf32>,
        tpu.vector_store %arg6[%parallel_loop3A_954, %parallel_loop3A_955, %parallel_loop3A_956], %parallel_loop3A_952 {strides = array<i32>} : memref<1x128x128xf32, #tpu.memory_space<vmem>>, vector<16xf32>,
        %parallel_loop3A_958 = arith.constant 0 : i32
        %parallel_loop3A_959 = arith.index_cast %parallel_loop3A_958 : i32 to index
        %parallel_loop3A_960 = arith.index_cast %parallel_loop3A_943 : i32 to index
        %parallel_loop3A_961 = arith.constant 16 : index
        %parallel_loop3A_962 = tpu.vector_load %arg6[%parallel_loop3A_959, %parallel_loop3A_960, %parallel_loop3A_961] {strides = array<i32>} : memref<1x128x128xf32, #tpu.memory_space<vmem>>, vector<16xf32>,
        %parallel_loop3A_963 = arith.mulf %parallel_loop3A_962, %parallel_loop3A_946 : vector<16xf32>
        %parallel_loop3A_964 = arith.constant 0 : i32
        %parallel_loop3A_965 = arith.index_cast %parallel_loop3A_964 : i32 to index
        %parallel_loop3A_966 = arith.index_cast %parallel_loop3A_943 : i32 to index
        %parallel_loop3A_967 = arith.constant 16 : index
        %parallel_loop3A_968 = tpu.vector_load %arg6[%parallel_loop3A_965, %parallel_loop3A_966, %parallel_loop3A_967] {strides = array<i32>} : memref<1x128x128xf32, #tpu.memory_space<vmem>>, vector<16xf32>,
        tpu.vector_store %arg6[%parallel_loop3A_965, %parallel_loop3A_966, %parallel_loop3A_967], %parallel_loop3A_963 {strides = array<i32>} : memref<1x128x128xf32, #tpu.memory_space<vmem>>, vector<16xf32>,
        %parallel_loop3A_969 = arith.constant 0 : i32
        %parallel_loop3A_970 = arith.index_cast %parallel_loop3A_969 : i32 to index
        %parallel_loop3A_971 = arith.index_cast %parallel_loop3A_943 : i32 to index
        %parallel_loop3A_972 = arith.constant 32 : index
        %parallel_loop3A_973 = tpu.vector_load %arg6[%parallel_loop3A_970, %parallel_loop3A_971, %parallel_loop3A_972] {strides = array<i32>} : memref<1x128x128xf32, #tpu.memory_space<vmem>>, vector<16xf32>,
        %parallel_loop3A_974 = arith.mulf %parallel_loop3A_973, %parallel_loop3A_946 : vector<16xf32>
        %parallel_loop3A_975 = arith.constant 0 : i32
        %parallel_loop3A_976 = arith.index_cast %parallel_loop3A_975 : i32 to index
        %parallel_loop3A_977 = arith.index_cast %parallel_loop3A_943 : i32 to index
        %parallel_loop3A_978 = arith.constant 32 : index
        %parallel_loop3A_979 = tpu.vector_load %arg6[%parallel_loop3A_976, %parallel_loop3A_977, %parallel_loop3A_978] {strides = array<i32>} : memref<1x128x128xf32, #tpu.memory_space<vmem>>, vector<16xf32>,
        tpu.vector_store %arg6[%parallel_loop3A_976, %parallel_loop3A_977, %parallel_loop3A_978], %parallel_loop3A_974 {strides = array<i32>} : memref<1x128x128xf32, #tpu.memory_space<vmem>>, vector<16xf32>,
        %parallel_loop3A_980 = arith.constant 0 : i32
        %parallel_loop3A_981 = arith.index_cast %parallel_loop3A_980 : i32 to index
        %parallel_loop3A_982 = arith.index_cast %parallel_loop3A_943 : i32 to index
        %parallel_loop3A_983 = arith.constant 48 : index
        %parallel_loop3A_984 = tpu.vector_load %arg6[%parallel_loop3A_981, %parallel_loop3A_982, %parallel_loop3A_983] {strides = array<i32>} : memref<1x128x128xf32, #tpu.memory_space<vmem>>, vector<16xf32>,
        %parallel_loop3A_985 = arith.mulf %parallel_loop3A_984, %parallel_loop3A_946 : vector<16xf32>
        %parallel_loop3A_986 = arith.constant 0 : i32
        %parallel_loop3A_987 = arith.index_cast %parallel_loop3A_986 : i32 to index
        %parallel_loop3A_988 = arith.index_cast %parallel_loop3A_943 : i32 to index
        %parallel_loop3A_989 = arith.constant 48 : index
        %parallel_loop3A_990 = tpu.vector_load %arg6[%parallel_loop3A_987, %parallel_loop3A_988, %parallel_loop3A_989] {strides = array<i32>} : memref<1x128x128xf32, #tpu.memory_space<vmem>>, vector<16xf32>,
        tpu.vector_store %arg6[%parallel_loop3A_987, %parallel_loop3A_988, %parallel_loop3A_989], %parallel_loop3A_985 {strides = array<i32>} : memref<1x128x128xf32, #tpu.memory_space<vmem>>, vector<16xf32>,
        %parallel_loop3A_991 = arith.constant 0 : i32
        %parallel_loop3A_992 = arith.index_cast %parallel_loop3A_991 : i32 to index
        %parallel_loop3A_993 = arith.index_cast %parallel_loop3A_943 : i32 to index
        %parallel_loop3A_994 = arith.constant 64 : index
        %parallel_loop3A_995 = tpu.vector_load %arg6[%parallel_loop3A_992, %parallel_loop3A_993, %parallel_loop3A_994] {strides = array<i32>} : memref<1x128x128xf32, #tpu.memory_space<vmem>>, vector<16xf32>,
        %parallel_loop3A_996 = arith.mulf %parallel_loop3A_995, %parallel_loop3A_946 : vector<16xf32>
        %parallel_loop3A_997 = arith.constant 0 : i32
        %parallel_loop3A_998 = arith.index_cast %parallel_loop3A_997 : i32 to index
        %parallel_loop3A_999 = arith.index_cast %parallel_loop3A_943 : i32 to index
        %parallel_loop3A_1000 = arith.constant 64 : index
        %parallel_loop3A_1001 = tpu.vector_load %arg6[%parallel_loop3A_998, %parallel_loop3A_999, %parallel_loop3A_1000] {strides = array<i32>} : memref<1x128x128xf32, #tpu.memory_space<vmem>>, vector<16xf32>,
        tpu.vector_store %arg6[%parallel_loop3A_998, %parallel_loop3A_999, %parallel_loop3A_1000], %parallel_loop3A_996 {strides = array<i32>} : memref<1x128x128xf32, #tpu.memory_space<vmem>>, vector<16xf32>,
        %parallel_loop3A_1002 = arith.constant 0 : i32
        %parallel_loop3A_1003 = arith.index_cast %parallel_loop3A_1002 : i32 to index
        %parallel_loop3A_1004 = arith.index_cast %parallel_loop3A_943 : i32 to index
        %parallel_loop3A_1005 = arith.constant 80 : index
        %parallel_loop3A_1006 = tpu.vector_load %arg6[%parallel_loop3A_1003, %parallel_loop3A_1004, %parallel_loop3A_1005] {strides = array<i32>} : memref<1x128x128xf32, #tpu.memory_space<vmem>>, vector<16xf32>,
        %parallel_loop3A_1007 = arith.mulf %parallel_loop3A_1006, %parallel_loop3A_946 : vector<16xf32>
        %parallel_loop3A_1008 = arith.constant 0 : i32
        %parallel_loop3A_1009 = arith.index_cast %parallel_loop3A_1008 : i32 to index
        %parallel_loop3A_1010 = arith.index_cast %parallel_loop3A_943 : i32 to index
        %parallel_loop3A_1011 = arith.constant 80 : index
        %parallel_loop3A_1012 = tpu.vector_load %arg6[%parallel_loop3A_1009, %parallel_loop3A_1010, %parallel_loop3A_1011] {strides = array<i32>} : memref<1x128x128xf32, #tpu.memory_space<vmem>>, vector<16xf32>,
        tpu.vector_store %arg6[%parallel_loop3A_1009, %parallel_loop3A_1010, %parallel_loop3A_1011], %parallel_loop3A_1007 {strides = array<i32>} : memref<1x128x128xf32, #tpu.memory_space<vmem>>, vector<16xf32>,
        %parallel_loop3A_1013 = arith.constant 0 : i32
        %parallel_loop3A_1014 = arith.index_cast %parallel_loop3A_1013 : i32 to index
        %parallel_loop3A_1015 = arith.index_cast %parallel_loop3A_943 : i32 to index
        %parallel_loop3A_1016 = arith.constant 96 : index
        %parallel_loop3A_1017 = tpu.vector_load %arg6[%parallel_loop3A_1014, %parallel_loop3A_1015, %parallel_loop3A_1016] {strides = array<i32>} : memref<1x128x128xf32, #tpu.memory_space<vmem>>, vector<16xf32>,
        %parallel_loop3A_1018 = arith.mulf %parallel_loop3A_1017, %parallel_loop3A_946 : vector<16xf32>
        %parallel_loop3A_1019 = arith.constant 0 : i32
        %parallel_loop3A_1020 = arith.index_cast %parallel_loop3A_1019 : i32 to index
        %parallel_loop3A_1021 = arith.index_cast %parallel_loop3A_943 : i32 to index
        %parallel_loop3A_1022 = arith.constant 96 : index
        %parallel_loop3A_1023 = tpu.vector_load %arg6[%parallel_loop3A_1020, %parallel_loop3A_1021, %parallel_loop3A_1022] {strides = array<i32>} : memref<1x128x128xf32, #tpu.memory_space<vmem>>, vector<16xf32>,
        tpu.vector_store %arg6[%parallel_loop3A_1020, %parallel_loop3A_1021, %parallel_loop3A_1022], %parallel_loop3A_1018 {strides = array<i32>} : memref<1x128x128xf32, #tpu.memory_space<vmem>>, vector<16xf32>,
        %parallel_loop3A_1024 = arith.constant 0 : i32
        %parallel_loop3A_1025 = arith.index_cast %parallel_loop3A_1024 : i32 to index
        %parallel_loop3A_1026 = arith.index_cast %parallel_loop3A_943 : i32 to index
        %parallel_loop3A_1027 = arith.constant 112 : index
        %parallel_loop3A_1028 = tpu.vector_load %arg6[%parallel_loop3A_1025, %parallel_loop3A_1026, %parallel_loop3A_1027] {strides = array<i32>} : memref<1x128x128xf32, #tpu.memory_space<vmem>>, vector<16xf32>,
        %parallel_loop3A_1029 = arith.mulf %parallel_loop3A_1028, %parallel_loop3A_946 : vector<16xf32>
        %parallel_loop3A_1030 = arith.constant 0 : i32
        %parallel_loop3A_1031 = arith.index_cast %parallel_loop3A_1030 : i32 to index
        %parallel_loop3A_1032 = arith.index_cast %parallel_loop3A_943 : i32 to index
        %parallel_loop3A_1033 = arith.constant 112 : index
        %parallel_loop3A_1034 = tpu.vector_load %arg6[%parallel_loop3A_1031, %parallel_loop3A_1032, %parallel_loop3A_1033] {strides = array<i32>} : memref<1x128x128xf32, #tpu.memory_space<vmem>>, vector<16xf32>,
        tpu.vector_store %arg6[%parallel_loop3A_1031, %parallel_loop3A_1032, %parallel_loop3A_1033], %parallel_loop3A_1029 {strides = array<i32>} : memref<1x128x128xf32, #tpu.memory_space<vmem>>, vector<16xf32>,
        %parallel_loop3A_1035 = arith.constant 16 : i32
        %parallel_loop3A_1036 = arith.muli %parallel_loop3A_75, %parallel_loop3A_1035 : i32
        %parallel_loop3A_1037 = arith.constant 10 : i32
        %parallel_loop3A_1038 = arith.addi %parallel_loop3A_1036, %parallel_loop3A_1037 : i32
        %parallel_loop3A_1039 = vector.extract_strided_slice %parallel_loop3A_84 {offsets = [10], sizes = [1], strides = [1]} : vector<16xf32> to vector<1xf32>
        %parallel_loop3A_1040 = vector.extract %parallel_loop3A_1039[0] : f32 from vector<1xf32>
        %parallel_loop3A_1041 = vector.broadcast %parallel_loop3A_1040 : f32 to vector<16xf32>
        %parallel_loop3A_1042 = arith.constant 0 : i32
        %parallel_loop3A_1043 = arith.index_cast %parallel_loop3A_1042 : i32 to index
        %parallel_loop3A_1044 = arith.index_cast %parallel_loop3A_1038 : i32 to index
        %parallel_loop3A_1045 = arith.constant 0 : index
        %parallel_loop3A_1046 = tpu.vector_load %arg6[%parallel_loop3A_1043, %parallel_loop3A_1044, %parallel_loop3A_1045] {strides = array<i32>} : memref<1x128x128xf32, #tpu.memory_space<vmem>>, vector<16xf32>,
        %parallel_loop3A_1047 = arith.mulf %parallel_loop3A_1046, %parallel_loop3A_1041 : vector<16xf32>
        %parallel_loop3A_1048 = arith.constant 0 : i32
        %parallel_loop3A_1049 = arith.index_cast %parallel_loop3A_1048 : i32 to index
        %parallel_loop3A_1050 = arith.index_cast %parallel_loop3A_1038 : i32 to index
        %parallel_loop3A_1051 = arith.constant 0 : index
        %parallel_loop3A_1052 = tpu.vector_load %arg6[%parallel_loop3A_1049, %parallel_loop3A_1050, %parallel_loop3A_1051] {strides = array<i32>} : memref<1x128x128xf32, #tpu.memory_space<vmem>>, vector<16xf32>,
        tpu.vector_store %arg6[%parallel_loop3A_1049, %parallel_loop3A_1050, %parallel_loop3A_1051], %parallel_loop3A_1047 {strides = array<i32>} : memref<1x128x128xf32, #tpu.memory_space<vmem>>, vector<16xf32>,
        %parallel_loop3A_1053 = arith.constant 0 : i32
        %parallel_loop3A_1054 = arith.index_cast %parallel_loop3A_1053 : i32 to index
        %parallel_loop3A_1055 = arith.index_cast %parallel_loop3A_1038 : i32 to index
        %parallel_loop3A_1056 = arith.constant 16 : index
        %parallel_loop3A_1057 = tpu.vector_load %arg6[%parallel_loop3A_1054, %parallel_loop3A_1055, %parallel_loop3A_1056] {strides = array<i32>} : memref<1x128x128xf32, #tpu.memory_space<vmem>>, vector<16xf32>,
        %parallel_loop3A_1058 = arith.mulf %parallel_loop3A_1057, %parallel_loop3A_1041 : vector<16xf32>
        %parallel_loop3A_1059 = arith.constant 0 : i32
        %parallel_loop3A_1060 = arith.index_cast %parallel_loop3A_1059 : i32 to index
        %parallel_loop3A_1061 = arith.index_cast %parallel_loop3A_1038 : i32 to index
        %parallel_loop3A_1062 = arith.constant 16 : index
        %parallel_loop3A_1063 = tpu.vector_load %arg6[%parallel_loop3A_1060, %parallel_loop3A_1061, %parallel_loop3A_1062] {strides = array<i32>} : memref<1x128x128xf32, #tpu.memory_space<vmem>>, vector<16xf32>,
        tpu.vector_store %arg6[%parallel_loop3A_1060, %parallel_loop3A_1061, %parallel_loop3A_1062], %parallel_loop3A_1058 {strides = array<i32>} : memref<1x128x128xf32, #tpu.memory_space<vmem>>, vector<16xf32>,
        %parallel_loop3A_1064 = arith.constant 0 : i32
        %parallel_loop3A_1065 = arith.index_cast %parallel_loop3A_1064 : i32 to index
        %parallel_loop3A_1066 = arith.index_cast %parallel_loop3A_1038 : i32 to index
        %parallel_loop3A_1067 = arith.constant 32 : index
        %parallel_loop3A_1068 = tpu.vector_load %arg6[%parallel_loop3A_1065, %parallel_loop3A_1066, %parallel_loop3A_1067] {strides = array<i32>} : memref<1x128x128xf32, #tpu.memory_space<vmem>>, vector<16xf32>,
        %parallel_loop3A_1069 = arith.mulf %parallel_loop3A_1068, %parallel_loop3A_1041 : vector<16xf32>
        %parallel_loop3A_1070 = arith.constant 0 : i32
        %parallel_loop3A_1071 = arith.index_cast %parallel_loop3A_1070 : i32 to index
        %parallel_loop3A_1072 = arith.index_cast %parallel_loop3A_1038 : i32 to index
        %parallel_loop3A_1073 = arith.constant 32 : index
        %parallel_loop3A_1074 = tpu.vector_load %arg6[%parallel_loop3A_1071, %parallel_loop3A_1072, %parallel_loop3A_1073] {strides = array<i32>} : memref<1x128x128xf32, #tpu.memory_space<vmem>>, vector<16xf32>,
        tpu.vector_store %arg6[%parallel_loop3A_1071, %parallel_loop3A_1072, %parallel_loop3A_1073], %parallel_loop3A_1069 {strides = array<i32>} : memref<1x128x128xf32, #tpu.memory_space<vmem>>, vector<16xf32>,
        %parallel_loop3A_1075 = arith.constant 0 : i32
        %parallel_loop3A_1076 = arith.index_cast %parallel_loop3A_1075 : i32 to index
        %parallel_loop3A_1077 = arith.index_cast %parallel_loop3A_1038 : i32 to index
        %parallel_loop3A_1078 = arith.constant 48 : index
        %parallel_loop3A_1079 = tpu.vector_load %arg6[%parallel_loop3A_1076, %parallel_loop3A_1077, %parallel_loop3A_1078] {strides = array<i32>} : memref<1x128x128xf32, #tpu.memory_space<vmem>>, vector<16xf32>,
        %parallel_loop3A_1080 = arith.mulf %parallel_loop3A_1079, %parallel_loop3A_1041 : vector<16xf32>
        %parallel_loop3A_1081 = arith.constant 0 : i32
        %parallel_loop3A_1082 = arith.index_cast %parallel_loop3A_1081 : i32 to index
        %parallel_loop3A_1083 = arith.index_cast %parallel_loop3A_1038 : i32 to index
        %parallel_loop3A_1084 = arith.constant 48 : index
        %parallel_loop3A_1085 = tpu.vector_load %arg6[%parallel_loop3A_1082, %parallel_loop3A_1083, %parallel_loop3A_1084] {strides = array<i32>} : memref<1x128x128xf32, #tpu.memory_space<vmem>>, vector<16xf32>,
        tpu.vector_store %arg6[%parallel_loop3A_1082, %parallel_loop3A_1083, %parallel_loop3A_1084], %parallel_loop3A_1080 {strides = array<i32>} : memref<1x128x128xf32, #tpu.memory_space<vmem>>, vector<16xf32>,
        %parallel_loop3A_1086 = arith.constant 0 : i32
        %parallel_loop3A_1087 = arith.index_cast %parallel_loop3A_1086 : i32 to index
        %parallel_loop3A_1088 = arith.index_cast %parallel_loop3A_1038 : i32 to index
        %parallel_loop3A_1089 = arith.constant 64 : index
        %parallel_loop3A_1090 = tpu.vector_load %arg6[%parallel_loop3A_1087, %parallel_loop3A_1088, %parallel_loop3A_1089] {strides = array<i32>} : memref<1x128x128xf32, #tpu.memory_space<vmem>>, vector<16xf32>,
        %parallel_loop3A_1091 = arith.mulf %parallel_loop3A_1090, %parallel_loop3A_1041 : vector<16xf32>
        %parallel_loop3A_1092 = arith.constant 0 : i32
        %parallel_loop3A_1093 = arith.index_cast %parallel_loop3A_1092 : i32 to index
        %parallel_loop3A_1094 = arith.index_cast %parallel_loop3A_1038 : i32 to index
        %parallel_loop3A_1095 = arith.constant 64 : index
        %parallel_loop3A_1096 = tpu.vector_load %arg6[%parallel_loop3A_1093, %parallel_loop3A_1094, %parallel_loop3A_1095] {strides = array<i32>} : memref<1x128x128xf32, #tpu.memory_space<vmem>>, vector<16xf32>,
        tpu.vector_store %arg6[%parallel_loop3A_1093, %parallel_loop3A_1094, %parallel_loop3A_1095], %parallel_loop3A_1091 {strides = array<i32>} : memref<1x128x128xf32, #tpu.memory_space<vmem>>, vector<16xf32>,
        %parallel_loop3A_1097 = arith.constant 0 : i32
        %parallel_loop3A_1098 = arith.index_cast %parallel_loop3A_1097 : i32 to index
        %parallel_loop3A_1099 = arith.index_cast %parallel_loop3A_1038 : i32 to index
        %parallel_loop3A_1100 = arith.constant 80 : index
        %parallel_loop3A_1101 = tpu.vector_load %arg6[%parallel_loop3A_1098, %parallel_loop3A_1099, %parallel_loop3A_1100] {strides = array<i32>} : memref<1x128x128xf32, #tpu.memory_space<vmem>>, vector<16xf32>,
        %parallel_loop3A_1102 = arith.mulf %parallel_loop3A_1101, %parallel_loop3A_1041 : vector<16xf32>
        %parallel_loop3A_1103 = arith.constant 0 : i32
        %parallel_loop3A_1104 = arith.index_cast %parallel_loop3A_1103 : i32 to index
        %parallel_loop3A_1105 = arith.index_cast %parallel_loop3A_1038 : i32 to index
        %parallel_loop3A_1106 = arith.constant 80 : index
        %parallel_loop3A_1107 = tpu.vector_load %arg6[%parallel_loop3A_1104, %parallel_loop3A_1105, %parallel_loop3A_1106] {strides = array<i32>} : memref<1x128x128xf32, #tpu.memory_space<vmem>>, vector<16xf32>,
        tpu.vector_store %arg6[%parallel_loop3A_1104, %parallel_loop3A_1105, %parallel_loop3A_1106], %parallel_loop3A_1102 {strides = array<i32>} : memref<1x128x128xf32, #tpu.memory_space<vmem>>, vector<16xf32>,
        %parallel_loop3A_1108 = arith.constant 0 : i32
        %parallel_loop3A_1109 = arith.index_cast %parallel_loop3A_1108 : i32 to index
        %parallel_loop3A_1110 = arith.index_cast %parallel_loop3A_1038 : i32 to index
        %parallel_loop3A_1111 = arith.constant 96 : index
        %parallel_loop3A_1112 = tpu.vector_load %arg6[%parallel_loop3A_1109, %parallel_loop3A_1110, %parallel_loop3A_1111] {strides = array<i32>} : memref<1x128x128xf32, #tpu.memory_space<vmem>>, vector<16xf32>,
        %parallel_loop3A_1113 = arith.mulf %parallel_loop3A_1112, %parallel_loop3A_1041 : vector<16xf32>
        %parallel_loop3A_1114 = arith.constant 0 : i32
        %parallel_loop3A_1115 = arith.index_cast %parallel_loop3A_1114 : i32 to index
        %parallel_loop3A_1116 = arith.index_cast %parallel_loop3A_1038 : i32 to index
        %parallel_loop3A_1117 = arith.constant 96 : index
        %parallel_loop3A_1118 = tpu.vector_load %arg6[%parallel_loop3A_1115, %parallel_loop3A_1116, %parallel_loop3A_1117] {strides = array<i32>} : memref<1x128x128xf32, #tpu.memory_space<vmem>>, vector<16xf32>,
        tpu.vector_store %arg6[%parallel_loop3A_1115, %parallel_loop3A_1116, %parallel_loop3A_1117], %parallel_loop3A_1113 {strides = array<i32>} : memref<1x128x128xf32, #tpu.memory_space<vmem>>, vector<16xf32>,
        %parallel_loop3A_1119 = arith.constant 0 : i32
        %parallel_loop3A_1120 = arith.index_cast %parallel_loop3A_1119 : i32 to index
        %parallel_loop3A_1121 = arith.index_cast %parallel_loop3A_1038 : i32 to index
        %parallel_loop3A_1122 = arith.constant 112 : index
        %parallel_loop3A_1123 = tpu.vector_load %arg6[%parallel_loop3A_1120, %parallel_loop3A_1121, %parallel_loop3A_1122] {strides = array<i32>} : memref<1x128x128xf32, #tpu.memory_space<vmem>>, vector<16xf32>,
        %parallel_loop3A_1124 = arith.mulf %parallel_loop3A_1123, %parallel_loop3A_1041 : vector<16xf32>
        %parallel_loop3A_1125 = arith.constant 0 : i32
        %parallel_loop3A_1126 = arith.index_cast %parallel_loop3A_1125 : i32 to index
        %parallel_loop3A_1127 = arith.index_cast %parallel_loop3A_1038 : i32 to index
        %parallel_loop3A_1128 = arith.constant 112 : index
        %parallel_loop3A_1129 = tpu.vector_load %arg6[%parallel_loop3A_1126, %parallel_loop3A_1127, %parallel_loop3A_1128] {strides = array<i32>} : memref<1x128x128xf32, #tpu.memory_space<vmem>>, vector<16xf32>,
        tpu.vector_store %arg6[%parallel_loop3A_1126, %parallel_loop3A_1127, %parallel_loop3A_1128], %parallel_loop3A_1124 {strides = array<i32>} : memref<1x128x128xf32, #tpu.memory_space<vmem>>, vector<16xf32>,
        %parallel_loop3A_1130 = arith.constant 16 : i32
        %parallel_loop3A_1131 = arith.muli %parallel_loop3A_75, %parallel_loop3A_1130 : i32
        %parallel_loop3A_1132 = arith.constant 11 : i32
        %parallel_loop3A_1133 = arith.addi %parallel_loop3A_1131, %parallel_loop3A_1132 : i32
        %parallel_loop3A_1134 = vector.extract_strided_slice %parallel_loop3A_84 {offsets = [11], sizes = [1], strides = [1]} : vector<16xf32> to vector<1xf32>
        %parallel_loop3A_1135 = vector.extract %parallel_loop3A_1134[0] : f32 from vector<1xf32>
        %parallel_loop3A_1136 = vector.broadcast %parallel_loop3A_1135 : f32 to vector<16xf32>
        %parallel_loop3A_1137 = arith.constant 0 : i32
        %parallel_loop3A_1138 = arith.index_cast %parallel_loop3A_1137 : i32 to index
        %parallel_loop3A_1139 = arith.index_cast %parallel_loop3A_1133 : i32 to index
        %parallel_loop3A_1140 = arith.constant 0 : index
        %parallel_loop3A_1141 = tpu.vector_load %arg6[%parallel_loop3A_1138, %parallel_loop3A_1139, %parallel_loop3A_1140] {strides = array<i32>} : memref<1x128x128xf32, #tpu.memory_space<vmem>>, vector<16xf32>,
        %parallel_loop3A_1142 = arith.mulf %parallel_loop3A_1141, %parallel_loop3A_1136 : vector<16xf32>
        %parallel_loop3A_1143 = arith.constant 0 : i32
        %parallel_loop3A_1144 = arith.index_cast %parallel_loop3A_1143 : i32 to index
        %parallel_loop3A_1145 = arith.index_cast %parallel_loop3A_1133 : i32 to index
        %parallel_loop3A_1146 = arith.constant 0 : index
        %parallel_loop3A_1147 = tpu.vector_load %arg6[%parallel_loop3A_1144, %parallel_loop3A_1145, %parallel_loop3A_1146] {strides = array<i32>} : memref<1x128x128xf32, #tpu.memory_space<vmem>>, vector<16xf32>,
        tpu.vector_store %arg6[%parallel_loop3A_1144, %parallel_loop3A_1145, %parallel_loop3A_1146], %parallel_loop3A_1142 {strides = array<i32>} : memref<1x128x128xf32, #tpu.memory_space<vmem>>, vector<16xf32>,
        %parallel_loop3A_1148 = arith.constant 0 : i32
        %parallel_loop3A_1149 = arith.index_cast %parallel_loop3A_1148 : i32 to index
        %parallel_loop3A_1150 = arith.index_cast %parallel_loop3A_1133 : i32 to index
        %parallel_loop3A_1151 = arith.constant 16 : index
        %parallel_loop3A_1152 = tpu.vector_load %arg6[%parallel_loop3A_1149, %parallel_loop3A_1150, %parallel_loop3A_1151] {strides = array<i32>} : memref<1x128x128xf32, #tpu.memory_space<vmem>>, vector<16xf32>,
        %parallel_loop3A_1153 = arith.mulf %parallel_loop3A_1152, %parallel_loop3A_1136 : vector<16xf32>
        %parallel_loop3A_1154 = arith.constant 0 : i32
        %parallel_loop3A_1155 = arith.index_cast %parallel_loop3A_1154 : i32 to index
        %parallel_loop3A_1156 = arith.index_cast %parallel_loop3A_1133 : i32 to index
        %parallel_loop3A_1157 = arith.constant 16 : index
        %parallel_loop3A_1158 = tpu.vector_load %arg6[%parallel_loop3A_1155, %parallel_loop3A_1156, %parallel_loop3A_1157] {strides = array<i32>} : memref<1x128x128xf32, #tpu.memory_space<vmem>>, vector<16xf32>,
        tpu.vector_store %arg6[%parallel_loop3A_1155, %parallel_loop3A_1156, %parallel_loop3A_1157], %parallel_loop3A_1153 {strides = array<i32>} : memref<1x128x128xf32, #tpu.memory_space<vmem>>, vector<16xf32>,
        %parallel_loop3A_1159 = arith.constant 0 : i32
        %parallel_loop3A_1160 = arith.index_cast %parallel_loop3A_1159 : i32 to index
        %parallel_loop3A_1161 = arith.index_cast %parallel_loop3A_1133 : i32 to index
        %parallel_loop3A_1162 = arith.constant 32 : index
        %parallel_loop3A_1163 = tpu.vector_load %arg6[%parallel_loop3A_1160, %parallel_loop3A_1161, %parallel_loop3A_1162] {strides = array<i32>} : memref<1x128x128xf32, #tpu.memory_space<vmem>>, vector<16xf32>,
        %parallel_loop3A_1164 = arith.mulf %parallel_loop3A_1163, %parallel_loop3A_1136 : vector<16xf32>
        %parallel_loop3A_1165 = arith.constant 0 : i32
        %parallel_loop3A_1166 = arith.index_cast %parallel_loop3A_1165 : i32 to index
        %parallel_loop3A_1167 = arith.index_cast %parallel_loop3A_1133 : i32 to index
        %parallel_loop3A_1168 = arith.constant 32 : index
        %parallel_loop3A_1169 = tpu.vector_load %arg6[%parallel_loop3A_1166, %parallel_loop3A_1167, %parallel_loop3A_1168] {strides = array<i32>} : memref<1x128x128xf32, #tpu.memory_space<vmem>>, vector<16xf32>,
        tpu.vector_store %arg6[%parallel_loop3A_1166, %parallel_loop3A_1167, %parallel_loop3A_1168], %parallel_loop3A_1164 {strides = array<i32>} : memref<1x128x128xf32, #tpu.memory_space<vmem>>, vector<16xf32>,
        %parallel_loop3A_1170 = arith.constant 0 : i32
        %parallel_loop3A_1171 = arith.index_cast %parallel_loop3A_1170 : i32 to index
        %parallel_loop3A_1172 = arith.index_cast %parallel_loop3A_1133 : i32 to index
        %parallel_loop3A_1173 = arith.constant 48 : index
        %parallel_loop3A_1174 = tpu.vector_load %arg6[%parallel_loop3A_1171, %parallel_loop3A_1172, %parallel_loop3A_1173] {strides = array<i32>} : memref<1x128x128xf32, #tpu.memory_space<vmem>>, vector<16xf32>,
        %parallel_loop3A_1175 = arith.mulf %parallel_loop3A_1174, %parallel_loop3A_1136 : vector<16xf32>
        %parallel_loop3A_1176 = arith.constant 0 : i32
        %parallel_loop3A_1177 = arith.index_cast %parallel_loop3A_1176 : i32 to index
        %parallel_loop3A_1178 = arith.index_cast %parallel_loop3A_1133 : i32 to index
        %parallel_loop3A_1179 = arith.constant 48 : index
        %parallel_loop3A_1180 = tpu.vector_load %arg6[%parallel_loop3A_1177, %parallel_loop3A_1178, %parallel_loop3A_1179] {strides = array<i32>} : memref<1x128x128xf32, #tpu.memory_space<vmem>>, vector<16xf32>,
        tpu.vector_store %arg6[%parallel_loop3A_1177, %parallel_loop3A_1178, %parallel_loop3A_1179], %parallel_loop3A_1175 {strides = array<i32>} : memref<1x128x128xf32, #tpu.memory_space<vmem>>, vector<16xf32>,
        %parallel_loop3A_1181 = arith.constant 0 : i32
        %parallel_loop3A_1182 = arith.index_cast %parallel_loop3A_1181 : i32 to index
        %parallel_loop3A_1183 = arith.index_cast %parallel_loop3A_1133 : i32 to index
        %parallel_loop3A_1184 = arith.constant 64 : index
        %parallel_loop3A_1185 = tpu.vector_load %arg6[%parallel_loop3A_1182, %parallel_loop3A_1183, %parallel_loop3A_1184] {strides = array<i32>} : memref<1x128x128xf32, #tpu.memory_space<vmem>>, vector<16xf32>,
        %parallel_loop3A_1186 = arith.mulf %parallel_loop3A_1185, %parallel_loop3A_1136 : vector<16xf32>
        %parallel_loop3A_1187 = arith.constant 0 : i32
        %parallel_loop3A_1188 = arith.index_cast %parallel_loop3A_1187 : i32 to index
        %parallel_loop3A_1189 = arith.index_cast %parallel_loop3A_1133 : i32 to index
        %parallel_loop3A_1190 = arith.constant 64 : index
        %parallel_loop3A_1191 = tpu.vector_load %arg6[%parallel_loop3A_1188, %parallel_loop3A_1189, %parallel_loop3A_1190] {strides = array<i32>} : memref<1x128x128xf32, #tpu.memory_space<vmem>>, vector<16xf32>,
        tpu.vector_store %arg6[%parallel_loop3A_1188, %parallel_loop3A_1189, %parallel_loop3A_1190], %parallel_loop3A_1186 {strides = array<i32>} : memref<1x128x128xf32, #tpu.memory_space<vmem>>, vector<16xf32>,
        %parallel_loop3A_1192 = arith.constant 0 : i32
        %parallel_loop3A_1193 = arith.index_cast %parallel_loop3A_1192 : i32 to index
        %parallel_loop3A_1194 = arith.index_cast %parallel_loop3A_1133 : i32 to index
        %parallel_loop3A_1195 = arith.constant 80 : index
        %parallel_loop3A_1196 = tpu.vector_load %arg6[%parallel_loop3A_1193, %parallel_loop3A_1194, %parallel_loop3A_1195] {strides = array<i32>} : memref<1x128x128xf32, #tpu.memory_space<vmem>>, vector<16xf32>,
        %parallel_loop3A_1197 = arith.mulf %parallel_loop3A_1196, %parallel_loop3A_1136 : vector<16xf32>
        %parallel_loop3A_1198 = arith.constant 0 : i32
        %parallel_loop3A_1199 = arith.index_cast %parallel_loop3A_1198 : i32 to index
        %parallel_loop3A_1200 = arith.index_cast %parallel_loop3A_1133 : i32 to index
        %parallel_loop3A_1201 = arith.constant 80 : index
        %parallel_loop3A_1202 = tpu.vector_load %arg6[%parallel_loop3A_1199, %parallel_loop3A_1200, %parallel_loop3A_1201] {strides = array<i32>} : memref<1x128x128xf32, #tpu.memory_space<vmem>>, vector<16xf32>,
        tpu.vector_store %arg6[%parallel_loop3A_1199, %parallel_loop3A_1200, %parallel_loop3A_1201], %parallel_loop3A_1197 {strides = array<i32>} : memref<1x128x128xf32, #tpu.memory_space<vmem>>, vector<16xf32>,
        %parallel_loop3A_1203 = arith.constant 0 : i32
        %parallel_loop3A_1204 = arith.index_cast %parallel_loop3A_1203 : i32 to index
        %parallel_loop3A_1205 = arith.index_cast %parallel_loop3A_1133 : i32 to index
        %parallel_loop3A_1206 = arith.constant 96 : index
        %parallel_loop3A_1207 = tpu.vector_load %arg6[%parallel_loop3A_1204, %parallel_loop3A_1205, %parallel_loop3A_1206] {strides = array<i32>} : memref<1x128x128xf32, #tpu.memory_space<vmem>>, vector<16xf32>,
        %parallel_loop3A_1208 = arith.mulf %parallel_loop3A_1207, %parallel_loop3A_1136 : vector<16xf32>
        %parallel_loop3A_1209 = arith.constant 0 : i32
        %parallel_loop3A_1210 = arith.index_cast %parallel_loop3A_1209 : i32 to index
        %parallel_loop3A_1211 = arith.index_cast %parallel_loop3A_1133 : i32 to index
        %parallel_loop3A_1212 = arith.constant 96 : index
        %parallel_loop3A_1213 = tpu.vector_load %arg6[%parallel_loop3A_1210, %parallel_loop3A_1211, %parallel_loop3A_1212] {strides = array<i32>} : memref<1x128x128xf32, #tpu.memory_space<vmem>>, vector<16xf32>,
        tpu.vector_store %arg6[%parallel_loop3A_1210, %parallel_loop3A_1211, %parallel_loop3A_1212], %parallel_loop3A_1208 {strides = array<i32>} : memref<1x128x128xf32, #tpu.memory_space<vmem>>, vector<16xf32>,
        %parallel_loop3A_1214 = arith.constant 0 : i32
        %parallel_loop3A_1215 = arith.index_cast %parallel_loop3A_1214 : i32 to index
        %parallel_loop3A_1216 = arith.index_cast %parallel_loop3A_1133 : i32 to index
        %parallel_loop3A_1217 = arith.constant 112 : index
        %parallel_loop3A_1218 = tpu.vector_load %arg6[%parallel_loop3A_1215, %parallel_loop3A_1216, %parallel_loop3A_1217] {strides = array<i32>} : memref<1x128x128xf32, #tpu.memory_space<vmem>>, vector<16xf32>,
        %parallel_loop3A_1219 = arith.mulf %parallel_loop3A_1218, %parallel_loop3A_1136 : vector<16xf32>
        %parallel_loop3A_1220 = arith.constant 0 : i32
        %parallel_loop3A_1221 = arith.index_cast %parallel_loop3A_1220 : i32 to index
        %parallel_loop3A_1222 = arith.index_cast %parallel_loop3A_1133 : i32 to index
        %parallel_loop3A_1223 = arith.constant 112 : index
        %parallel_loop3A_1224 = tpu.vector_load %arg6[%parallel_loop3A_1221, %parallel_loop3A_1222, %parallel_loop3A_1223] {strides = array<i32>} : memref<1x128x128xf32, #tpu.memory_space<vmem>>, vector<16xf32>,
        tpu.vector_store %arg6[%parallel_loop3A_1221, %parallel_loop3A_1222, %parallel_loop3A_1223], %parallel_loop3A_1219 {strides = array<i32>} : memref<1x128x128xf32, #tpu.memory_space<vmem>>, vector<16xf32>,
        %parallel_loop3A_1225 = arith.constant 16 : i32
        %parallel_loop3A_1226 = arith.muli %parallel_loop3A_75, %parallel_loop3A_1225 : i32
        %parallel_loop3A_1227 = arith.constant 12 : i32
        %parallel_loop3A_1228 = arith.addi %parallel_loop3A_1226, %parallel_loop3A_1227 : i32
        %parallel_loop3A_1229 = vector.extract_strided_slice %parallel_loop3A_84 {offsets = [12], sizes = [1], strides = [1]} : vector<16xf32> to vector<1xf32>
        %parallel_loop3A_1230 = vector.extract %parallel_loop3A_1229[0] : f32 from vector<1xf32>
        %parallel_loop3A_1231 = vector.broadcast %parallel_loop3A_1230 : f32 to vector<16xf32>
        %parallel_loop3A_1232 = arith.constant 0 : i32
        %parallel_loop3A_1233 = arith.index_cast %parallel_loop3A_1232 : i32 to index
        %parallel_loop3A_1234 = arith.index_cast %parallel_loop3A_1228 : i32 to index
        %parallel_loop3A_1235 = arith.constant 0 : index
        %parallel_loop3A_1236 = tpu.vector_load %arg6[%parallel_loop3A_1233, %parallel_loop3A_1234, %parallel_loop3A_1235] {strides = array<i32>} : memref<1x128x128xf32, #tpu.memory_space<vmem>>, vector<16xf32>,
        %parallel_loop3A_1237 = arith.mulf %parallel_loop3A_1236, %parallel_loop3A_1231 : vector<16xf32>
        %parallel_loop3A_1238 = arith.constant 0 : i32
        %parallel_loop3A_1239 = arith.index_cast %parallel_loop3A_1238 : i32 to index
        %parallel_loop3A_1240 = arith.index_cast %parallel_loop3A_1228 : i32 to index
        %parallel_loop3A_1241 = arith.constant 0 : index
        %parallel_loop3A_1242 = tpu.vector_load %arg6[%parallel_loop3A_1239, %parallel_loop3A_1240, %parallel_loop3A_1241] {strides = array<i32>} : memref<1x128x128xf32, #tpu.memory_space<vmem>>, vector<16xf32>,
        tpu.vector_store %arg6[%parallel_loop3A_1239, %parallel_loop3A_1240, %parallel_loop3A_1241], %parallel_loop3A_1237 {strides = array<i32>} : memref<1x128x128xf32, #tpu.memory_space<vmem>>, vector<16xf32>,
        %parallel_loop3A_1243 = arith.constant 0 : i32
        %parallel_loop3A_1244 = arith.index_cast %parallel_loop3A_1243 : i32 to index
        %parallel_loop3A_1245 = arith.index_cast %parallel_loop3A_1228 : i32 to index
        %parallel_loop3A_1246 = arith.constant 16 : index
        %parallel_loop3A_1247 = tpu.vector_load %arg6[%parallel_loop3A_1244, %parallel_loop3A_1245, %parallel_loop3A_1246] {strides = array<i32>} : memref<1x128x128xf32, #tpu.memory_space<vmem>>, vector<16xf32>,
        %parallel_loop3A_1248 = arith.mulf %parallel_loop3A_1247, %parallel_loop3A_1231 : vector<16xf32>
        %parallel_loop3A_1249 = arith.constant 0 : i32
        %parallel_loop3A_1250 = arith.index_cast %parallel_loop3A_1249 : i32 to index
        %parallel_loop3A_1251 = arith.index_cast %parallel_loop3A_1228 : i32 to index
        %parallel_loop3A_1252 = arith.constant 16 : index
        %parallel_loop3A_1253 = tpu.vector_load %arg6[%parallel_loop3A_1250, %parallel_loop3A_1251, %parallel_loop3A_1252] {strides = array<i32>} : memref<1x128x128xf32, #tpu.memory_space<vmem>>, vector<16xf32>,
        tpu.vector_store %arg6[%parallel_loop3A_1250, %parallel_loop3A_1251, %parallel_loop3A_1252], %parallel_loop3A_1248 {strides = array<i32>} : memref<1x128x128xf32, #tpu.memory_space<vmem>>, vector<16xf32>,
        %parallel_loop3A_1254 = arith.constant 0 : i32
        %parallel_loop3A_1255 = arith.index_cast %parallel_loop3A_1254 : i32 to index
        %parallel_loop3A_1256 = arith.index_cast %parallel_loop3A_1228 : i32 to index
        %parallel_loop3A_1257 = arith.constant 32 : index
        %parallel_loop3A_1258 = tpu.vector_load %arg6[%parallel_loop3A_1255, %parallel_loop3A_1256, %parallel_loop3A_1257] {strides = array<i32>} : memref<1x128x128xf32, #tpu.memory_space<vmem>>, vector<16xf32>,
        %parallel_loop3A_1259 = arith.mulf %parallel_loop3A_1258, %parallel_loop3A_1231 : vector<16xf32>
        %parallel_loop3A_1260 = arith.constant 0 : i32
        %parallel_loop3A_1261 = arith.index_cast %parallel_loop3A_1260 : i32 to index
        %parallel_loop3A_1262 = arith.index_cast %parallel_loop3A_1228 : i32 to index
        %parallel_loop3A_1263 = arith.constant 32 : index
        %parallel_loop3A_1264 = tpu.vector_load %arg6[%parallel_loop3A_1261, %parallel_loop3A_1262, %parallel_loop3A_1263] {strides = array<i32>} : memref<1x128x128xf32, #tpu.memory_space<vmem>>, vector<16xf32>,
        tpu.vector_store %arg6[%parallel_loop3A_1261, %parallel_loop3A_1262, %parallel_loop3A_1263], %parallel_loop3A_1259 {strides = array<i32>} : memref<1x128x128xf32, #tpu.memory_space<vmem>>, vector<16xf32>,
        %parallel_loop3A_1265 = arith.constant 0 : i32
        %parallel_loop3A_1266 = arith.index_cast %parallel_loop3A_1265 : i32 to index
        %parallel_loop3A_1267 = arith.index_cast %parallel_loop3A_1228 : i32 to index
        %parallel_loop3A_1268 = arith.constant 48 : index
        %parallel_loop3A_1269 = tpu.vector_load %arg6[%parallel_loop3A_1266, %parallel_loop3A_1267, %parallel_loop3A_1268] {strides = array<i32>} : memref<1x128x128xf32, #tpu.memory_space<vmem>>, vector<16xf32>,
        %parallel_loop3A_1270 = arith.mulf %parallel_loop3A_1269, %parallel_loop3A_1231 : vector<16xf32>
        %parallel_loop3A_1271 = arith.constant 0 : i32
        %parallel_loop3A_1272 = arith.index_cast %parallel_loop3A_1271 : i32 to index
        %parallel_loop3A_1273 = arith.index_cast %parallel_loop3A_1228 : i32 to index
        %parallel_loop3A_1274 = arith.constant 48 : index
        %parallel_loop3A_1275 = tpu.vector_load %arg6[%parallel_loop3A_1272, %parallel_loop3A_1273, %parallel_loop3A_1274] {strides = array<i32>} : memref<1x128x128xf32, #tpu.memory_space<vmem>>, vector<16xf32>,
        tpu.vector_store %arg6[%parallel_loop3A_1272, %parallel_loop3A_1273, %parallel_loop3A_1274], %parallel_loop3A_1270 {strides = array<i32>} : memref<1x128x128xf32, #tpu.memory_space<vmem>>, vector<16xf32>,
        %parallel_loop3A_1276 = arith.constant 0 : i32
        %parallel_loop3A_1277 = arith.index_cast %parallel_loop3A_1276 : i32 to index
        %parallel_loop3A_1278 = arith.index_cast %parallel_loop3A_1228 : i32 to index
        %parallel_loop3A_1279 = arith.constant 64 : index
        %parallel_loop3A_1280 = tpu.vector_load %arg6[%parallel_loop3A_1277, %parallel_loop3A_1278, %parallel_loop3A_1279] {strides = array<i32>} : memref<1x128x128xf32, #tpu.memory_space<vmem>>, vector<16xf32>,
        %parallel_loop3A_1281 = arith.mulf %parallel_loop3A_1280, %parallel_loop3A_1231 : vector<16xf32>
        %parallel_loop3A_1282 = arith.constant 0 : i32
        %parallel_loop3A_1283 = arith.index_cast %parallel_loop3A_1282 : i32 to index
        %parallel_loop3A_1284 = arith.index_cast %parallel_loop3A_1228 : i32 to index
        %parallel_loop3A_1285 = arith.constant 64 : index
        %parallel_loop3A_1286 = tpu.vector_load %arg6[%parallel_loop3A_1283, %parallel_loop3A_1284, %parallel_loop3A_1285] {strides = array<i32>} : memref<1x128x128xf32, #tpu.memory_space<vmem>>, vector<16xf32>,
        tpu.vector_store %arg6[%parallel_loop3A_1283, %parallel_loop3A_1284, %parallel_loop3A_1285], %parallel_loop3A_1281 {strides = array<i32>} : memref<1x128x128xf32, #tpu.memory_space<vmem>>, vector<16xf32>,
        %parallel_loop3A_1287 = arith.constant 0 : i32
        %parallel_loop3A_1288 = arith.index_cast %parallel_loop3A_1287 : i32 to index
        %parallel_loop3A_1289 = arith.index_cast %parallel_loop3A_1228 : i32 to index
        %parallel_loop3A_1290 = arith.constant 80 : index
        %parallel_loop3A_1291 = tpu.vector_load %arg6[%parallel_loop3A_1288, %parallel_loop3A_1289, %parallel_loop3A_1290] {strides = array<i32>} : memref<1x128x128xf32, #tpu.memory_space<vmem>>, vector<16xf32>,
        %parallel_loop3A_1292 = arith.mulf %parallel_loop3A_1291, %parallel_loop3A_1231 : vector<16xf32>
        %parallel_loop3A_1293 = arith.constant 0 : i32
        %parallel_loop3A_1294 = arith.index_cast %parallel_loop3A_1293 : i32 to index
        %parallel_loop3A_1295 = arith.index_cast %parallel_loop3A_1228 : i32 to index
        %parallel_loop3A_1296 = arith.constant 80 : index
        %parallel_loop3A_1297 = tpu.vector_load %arg6[%parallel_loop3A_1294, %parallel_loop3A_1295, %parallel_loop3A_1296] {strides = array<i32>} : memref<1x128x128xf32, #tpu.memory_space<vmem>>, vector<16xf32>,
        tpu.vector_store %arg6[%parallel_loop3A_1294, %parallel_loop3A_1295, %parallel_loop3A_1296], %parallel_loop3A_1292 {strides = array<i32>} : memref<1x128x128xf32, #tpu.memory_space<vmem>>, vector<16xf32>,
        %parallel_loop3A_1298 = arith.constant 0 : i32
        %parallel_loop3A_1299 = arith.index_cast %parallel_loop3A_1298 : i32 to index
        %parallel_loop3A_1300 = arith.index_cast %parallel_loop3A_1228 : i32 to index
        %parallel_loop3A_1301 = arith.constant 96 : index
        %parallel_loop3A_1302 = tpu.vector_load %arg6[%parallel_loop3A_1299, %parallel_loop3A_1300, %parallel_loop3A_1301] {strides = array<i32>} : memref<1x128x128xf32, #tpu.memory_space<vmem>>, vector<16xf32>,
        %parallel_loop3A_1303 = arith.mulf %parallel_loop3A_1302, %parallel_loop3A_1231 : vector<16xf32>
        %parallel_loop3A_1304 = arith.constant 0 : i32
        %parallel_loop3A_1305 = arith.index_cast %parallel_loop3A_1304 : i32 to index
        %parallel_loop3A_1306 = arith.index_cast %parallel_loop3A_1228 : i32 to index
        %parallel_loop3A_1307 = arith.constant 96 : index
        %parallel_loop3A_1308 = tpu.vector_load %arg6[%parallel_loop3A_1305, %parallel_loop3A_1306, %parallel_loop3A_1307] {strides = array<i32>} : memref<1x128x128xf32, #tpu.memory_space<vmem>>, vector<16xf32>,
        tpu.vector_store %arg6[%parallel_loop3A_1305, %parallel_loop3A_1306, %parallel_loop3A_1307], %parallel_loop3A_1303 {strides = array<i32>} : memref<1x128x128xf32, #tpu.memory_space<vmem>>, vector<16xf32>,
        %parallel_loop3A_1309 = arith.constant 0 : i32
        %parallel_loop3A_1310 = arith.index_cast %parallel_loop3A_1309 : i32 to index
        %parallel_loop3A_1311 = arith.index_cast %parallel_loop3A_1228 : i32 to index
        %parallel_loop3A_1312 = arith.constant 112 : index
        %parallel_loop3A_1313 = tpu.vector_load %arg6[%parallel_loop3A_1310, %parallel_loop3A_1311, %parallel_loop3A_1312] {strides = array<i32>} : memref<1x128x128xf32, #tpu.memory_space<vmem>>, vector<16xf32>,
        %parallel_loop3A_1314 = arith.mulf %parallel_loop3A_1313, %parallel_loop3A_1231 : vector<16xf32>
        %parallel_loop3A_1315 = arith.constant 0 : i32
        %parallel_loop3A_1316 = arith.index_cast %parallel_loop3A_1315 : i32 to index
        %parallel_loop3A_1317 = arith.index_cast %parallel_loop3A_1228 : i32 to index
        %parallel_loop3A_1318 = arith.constant 112 : index
        %parallel_loop3A_1319 = tpu.vector_load %arg6[%parallel_loop3A_1316, %parallel_loop3A_1317, %parallel_loop3A_1318] {strides = array<i32>} : memref<1x128x128xf32, #tpu.memory_space<vmem>>, vector<16xf32>,
        tpu.vector_store %arg6[%parallel_loop3A_1316, %parallel_loop3A_1317, %parallel_loop3A_1318], %parallel_loop3A_1314 {strides = array<i32>} : memref<1x128x128xf32, #tpu.memory_space<vmem>>, vector<16xf32>,
        %parallel_loop3A_1320 = arith.constant 16 : i32
        %parallel_loop3A_1321 = arith.muli %parallel_loop3A_75, %parallel_loop3A_1320 : i32
        %parallel_loop3A_1322 = arith.constant 13 : i32
        %parallel_loop3A_1323 = arith.addi %parallel_loop3A_1321, %parallel_loop3A_1322 : i32
        %parallel_loop3A_1324 = vector.extract_strided_slice %parallel_loop3A_84 {offsets = [13], sizes = [1], strides = [1]} : vector<16xf32> to vector<1xf32>
        %parallel_loop3A_1325 = vector.extract %parallel_loop3A_1324[0] : f32 from vector<1xf32>
        %parallel_loop3A_1326 = vector.broadcast %parallel_loop3A_1325 : f32 to vector<16xf32>
        %parallel_loop3A_1327 = arith.constant 0 : i32
        %parallel_loop3A_1328 = arith.index_cast %parallel_loop3A_1327 : i32 to index
        %parallel_loop3A_1329 = arith.index_cast %parallel_loop3A_1323 : i32 to index
        %parallel_loop3A_1330 = arith.constant 0 : index
        %parallel_loop3A_1331 = tpu.vector_load %arg6[%parallel_loop3A_1328, %parallel_loop3A_1329, %parallel_loop3A_1330] {strides = array<i32>} : memref<1x128x128xf32, #tpu.memory_space<vmem>>, vector<16xf32>,
        %parallel_loop3A_1332 = arith.mulf %parallel_loop3A_1331, %parallel_loop3A_1326 : vector<16xf32>
        %parallel_loop3A_1333 = arith.constant 0 : i32
        %parallel_loop3A_1334 = arith.index_cast %parallel_loop3A_1333 : i32 to index
        %parallel_loop3A_1335 = arith.index_cast %parallel_loop3A_1323 : i32 to index
        %parallel_loop3A_1336 = arith.constant 0 : index
        %parallel_loop3A_1337 = tpu.vector_load %arg6[%parallel_loop3A_1334, %parallel_loop3A_1335, %parallel_loop3A_1336] {strides = array<i32>} : memref<1x128x128xf32, #tpu.memory_space<vmem>>, vector<16xf32>,
        tpu.vector_store %arg6[%parallel_loop3A_1334, %parallel_loop3A_1335, %parallel_loop3A_1336], %parallel_loop3A_1332 {strides = array<i32>} : memref<1x128x128xf32, #tpu.memory_space<vmem>>, vector<16xf32>,
        %parallel_loop3A_1338 = arith.constant 0 : i32
        %parallel_loop3A_1339 = arith.index_cast %parallel_loop3A_1338 : i32 to index
        %parallel_loop3A_1340 = arith.index_cast %parallel_loop3A_1323 : i32 to index
        %parallel_loop3A_1341 = arith.constant 16 : index
        %parallel_loop3A_1342 = tpu.vector_load %arg6[%parallel_loop3A_1339, %parallel_loop3A_1340, %parallel_loop3A_1341] {strides = array<i32>} : memref<1x128x128xf32, #tpu.memory_space<vmem>>, vector<16xf32>,
        %parallel_loop3A_1343 = arith.mulf %parallel_loop3A_1342, %parallel_loop3A_1326 : vector<16xf32>
        %parallel_loop3A_1344 = arith.constant 0 : i32
        %parallel_loop3A_1345 = arith.index_cast %parallel_loop3A_1344 : i32 to index
        %parallel_loop3A_1346 = arith.index_cast %parallel_loop3A_1323 : i32 to index
        %parallel_loop3A_1347 = arith.constant 16 : index
        %parallel_loop3A_1348 = tpu.vector_load %arg6[%parallel_loop3A_1345, %parallel_loop3A_1346, %parallel_loop3A_1347] {strides = array<i32>} : memref<1x128x128xf32, #tpu.memory_space<vmem>>, vector<16xf32>,
        tpu.vector_store %arg6[%parallel_loop3A_1345, %parallel_loop3A_1346, %parallel_loop3A_1347], %parallel_loop3A_1343 {strides = array<i32>} : memref<1x128x128xf32, #tpu.memory_space<vmem>>, vector<16xf32>,
        %parallel_loop3A_1349 = arith.constant 0 : i32
        %parallel_loop3A_1350 = arith.index_cast %parallel_loop3A_1349 : i32 to index
        %parallel_loop3A_1351 = arith.index_cast %parallel_loop3A_1323 : i32 to index
        %parallel_loop3A_1352 = arith.constant 32 : index
        %parallel_loop3A_1353 = tpu.vector_load %arg6[%parallel_loop3A_1350, %parallel_loop3A_1351, %parallel_loop3A_1352] {strides = array<i32>} : memref<1x128x128xf32, #tpu.memory_space<vmem>>, vector<16xf32>,
        %parallel_loop3A_1354 = arith.mulf %parallel_loop3A_1353, %parallel_loop3A_1326 : vector<16xf32>
        %parallel_loop3A_1355 = arith.constant 0 : i32
        %parallel_loop3A_1356 = arith.index_cast %parallel_loop3A_1355 : i32 to index
        %parallel_loop3A_1357 = arith.index_cast %parallel_loop3A_1323 : i32 to index
        %parallel_loop3A_1358 = arith.constant 32 : index
        %parallel_loop3A_1359 = tpu.vector_load %arg6[%parallel_loop3A_1356, %parallel_loop3A_1357, %parallel_loop3A_1358] {strides = array<i32>} : memref<1x128x128xf32, #tpu.memory_space<vmem>>, vector<16xf32>,
        tpu.vector_store %arg6[%parallel_loop3A_1356, %parallel_loop3A_1357, %parallel_loop3A_1358], %parallel_loop3A_1354 {strides = array<i32>} : memref<1x128x128xf32, #tpu.memory_space<vmem>>, vector<16xf32>,
        %parallel_loop3A_1360 = arith.constant 0 : i32
        %parallel_loop3A_1361 = arith.index_cast %parallel_loop3A_1360 : i32 to index
        %parallel_loop3A_1362 = arith.index_cast %parallel_loop3A_1323 : i32 to index
        %parallel_loop3A_1363 = arith.constant 48 : index
        %parallel_loop3A_1364 = tpu.vector_load %arg6[%parallel_loop3A_1361, %parallel_loop3A_1362, %parallel_loop3A_1363] {strides = array<i32>} : memref<1x128x128xf32, #tpu.memory_space<vmem>>, vector<16xf32>,
        %parallel_loop3A_1365 = arith.mulf %parallel_loop3A_1364, %parallel_loop3A_1326 : vector<16xf32>
        %parallel_loop3A_1366 = arith.constant 0 : i32
        %parallel_loop3A_1367 = arith.index_cast %parallel_loop3A_1366 : i32 to index
        %parallel_loop3A_1368 = arith.index_cast %parallel_loop3A_1323 : i32 to index
        %parallel_loop3A_1369 = arith.constant 48 : index
        %parallel_loop3A_1370 = tpu.vector_load %arg6[%parallel_loop3A_1367, %parallel_loop3A_1368, %parallel_loop3A_1369] {strides = array<i32>} : memref<1x128x128xf32, #tpu.memory_space<vmem>>, vector<16xf32>,
        tpu.vector_store %arg6[%parallel_loop3A_1367, %parallel_loop3A_1368, %parallel_loop3A_1369], %parallel_loop3A_1365 {strides = array<i32>} : memref<1x128x128xf32, #tpu.memory_space<vmem>>, vector<16xf32>,
        %parallel_loop3A_1371 = arith.constant 0 : i32
        %parallel_loop3A_1372 = arith.index_cast %parallel_loop3A_1371 : i32 to index
        %parallel_loop3A_1373 = arith.index_cast %parallel_loop3A_1323 : i32 to index
        %parallel_loop3A_1374 = arith.constant 64 : index
        %parallel_loop3A_1375 = tpu.vector_load %arg6[%parallel_loop3A_1372, %parallel_loop3A_1373, %parallel_loop3A_1374] {strides = array<i32>} : memref<1x128x128xf32, #tpu.memory_space<vmem>>, vector<16xf32>,
        %parallel_loop3A_1376 = arith.mulf %parallel_loop3A_1375, %parallel_loop3A_1326 : vector<16xf32>
        %parallel_loop3A_1377 = arith.constant 0 : i32
        %parallel_loop3A_1378 = arith.index_cast %parallel_loop3A_1377 : i32 to index
        %parallel_loop3A_1379 = arith.index_cast %parallel_loop3A_1323 : i32 to index
        %parallel_loop3A_1380 = arith.constant 64 : index
        %parallel_loop3A_1381 = tpu.vector_load %arg6[%parallel_loop3A_1378, %parallel_loop3A_1379, %parallel_loop3A_1380] {strides = array<i32>} : memref<1x128x128xf32, #tpu.memory_space<vmem>>, vector<16xf32>,
        tpu.vector_store %arg6[%parallel_loop3A_1378, %parallel_loop3A_1379, %parallel_loop3A_1380], %parallel_loop3A_1376 {strides = array<i32>} : memref<1x128x128xf32, #tpu.memory_space<vmem>>, vector<16xf32>,
        %parallel_loop3A_1382 = arith.constant 0 : i32
        %parallel_loop3A_1383 = arith.index_cast %parallel_loop3A_1382 : i32 to index
        %parallel_loop3A_1384 = arith.index_cast %parallel_loop3A_1323 : i32 to index
        %parallel_loop3A_1385 = arith.constant 80 : index
        %parallel_loop3A_1386 = tpu.vector_load %arg6[%parallel_loop3A_1383, %parallel_loop3A_1384, %parallel_loop3A_1385] {strides = array<i32>} : memref<1x128x128xf32, #tpu.memory_space<vmem>>, vector<16xf32>,
        %parallel_loop3A_1387 = arith.mulf %parallel_loop3A_1386, %parallel_loop3A_1326 : vector<16xf32>
        %parallel_loop3A_1388 = arith.constant 0 : i32
        %parallel_loop3A_1389 = arith.index_cast %parallel_loop3A_1388 : i32 to index
        %parallel_loop3A_1390 = arith.index_cast %parallel_loop3A_1323 : i32 to index
        %parallel_loop3A_1391 = arith.constant 80 : index
        %parallel_loop3A_1392 = tpu.vector_load %arg6[%parallel_loop3A_1389, %parallel_loop3A_1390, %parallel_loop3A_1391] {strides = array<i32>} : memref<1x128x128xf32, #tpu.memory_space<vmem>>, vector<16xf32>,
        tpu.vector_store %arg6[%parallel_loop3A_1389, %parallel_loop3A_1390, %parallel_loop3A_1391], %parallel_loop3A_1387 {strides = array<i32>} : memref<1x128x128xf32, #tpu.memory_space<vmem>>, vector<16xf32>,
        %parallel_loop3A_1393 = arith.constant 0 : i32
        %parallel_loop3A_1394 = arith.index_cast %parallel_loop3A_1393 : i32 to index
        %parallel_loop3A_1395 = arith.index_cast %parallel_loop3A_1323 : i32 to index
        %parallel_loop3A_1396 = arith.constant 96 : index
        %parallel_loop3A_1397 = tpu.vector_load %arg6[%parallel_loop3A_1394, %parallel_loop3A_1395, %parallel_loop3A_1396] {strides = array<i32>} : memref<1x128x128xf32, #tpu.memory_space<vmem>>, vector<16xf32>,
        %parallel_loop3A_1398 = arith.mulf %parallel_loop3A_1397, %parallel_loop3A_1326 : vector<16xf32>
        %parallel_loop3A_1399 = arith.constant 0 : i32
        %parallel_loop3A_1400 = arith.index_cast %parallel_loop3A_1399 : i32 to index
        %parallel_loop3A_1401 = arith.index_cast %parallel_loop3A_1323 : i32 to index
        %parallel_loop3A_1402 = arith.constant 96 : index
        %parallel_loop3A_1403 = tpu.vector_load %arg6[%parallel_loop3A_1400, %parallel_loop3A_1401, %parallel_loop3A_1402] {strides = array<i32>} : memref<1x128x128xf32, #tpu.memory_space<vmem>>, vector<16xf32>,
        tpu.vector_store %arg6[%parallel_loop3A_1400, %parallel_loop3A_1401, %parallel_loop3A_1402], %parallel_loop3A_1398 {strides = array<i32>} : memref<1x128x128xf32, #tpu.memory_space<vmem>>, vector<16xf32>,
        %parallel_loop3A_1404 = arith.constant 0 : i32
        %parallel_loop3A_1405 = arith.index_cast %parallel_loop3A_1404 : i32 to index
        %parallel_loop3A_1406 = arith.index_cast %parallel_loop3A_1323 : i32 to index
        %parallel_loop3A_1407 = arith.constant 112 : index
        %parallel_loop3A_1408 = tpu.vector_load %arg6[%parallel_loop3A_1405, %parallel_loop3A_1406, %parallel_loop3A_1407] {strides = array<i32>} : memref<1x128x128xf32, #tpu.memory_space<vmem>>, vector<16xf32>,
        %parallel_loop3A_1409 = arith.mulf %parallel_loop3A_1408, %parallel_loop3A_1326 : vector<16xf32>
        %parallel_loop3A_1410 = arith.constant 0 : i32
        %parallel_loop3A_1411 = arith.index_cast %parallel_loop3A_1410 : i32 to index
        %parallel_loop3A_1412 = arith.index_cast %parallel_loop3A_1323 : i32 to index
        %parallel_loop3A_1413 = arith.constant 112 : index
        %parallel_loop3A_1414 = tpu.vector_load %arg6[%parallel_loop3A_1411, %parallel_loop3A_1412, %parallel_loop3A_1413] {strides = array<i32>} : memref<1x128x128xf32, #tpu.memory_space<vmem>>, vector<16xf32>,
        tpu.vector_store %arg6[%parallel_loop3A_1411, %parallel_loop3A_1412, %parallel_loop3A_1413], %parallel_loop3A_1409 {strides = array<i32>} : memref<1x128x128xf32, #tpu.memory_space<vmem>>, vector<16xf32>,
        %parallel_loop3A_1415 = arith.constant 16 : i32
        %parallel_loop3A_1416 = arith.muli %parallel_loop3A_75, %parallel_loop3A_1415 : i32
        %parallel_loop3A_1417 = arith.constant 14 : i32
        %parallel_loop3A_1418 = arith.addi %parallel_loop3A_1416, %parallel_loop3A_1417 : i32
        %parallel_loop3A_1419 = vector.extract_strided_slice %parallel_loop3A_84 {offsets = [14], sizes = [1], strides = [1]} : vector<16xf32> to vector<1xf32>
        %parallel_loop3A_1420 = vector.extract %parallel_loop3A_1419[0] : f32 from vector<1xf32>
        %parallel_loop3A_1421 = vector.broadcast %parallel_loop3A_1420 : f32 to vector<16xf32>
        %parallel_loop3A_1422 = arith.constant 0 : i32
        %parallel_loop3A_1423 = arith.index_cast %parallel_loop3A_1422 : i32 to index
        %parallel_loop3A_1424 = arith.index_cast %parallel_loop3A_1418 : i32 to index
        %parallel_loop3A_1425 = arith.constant 0 : index
        %parallel_loop3A_1426 = tpu.vector_load %arg6[%parallel_loop3A_1423, %parallel_loop3A_1424, %parallel_loop3A_1425] {strides = array<i32>} : memref<1x128x128xf32, #tpu.memory_space<vmem>>, vector<16xf32>,
        %parallel_loop3A_1427 = arith.mulf %parallel_loop3A_1426, %parallel_loop3A_1421 : vector<16xf32>
        %parallel_loop3A_1428 = arith.constant 0 : i32
        %parallel_loop3A_1429 = arith.index_cast %parallel_loop3A_1428 : i32 to index
        %parallel_loop3A_1430 = arith.index_cast %parallel_loop3A_1418 : i32 to index
        %parallel_loop3A_1431 = arith.constant 0 : index
        %parallel_loop3A_1432 = tpu.vector_load %arg6[%parallel_loop3A_1429, %parallel_loop3A_1430, %parallel_loop3A_1431] {strides = array<i32>} : memref<1x128x128xf32, #tpu.memory_space<vmem>>, vector<16xf32>,
        tpu.vector_store %arg6[%parallel_loop3A_1429, %parallel_loop3A_1430, %parallel_loop3A_1431], %parallel_loop3A_1427 {strides = array<i32>} : memref<1x128x128xf32, #tpu.memory_space<vmem>>, vector<16xf32>,
        %parallel_loop3A_1433 = arith.constant 0 : i32
        %parallel_loop3A_1434 = arith.index_cast %parallel_loop3A_1433 : i32 to index
        %parallel_loop3A_1435 = arith.index_cast %parallel_loop3A_1418 : i32 to index
        %parallel_loop3A_1436 = arith.constant 16 : index
        %parallel_loop3A_1437 = tpu.vector_load %arg6[%parallel_loop3A_1434, %parallel_loop3A_1435, %parallel_loop3A_1436] {strides = array<i32>} : memref<1x128x128xf32, #tpu.memory_space<vmem>>, vector<16xf32>,
        %parallel_loop3A_1438 = arith.mulf %parallel_loop3A_1437, %parallel_loop3A_1421 : vector<16xf32>
        %parallel_loop3A_1439 = arith.constant 0 : i32
        %parallel_loop3A_1440 = arith.index_cast %parallel_loop3A_1439 : i32 to index
        %parallel_loop3A_1441 = arith.index_cast %parallel_loop3A_1418 : i32 to index
        %parallel_loop3A_1442 = arith.constant 16 : index
        %parallel_loop3A_1443 = tpu.vector_load %arg6[%parallel_loop3A_1440, %parallel_loop3A_1441, %parallel_loop3A_1442] {strides = array<i32>} : memref<1x128x128xf32, #tpu.memory_space<vmem>>, vector<16xf32>,
        tpu.vector_store %arg6[%parallel_loop3A_1440, %parallel_loop3A_1441, %parallel_loop3A_1442], %parallel_loop3A_1438 {strides = array<i32>} : memref<1x128x128xf32, #tpu.memory_space<vmem>>, vector<16xf32>,
        %parallel_loop3A_1444 = arith.constant 0 : i32
        %parallel_loop3A_1445 = arith.index_cast %parallel_loop3A_1444 : i32 to index
        %parallel_loop3A_1446 = arith.index_cast %parallel_loop3A_1418 : i32 to index
        %parallel_loop3A_1447 = arith.constant 32 : index
        %parallel_loop3A_1448 = tpu.vector_load %arg6[%parallel_loop3A_1445, %parallel_loop3A_1446, %parallel_loop3A_1447] {strides = array<i32>} : memref<1x128x128xf32, #tpu.memory_space<vmem>>, vector<16xf32>,
        %parallel_loop3A_1449 = arith.mulf %parallel_loop3A_1448, %parallel_loop3A_1421 : vector<16xf32>
        %parallel_loop3A_1450 = arith.constant 0 : i32
        %parallel_loop3A_1451 = arith.index_cast %parallel_loop3A_1450 : i32 to index
        %parallel_loop3A_1452 = arith.index_cast %parallel_loop3A_1418 : i32 to index
        %parallel_loop3A_1453 = arith.constant 32 : index
        %parallel_loop3A_1454 = tpu.vector_load %arg6[%parallel_loop3A_1451, %parallel_loop3A_1452, %parallel_loop3A_1453] {strides = array<i32>} : memref<1x128x128xf32, #tpu.memory_space<vmem>>, vector<16xf32>,
        tpu.vector_store %arg6[%parallel_loop3A_1451, %parallel_loop3A_1452, %parallel_loop3A_1453], %parallel_loop3A_1449 {strides = array<i32>} : memref<1x128x128xf32, #tpu.memory_space<vmem>>, vector<16xf32>,
        %parallel_loop3A_1455 = arith.constant 0 : i32
        %parallel_loop3A_1456 = arith.index_cast %parallel_loop3A_1455 : i32 to index
        %parallel_loop3A_1457 = arith.index_cast %parallel_loop3A_1418 : i32 to index
        %parallel_loop3A_1458 = arith.constant 48 : index
        %parallel_loop3A_1459 = tpu.vector_load %arg6[%parallel_loop3A_1456, %parallel_loop3A_1457, %parallel_loop3A_1458] {strides = array<i32>} : memref<1x128x128xf32, #tpu.memory_space<vmem>>, vector<16xf32>,
        %parallel_loop3A_1460 = arith.mulf %parallel_loop3A_1459, %parallel_loop3A_1421 : vector<16xf32>
        %parallel_loop3A_1461 = arith.constant 0 : i32
        %parallel_loop3A_1462 = arith.index_cast %parallel_loop3A_1461 : i32 to index
        %parallel_loop3A_1463 = arith.index_cast %parallel_loop3A_1418 : i32 to index
        %parallel_loop3A_1464 = arith.constant 48 : index
        %parallel_loop3A_1465 = tpu.vector_load %arg6[%parallel_loop3A_1462, %parallel_loop3A_1463, %parallel_loop3A_1464] {strides = array<i32>} : memref<1x128x128xf32, #tpu.memory_space<vmem>>, vector<16xf32>,
        tpu.vector_store %arg6[%parallel_loop3A_1462, %parallel_loop3A_1463, %parallel_loop3A_1464], %parallel_loop3A_1460 {strides = array<i32>} : memref<1x128x128xf32, #tpu.memory_space<vmem>>, vector<16xf32>,
        %parallel_loop3A_1466 = arith.constant 0 : i32
        %parallel_loop3A_1467 = arith.index_cast %parallel_loop3A_1466 : i32 to index
        %parallel_loop3A_1468 = arith.index_cast %parallel_loop3A_1418 : i32 to index
        %parallel_loop3A_1469 = arith.constant 64 : index
        %parallel_loop3A_1470 = tpu.vector_load %arg6[%parallel_loop3A_1467, %parallel_loop3A_1468, %parallel_loop3A_1469] {strides = array<i32>} : memref<1x128x128xf32, #tpu.memory_space<vmem>>, vector<16xf32>,
        %parallel_loop3A_1471 = arith.mulf %parallel_loop3A_1470, %parallel_loop3A_1421 : vector<16xf32>
        %parallel_loop3A_1472 = arith.constant 0 : i32
        %parallel_loop3A_1473 = arith.index_cast %parallel_loop3A_1472 : i32 to index
        %parallel_loop3A_1474 = arith.index_cast %parallel_loop3A_1418 : i32 to index
        %parallel_loop3A_1475 = arith.constant 64 : index
        %parallel_loop3A_1476 = tpu.vector_load %arg6[%parallel_loop3A_1473, %parallel_loop3A_1474, %parallel_loop3A_1475] {strides = array<i32>} : memref<1x128x128xf32, #tpu.memory_space<vmem>>, vector<16xf32>,
        tpu.vector_store %arg6[%parallel_loop3A_1473, %parallel_loop3A_1474, %parallel_loop3A_1475], %parallel_loop3A_1471 {strides = array<i32>} : memref<1x128x128xf32, #tpu.memory_space<vmem>>, vector<16xf32>,
        %parallel_loop3A_1477 = arith.constant 0 : i32
        %parallel_loop3A_1478 = arith.index_cast %parallel_loop3A_1477 : i32 to index
        %parallel_loop3A_1479 = arith.index_cast %parallel_loop3A_1418 : i32 to index
        %parallel_loop3A_1480 = arith.constant 80 : index
        %parallel_loop3A_1481 = tpu.vector_load %arg6[%parallel_loop3A_1478, %parallel_loop3A_1479, %parallel_loop3A_1480] {strides = array<i32>} : memref<1x128x128xf32, #tpu.memory_space<vmem>>, vector<16xf32>,
        %parallel_loop3A_1482 = arith.mulf %parallel_loop3A_1481, %parallel_loop3A_1421 : vector<16xf32>
        %parallel_loop3A_1483 = arith.constant 0 : i32
        %parallel_loop3A_1484 = arith.index_cast %parallel_loop3A_1483 : i32 to index
        %parallel_loop3A_1485 = arith.index_cast %parallel_loop3A_1418 : i32 to index
        %parallel_loop3A_1486 = arith.constant 80 : index
        %parallel_loop3A_1487 = tpu.vector_load %arg6[%parallel_loop3A_1484, %parallel_loop3A_1485, %parallel_loop3A_1486] {strides = array<i32>} : memref<1x128x128xf32, #tpu.memory_space<vmem>>, vector<16xf32>,
        tpu.vector_store %arg6[%parallel_loop3A_1484, %parallel_loop3A_1485, %parallel_loop3A_1486], %parallel_loop3A_1482 {strides = array<i32>} : memref<1x128x128xf32, #tpu.memory_space<vmem>>, vector<16xf32>,
        %parallel_loop3A_1488 = arith.constant 0 : i32
        %parallel_loop3A_1489 = arith.index_cast %parallel_loop3A_1488 : i32 to index
        %parallel_loop3A_1490 = arith.index_cast %parallel_loop3A_1418 : i32 to index
        %parallel_loop3A_1491 = arith.constant 96 : index
        %parallel_loop3A_1492 = tpu.vector_load %arg6[%parallel_loop3A_1489, %parallel_loop3A_1490, %parallel_loop3A_1491] {strides = array<i32>} : memref<1x128x128xf32, #tpu.memory_space<vmem>>, vector<16xf32>,
        %parallel_loop3A_1493 = arith.mulf %parallel_loop3A_1492, %parallel_loop3A_1421 : vector<16xf32>
        %parallel_loop3A_1494 = arith.constant 0 : i32
        %parallel_loop3A_1495 = arith.index_cast %parallel_loop3A_1494 : i32 to index
        %parallel_loop3A_1496 = arith.index_cast %parallel_loop3A_1418 : i32 to index
        %parallel_loop3A_1497 = arith.constant 96 : index
        %parallel_loop3A_1498 = tpu.vector_load %arg6[%parallel_loop3A_1495, %parallel_loop3A_1496, %parallel_loop3A_1497] {strides = array<i32>} : memref<1x128x128xf32, #tpu.memory_space<vmem>>, vector<16xf32>,
        tpu.vector_store %arg6[%parallel_loop3A_1495, %parallel_loop3A_1496, %parallel_loop3A_1497], %parallel_loop3A_1493 {strides = array<i32>} : memref<1x128x128xf32, #tpu.memory_space<vmem>>, vector<16xf32>,
        %parallel_loop3A_1499 = arith.constant 0 : i32
        %parallel_loop3A_1500 = arith.index_cast %parallel_loop3A_1499 : i32 to index
        %parallel_loop3A_1501 = arith.index_cast %parallel_loop3A_1418 : i32 to index
        %parallel_loop3A_1502 = arith.constant 112 : index
        %parallel_loop3A_1503 = tpu.vector_load %arg6[%parallel_loop3A_1500, %parallel_loop3A_1501, %parallel_loop3A_1502] {strides = array<i32>} : memref<1x128x128xf32, #tpu.memory_space<vmem>>, vector<16xf32>,
        %parallel_loop3A_1504 = arith.mulf %parallel_loop3A_1503, %parallel_loop3A_1421 : vector<16xf32>
        %parallel_loop3A_1505 = arith.constant 0 : i32
        %parallel_loop3A_1506 = arith.index_cast %parallel_loop3A_1505 : i32 to index
        %parallel_loop3A_1507 = arith.index_cast %parallel_loop3A_1418 : i32 to index
        %parallel_loop3A_1508 = arith.constant 112 : index
        %parallel_loop3A_1509 = tpu.vector_load %arg6[%parallel_loop3A_1506, %parallel_loop3A_1507, %parallel_loop3A_1508] {strides = array<i32>} : memref<1x128x128xf32, #tpu.memory_space<vmem>>, vector<16xf32>,
        tpu.vector_store %arg6[%parallel_loop3A_1506, %parallel_loop3A_1507, %parallel_loop3A_1508], %parallel_loop3A_1504 {strides = array<i32>} : memref<1x128x128xf32, #tpu.memory_space<vmem>>, vector<16xf32>,
        %parallel_loop3A_1510 = arith.constant 16 : i32
        %parallel_loop3A_1511 = arith.muli %parallel_loop3A_75, %parallel_loop3A_1510 : i32
        %parallel_loop3A_1512 = arith.constant 15 : i32
        %parallel_loop3A_1513 = arith.addi %parallel_loop3A_1511, %parallel_loop3A_1512 : i32
        %parallel_loop3A_1514 = vector.extract_strided_slice %parallel_loop3A_84 {offsets = [15], sizes = [1], strides = [1]} : vector<16xf32> to vector<1xf32>
        %parallel_loop3A_1515 = vector.extract %parallel_loop3A_1514[0] : f32 from vector<1xf32>
        %parallel_loop3A_1516 = vector.broadcast %parallel_loop3A_1515 : f32 to vector<16xf32>
        %parallel_loop3A_1517 = arith.constant 0 : i32
        %parallel_loop3A_1518 = arith.index_cast %parallel_loop3A_1517 : i32 to index
        %parallel_loop3A_1519 = arith.index_cast %parallel_loop3A_1513 : i32 to index
        %parallel_loop3A_1520 = arith.constant 0 : index
        %parallel_loop3A_1521 = tpu.vector_load %arg6[%parallel_loop3A_1518, %parallel_loop3A_1519, %parallel_loop3A_1520] {strides = array<i32>} : memref<1x128x128xf32, #tpu.memory_space<vmem>>, vector<16xf32>,
        %parallel_loop3A_1522 = arith.mulf %parallel_loop3A_1521, %parallel_loop3A_1516 : vector<16xf32>
        %parallel_loop3A_1523 = arith.constant 0 : i32
        %parallel_loop3A_1524 = arith.index_cast %parallel_loop3A_1523 : i32 to index
        %parallel_loop3A_1525 = arith.index_cast %parallel_loop3A_1513 : i32 to index
        %parallel_loop3A_1526 = arith.constant 0 : index
        %parallel_loop3A_1527 = tpu.vector_load %arg6[%parallel_loop3A_1524, %parallel_loop3A_1525, %parallel_loop3A_1526] {strides = array<i32>} : memref<1x128x128xf32, #tpu.memory_space<vmem>>, vector<16xf32>,
        tpu.vector_store %arg6[%parallel_loop3A_1524, %parallel_loop3A_1525, %parallel_loop3A_1526], %parallel_loop3A_1522 {strides = array<i32>} : memref<1x128x128xf32, #tpu.memory_space<vmem>>, vector<16xf32>,
        %parallel_loop3A_1528 = arith.constant 0 : i32
        %parallel_loop3A_1529 = arith.index_cast %parallel_loop3A_1528 : i32 to index
        %parallel_loop3A_1530 = arith.index_cast %parallel_loop3A_1513 : i32 to index
        %parallel_loop3A_1531 = arith.constant 16 : index
        %parallel_loop3A_1532 = tpu.vector_load %arg6[%parallel_loop3A_1529, %parallel_loop3A_1530, %parallel_loop3A_1531] {strides = array<i32>} : memref<1x128x128xf32, #tpu.memory_space<vmem>>, vector<16xf32>,
        %parallel_loop3A_1533 = arith.mulf %parallel_loop3A_1532, %parallel_loop3A_1516 : vector<16xf32>
        %parallel_loop3A_1534 = arith.constant 0 : i32
        %parallel_loop3A_1535 = arith.index_cast %parallel_loop3A_1534 : i32 to index
        %parallel_loop3A_1536 = arith.index_cast %parallel_loop3A_1513 : i32 to index
        %parallel_loop3A_1537 = arith.constant 16 : index
        %parallel_loop3A_1538 = tpu.vector_load %arg6[%parallel_loop3A_1535, %parallel_loop3A_1536, %parallel_loop3A_1537] {strides = array<i32>} : memref<1x128x128xf32, #tpu.memory_space<vmem>>, vector<16xf32>,
        tpu.vector_store %arg6[%parallel_loop3A_1535, %parallel_loop3A_1536, %parallel_loop3A_1537], %parallel_loop3A_1533 {strides = array<i32>} : memref<1x128x128xf32, #tpu.memory_space<vmem>>, vector<16xf32>,
        %parallel_loop3A_1539 = arith.constant 0 : i32
        %parallel_loop3A_1540 = arith.index_cast %parallel_loop3A_1539 : i32 to index
        %parallel_loop3A_1541 = arith.index_cast %parallel_loop3A_1513 : i32 to index
        %parallel_loop3A_1542 = arith.constant 32 : index
        %parallel_loop3A_1543 = tpu.vector_load %arg6[%parallel_loop3A_1540, %parallel_loop3A_1541, %parallel_loop3A_1542] {strides = array<i32>} : memref<1x128x128xf32, #tpu.memory_space<vmem>>, vector<16xf32>,
        %parallel_loop3A_1544 = arith.mulf %parallel_loop3A_1543, %parallel_loop3A_1516 : vector<16xf32>
        %parallel_loop3A_1545 = arith.constant 0 : i32
        %parallel_loop3A_1546 = arith.index_cast %parallel_loop3A_1545 : i32 to index
        %parallel_loop3A_1547 = arith.index_cast %parallel_loop3A_1513 : i32 to index
        %parallel_loop3A_1548 = arith.constant 32 : index
        %parallel_loop3A_1549 = tpu.vector_load %arg6[%parallel_loop3A_1546, %parallel_loop3A_1547, %parallel_loop3A_1548] {strides = array<i32>} : memref<1x128x128xf32, #tpu.memory_space<vmem>>, vector<16xf32>,
        tpu.vector_store %arg6[%parallel_loop3A_1546, %parallel_loop3A_1547, %parallel_loop3A_1548], %parallel_loop3A_1544 {strides = array<i32>} : memref<1x128x128xf32, #tpu.memory_space<vmem>>, vector<16xf32>,
        %parallel_loop3A_1550 = arith.constant 0 : i32
        %parallel_loop3A_1551 = arith.index_cast %parallel_loop3A_1550 : i32 to index
        %parallel_loop3A_1552 = arith.index_cast %parallel_loop3A_1513 : i32 to index
        %parallel_loop3A_1553 = arith.constant 48 : index
        %parallel_loop3A_1554 = tpu.vector_load %arg6[%parallel_loop3A_1551, %parallel_loop3A_1552, %parallel_loop3A_1553] {strides = array<i32>} : memref<1x128x128xf32, #tpu.memory_space<vmem>>, vector<16xf32>,
        %parallel_loop3A_1555 = arith.mulf %parallel_loop3A_1554, %parallel_loop3A_1516 : vector<16xf32>
        %parallel_loop3A_1556 = arith.constant 0 : i32
        %parallel_loop3A_1557 = arith.index_cast %parallel_loop3A_1556 : i32 to index
        %parallel_loop3A_1558 = arith.index_cast %parallel_loop3A_1513 : i32 to index
        %parallel_loop3A_1559 = arith.constant 48 : index
        %parallel_loop3A_1560 = tpu.vector_load %arg6[%parallel_loop3A_1557, %parallel_loop3A_1558, %parallel_loop3A_1559] {strides = array<i32>} : memref<1x128x128xf32, #tpu.memory_space<vmem>>, vector<16xf32>,
        tpu.vector_store %arg6[%parallel_loop3A_1557, %parallel_loop3A_1558, %parallel_loop3A_1559], %parallel_loop3A_1555 {strides = array<i32>} : memref<1x128x128xf32, #tpu.memory_space<vmem>>, vector<16xf32>,
        %parallel_loop3A_1561 = arith.constant 0 : i32
        %parallel_loop3A_1562 = arith.index_cast %parallel_loop3A_1561 : i32 to index
        %parallel_loop3A_1563 = arith.index_cast %parallel_loop3A_1513 : i32 to index
        %parallel_loop3A_1564 = arith.constant 64 : index
        %parallel_loop3A_1565 = tpu.vector_load %arg6[%parallel_loop3A_1562, %parallel_loop3A_1563, %parallel_loop3A_1564] {strides = array<i32>} : memref<1x128x128xf32, #tpu.memory_space<vmem>>, vector<16xf32>,
        %parallel_loop3A_1566 = arith.mulf %parallel_loop3A_1565, %parallel_loop3A_1516 : vector<16xf32>
        %parallel_loop3A_1567 = arith.constant 0 : i32
        %parallel_loop3A_1568 = arith.index_cast %parallel_loop3A_1567 : i32 to index
        %parallel_loop3A_1569 = arith.index_cast %parallel_loop3A_1513 : i32 to index
        %parallel_loop3A_1570 = arith.constant 64 : index
        %parallel_loop3A_1571 = tpu.vector_load %arg6[%parallel_loop3A_1568, %parallel_loop3A_1569, %parallel_loop3A_1570] {strides = array<i32>} : memref<1x128x128xf32, #tpu.memory_space<vmem>>, vector<16xf32>,
        tpu.vector_store %arg6[%parallel_loop3A_1568, %parallel_loop3A_1569, %parallel_loop3A_1570], %parallel_loop3A_1566 {strides = array<i32>} : memref<1x128x128xf32, #tpu.memory_space<vmem>>, vector<16xf32>,
        %parallel_loop3A_1572 = arith.constant 0 : i32
        %parallel_loop3A_1573 = arith.index_cast %parallel_loop3A_1572 : i32 to index
        %parallel_loop3A_1574 = arith.index_cast %parallel_loop3A_1513 : i32 to index
        %parallel_loop3A_1575 = arith.constant 80 : index
        %parallel_loop3A_1576 = tpu.vector_load %arg6[%parallel_loop3A_1573, %parallel_loop3A_1574, %parallel_loop3A_1575] {strides = array<i32>} : memref<1x128x128xf32, #tpu.memory_space<vmem>>, vector<16xf32>,
        %parallel_loop3A_1577 = arith.mulf %parallel_loop3A_1576, %parallel_loop3A_1516 : vector<16xf32>
        %parallel_loop3A_1578 = arith.constant 0 : i32
        %parallel_loop3A_1579 = arith.index_cast %parallel_loop3A_1578 : i32 to index
        %parallel_loop3A_1580 = arith.index_cast %parallel_loop3A_1513 : i32 to index
        %parallel_loop3A_1581 = arith.constant 80 : index
        %parallel_loop3A_1582 = tpu.vector_load %arg6[%parallel_loop3A_1579, %parallel_loop3A_1580, %parallel_loop3A_1581] {strides = array<i32>} : memref<1x128x128xf32, #tpu.memory_space<vmem>>, vector<16xf32>,
        tpu.vector_store %arg6[%parallel_loop3A_1579, %parallel_loop3A_1580, %parallel_loop3A_1581], %parallel_loop3A_1577 {strides = array<i32>} : memref<1x128x128xf32, #tpu.memory_space<vmem>>, vector<16xf32>,
        %parallel_loop3A_1583 = arith.constant 0 : i32
        %parallel_loop3A_1584 = arith.index_cast %parallel_loop3A_1583 : i32 to index
        %parallel_loop3A_1585 = arith.index_cast %parallel_loop3A_1513 : i32 to index
        %parallel_loop3A_1586 = arith.constant 96 : index
        %parallel_loop3A_1587 = tpu.vector_load %arg6[%parallel_loop3A_1584, %parallel_loop3A_1585, %parallel_loop3A_1586] {strides = array<i32>} : memref<1x128x128xf32, #tpu.memory_space<vmem>>, vector<16xf32>,
        %parallel_loop3A_1588 = arith.mulf %parallel_loop3A_1587, %parallel_loop3A_1516 : vector<16xf32>
        %parallel_loop3A_1589 = arith.constant 0 : i32
        %parallel_loop3A_1590 = arith.index_cast %parallel_loop3A_1589 : i32 to index
        %parallel_loop3A_1591 = arith.index_cast %parallel_loop3A_1513 : i32 to index
        %parallel_loop3A_1592 = arith.constant 96 : index
        %parallel_loop3A_1593 = tpu.vector_load %arg6[%parallel_loop3A_1590, %parallel_loop3A_1591, %parallel_loop3A_1592] {strides = array<i32>} : memref<1x128x128xf32, #tpu.memory_space<vmem>>, vector<16xf32>,
        tpu.vector_store %arg6[%parallel_loop3A_1590, %parallel_loop3A_1591, %parallel_loop3A_1592], %parallel_loop3A_1588 {strides = array<i32>} : memref<1x128x128xf32, #tpu.memory_space<vmem>>, vector<16xf32>,
        %parallel_loop3A_1594 = arith.constant 0 : i32
        %parallel_loop3A_1595 = arith.index_cast %parallel_loop3A_1594 : i32 to index
        %parallel_loop3A_1596 = arith.index_cast %parallel_loop3A_1513 : i32 to index
        %parallel_loop3A_1597 = arith.constant 112 : index
        %parallel_loop3A_1598 = tpu.vector_load %arg6[%parallel_loop3A_1595, %parallel_loop3A_1596, %parallel_loop3A_1597] {strides = array<i32>} : memref<1x128x128xf32, #tpu.memory_space<vmem>>, vector<16xf32>,
        %parallel_loop3A_1599 = arith.mulf %parallel_loop3A_1598, %parallel_loop3A_1516 : vector<16xf32>
        %parallel_loop3A_1600 = arith.constant 0 : i32
        %parallel_loop3A_1601 = arith.index_cast %parallel_loop3A_1600 : i32 to index
        %parallel_loop3A_1602 = arith.index_cast %parallel_loop3A_1513 : i32 to index
        %parallel_loop3A_1603 = arith.constant 112 : index
        %parallel_loop3A_1604 = tpu.vector_load %arg6[%parallel_loop3A_1601, %parallel_loop3A_1602, %parallel_loop3A_1603] {strides = array<i32>} : memref<1x128x128xf32, #tpu.memory_space<vmem>>, vector<16xf32>,
        tpu.vector_store %arg6[%parallel_loop3A_1601, %parallel_loop3A_1602, %parallel_loop3A_1603], %parallel_loop3A_1599 {strides = array<i32>} : memref<1x128x128xf32, #tpu.memory_space<vmem>>, vector<16xf32>,
      } {sc.loop_unroll_factor = 2 : i64, sc.parallel_access}
      %run_scoped3A_71 = arith.constant 0 : i32
      %run_scoped3A_72 = arith.constant 0 : i32
      %run_scoped3A_73 = arith.constant 1 : i32
      "tpu.region"() ({
        %run_scoped3A_75 = tpu.sem_alloc : memref<!tpu.dma_semaphore, #tpu.memory_space<semaphore_mem>>
        %dma_start3A_76 = arith.constant 0 : i32
        %dma_start3A_77 = arith.constant 0 : i32
        %dma_start3A_78 = tpu.memref_slice %arg6[%run_scoped3A_71, %dma_start3A_76, %dma_start3A_77] : memref<1x128x128xf32, #tpu.memory_space<vmem>> -> memref<1x128x128xf32, #tpu.memory_space<vmem>>
        %dma_start3A_79 = tpu.memref_squeeze %dma_start3A_78 : memref<1x128x128xf32, #tpu.memory_space<vmem>> -> memref<128x128xf32, #tpu.memory_space<vmem>>
        %dma_start3A_80 = arith.constant 0 : i32
        %dma_start3A_81 = tpu.memref_slice %arg5[%run_scoped3A_72, %run_scoped3A_73, %dma_start3A_80] : memref<1x4x128xi32, #tpu.memory_space<vmem>> -> memref<1x1x128xi32, #tpu.memory_space<vmem>>
        %dma_start3A_82 = tpu.memref_squeeze %dma_start3A_81 : memref<1x1x128xi32, #tpu.memory_space<vmem>> -> memref<128xi32, #tpu.memory_space<vmem>>
        %dma_start3A_83 = arith.constant 0 : i32
        %dma_start3A_84 = arith.constant 0 : i32
        %dma_start3A_85 = tpu.memref_slice %arg7[%dma_start3A_83, %dma_start3A_84] : memref<10240x128xf32, #tpu.memory_space<vmem_shared>> -> memref<10240x128xf32, #tpu.memory_space<vmem_shared>>
        tpu.enqueue_indirect_dma source(%dma_start3A_79 : memref<128x128xf32, #tpu.memory_space<vmem>>) target(%dma_start3A_85 : memref<10240x128xf32, #tpu.memory_space<vmem_shared>>) offsets(%dma_start3A_82 : memref<128xi32, #tpu.memory_space<vmem>>) semaphore(%run_scoped3A_75 : memref<!tpu.dma_semaphore, #tpu.memory_space<semaphore_mem>>) {add = true}
        %dma_wait3A_86 = arith.constant 0 : i32
        %dma_wait3A_87 = arith.constant 0 : i32
        %dma_wait3A_88 = tpu.memref_slice %arg6[%run_scoped3A_71, %dma_wait3A_86, %dma_wait3A_87] : memref<1x128x128xf32, #tpu.memory_space<vmem>> -> memref<1x128x128xf32, #tpu.memory_space<vmem>>
        %dma_wait3A_89 = tpu.memref_squeeze %dma_wait3A_88 : memref<1x128x128xf32, #tpu.memory_space<vmem>> -> memref<128x128xf32, #tpu.memory_space<vmem>>
        %dma_wait3A_90 = arith.constant 0 : i32
        %dma_wait3A_91 = tpu.memref_slice %arg5[%run_scoped3A_72, %run_scoped3A_73, %dma_wait3A_90] : memref<1x4x128xi32, #tpu.memory_space<vmem>> -> memref<1x1x128xi32, #tpu.memory_space<vmem>>
        %dma_wait3A_92 = tpu.memref_squeeze %dma_wait3A_91 : memref<1x1x128xi32, #tpu.memory_space<vmem>> -> memref<128xi32, #tpu.memory_space<vmem>>
        %dma_wait3A_93 = arith.constant 0 : i32
        %dma_wait3A_94 = arith.constant 0 : i32
        %dma_wait3A_95 = tpu.memref_slice %arg7[%dma_wait3A_93, %dma_wait3A_94] : memref<10240x128xf32, #tpu.memory_space<vmem_shared>> -> memref<10240x128xf32, #tpu.memory_space<vmem_shared>>
        tpu.wait_indirect_dma semaphore(%run_scoped3A_75 : memref<!tpu.dma_semaphore, #tpu.memory_space<semaphore_mem>>) src(%dma_wait3A_89 : memref<128x128xf32, #tpu.memory_space<vmem>>) dst(%dma_wait3A_95 : memref<10240x128xf32, #tpu.memory_space<vmem_shared>>)
        tpu.yield
      }) : () -> ()
      %scan3A_74 = arith.constant 0 : i32
      scf.yield %scan3A_74 : i32
    }
    %scan3A_40 = arith.constant 79 : i32
    %barrier3A_41 = arith.constant 0 : index
    tpu.barrier barrier_id(%barrier3A_41)
    "tpu.region"() ({
      %run_scoped3A_42 = tpu.sem_alloc : memref<!tpu.dma_semaphore, #tpu.memory_space<semaphore_mem>>
      %dma_start3A = arith.constant 0 : i32
      %dma_start3A_43 = tpu.memref_slice %arg4[%arg0, %mul3A_2, %dma_start3A] : memref<2x10240x128xf32, #tpu.memory_space<hbm>> -> memref<1x640x128xf32, #tpu.memory_space<hbm>>
      %dma_start3A_44 = tpu.memref_squeeze %dma_start3A_43 : memref<1x640x128xf32, #tpu.memory_space<hbm>> -> memref<640x128xf32, #tpu.memory_space<hbm>>
      %dma_start3A_45 = arith.constant 0 : i32
      %dma_start3A_46 = tpu.memref_slice %arg7[%mul3A_2, %dma_start3A_45] : memref<10240x128xf32, #tpu.memory_space<vmem_shared>> -> memref<640x128xf32, #tpu.memory_space<vmem_shared>>
      tpu.enqueue_dma source(%dma_start3A_46 : memref<640x128xf32, #tpu.memory_space<vmem_shared>>) target(%dma_start3A_44 : memref<640x128xf32, #tpu.memory_space<hbm>>) target_semaphore(%run_scoped3A_42 : memref<!tpu.dma_semaphore, #tpu.memory_space<semaphore_mem>>)
      %dma_wait3A = arith.constant 0 : i32
      %dma_wait3A_47 = tpu.memref_slice %arg4[%arg0, %mul3A_2, %dma_wait3A] : memref<2x10240x128xf32, #tpu.memory_space<hbm>> -> memref<1x640x128xf32, #tpu.memory_space<hbm>>
      %dma_wait3A_48 = tpu.memref_squeeze %dma_wait3A_47 : memref<1x640x128xf32, #tpu.memory_space<hbm>> -> memref<640x128xf32, #tpu.memory_space<hbm>>
      %dma_wait3A_49 = arith.constant 0 : i32
      %dma_wait3A_50 = tpu.memref_slice %arg7[%mul3A_2, %dma_wait3A_49] : memref<10240x128xf32, #tpu.memory_space<vmem_shared>> -> memref<640x128xf32, #tpu.memory_space<vmem_shared>>
      tpu.wait_dma2 semaphore(%run_scoped3A_42 : memref<!tpu.dma_semaphore, #tpu.memory_space<semaphore_mem>>) src(%dma_wait3A_50 : memref<640x128xf32, #tpu.memory_space<vmem_shared>>) dst(%dma_wait3A_48 : memref<640x128xf32, #tpu.memory_space<hbm>>)
      tpu.yield
    }) : () -> ()
    return
  }
}

#map = affine_map<(d0, d1) -> (0)>
#map1 = affine_map<(d0, d1) -> (0, 0, 0)>
module attributes {stable_mosaic.version = 14 : i64} {
  func.func @_sc_degrees(%arg0: i32, %arg1: i32, %arg2: memref<320000xi32, #tpu.memory_space<hbm>>, %arg3: memref<320000xi32, #tpu.memory_space<hbm>>, %arg4: memref<2x32x10240xf32, #tpu.memory_space<hbm>>, %arg5: memref<10240xf32, #tpu.memory_space<vmem>>, %arg6: memref<10240xf32, #tpu.memory_space<vmem>>, %arg7: memref<10000xi32, #tpu.memory_space<vmem>>, %arg8: memref<10000xi32, #tpu.memory_space<vmem>>) attributes {dimension_semantics = [#tpu.dimension_semantics<core_parallel>, #tpu.dimension_semantics<subcore_parallel>], iteration_bounds = array<i64: 2, 16>, scalar_prefetch = 0 : i64, scratch_operands = 4 : i64, tpu.core_type = #tpu.core_type<sc_vector_subcore>, window_params = [{transform_indices = #map}, {transform_indices = #map}, {transform_indices = #map1}]} {
    %mul3A = arith.constant 16 : i32
    %mul3A_0 = arith.muli %arg0, %mul3A : i32
    %add3A = arith.addi %mul3A_0, %arg1 : i32
    %broadcast_in_dim3A = arith.constant 0.000000e+00 : f32
    %broadcast_in_dim3A_1 = vector.broadcast %broadcast_in_dim3A : f32 to vector<16xf32>
    %scan3A = arith.constant 0 : i32
    %scan3A_2 = arith.constant 0 : i32
    %scan3A_3 = arith.constant 640 : i32
    %scan3A_4 = arith.addi %scan3A_2, %scan3A_3 : i32
    %scan3A_5 = arith.constant 1 : i32
    %scan3A_6 = scf.for %scan3A_31 = %scan3A_2 to %scan3A_4 step %scan3A_5 iter_args(%scan3A_32 = %scan3A) -> (i32)  : i32 {
      %mul3A_33 = arith.constant 16 : i32
      %mul3A_34 = arith.muli %scan3A_31, %mul3A_33 : i32
      %swap3A = arith.index_cast %mul3A_34 : i32 to index
      %swap3A_35 = tpu.vector_load %arg5[%swap3A] {strides = array<i32>} : memref<10240xf32, #tpu.memory_space<vmem>>, vector<16xf32>,
      tpu.vector_store %arg5[%swap3A], %broadcast_in_dim3A_1 {strides = array<i32>} : memref<10240xf32, #tpu.memory_space<vmem>>, vector<16xf32>,
      %scan3A_36 = arith.constant 0 : i32
      scf.yield %scan3A_36 : i32
    }
    %scan3A_7 = arith.constant 640 : i32
    %broadcast_in_dim3A_8 = arith.constant 0.000000e+00 : f32
    %broadcast_in_dim3A_9 = vector.broadcast %broadcast_in_dim3A_8 : f32 to vector<16xf32>
    %scan3A_10 = arith.constant 0 : i32
    %scan3A_11 = arith.constant 0 : i32
    %scan3A_12 = arith.constant 640 : i32
    %scan3A_13 = arith.addi %scan3A_11, %scan3A_12 : i32
    %scan3A_14 = arith.constant 1 : i32
    %scan3A_15 = scf.for %scan3A_31 = %scan3A_11 to %scan3A_13 step %scan3A_14 iter_args(%scan3A_32 = %scan3A_10) -> (i32)  : i32 {
      %mul3A_33 = arith.constant 16 : i32
      %mul3A_34 = arith.muli %scan3A_31, %mul3A_33 : i32
      %swap3A = arith.index_cast %mul3A_34 : i32 to index
      %swap3A_35 = tpu.vector_load %arg6[%swap3A] {strides = array<i32>} : memref<10240xf32, #tpu.memory_space<vmem>>, vector<16xf32>,
      tpu.vector_store %arg6[%swap3A], %broadcast_in_dim3A_9 {strides = array<i32>} : memref<10240xf32, #tpu.memory_space<vmem>>, vector<16xf32>,
      %scan3A_36 = arith.constant 0 : i32
      scf.yield %scan3A_36 : i32
    }
    %scan3A_16 = arith.constant 640 : i32
    %mul3A_17 = arith.constant 10000 : i32
    %mul3A_18 = arith.muli %add3A, %mul3A_17 : i32
    "tpu.region"() ({
      %run_scoped3A_31 = tpu.sem_alloc : memref<!tpu.dma_semaphore, #tpu.memory_space<semaphore_mem>>
      %dma_start3A = tpu.memref_slice %arg2[%mul3A_18] : memref<320000xi32, #tpu.memory_space<hbm>> -> memref<10000xi32, #tpu.memory_space<hbm>>
      %dma_start3A_32 = tpu.memref_slice %arg2[%mul3A_18] : memref<320000xi32, #tpu.memory_space<hbm>> -> memref<10000xi32, #tpu.memory_space<hbm>>
      tpu.enqueue_dma source(%dma_start3A_32 : memref<10000xi32, #tpu.memory_space<hbm>>) target(%arg7 : memref<10000xi32, #tpu.memory_space<vmem>>) target_semaphore(%run_scoped3A_31 : memref<!tpu.dma_semaphore, #tpu.memory_space<semaphore_mem>>)
      %dma_wait3A = tpu.memref_slice %arg2[%mul3A_18] : memref<320000xi32, #tpu.memory_space<hbm>> -> memref<10000xi32, #tpu.memory_space<hbm>>
      %dma_wait3A_33 = tpu.memref_slice %arg2[%mul3A_18] : memref<320000xi32, #tpu.memory_space<hbm>> -> memref<10000xi32, #tpu.memory_space<hbm>>
      tpu.wait_dma2 semaphore(%run_scoped3A_31 : memref<!tpu.dma_semaphore, #tpu.memory_space<semaphore_mem>>) src(%dma_wait3A_33 : memref<10000xi32, #tpu.memory_space<hbm>>) dst(%arg7 : memref<10000xi32, #tpu.memory_space<vmem>>)
      tpu.yield
    }) : () -> ()
    %mul3A_19 = arith.constant 10000 : i32
    %mul3A_20 = arith.muli %add3A, %mul3A_19 : i32
    "tpu.region"() ({
      %run_scoped3A_31 = tpu.sem_alloc : memref<!tpu.dma_semaphore, #tpu.memory_space<semaphore_mem>>
      %dma_start3A = tpu.memref_slice %arg3[%mul3A_20] : memref<320000xi32, #tpu.memory_space<hbm>> -> memref<10000xi32, #tpu.memory_space<hbm>>
      %dma_start3A_32 = tpu.memref_slice %arg3[%mul3A_20] : memref<320000xi32, #tpu.memory_space<hbm>> -> memref<10000xi32, #tpu.memory_space<hbm>>
      tpu.enqueue_dma source(%dma_start3A_32 : memref<10000xi32, #tpu.memory_space<hbm>>) target(%arg8 : memref<10000xi32, #tpu.memory_space<vmem>>) target_semaphore(%run_scoped3A_31 : memref<!tpu.dma_semaphore, #tpu.memory_space<semaphore_mem>>)
      %dma_wait3A = tpu.memref_slice %arg3[%mul3A_20] : memref<320000xi32, #tpu.memory_space<hbm>> -> memref<10000xi32, #tpu.memory_space<hbm>>
      %dma_wait3A_33 = tpu.memref_slice %arg3[%mul3A_20] : memref<320000xi32, #tpu.memory_space<hbm>> -> memref<10000xi32, #tpu.memory_space<hbm>>
      tpu.wait_dma2 semaphore(%run_scoped3A_31 : memref<!tpu.dma_semaphore, #tpu.memory_space<semaphore_mem>>) src(%dma_wait3A_33 : memref<10000xi32, #tpu.memory_space<hbm>>) dst(%arg8 : memref<10000xi32, #tpu.memory_space<vmem>>)
      tpu.yield
    }) : () -> ()
    %broadcast_in_dim3A_21 = arith.constant 1.000000e+00 : f32
    %broadcast_in_dim3A_22 = vector.broadcast %broadcast_in_dim3A_21 : f32 to vector<16xf32>
    %scan3A_23 = arith.constant 0 : i32
    %scan3A_24 = arith.constant 0 : i32
    %scan3A_25 = arith.constant 625 : i32
    %scan3A_26 = arith.addi %scan3A_24, %scan3A_25 : i32
    %scan3A_27 = arith.constant 1 : i32
    %scan3A_28 = scf.for %scan3A_31 = %scan3A_24 to %scan3A_26 step %scan3A_27 iter_args(%scan3A_32 = %scan3A_23) -> (i32)  : i32 {
      %mul3A_33 = arith.constant 16 : i32
      %mul3A_34 = arith.muli %scan3A_31, %mul3A_33 : i32
      %get3A = arith.index_cast %mul3A_34 : i32 to index
      %get3A_35 = tpu.vector_load %arg7[%get3A] {strides = array<i32>} : memref<10000xi32, #tpu.memory_space<vmem>>, vector<16xi32>,
      tpu.vector_store_idx %arg5[%get3A_35], %broadcast_in_dim3A_22 {add = true} : memref<10240xf32, #tpu.memory_space<vmem>>[vector<16xi32>], vector<16xf32>,
      %mul3A_36 = arith.constant 16 : i32
      %mul3A_37 = arith.muli %scan3A_31, %mul3A_36 : i32
      %get3A_38 = arith.index_cast %mul3A_37 : i32 to index
      %get3A_39 = tpu.vector_load %arg8[%get3A_38] {strides = array<i32>} : memref<10000xi32, #tpu.memory_space<vmem>>, vector<16xi32>,
      tpu.vector_store_idx %arg6[%get3A_39], %broadcast_in_dim3A_22 {add = true} : memref<10240xf32, #tpu.memory_space<vmem>>[vector<16xi32>], vector<16xf32>,
      %scan3A_40 = arith.constant 0 : i32
      scf.yield %scan3A_40 : i32
    }
    %scan3A_29 = arith.constant 625 : i32
    %run_scoped3A = arith.constant 0 : i32
    "tpu.region"() ({
      %run_scoped3A_31 = tpu.sem_alloc : memref<!tpu.dma_semaphore, #tpu.memory_space<semaphore_mem>>
      %dma_start3A = arith.constant 0 : i32
      %dma_start3A_32 = tpu.memref_slice %arg4[%run_scoped3A, %add3A, %dma_start3A] : memref<2x32x10240xf32, #tpu.memory_space<hbm>> -> memref<1x1x10240xf32, #tpu.memory_space<hbm>>
      %dma_start3A_33 = tpu.memref_squeeze %dma_start3A_32 : memref<1x1x10240xf32, #tpu.memory_space<hbm>> -> memref<10240xf32, #tpu.memory_space<hbm>>
      %dma_start3A_34 = arith.constant 0 : i32
      %dma_start3A_35 = tpu.memref_slice %arg4[%run_scoped3A, %add3A, %dma_start3A_34] : memref<2x32x10240xf32, #tpu.memory_space<hbm>> -> memref<1x1x10240xf32, #tpu.memory_space<hbm>>
      %dma_start3A_36 = tpu.memref_squeeze %dma_start3A_35 : memref<1x1x10240xf32, #tpu.memory_space<hbm>> -> memref<10240xf32, #tpu.memory_space<hbm>>
      tpu.enqueue_dma source(%arg5 : memref<10240xf32, #tpu.memory_space<vmem>>) target(%dma_start3A_36 : memref<10240xf32, #tpu.memory_space<hbm>>) target_semaphore(%run_scoped3A_31 : memref<!tpu.dma_semaphore, #tpu.memory_space<semaphore_mem>>)
      %dma_wait3A = arith.constant 0 : i32
      %dma_wait3A_37 = tpu.memref_slice %arg4[%run_scoped3A, %add3A, %dma_wait3A] : memref<2x32x10240xf32, #tpu.memory_space<hbm>> -> memref<1x1x10240xf32, #tpu.memory_space<hbm>>
      %dma_wait3A_38 = tpu.memref_squeeze %dma_wait3A_37 : memref<1x1x10240xf32, #tpu.memory_space<hbm>> -> memref<10240xf32, #tpu.memory_space<hbm>>
      %dma_wait3A_39 = arith.constant 0 : i32
      %dma_wait3A_40 = tpu.memref_slice %arg4[%run_scoped3A, %add3A, %dma_wait3A_39] : memref<2x32x10240xf32, #tpu.memory_space<hbm>> -> memref<1x1x10240xf32, #tpu.memory_space<hbm>>
      %dma_wait3A_41 = tpu.memref_squeeze %dma_wait3A_40 : memref<1x1x10240xf32, #tpu.memory_space<hbm>> -> memref<10240xf32, #tpu.memory_space<hbm>>
      tpu.wait_dma2 semaphore(%run_scoped3A_31 : memref<!tpu.dma_semaphore, #tpu.memory_space<semaphore_mem>>) src(%arg5 : memref<10240xf32, #tpu.memory_space<vmem>>) dst(%dma_wait3A_41 : memref<10240xf32, #tpu.memory_space<hbm>>)
      tpu.yield
    }) : () -> ()
    %run_scoped3A_30 = arith.constant 1 : i32
    "tpu.region"() ({
      %run_scoped3A_31 = tpu.sem_alloc : memref<!tpu.dma_semaphore, #tpu.memory_space<semaphore_mem>>
      %dma_start3A = arith.constant 0 : i32
      %dma_start3A_32 = tpu.memref_slice %arg4[%run_scoped3A_30, %add3A, %dma_start3A] : memref<2x32x10240xf32, #tpu.memory_space<hbm>> -> memref<1x1x10240xf32, #tpu.memory_space<hbm>>
      %dma_start3A_33 = tpu.memref_squeeze %dma_start3A_32 : memref<1x1x10240xf32, #tpu.memory_space<hbm>> -> memref<10240xf32, #tpu.memory_space<hbm>>
      %dma_start3A_34 = arith.constant 0 : i32
      %dma_start3A_35 = tpu.memref_slice %arg4[%run_scoped3A_30, %add3A, %dma_start3A_34] : memref<2x32x10240xf32, #tpu.memory_space<hbm>> -> memref<1x1x10240xf32, #tpu.memory_space<hbm>>
      %dma_start3A_36 = tpu.memref_squeeze %dma_start3A_35 : memref<1x1x10240xf32, #tpu.memory_space<hbm>> -> memref<10240xf32, #tpu.memory_space<hbm>>
      tpu.enqueue_dma source(%arg6 : memref<10240xf32, #tpu.memory_space<vmem>>) target(%dma_start3A_36 : memref<10240xf32, #tpu.memory_space<hbm>>) target_semaphore(%run_scoped3A_31 : memref<!tpu.dma_semaphore, #tpu.memory_space<semaphore_mem>>)
      %dma_wait3A = arith.constant 0 : i32
      %dma_wait3A_37 = tpu.memref_slice %arg4[%run_scoped3A_30, %add3A, %dma_wait3A] : memref<2x32x10240xf32, #tpu.memory_space<hbm>> -> memref<1x1x10240xf32, #tpu.memory_space<hbm>>
      %dma_wait3A_38 = tpu.memref_squeeze %dma_wait3A_37 : memref<1x1x10240xf32, #tpu.memory_space<hbm>> -> memref<10240xf32, #tpu.memory_space<hbm>>
      %dma_wait3A_39 = arith.constant 0 : i32
      %dma_wait3A_40 = tpu.memref_slice %arg4[%run_scoped3A_30, %add3A, %dma_wait3A_39] : memref<2x32x10240xf32, #tpu.memory_space<hbm>> -> memref<1x1x10240xf32, #tpu.memory_space<hbm>>
      %dma_wait3A_41 = tpu.memref_squeeze %dma_wait3A_40 : memref<1x1x10240xf32, #tpu.memory_space<hbm>> -> memref<10240xf32, #tpu.memory_space<hbm>>
      tpu.wait_dma2 semaphore(%run_scoped3A_31 : memref<!tpu.dma_semaphore, #tpu.memory_space<semaphore_mem>>) src(%arg6 : memref<10240xf32, #tpu.memory_space<vmem>>) dst(%dma_wait3A_41 : memref<10240xf32, #tpu.memory_space<hbm>>)
      tpu.yield
    }) : () -> ()
    return
  }
}

#map = affine_map<(d0, d1) -> (0)>
#map1 = affine_map<(d0, d1) -> (0, 0)>
module attributes {stable_mosaic.version = 14 : i64} {
  func.func @_sc_ssum(%arg0: i32, %arg1: i32, %arg2: memref<320000xi32, #tpu.memory_space<hbm>>, %arg3: memref<320000xi32, #tpu.memory_space<hbm>>, %arg4: memref<320000xf32, #tpu.memory_space<hbm>>, %arg5: memref<10240xf32, #tpu.memory_space<hbm>>, %arg6: memref<32x10240xf32, #tpu.memory_space<hbm>>, %arg7: memref<10000xi32, #tpu.memory_space<vmem>>, %arg8: memref<10000xi32, #tpu.memory_space<vmem>>, %arg9: memref<10000xf32, #tpu.memory_space<vmem>>, %arg10: memref<10240xf32, #tpu.memory_space<vmem>>, %arg11: memref<10240xf32, #tpu.memory_space<vmem>>) attributes {dimension_semantics = [#tpu.dimension_semantics<core_parallel>, #tpu.dimension_semantics<subcore_parallel>], iteration_bounds = array<i64: 2, 16>, scalar_prefetch = 0 : i64, scratch_operands = 5 : i64, tpu.core_type = #tpu.core_type<sc_vector_subcore>, window_params = [{transform_indices = #map}, {transform_indices = #map}, {transform_indices = #map}, {transform_indices = #map}, {transform_indices = #map1}]} {
    %mul3A = arith.constant 16 : i32
    %mul3A_0 = arith.muli %arg0, %mul3A : i32
    %add3A = arith.addi %mul3A_0, %arg1 : i32
    %broadcast_in_dim3A = arith.constant 0.000000e+00 : f32
    %broadcast_in_dim3A_1 = vector.broadcast %broadcast_in_dim3A : f32 to vector<16xf32>
    %scan3A = arith.constant 0 : i32
    %scan3A_2 = arith.constant 0 : i32
    %scan3A_3 = arith.constant 640 : i32
    %scan3A_4 = arith.addi %scan3A_2, %scan3A_3 : i32
    %scan3A_5 = arith.constant 1 : i32
    %scan3A_6 = scf.for %scan3A_21 = %scan3A_2 to %scan3A_4 step %scan3A_5 iter_args(%scan3A_22 = %scan3A) -> (i32)  : i32 {
      %mul3A_23 = arith.constant 16 : i32
      %mul3A_24 = arith.muli %scan3A_21, %mul3A_23 : i32
      %swap3A = arith.index_cast %mul3A_24 : i32 to index
      %swap3A_25 = tpu.vector_load %arg11[%swap3A] {strides = array<i32>} : memref<10240xf32, #tpu.memory_space<vmem>>, vector<16xf32>,
      tpu.vector_store %arg11[%swap3A], %broadcast_in_dim3A_1 {strides = array<i32>} : memref<10240xf32, #tpu.memory_space<vmem>>, vector<16xf32>,
      %scan3A_26 = arith.constant 0 : i32
      scf.yield %scan3A_26 : i32
    }
    %scan3A_7 = arith.constant 640 : i32
    %mul3A_8 = arith.constant 10000 : i32
    %mul3A_9 = arith.muli %add3A, %mul3A_8 : i32
    "tpu.region"() ({
      %run_scoped3A = tpu.sem_alloc : memref<!tpu.dma_semaphore, #tpu.memory_space<semaphore_mem>>
      %dma_start3A = tpu.memref_slice %arg2[%mul3A_9] : memref<320000xi32, #tpu.memory_space<hbm>> -> memref<10000xi32, #tpu.memory_space<hbm>>
      %dma_start3A_21 = tpu.memref_slice %arg2[%mul3A_9] : memref<320000xi32, #tpu.memory_space<hbm>> -> memref<10000xi32, #tpu.memory_space<hbm>>
      tpu.enqueue_dma source(%dma_start3A_21 : memref<10000xi32, #tpu.memory_space<hbm>>) target(%arg7 : memref<10000xi32, #tpu.memory_space<vmem>>) target_semaphore(%run_scoped3A : memref<!tpu.dma_semaphore, #tpu.memory_space<semaphore_mem>>)
      %dma_wait3A = tpu.memref_slice %arg2[%mul3A_9] : memref<320000xi32, #tpu.memory_space<hbm>> -> memref<10000xi32, #tpu.memory_space<hbm>>
      %dma_wait3A_22 = tpu.memref_slice %arg2[%mul3A_9] : memref<320000xi32, #tpu.memory_space<hbm>> -> memref<10000xi32, #tpu.memory_space<hbm>>
      tpu.wait_dma2 semaphore(%run_scoped3A : memref<!tpu.dma_semaphore, #tpu.memory_space<semaphore_mem>>) src(%dma_wait3A_22 : memref<10000xi32, #tpu.memory_space<hbm>>) dst(%arg7 : memref<10000xi32, #tpu.memory_space<vmem>>)
      tpu.yield
    }) : () -> ()
    %mul3A_10 = arith.constant 10000 : i32
    %mul3A_11 = arith.muli %add3A, %mul3A_10 : i32
    "tpu.region"() ({
      %run_scoped3A = tpu.sem_alloc : memref<!tpu.dma_semaphore, #tpu.memory_space<semaphore_mem>>
      %dma_start3A = tpu.memref_slice %arg3[%mul3A_11] : memref<320000xi32, #tpu.memory_space<hbm>> -> memref<10000xi32, #tpu.memory_space<hbm>>
      %dma_start3A_21 = tpu.memref_slice %arg3[%mul3A_11] : memref<320000xi32, #tpu.memory_space<hbm>> -> memref<10000xi32, #tpu.memory_space<hbm>>
      tpu.enqueue_dma source(%dma_start3A_21 : memref<10000xi32, #tpu.memory_space<hbm>>) target(%arg8 : memref<10000xi32, #tpu.memory_space<vmem>>) target_semaphore(%run_scoped3A : memref<!tpu.dma_semaphore, #tpu.memory_space<semaphore_mem>>)
      %dma_wait3A = tpu.memref_slice %arg3[%mul3A_11] : memref<320000xi32, #tpu.memory_space<hbm>> -> memref<10000xi32, #tpu.memory_space<hbm>>
      %dma_wait3A_22 = tpu.memref_slice %arg3[%mul3A_11] : memref<320000xi32, #tpu.memory_space<hbm>> -> memref<10000xi32, #tpu.memory_space<hbm>>
      tpu.wait_dma2 semaphore(%run_scoped3A : memref<!tpu.dma_semaphore, #tpu.memory_space<semaphore_mem>>) src(%dma_wait3A_22 : memref<10000xi32, #tpu.memory_space<hbm>>) dst(%arg8 : memref<10000xi32, #tpu.memory_space<vmem>>)
      tpu.yield
    }) : () -> ()
    %mul3A_12 = arith.constant 10000 : i32
    %mul3A_13 = arith.muli %add3A, %mul3A_12 : i32
    "tpu.region"() ({
      %run_scoped3A = tpu.sem_alloc : memref<!tpu.dma_semaphore, #tpu.memory_space<semaphore_mem>>
      %dma_start3A = tpu.memref_slice %arg4[%mul3A_13] : memref<320000xf32, #tpu.memory_space<hbm>> -> memref<10000xf32, #tpu.memory_space<hbm>>
      %dma_start3A_21 = tpu.memref_slice %arg4[%mul3A_13] : memref<320000xf32, #tpu.memory_space<hbm>> -> memref<10000xf32, #tpu.memory_space<hbm>>
      tpu.enqueue_dma source(%dma_start3A_21 : memref<10000xf32, #tpu.memory_space<hbm>>) target(%arg9 : memref<10000xf32, #tpu.memory_space<vmem>>) target_semaphore(%run_scoped3A : memref<!tpu.dma_semaphore, #tpu.memory_space<semaphore_mem>>)
      %dma_wait3A = tpu.memref_slice %arg4[%mul3A_13] : memref<320000xf32, #tpu.memory_space<hbm>> -> memref<10000xf32, #tpu.memory_space<hbm>>
      %dma_wait3A_22 = tpu.memref_slice %arg4[%mul3A_13] : memref<320000xf32, #tpu.memory_space<hbm>> -> memref<10000xf32, #tpu.memory_space<hbm>>
      tpu.wait_dma2 semaphore(%run_scoped3A : memref<!tpu.dma_semaphore, #tpu.memory_space<semaphore_mem>>) src(%dma_wait3A_22 : memref<10000xf32, #tpu.memory_space<hbm>>) dst(%arg9 : memref<10000xf32, #tpu.memory_space<vmem>>)
      tpu.yield
    }) : () -> ()
    "tpu.region"() ({
      %run_scoped3A = tpu.sem_alloc : memref<!tpu.dma_semaphore, #tpu.memory_space<semaphore_mem>>
      tpu.enqueue_dma source(%arg5 : memref<10240xf32, #tpu.memory_space<hbm>>) target(%arg10 : memref<10240xf32, #tpu.memory_space<vmem>>) target_semaphore(%run_scoped3A : memref<!tpu.dma_semaphore, #tpu.memory_space<semaphore_mem>>)
      tpu.wait_dma2 semaphore(%run_scoped3A : memref<!tpu.dma_semaphore, #tpu.memory_space<semaphore_mem>>) src(%arg5 : memref<10240xf32, #tpu.memory_space<hbm>>) dst(%arg10 : memref<10240xf32, #tpu.memory_space<vmem>>)
      tpu.yield
    }) : () -> ()
    %scan3A_14 = arith.constant 0 : i32
    %scan3A_15 = arith.constant 0 : i32
    %scan3A_16 = arith.constant 625 : i32
    %scan3A_17 = arith.addi %scan3A_15, %scan3A_16 : i32
    %scan3A_18 = arith.constant 1 : i32
    %scan3A_19 = scf.for %scan3A_21 = %scan3A_15 to %scan3A_17 step %scan3A_18 iter_args(%scan3A_22 = %scan3A_14) -> (i32)  : i32 {
      %mul3A_23 = arith.constant 16 : i32
      %mul3A_24 = arith.muli %scan3A_21, %mul3A_23 : i32
      %get3A = arith.index_cast %mul3A_24 : i32 to index
      %get3A_25 = tpu.vector_load %arg8[%get3A] {strides = array<i32>} : memref<10000xi32, #tpu.memory_space<vmem>>, vector<16xi32>,
      %gather3A = tpu.vector_load_idx %arg10[%get3A_25] : memref<10240xf32, #tpu.memory_space<vmem>>[vector<16xi32>], vector<16xf32>,
      %mul3A_26 = arith.constant 16 : i32
      %mul3A_27 = arith.muli %scan3A_21, %mul3A_26 : i32
      %get3A_28 = arith.index_cast %mul3A_27 : i32 to index
      %get3A_29 = tpu.vector_load %arg9[%get3A_28] {strides = array<i32>} : memref<10000xf32, #tpu.memory_space<vmem>>, vector<16xf32>,
      %mul3A_30 = arith.constant 16 : i32
      %mul3A_31 = arith.muli %scan3A_21, %mul3A_30 : i32
      %get3A_32 = arith.index_cast %mul3A_31 : i32 to index
      %get3A_33 = tpu.vector_load %arg7[%get3A_32] {strides = array<i32>} : memref<10000xi32, #tpu.memory_space<vmem>>, vector<16xi32>,
      %mul3A_34 = arith.mulf %get3A_29, %gather3A : vector<16xf32>
      tpu.vector_store_idx %arg11[%get3A_33], %mul3A_34 {add = true} : memref<10240xf32, #tpu.memory_space<vmem>>[vector<16xi32>], vector<16xf32>,
      %scan3A_35 = arith.constant 0 : i32
      scf.yield %scan3A_35 : i32
    }
    %scan3A_20 = arith.constant 625 : i32
    "tpu.region"() ({
      %run_scoped3A = tpu.sem_alloc : memref<!tpu.dma_semaphore, #tpu.memory_space<semaphore_mem>>
      %dma_start3A = arith.constant 0 : i32
      %dma_start3A_21 = tpu.memref_slice %arg6[%add3A, %dma_start3A] : memref<32x10240xf32, #tpu.memory_space<hbm>> -> memref<1x10240xf32, #tpu.memory_space<hbm>>
      %dma_start3A_22 = tpu.memref_squeeze %dma_start3A_21 : memref<1x10240xf32, #tpu.memory_space<hbm>> -> memref<10240xf32, #tpu.memory_space<hbm>>
      %dma_start3A_23 = arith.constant 0 : i32
      %dma_start3A_24 = tpu.memref_slice %arg6[%add3A, %dma_start3A_23] : memref<32x10240xf32, #tpu.memory_space<hbm>> -> memref<1x10240xf32, #tpu.memory_space<hbm>>
      %dma_start3A_25 = tpu.memref_squeeze %dma_start3A_24 : memref<1x10240xf32, #tpu.memory_space<hbm>> -> memref<10240xf32, #tpu.memory_space<hbm>>
      tpu.enqueue_dma source(%arg11 : memref<10240xf32, #tpu.memory_space<vmem>>) target(%dma_start3A_25 : memref<10240xf32, #tpu.memory_space<hbm>>) target_semaphore(%run_scoped3A : memref<!tpu.dma_semaphore, #tpu.memory_space<semaphore_mem>>)
      %dma_wait3A = arith.constant 0 : i32
      %dma_wait3A_26 = tpu.memref_slice %arg6[%add3A, %dma_wait3A] : memref<32x10240xf32, #tpu.memory_space<hbm>> -> memref<1x10240xf32, #tpu.memory_space<hbm>>
      %dma_wait3A_27 = tpu.memref_squeeze %dma_wait3A_26 : memref<1x10240xf32, #tpu.memory_space<hbm>> -> memref<10240xf32, #tpu.memory_space<hbm>>
      %dma_wait3A_28 = arith.constant 0 : i32
      %dma_wait3A_29 = tpu.memref_slice %arg6[%add3A, %dma_wait3A_28] : memref<32x10240xf32, #tpu.memory_space<hbm>> -> memref<1x10240xf32, #tpu.memory_space<hbm>>
      %dma_wait3A_30 = tpu.memref_squeeze %dma_wait3A_29 : memref<1x10240xf32, #tpu.memory_space<hbm>> -> memref<10240xf32, #tpu.memory_space<hbm>>
      tpu.wait_dma2 semaphore(%run_scoped3A : memref<!tpu.dma_semaphore, #tpu.memory_space<semaphore_mem>>) src(%arg11 : memref<10240xf32, #tpu.memory_space<vmem>>) dst(%dma_wait3A_30 : memref<10240xf32, #tpu.memory_space<hbm>>)
      tpu.yield
    }) : () -> ()
    return
  }
}

module attributes {stable_mosaic.version = 14 : i64} {
  func.func @_tc_prep_body(%arg0: memref<32x10240xf32, #tpu.memory_space<vmem>>, %arg1: memref<32x10240xf32, #tpu.memory_space<vmem>>, %arg2: memref<10000x128xf32, #tpu.memory_space<vmem>>, %arg3: memref<128x128xf32, #tpu.memory_space<vmem>>, %arg4: memref<1x10240xf32, #tpu.memory_space<vmem>>, %arg5: memref<10240x1xf32, #tpu.memory_space<vmem>>, %arg6: memref<10000x128xf32, #tpu.memory_space<vmem>>) attributes {dimension_semantics = [], scalar_prefetch = 0 : i64, scratch_operands = 0 : i64, tpu.core_type = #tpu.core_type<tc>} {
    %get3A = arith.constant 0 : index
    %get3A_0 = arith.constant 0 : index
    %get3A_1 = vector.load %arg0[%get3A, %get3A_0] : memref<32x10240xf32, #tpu.memory_space<vmem>>, vector<32x10240xf32>
    %reduce_sum3A = arith.constant dense<0.000000e+00> : vector<10240xf32>
    %reduce_sum3A_2 = vector.multi_reduction <add>, %get3A_1, %reduce_sum3A [0] : vector<32x10240xf32> to vector<10240xf32>
    %broadcast_in_dim3A = vector.shape_cast %reduce_sum3A_2 : vector<10240xf32> to vector<1x10240xf32>
    %get3A_3 = arith.constant 0 : index
    %get3A_4 = arith.constant 0 : index
    %get3A_5 = vector.load %arg1[%get3A_3, %get3A_4] : memref<32x10240xf32, #tpu.memory_space<vmem>>, vector<32x10240xf32>
    %reduce_sum3A_6 = arith.constant dense<0.000000e+00> : vector<10240xf32>
    %reduce_sum3A_7 = vector.multi_reduction <add>, %get3A_5, %reduce_sum3A_6 [0] : vector<32x10240xf32> to vector<10240xf32>
    %broadcast_in_dim3A_8 = vector.shape_cast %reduce_sum3A_7 : vector<10240xf32> to vector<1x10240xf32>
    %jit3A = arith.constant 1.000000e+00 : f32
    %max3A = vector.broadcast %jit3A : f32 to vector<1x10240xf32>
    %max3A_9 = arith.maximumf %max3A, %broadcast_in_dim3A : vector<1x10240xf32>
    %rsqrt3A = math.rsqrt %max3A_9 : vector<1x10240xf32>
    %jit3A_10 = arith.constant 1.000000e+00 : f32
    %max3A_11 = vector.broadcast %jit3A_10 : f32 to vector<1x10240xf32>
    %max3A_12 = arith.maximumf %max3A_11, %broadcast_in_dim3A_8 : vector<1x10240xf32>
    %rsqrt3A_13 = math.rsqrt %max3A_12 : vector<1x10240xf32>
    %swap3A = arith.constant 0 : index
    %swap3A_14 = arith.constant 0 : index
    %swap3A_15 = vector.load %arg4[%swap3A, %swap3A_14] : memref<1x10240xf32, #tpu.memory_space<vmem>>, vector<1x10240xf32>
    tpu.vector_store %arg4[%swap3A, %swap3A_14], %rsqrt3A {strides = array<i32>} : memref<1x10240xf32, #tpu.memory_space<vmem>>, vector<1x10240xf32>,
    %transpose3A = tpu.transpose %rsqrt3A_13, [1, 0] : vector<1x10240xf32> -> vector<10240x1xf32>
    %swap3A_16 = arith.constant 0 : index
    %swap3A_17 = arith.constant 0 : index
    %swap3A_18 = vector.load %arg5[%swap3A_16, %swap3A_17] : memref<10240x1xf32, #tpu.memory_space<vmem>>, vector<10240x1xf32>
    tpu.vector_store %arg5[%swap3A_16, %swap3A_17], %transpose3A {strides = array<i32>} : memref<10240x1xf32, #tpu.memory_space<vmem>>, vector<10240x1xf32>,
    %get3A_19 = arith.constant 0 : index
    %get3A_20 = arith.constant 0 : index
    %get3A_21 = vector.load %arg2[%get3A_19, %get3A_20] : memref<10000x128xf32, #tpu.memory_space<vmem>>, vector<10000x128xf32>
    %transpose3A_22 = tpu.transpose %rsqrt3A, [1, 0] : vector<1x10240xf32> -> vector<10240x1xf32>
    %slice3A = vector.extract_strided_slice %transpose3A_22 {offsets = [0, 0], sizes = [10000, 1], strides = [1, 1]} : vector<10240x1xf32> to vector<10000x1xf32>
    %mul3A = vector.broadcast %slice3A : vector<10000x1xf32> to vector<10000x128xf32>
    %mul3A_23 = arith.mulf %get3A_21, %mul3A : vector<10000x128xf32>
    %get3A_24 = arith.constant 0 : index
    %get3A_25 = arith.constant 0 : index
    %get3A_26 = vector.load %arg3[%get3A_24, %get3A_25] : memref<128x128xf32, #tpu.memory_space<vmem>>, vector<128x128xf32>
    %dot_general3A = arith.constant dense<0.000000e+00> : vector<10000x128xf32>
    %dot_general3A_27 = tpu.matmul %mul3A_23, %get3A_26, %dot_general3A {dimension_numbers = #tpu.dot_dimension_numbers<[1], [0], [0], [1], [0, 0, 1, 1], [], []>, transpose_lhs_hint = false} : vector<10000x128xf32>, vector<128x128xf32>, vector<10000x128xf32> -> vector<10000x128xf32>
    %swap3A_28 = arith.constant 0 : index
    %swap3A_29 = arith.constant 0 : index
    %swap3A_30 = vector.load %arg6[%swap3A_28, %swap3A_29] : memref<10000x128xf32, #tpu.memory_space<vmem>>, vector<10000x128xf32>
    tpu.vector_store %arg6[%swap3A_28, %swap3A_29], %dot_general3A_27 {strides = array<i32>} : memref<10000x128xf32, #tpu.memory_space<vmem>>, vector<10000x128xf32>,
    return
  }
}

module attributes {stable_mosaic.version = 14 : i64} {
  func.func @_tc_finish_body(%arg0: memref<10240x128xf32, #tpu.memory_space<vmem>>, %arg1: memref<10240x128xf32, #tpu.memory_space<vmem>>, %arg2: memref<10240x1xf32, #tpu.memory_space<vmem>>, %arg3: memref<32x10240xf32, #tpu.memory_space<vmem>>, %arg4: memref<1x10240xf32, #tpu.memory_space<vmem>>, %arg5: memref<1x128xf32, #tpu.memory_space<vmem>>, %arg6: memref<128x128xf32, #tpu.memory_space<vmem>>, %arg7: memref<1x128xf32, #tpu.memory_space<vmem>>, %arg8: memref<1x128xf32, #tpu.memory_space<vmem>>) attributes {dimension_semantics = [], scalar_prefetch = 0 : i64, scratch_operands = 0 : i64, tpu.core_type = #tpu.core_type<tc>} {
    %get3A = arith.constant 0 : index
    %get3A_0 = arith.constant 0 : index
    %get3A_1 = vector.load %arg0[%get3A, %get3A_0] : memref<10240x128xf32, #tpu.memory_space<vmem>>, vector<10240x128xf32>
    %get3A_2 = arith.constant 0 : index
    %get3A_3 = arith.constant 0 : index
    %get3A_4 = vector.load %arg1[%get3A_2, %get3A_3] : memref<10240x128xf32, #tpu.memory_space<vmem>>, vector<10240x128xf32>
    %add3A = arith.addf %get3A_1, %get3A_4 : vector<10240x128xf32>
    %slice3A = vector.extract_strided_slice %add3A {offsets = [0, 0], sizes = [10000, 128], strides = [1, 1]} : vector<10240x128xf32> to vector<10000x128xf32>
    %get3A_5 = arith.constant 0 : index
    %get3A_6 = arith.constant 0 : index
    %get3A_7 = vector.load %arg2[%get3A_5, %get3A_6] : memref<10240x1xf32, #tpu.memory_space<vmem>>, vector<10240x1xf32>
    %slice3A_8 = vector.extract_strided_slice %get3A_7 {offsets = [0, 0], sizes = [10000, 1], strides = [1, 1]} : vector<10240x1xf32> to vector<10000x1xf32>
    %mul3A = vector.broadcast %slice3A_8 : vector<10000x1xf32> to vector<10000x128xf32>
    %mul3A_9 = arith.mulf %slice3A, %mul3A : vector<10000x128xf32>
    %get3A_10 = arith.constant 0 : index
    %get3A_11 = arith.constant 0 : index
    %get3A_12 = vector.load %arg5[%get3A_10, %get3A_11] : memref<1x128xf32, #tpu.memory_space<vmem>>, vector<1x128xf32>
    %add3A_13 = vector.broadcast %get3A_12 : vector<1x128xf32> to vector<10000x128xf32>
    %add3A_14 = arith.addf %mul3A_9, %add3A_13 : vector<10000x128xf32>
    %max3A = arith.constant 0.000000e+00 : f32
    %max3A_15 = vector.broadcast %max3A : f32 to vector<10000x128xf32>
    %max3A_16 = arith.maximumf %add3A_14, %max3A_15 : vector<10000x128xf32>
    %get3A_17 = arith.constant 0 : index
    %get3A_18 = arith.constant 0 : index
    %get3A_19 = vector.load %arg3[%get3A_17, %get3A_18] : memref<32x10240xf32, #tpu.memory_space<vmem>>, vector<32x10240xf32>
    %reduce_sum3A = arith.constant dense<0.000000e+00> : vector<10240xf32>
    %reduce_sum3A_20 = vector.multi_reduction <add>, %get3A_19, %reduce_sum3A [0] : vector<32x10240xf32> to vector<10240xf32>
    %broadcast_in_dim3A = vector.shape_cast %reduce_sum3A_20 : vector<10240xf32> to vector<1x10240xf32>
    %get3A_21 = arith.constant 0 : index
    %get3A_22 = arith.constant 0 : index
    %get3A_23 = vector.load %arg4[%get3A_21, %get3A_22] : memref<1x10240xf32, #tpu.memory_space<vmem>>, vector<1x10240xf32>
    %mul3A_24 = arith.mulf %broadcast_in_dim3A, %get3A_23 : vector<1x10240xf32>
    %slice3A_25 = vector.extract_strided_slice %mul3A_24 {offsets = [0, 0], sizes = [1, 10000], strides = [1, 1]} : vector<1x10240xf32> to vector<1x10000xf32>
    %dot_general3A = arith.constant dense<0.000000e+00> : vector<1x128xf32>
    %dot_general3A_26 = tpu.matmul %slice3A_25, %max3A_16, %dot_general3A {dimension_numbers = #tpu.dot_dimension_numbers<[1], [0], [0], [1], [0, 0, 1, 1], [], []>, transpose_lhs_hint = false} : vector<1x10000xf32>, vector<10000x128xf32>, vector<1x128xf32> -> vector<1x128xf32>
    %get3A_27 = arith.constant 0 : index
    %get3A_28 = arith.constant 0 : index
    %get3A_29 = vector.load %arg7[%get3A_27, %get3A_28] : memref<1x128xf32, #tpu.memory_space<vmem>>, vector<1x128xf32>
    %get3A_30 = arith.constant 0 : index
    %get3A_31 = arith.constant 0 : index
    %get3A_32 = vector.load %arg6[%get3A_30, %get3A_31] : memref<128x128xf32, #tpu.memory_space<vmem>>, vector<128x128xf32>
    %dot_general3A_33 = arith.constant dense<0.000000e+00> : vector<1x128xf32>
    %dot_general3A_34 = tpu.matmul %dot_general3A_26, %get3A_32, %dot_general3A_33 {dimension_numbers = #tpu.dot_dimension_numbers<[1], [0], [0], [1], [0, 0, 1, 1], [], []>, transpose_lhs_hint = false} : vector<1x128xf32>, vector<128x128xf32>, vector<1x128xf32> -> vector<1x128xf32>
    %mul3A_35 = arith.constant 9.99999974E-5 : f32
    %mul3A_36 = vector.broadcast %mul3A_35 : f32 to vector<1x128xf32>
    %mul3A_37 = arith.mulf %dot_general3A_34, %mul3A_36 : vector<1x128xf32>
    %add3A_38 = arith.addf %get3A_29, %mul3A_37 : vector<1x128xf32>
    %swap3A = arith.constant 0 : index
    %swap3A_39 = arith.constant 0 : index
    %swap3A_40 = vector.load %arg8[%swap3A, %swap3A_39] : memref<1x128xf32, #tpu.memory_space<vmem>>, vector<1x128xf32>
    tpu.vector_store %arg8[%swap3A, %swap3A_39], %add3A_38 {strides = array<i32>} : memref<1x128xf32, #tpu.memory_space<vmem>>, vector<1x128xf32>,
    return
  }
}

</mosaic_0001>

<sc_bundles>
// kernel: kernel.10.cloned.1.call-start
scs
__scs_entry_jumppad:
0x0: {  	(pc) =	sbr.rel $0x88, $3  }
0x1: {  	(tag) =	ssettag $0x0;
	lr =	simm.s32 $0x1  }
0x2: {  	[smem:$0x3F9A] =	sst lr;
	_ =	strace $0xD0000000  }
0x3: {  	_ = 	snop  }
0x4: {  	_ = 	snop  }
0x5: {  	_ = 	snop  }
0x6: {  	_ = 	snop  }
0x7: {  	_ = 	snop  }
__scs_overlays_trampoline_lowered:
0x8: {  	[smem:$0x3FA9] =	sst s0  }
0x9: {  	[smem:$0x3FAA] =	sst s1  }
0xa: {  	[smem:$0x3FAB] =	sst s2  }
0xb: {  	[smem:$0x3FAC] =	sst s3  }
0xc: {  	[smem:$0x3FAD] =	sst s4  }
0xd: {  	[smem:$0x3FAE] =	sst s5  }
0xe: {  	[smem:$0x3FAF] =	sst s6  }
0xf: {  	[smem:$0x3FB0] =	sst s7  }
0x10: {  	[smem:$0x3FB1] =	sst s8  }
0x11: {  	[smem:$0x3FB2] =	sst s9;
	s0 =	simm.s32 @!p0 $0x0  }
0x12: {  	s1 =	sld [smem:$0x3F98];
	s0 =	simm.s32 @p0 $0x1  }
0x13: {  	[smem:$0x3FB3] =	sst s0;
	s0 =	simm.s32 @!p1 $0x0  }
0x14: {  	s2 =	sld [smem:$0x3F97];
	s0 =	simm.s32 @p1 $0x1  }
0x15: {  	[smem:$0x3FB4] =	sst s0;
	s0 =	simm.s32 @!p2 $0x0  }
0x16: {  	s3 =	sld [smem:$0x3FDB];
	s0 =	simm.s32 @p2 $0x1  }
0x17: {  	s4 =	simm.s32 $0x1BF5;
	[smem:$0x3FB6] =	sst s0  }
0x18: {  	s0 =	sld [smem:$0x3F99];
	_ =	swait.ge [sflag:s4], $0x0  }
0x19: {  	s7 =	sld [smem:$0x3F9A]  }
0x1a: {  	s8 =	sadd.s32 $0xFFFFE003, lr  }
0x1b: {  	s9 =	sadd.s32 $0xFFFFFEF7, lr;
	s5 =	simm.s32 $0xFFFFFFFF;
	p2 =	slt.u32 s8, $0xFFFFF086  }
0x1c: {  	p1 =	slt.u32 s9, $0xF7A;
	s5 =	simm.s32 @!p2 $0x0  }
0x1d: {  	s5 =	simm.s32 @p1 $0x1;
	p0 =	seq.s32 s7, s2  }
0x1e: {  	s7 =	smul.u32 @!p0 $0xF7A, s2;
	p2 =	seq.s32 @!p0 s5, $0x0  }
0x1f: {  	s9 =	smul.u32 $0xF7A, s1;
	s8 =	simm.s32 @!p0 $0x1BF5;
	p2 =	por !p2, p0  }
0x20: {  	[sflag:s8] =	ssyncset.s32 @!p0 $0xFFFFF086;
	s6 =	sadd.s32 @!p0 s3, s7;
	s7 =	simm.s32 @!p0 $0x108  }
0x21: {  	s3 =	sadd.s32 s3, s9;
	s6 =	sadd.s32 @!p0 $0x88, s6;
	s7 =	simm.s32 @p2 $0x1082  }
0x22: {  	[simem:s7], [sflag:s8] =	dma.local @!p0 [hbm:s6], $0xF7A  }
0x23: {  	s9 =	sor.u32 $0xD0000000, s2;
	s6 =	simm.s32 $0x108;
	_ =	swait.ge @!p0 [sflag:s8], $0x0  }
0x24: {  	s3 =	sadd.s32 $0x88, s3;
	s6 =	simm.s32 @!p1 $0x1082;
	[sflag:s4] =	ssyncset.s32 $0xFFFFF086  }
0x25: {  	[simem:s6], [sflag:s4] =	dma.local [hbm:s3], $0xF7A  }
0x26: {  	[smem:$0x3F9A] =	sst s1;
	(tag) =	ssettag s2;
	_ =	strace s9  }
0x27: {  	s1 =	sld [smem:$0x3FAA]  }
0x28: {  	s2 =	sld [smem:$0x3FAB]  }
0x29: {  	s4 =	sld [smem:$0x3FAD]  }
0x2a: {  	p0 =	seq.s32 s5, $0x0;
	s5 =	sld [smem:$0x3FAE]  }
0x2b: {  	s6 =	sld [smem:$0x3FAF]  }
0x2c: {  	s7 =	sld [smem:$0x3FB0]  }
0x2d: {  	s3 =	simm.s32 $0x108;
	s8 =	sld [smem:$0x3FB1]  }
0x2e: {  	s3 =	simm.s32 @!p0 $0x1082;
	s9 =	sld [smem:$0x3FB2]  }
0x2f: {  	lr =	sadd.s32 s0, s3;
	s0 =	sld [smem:$0x3FA9]  }
0x30: {  	s3 =	sld [smem:$0x3FAC]  }
0x31: {  	[smem:$0x3FB5] =	sst s10  }
0x32: {  	s10 =	sld [smem:$0x3FB3];
	_ =	sdelay $0x3  }
0x33: {  	p0 =	seq.s32 s10, $0x1;
	s10 =	sld [smem:$0x3FB5];
	_ =	sdelay $0x3  }
0x34: {  	[smem:$0x3FB5] =	sst s10  }
0x35: {  	s10 =	sld [smem:$0x3FB4];
	_ =	sdelay $0x3  }
0x36: {  	p1 =	seq.s32 s10, $0x1;
	s10 =	sld [smem:$0x3FB5];
	_ =	sdelay $0x3  }
0x37: {  	[smem:$0x3FB5] =	sst s10  }
0x38: {  	s10 =	sld [smem:$0x3FB6]  }
0x39: {  	_ = 	snop;
	(pc) =	sbr.ind lr, $3  }
0x3a: {  	_ = 	snop  }
0x3b: {  	_ = 	snop  }
0x3c: {  	p2 =	seq.s32 s10, $0x1;
	s10 =	sld [smem:$0x3FB5]  }
0x3d: {  	_ =	shalt  }
0x3e: {  	_ =	shalt  }
0x3f: {  	_ =	shalt  }
0x40: {  	_ =	shalt  }
0x41: {  	_ =	shalt  }
0x42: {  	_ =	shalt  }
0x43: {  	_ =	shalt  }
0x44: {  	_ =	shalt  }
0x45: {  	_ =	shalt  }
0x46: {  	_ =	shalt  }
0x47: {  	_ =	shalt  }
0x48: {  	_ =	shalt  }
0x49: {  	_ =	shalt  }
0x4a: {  	_ =	shalt  }
0x4b: {  	_ =	shalt  }
0x4c: {  	_ =	shalt  }
0x4d: {  	_ =	shalt  }
0x4e: {  	_ =	shalt  }
0x4f: {  	_ =	shalt  }
0x50: {  	_ =	shalt  }
0x51: {  	_ =	shalt  }
0x52: {  	_ =	shalt  }
0x53: {  	_ =	shalt  }
0x54: {  	_ =	shalt  }
0x55: {  	_ =	shalt  }
0x56: {  	_ =	shalt  }
0x57: {  	_ =	shalt  }
0x58: {  	_ =	shalt  }
0x59: {  	_ =	shalt  }
0x5a: {  	_ =	shalt  }
0x5b: {  	_ =	shalt  }
0x5c: {  	_ =	shalt  }
0x5d: {  	_ =	shalt  }
0x5e: {  	_ =	shalt  }
0x5f: {  	_ =	shalt  }
0x60: {  	_ =	shalt  }
0x61: {  	_ =	shalt  }
0x62: {  	_ =	shalt  }
0x63: {  	_ =	shalt  }
0x64: {  	_ =	shalt  }
0x65: {  	_ =	shalt  }
0x66: {  	_ =	shalt  }
0x67: {  	_ =	shalt  }
0x68: {  	_ =	shalt  }
0x69: {  	_ =	shalt  }
0x6a: {  	_ =	shalt  }
0x6b: {  	_ =	shalt  }
0x6c: {  	_ =	shalt  }
0x6d: {  	_ =	shalt  }
0x6e: {  	_ =	shalt  }
0x6f: {  	_ =	shalt  }
0x70: {  	_ =	shalt  }
0x71: {  	_ =	shalt  }
0x72: {  	_ =	shalt  }
0x73: {  	_ =	shalt  }
0x74: {  	_ =	shalt  }
0x75: {  	_ =	shalt  }
0x76: {  	_ =	shalt  }
0x77: {  	_ =	shalt  }
0x78: {  	_ =	shalt  }
0x79: {  	_ =	shalt  }
0x7a: {  	_ =	shalt  }
0x7b: {  	_ =	shalt  }
0x7c: {  	_ =	shalt  }
0x7d: {  	_ =	shalt  }
0x7e: {  	_ =	shalt  }
0x7f: {  	_ =	shalt  }
0x80: {  	_ =	shalt  }
0x81: {  	_ =	shalt  }
0x82: {  	_ =	shalt  }
0x83: {  	_ =	shalt  }
0x84: {  	_ =	shalt  }
0x85: {  	_ =	shalt  }
0x86: {  	_ =	shalt  }
0x87: {  	_ =	shalt  }
.Lfunc_end0:
.L_simem_size_0:
called_computation.1_lowered:
.L_overlay_start_0:
0x88: {  	s2 =	sld [smem:$0x3FD9]  }
0x89: {  	s3 =	sld [smem:$0x3FFE];
	_ =	sdelay $0x1  }
0x8a: {  	s1 =	srdreg.scid  }
0x8b: {  	s0 =	sand.u32 $0x1, s1  }
0x8c: {  	s16 =	sshll.u32 s0, $0xA;
	s2 =	sadd.s32 s3, s2  }
0x8d: {  	s2 =	sadd.s32 s2, s16  }
0x8e: {  	[smem:$0x3FC1] =	sst s2  }
0x8f: {  	_ = 	snop  }
0x90: {  	(tm) =	ssettm $0x1  }
0x91: {  	s17 =	sld [smem:$0x3FFB];
	_ =	sdelay $0x3  }
0x92: {  	_ =	strace s17  }
0x93: {  	s2 =	sld [smem:$0x3FFC];
	_ =	sdelay $0x3  }
0x94: {  	_ =	strace s2  }
0x95: {  	s2 =	sld [smem:$0x3FFD];
	_ =	sdelay $0x3  }
0x96: {  	_ =	strace s2  }
0x97: {  	_ =	strace $0x8FFFFFFF  }
0x98: {  	s18 =	sld [smem:$0x3FDB];
	_ =	sdelay $0x1  }
0x99: {  	s19 =	simm.s32 $_scs_section_size  }
0x9a: {  	s4 =	simm.s32 $_size__tile_overlayer_lowered;
	s5 =	simm.s32 $_tile_overlayer_lowered  }
0x9b: {  	s22 =	simm.s32 $0x1BFF;
	s21 =	sshll.u32 s5, $0x1;
	s2 =	sadd.s32 s19, s18  }
0x9c: {  	s6 =	simm.s32 $0x0;
	s20 =	sshll.u32 s4, $0x1;
	s4 =	sadd.s32 s21, s2  }
0x9d: {  	[timem:s6], [sflag:s22] =	dma.local [hbm:s4], s20  }
0x9e: {  	_ =	swait.ge [sflag:s22], s20  }
0x9f: {  	s3 =	ssub.s32 $0x0, s20;
	[sflag:s22] =	ssyncset.done $0x0  }
0xa0: {  	[sflag:s22] =	ssyncadd.s32 s3;
	_ =	sdelay $0x1  }
0xa1: {  	s23 =	simm.s32 $0x1B8B  }
0xa2: {  	_ =	swait.ge [sflag:s23], $0x1  }
0xa3: {  	[sflag:s23] =	ssyncset.done $0x0  }
0xa4: {  	s25 =	simm.s32 $0x1B8E;
	s24 =	sld [smem:$0x3FFE];
	[sflag:s23] =	ssyncadd.s32 $0xFFFFFFFF  }
0xa5: {  	s26 =	simm.s32 $execute0_lowered;
	[smem:$0x3FD2] =	sst s25  }
0xa6: {  	s4 =	sshll.u32 s26, $0x1;
	_ =	strace $0x80000049;
	[dreg:$0x1] =	wrdreg $0xFFFFFFFF  }
0xa7: {  	s28 =	simm.s32 $_size_execute0_lowered;
	s2 =	sadd.s32 s2, s4;
	[dreg:$0x0] =	wrdreg $0x0  }
0xa8: {  	s4 =	sshll.u32 s28, $0x1;
	[dreg:$0x2] =	wrdreg s2  }
0xa9: {  	[dreg:$0x3] =	wrdreg s4  }
0xaa: {  	[dreg:$0x4] =	wrdreg $0xC0  }
0xab: {  	_ =	task [dreg:s6], $0x5FFFF  }
0xac: {  	[dreg:$0x1] =	wrdreg $0xFFFFFFFF  }
0xad: {  	[dreg:$0x0] =	wrdreg $0x60  }
0xae: {  	[dreg:$0x2] =	wrdreg s24  }
0xaf: {  	[dreg:$0x3] =	wrdreg $0x42000  }
0xb0: {  	[dreg:$0x4] =	wrdreg $0x9  }
0xb1: {  	_ =	task.clear_ibuf [dreg:s6], $0x5FFFF;
	_ =	strace $0x90000049  }
0xb2: {  	s29 =	simm.s32 $0x9;
	_ =	strace $0x8000004B  }
0xb3: {  	_ =	swait.ge [sflag:s29], $0x1  }
0xb4: {  	[sflag:s29] =	ssyncadd.s32 $0xFFFFFFFF  }
0xb5: {  	_ =	strace $0x9000004B  }
0xb6: {  	_ =	sfence  }
0xb7: {  	s30 =	sld [smem:$0x0];
	_ =	sdelay $0x2  }
0xb8: {  	s31 =	sshll.u32 s1, $0xD;
	s1 =	sshrl.u32 s1, $0x2  }
0xb9: {  	s3 =	sand.u32 $0x4000, s31;
	s1 =	sadd.s32 s1, s30  }
0xba: {  	s0 =	sor.u32 s3, s0;
	s1 =	sshll.u32 s1, $0x11  }
0xbb: {  	s0 =	sor.u32 s1, s0  }
0xbc: {  	s0 =	sadd.s32 $0x8F2B, s0  }
0xbd: {  	[sflag:s0] =	ssyncadd.remote.s32 $0x1  }
0xbe: {  	_ =	sfence.sel $0xFFFF  }
0xbf: {  	[dreg:$0x0] =	wrdreg $0xFFFFFFFF;
	(pc) =	sbr.abs _section_cstart, $3  }
0xc0: {  	[dreg:$0x1] =	wrdreg $0xFFFFFFFF  }
0xc1: {  	_ =	task.clear_ibuf [dreg:s6], $0x2FFFF;
	_ =	strace $0x9FFFFFFF  }
0xc2: {  	(tm) =	ssettm $0x7FFFFFFF  }
0xc3: {  	_ =	shalt  }
tec
execute0_lowered:
.L_overlay_start_1:
0x0: {  	(tag) =	ssettag $0x1  }
0x1: {  	s6 =	rddreg [dreg:$0x0]  }
0x2: {  	s1 =	rddreg [dreg:$0x1]  }
0x3: {  	s2 =	srdreg.scid;
	s0 =	rddreg [dreg:$0x2];
	s3 =	simm.s32 $0x0  }
0x4: {  	s14 =	simm.s32 $0x200;
	s15 =	simm.s32 $0x2;
	s7 =	sand.u32 $0x1, s2  }
0x5: {  	s16 =	simm.s32 $0x80;
	s2 =	stileid.u32;
	s5 =	smul.u32 $0x140000, s7  }
0x6: {  	s17 =	simm.s32 $0x1;
	[smem:$0x7FF] =	sst s3;
	s8 =	smul.u32 $0x14000, s2  }
0x7: {  	s4 =	sadd.s32 $0x51200, s6;
	_ =	strace $0x8000004A;
	s9 =	smul.u32 $0x50000, s2  }
0x8: {  	s10 =	ssub.s32 $0x2, s7;
	s7 =	sshll.u32 s7, $0x4;
	s18 =	sshll.u32 s2, $0x6  }
0x9: {  	s30 =	sshrl.u32 s10, $0x1;
	s11 =	sor.u32 s2, s7;
	s18 =	sor.u32 $0x1C02, s18  }
0xa: {  	s8 =	sadd.s32 s8, s5;
	s5 =	sadd.s32 $0x29A00, s6;
	s31 =	sshrl.u32 s9, $0x2  }
0xb: {  	s13 =	ssub.s32 s10, s30;
	s11 =	smul.u32 $0x9E00, s11;
	s8 =	sshrl.u32 s8, $0x3  }
0xc: {  	s13 =	smax.u32 s13, $0x1;
	s12 =	sadd.s32 s8, s6;
	s6 =	sadd.s32 s31, s1  }
0xd: {  	s7 =	sadd.s32 $0x4000, s6;
	s8 =	sadd.s32 $0x8000, s6;
	s9 =	sadd.s32 $0xC000, s6  }
0xe: {  	v0 =	vimm.f32 $0.0e+00;
	s10 =	sadd.s32 $0x10000, s6;
	s12 =	sadd.s32 $0x78400, s12;
	s19 =	sshrl.u32 s6, $0x3  }
.LBB2_1:
0xf: {  	s20 =	simm.s32 $0x0;
	s21 =	simm.s32 $0x200  }
.LBB2_2:
0x10: {  	p0 =	sne.s32 s21, $0xFE00;
	[tilespmem:s20+$0x270] =	vst v0  }
0x11: {  	[tilespmem:s20+$0x200] =	vst v0  }
0x12: {  	[tilespmem:s20+$0x210] =	vst v0  }
.Ltmp0:
0x13: {  	[tilespmem:s20+$0x220] =	vst v0;
	(pc) =	sbr.rel @p0 .LBB2_2-.Ltmp0, $4  }
0x14: {  	[tilespmem:s20+$0x230] =	vst v0  }
0x15: {  	[tilespmem:s20+$0x240] =	vst v0  }
0x16: {  	[tilespmem:s20+$0x250] =	vst v0  }
0x17: {  	[tilespmem:s20+$0x260] =	vst v0;
	s20 =	sshra.s32 s21, $0x2;
	s21 =	sadd.s32 $0x200, s21  }
0x18: {  	[tilespmem:s20+$0x270] =	vst v0  }
0x19: {  	[tilespmem:s20+$0x200] =	vst v0  }
0x1a: {  	[tilespmem:s20+$0x210] =	vst v0  }
0x1b: {  	[tilespmem:s20+$0x220] =	vst v0  }
0x1c: {  	[tilespmem:s20+$0x230] =	vst v0  }
0x1d: {  	[tilespmem:s20+$0x240] =	vst v0  }
0x1e: {  	[tilespmem:s20+$0x250] =	vst v0  }
0x1f: {  	[tilespmem:s20+$0x260] =	vst v0  }
0x20: {  	[spmem:s6] =	stream.linear.scatter [tilespmem:s14], [sflag:$0x2], $0x4000, $0x38;
	[tilespmem:$0x18200] =	vst v63  }
0x21: {  	_ =	swait.ge [sflag:s15], $0x4000  }
0x22: {  	[sflag:s15] =	ssyncset.done $0x0  }
0x23: {  	[sflag:s15] =	ssyncadd.s32 $0xFFFFC000  }
0x24: {  	[spmem:s7] =	stream.linear.scatter [tilespmem:s14], [sflag:$0x2], $0x4000, $0x38;
	[tilespmem:$0x18200] =	vst v63  }
0x25: {  	_ =	swait.ge [sflag:s15], $0x4000  }
0x26: {  	[sflag:s15] =	ssyncset.done $0x0  }
0x27: {  	[sflag:s15] =	ssyncadd.s32 $0xFFFFC000  }
0x28: {  	[spmem:s8] =	stream.linear.scatter [tilespmem:s14], [sflag:$0x2], $0x4000, $0x38;
	[tilespmem:$0x18200] =	vst v63  }
0x29: {  	_ =	swait.ge [sflag:s15], $0x4000  }
0x2a: {  	[sflag:s15] =	ssyncset.done $0x0  }
0x2b: {  	[sflag:s15] =	ssyncadd.s32 $0xFFFFC000  }
0x2c: {  	[spmem:s9] =	stream.linear.scatter [tilespmem:s14], [sflag:$0x2], $0x4000, $0x38;
	[tilespmem:$0x18200] =	vst v63  }
0x2d: {  	_ =	swait.ge [sflag:s15], $0x4000  }
0x2e: {  	[sflag:s15] =	ssyncset.done $0x0  }
0x2f: {  	[sflag:s15] =	ssyncadd.s32 $0xFFFFC000  }
0x30: {  	[spmem:s10] =	stream.linear.scatter [tilespmem:s14], [sflag:$0x2], $0x4000, $0x38;
	[tilespmem:$0x18200] =	vst v63  }
0x31: {  	_ =	swait.ge [sflag:s15], $0x4000  }
0x32: {  	[sflag:s15] =	ssyncset.done $0x0  }
0x33: {  	[sflag:s15] =	ssyncadd.s32 $0xFFFFC000  }
0x34: {  	s20 =	simm.s32 $0x0;
	s21 =	simm.s32 $0x0;
	[bflag:$0x0] =	sbarrier.arrive $0xFFFF  }
.LBB2_4:
0x35: {  	s22 =	sshll.u32 s21, $0x9  }
0x36: {  	s22 =	sadd.s32 s11, s22  }
0x37: {  	s22 =	sshrl.u32 s22, $0x3  }
0x38: {  	s22 =	sadd.s32 s5, s22  }
0x39: {  	[tilespmem:s20], [sflag:$0x2] =	stream.linear.gather [hbm4b:s22+s20], $0x200, $0x38;
	[tilespmem:$0x18200] =	vst v63  }
0x3a: {  	_ =	swait.ge [sflag:s15], $0x200  }
0x3b: {  	[sflag:s15] =	ssyncset.done $0x0  }
0x3c: {  	[sflag:s15] =	ssyncadd.s32 $0xFFFFFE00  }
0x3d: {  	[tilespmem:s14], [sflag:$0x1] =	stream.indirect.gather [hbm4b:s4+s16], $0x80, s20, s16, $0xb8;
	[tilespmem:$0x18200] =	vst v63  }
0x3e: {  	_ =	swait.ge [sflag:s17], $0x4000  }
0x3f: {  	[sflag:s17] =	ssyncset.done $0x0  }
0x40: {  	s22 =	simm.s32 $0x0;
	[sflag:s17] =	ssyncadd.s32 $0xFFFFC000  }
.LBB2_5:
0x41: {  	s24 =	sshll.u32 s22, $0x4  }
0x42: {  	s23 =	sand.u32 $0x3FFFFFF0, s24  }
0x43: {  	s25 =	sshll.u32 s22, $0xB;
	v2 =	vld [tilespmem:s23+$0x100]  }
0x44: {  	s29 =	sand.u32 $0x3FFFF800, s25  }
0x45: {  	v1 =	vld [tilespmem:s29+$0x200]  }
0x46: {  	v3 =	vld [tilespmem:s29+$0x210]  }
0x47: {  	v4 =	vld [tilespmem:s29+$0x220]  }
0x48: {  	v6 =	vld [tilespmem:s29+$0x230];
	v5 =	vbroadcast v2, $0x0  }
0x49: {  	v7 =	vld [tilespmem:s29+$0x240]  }
0x4a: {  	v8 =	vld [tilespmem:s29+$0x250];
	v1 =	vmul.f32 v5, v1  }
0x4b: {  	v9 =	vld [tilespmem:s29+$0x260];
	v3 =	vmul.f32 v3, v5  }
0x4c: {  	[tilespmem:s29+$0x200] =	vst v1;
	v1 =	vmul.f32 v4, v5  }
0x4d: {  	[tilespmem:s29+$0x210] =	vst v3;
	v3 =	vmul.f32 v6, v5  }
0x4e: {  	[tilespmem:s29+$0x220] =	vst v1;
	v1 =	vmul.f32 v7, v5  }
0x4f: {  	[tilespmem:s29+$0x230] =	vst v3;
	v3 =	vmul.f32 v8, v5  }
0x50: {  	[tilespmem:s29+$0x240] =	vst v1;
	v1 =	vmul.f32 v9, v5  }
0x51: {  	[tilespmem:s29+$0x250] =	vst v3  }
0x52: {  	[tilespmem:s29+$0x260] =	vst v1  }
0x53: {  	v1 =	vld [tilespmem:s29+$0x270]  }
0x54: {  	v3 =	vld [tilespmem:s29+$0x280]  }
0x55: {  	v46 =	vld [tilespmem:s29+$0x290]  }
0x56: {  	v47 =	vld [tilespmem:s29+$0x2A0]  }
0x57: {  	v48 =	vld [tilespmem:s29+$0x2B0]  }
0x58: {  	v49 =	vbroadcast v2, $0x1;
	v50 =	vld [tilespmem:s29+$0x2C0]  }
0x59: {  	v51 =	vld [tilespmem:s29+$0x2D0];
	v1 =	vmul.f32 v1, v5  }
0x5a: {  	v10 =	vld [tilespmem:s29+$0x2E0];
	v3 =	vmul.f32 v3, v49  }
0x5b: {  	v52 =	vld [tilespmem:s29+$0x2F0];
	[tilespmem:s29+$0x270] =	vst v1;
	v1 =	vmul.f32 v46, v49  }
0x5c: {  	v53 =	vld [tilespmem:s29+$0x300];
	[tilespmem:s29+$0x280] =	vst v3;
	v3 =	vmul.f32 v47, v49  }
0x5d: {  	v54 =	vld [tilespmem:s29+$0x310];
	[tilespmem:s29+$0x290] =	vst v1;
	v1 =	vmul.f32 v48, v49  }
0x5e: {  	v55 =	vld [tilespmem:s29+$0x320];
	[tilespmem:s29+$0x2A0] =	vst v3;
	v3 =	vmul.f32 v50, v49  }
0x5f: {  	v56 =	vld [tilespmem:s29+$0x330];
	[tilespmem:s29+$0x2B0] =	vst v1;
	v1 =	vmul.f32 v51, v49  }
0x60: {  	v57 =	vbroadcast v2, $0x2;
	v11 =	vld [tilespmem:s29+$0x340];
	[tilespmem:s29+$0x2C0] =	vst v3;
	v3 =	vmul.f32 v10, v49  }
0x61: {  	v58 =	vld [tilespmem:s29+$0x350];
	[tilespmem:s29+$0x2D0] =	vst v1;
	v1 =	vmul.f32 v52, v49  }
0x62: {  	v59 =	vld [tilespmem:s29+$0x360];
	[tilespmem:s29+$0x2E0] =	vst v3;
	v3 =	vmul.f32 v53, v57  }
0x63: {  	v60 =	vld [tilespmem:s29+$0x370];
	[tilespmem:s29+$0x2F0] =	vst v1;
	v1 =	vmul.f32 v54, v57  }
0x64: {  	v61 =	vld [tilespmem:s29+$0x380];
	[tilespmem:s29+$0x300] =	vst v3;
	v3 =	vmul.f32 v55, v57  }
0x65: {  	v62 =	vld [tilespmem:s29+$0x390];
	[tilespmem:s29+$0x310] =	vst v1;
	v1 =	vmul.f32 v56, v57  }
0x66: {  	v63 =	vld [tilespmem:s29+$0x3A0];
	[tilespmem:s29+$0x320] =	vst v3;
	v3 =	vmul.f32 v11, v57  }
0x67: {  	v12 =	vld [tilespmem:s29+$0x3B0];
	[tilespmem:s29+$0x330] =	vst v1;
	v1 =	vmul.f32 v58, v57  }
0x68: {  	v13 =	vbroadcast v2, $0x3;
	v14 =	vld [tilespmem:s29+$0x3C0];
	[tilespmem:s29+$0x340] =	vst v3;
	v3 =	vmul.f32 v59, v57  }
0x69: {  	v15 =	vld [tilespmem:s29+$0x3D0];
	[tilespmem:s29+$0x350] =	vst v1;
	v1 =	vmul.f32 v60, v57  }
0x6a: {  	v16 =	vld [tilespmem:s29+$0x3E0];
	[tilespmem:s29+$0x360] =	vst v3;
	v3 =	vmul.f32 v61, v13  }
0x6b: {  	v17 =	vld [tilespmem:s29+$0x3F0];
	[tilespmem:s29+$0x370] =	vst v1;
	v1 =	vmul.f32 v62, v13  }
0x6c: {  	v18 =	vld [tilespmem:s29+$0x400];
	[tilespmem:s29+$0x380] =	vst v3;
	v3 =	vmul.f32 v63, v13  }
0x6d: {  	v19 =	vld [tilespmem:s29+$0x410];
	[tilespmem:s29+$0x390] =	vst v1;
	v1 =	vmul.f32 v12, v13  }
0x6e: {  	v20 =	vld [tilespmem:s29+$0x420];
	[tilespmem:s29+$0x3A0] =	vst v3;
	v3 =	vmul.f32 v14, v13  }
0x6f: {  	v21 =	vld [tilespmem:s29+$0x430];
	[tilespmem:s29+$0x3B0] =	vst v1;
	v1 =	vmul.f32 v15, v13  }
0x70: {  	v22 =	vbroadcast v2, $0x4;
	v23 =	vld [tilespmem:s29+$0x440];
	[tilespmem:s29+$0x3C0] =	vst v3;
	v3 =	vmul.f32 v16, v13  }
0x71: {  	v24 =	vld [tilespmem:s29+$0x450];
	[tilespmem:s29+$0x3D0] =	vst v1;
	v1 =	vmul.f32 v17, v13  }
0x72: {  	v25 =	vld [tilespmem:s29+$0x460];
	[tilespmem:s29+$0x3E0] =	vst v3;
	v3 =	vmul.f32 v18, v22  }
0x73: {  	v26 =	vld [tilespmem:s29+$0x470];
	[tilespmem:s29+$0x3F0] =	vst v1;
	v1 =	vmul.f32 v19, v22  }
0x74: {  	v27 =	vld [tilespmem:s29+$0x480];
	[tilespmem:s29+$0x400] =	vst v3;
	v3 =	vmul.f32 v20, v22  }
0x75: {  	v28 =	vld [tilespmem:s29+$0x490];
	[tilespmem:s29+$0x410] =	vst v1;
	v1 =	vmul.f32 v21, v22  }
0x76: {  	v29 =	vld [tilespmem:s29+$0x4A0];
	[tilespmem:s29+$0x420] =	vst v3;
	v3 =	vmul.f32 v23, v22  }
0x77: {  	v30 =	vld [tilespmem:s29+$0x4B0];
	[tilespmem:s29+$0x430] =	vst v1;
	v1 =	vmul.f32 v24, v22  }
0x78: {  	v31 =	vbroadcast v2, $0x5;
	v32 =	vld [tilespmem:s29+$0x4C0];
	[tilespmem:s29+$0x440] =	vst v3;
	v3 =	vmul.f32 v25, v22  }
0x79: {  	v33 =	vld [tilespmem:s29+$0x4D0];
	[tilespmem:s29+$0x450] =	vst v1;
	v1 =	vmul.f32 v26, v22  }
0x7a: {  	v34 =	vld [tilespmem:s29+$0x4E0];
	[tilespmem:s29+$0x460] =	vst v3;
	v3 =	vmul.f32 v27, v31  }
0x7b: {  	v35 =	vld [tilespmem:s29+$0x4F0];
	[tilespmem:s29+$0x470] =	vst v1;
	v1 =	vmul.f32 v28, v31  }
0x7c: {  	v36 =	vld [tilespmem:s29+$0x500];
	[tilespmem:s29+$0x480] =	vst v3;
	v3 =	vmul.f32 v29, v31  }
0x7d: {  	v37 =	vld [tilespmem:s29+$0x510];
	[tilespmem:s29+$0x490] =	vst v1;
	v1 =	vmul.f32 v30, v31  }
0x7e: {  	v38 =	vld [tilespmem:s29+$0x520];
	[tilespmem:s29+$0x4A0] =	vst v3;
	v3 =	vmul.f32 v32, v31  }
0x7f: {  	v39 =	vld [tilespmem:s29+$0x530];
	[tilespmem:s29+$0x4B0] =	vst v1;
	v1 =	vmul.f32 v33, v31  }
0x80: {  	v40 =	vbroadcast v2, $0x6;
	v41 =	vld [tilespmem:s29+$0x540];
	[tilespmem:s29+$0x4C0] =	vst v3;
	v3 =	vmul.f32 v34, v31  }
0x81: {  	v42 =	vld [tilespmem:s29+$0x550];
	[tilespmem:s29+$0x4D0] =	vst v1;
	v1 =	vmul.f32 v35, v31  }
0x82: {  	v43 =	vld [tilespmem:s29+$0x560];
	[tilespmem:s29+$0x4E0] =	vst v3;
	v3 =	vmul.f32 v36, v40  }
0x83: {  	v44 =	vld [tilespmem:s29+$0x570];
	[tilespmem:s29+$0x4F0] =	vst v1;
	v1 =	vmul.f32 v37, v40  }
0x84: {  	v45 =	vld [tilespmem:s29+$0x580];
	[tilespmem:s29+$0x500] =	vst v3;
	v3 =	vmul.f32 v38, v40  }
0x85: {  	v46 =	vld [tilespmem:s29+$0x590];
	[tilespmem:s29+$0x510] =	vst v1;
	v1 =	vmul.f32 v39, v40  }
0x86: {  	v47 =	vld [tilespmem:s29+$0x5A0];
	[tilespmem:s29+$0x520] =	vst v3;
	v3 =	vmul.f32 v41, v40  }
0x87: {  	v48 =	vld [tilespmem:s29+$0x5B0];
	[tilespmem:s29+$0x530] =	vst v1;
	v1 =	vmul.f32 v42, v40  }
0x88: {  	v50 =	vld [tilespmem:s29+$0x5C0];
	v49 =	vbroadcast v2, $0x7;
	[tilespmem:s29+$0x540] =	vst v3;
	v3 =	vmul.f32 v43, v40  }
0x89: {  	v51 =	vld [tilespmem:s29+$0x5D0];
	[tilespmem:s29+$0x550] =	vst v1;
	v1 =	vmul.f32 v44, v40  }
0x8a: {  	v52 =	vld [tilespmem:s29+$0x5E0];
	[tilespmem:s29+$0x560] =	vst v3;
	v3 =	vmul.f32 v45, v49  }
0x8b: {  	v53 =	vld [tilespmem:s29+$0x5F0];
	[tilespmem:s29+$0x570] =	vst v1;
	v1 =	vmul.f32 v46, v49  }
0x8c: {  	v54 =	vld [tilespmem:s29+$0x600];
	[tilespmem:s29+$0x580] =	vst v3;
	v3 =	vmul.f32 v47, v49  }
0x8d: {  	v55 =	vld [tilespmem:s29+$0x610];
	[tilespmem:s29+$0x590] =	vst v1;
	v1 =	vmul.f32 v48, v49  }
0x8e: {  	v56 =	vld [tilespmem:s29+$0x620];
	[tilespmem:s29+$0x5A0] =	vst v3;
	v3 =	vmul.f32 v50, v49  }
0x8f: {  	v59 =	vld [tilespmem:s29+$0x640];
	[tilespmem:s29+$0x5B0] =	vst v1;
	v1 =	vmul.f32 v51, v49  }
0x90: {  	v58 =	vbroadcast v2, $0x8;
	v57 =	vld [tilespmem:s29+$0x630];
	[tilespmem:s29+$0x5C0] =	vst v3;
	v3 =	vmul.f32 v52, v49  }
0x91: {  	v60 =	vld [tilespmem:s29+$0x650];
	[tilespmem:s29+$0x5D0] =	vst v1;
	v1 =	vmul.f32 v53, v49  }
0x92: {  	v61 =	vld [tilespmem:s29+$0x660];
	[tilespmem:s29+$0x5E0] =	vst v3;
	v3 =	vmul.f32 v54, v58  }
0x93: {  	v62 =	vld [tilespmem:s29+$0x670];
	[tilespmem:s29+$0x5F0] =	vst v1;
	v1 =	vmul.f32 v55, v58  }
0x94: {  	v63 =	vld [tilespmem:s29+$0x680];
	[tilespmem:s29+$0x600] =	vst v3;
	v3 =	vmul.f32 v56, v58  }
0x95: {  	v12 =	vld [tilespmem:s29+$0x690];
	[tilespmem:s29+$0x610] =	vst v1;
	v1 =	vmul.f32 v57, v58  }
0x96: {  	v14 =	vld [tilespmem:s29+$0x6B0];
	[tilespmem:s29+$0x620] =	vst v3;
	v3 =	vmul.f32 v59, v58  }
0x97: {  	v13 =	vld [tilespmem:s29+$0x6A0];
	[tilespmem:s29+$0x630] =	vst v1;
	v1 =	vmul.f32 v60, v58  }
0x98: {  	v15 =	vbroadcast v2, $0x9;
	v16 =	vld [tilespmem:s29+$0x6C0];
	[tilespmem:s29+$0x640] =	vst v3;
	v3 =	vmul.f32 v61, v58  }
0x99: {  	v17 =	vld [tilespmem:s29+$0x6D0];
	[tilespmem:s29+$0x650] =	vst v1;
	v1 =	vmul.f32 v62, v58  }
0x9a: {  	v18 =	vld [tilespmem:s29+$0x6E0];
	[tilespmem:s29+$0x660] =	vst v3;
	v3 =	vmul.f32 v63, v15  }
0x9b: {  	v19 =	vld [tilespmem:s29+$0x6F0];
	[tilespmem:s29+$0x670] =	vst v1;
	v1 =	vmul.f32 v12, v15  }
0x9c: {  	v20 =	vld [tilespmem:s29+$0x700];
	[tilespmem:s29+$0x680] =	vst v3;
	v3 =	vmul.f32 v13, v15  }
0x9d: {  	v21 =	vld [tilespmem:s29+$0x710];
	[tilespmem:s29+$0x690] =	vst v1;
	v1 =	vmul.f32 v14, v15  }
0x9e: {  	v23 =	vld [tilespmem:s29+$0x730];
	[tilespmem:s29+$0x6A0] =	vst v3;
	v3 =	vmul.f32 v16, v15  }
0x9f: {  	v22 =	vld [tilespmem:s29+$0x720];
	[tilespmem:s29+$0x6B0] =	vst v1;
	v1 =	vmul.f32 v17, v15  }
0xa0: {  	v24 =	vbroadcast v2, $0xA;
	v25 =	vld [tilespmem:s29+$0x740];
	[tilespmem:s29+$0x6C0] =	vst v3;
	v3 =	vmul.f32 v18, v15  }
0xa1: {  	v26 =	vld [tilespmem:s29+$0x750];
	[tilespmem:s29+$0x6D0] =	vst v1;
	v1 =	vmul.f32 v19, v15  }
0xa2: {  	v27 =	vld [tilespmem:s29+$0x760];
	[tilespmem:s29+$0x6E0] =	vst v3;
	v3 =	vmul.f32 v20, v24  }
0xa3: {  	v28 =	vld [tilespmem:s29+$0x770];
	[tilespmem:s29+$0x6F0] =	vst v1;
	v1 =	vmul.f32 v21, v24  }
0xa4: {  	v29 =	vld [tilespmem:s29+$0x780];
	[tilespmem:s29+$0x700] =	vst v3;
	v3 =	vmul.f32 v22, v24  }
0xa5: {  	v30 =	vld [tilespmem:s29+$0x790];
	[tilespmem:s29+$0x710] =	vst v1;
	v1 =	vmul.f32 v23, v24  }
0xa6: {  	v32 =	vld [tilespmem:s29+$0x7B0];
	[tilespmem:s29+$0x720] =	vst v3;
	v3 =	vmul.f32 v25, v24  }
0xa7: {  	v31 =	vld [tilespmem:s29+$0x7A0];
	[tilespmem:s29+$0x730] =	vst v1;
	v1 =	vmul.f32 v26, v24  }
0xa8: {  	v33 =	vbroadcast v2, $0xB;
	v34 =	vld [tilespmem:s29+$0x7C0];
	[tilespmem:s29+$0x740] =	vst v3;
	v3 =	vmul.f32 v27, v24  }
0xa9: {  	v35 =	vld [tilespmem:s29+$0x7D0];
	[tilespmem:s29+$0x750] =	vst v1;
	v1 =	vmul.f32 v28, v24  }
0xaa: {  	v36 =	vld [tilespmem:s29+$0x7E0];
	[tilespmem:s29+$0x760] =	vst v3;
	v3 =	vmul.f32 v29, v33  }
0xab: {  	v37 =	vld [tilespmem:s29+$0x7F0];
	[tilespmem:s29+$0x770] =	vst v1;
	v1 =	vmul.f32 v30, v33  }
0xac: {  	v38 =	vld [tilespmem:s29+$0x800];
	[tilespmem:s29+$0x780] =	vst v3;
	v3 =	vmul.f32 v31, v33  }
0xad: {  	v39 =	vld [tilespmem:s29+$0x810];
	[tilespmem:s29+$0x790] =	vst v1;
	v1 =	vmul.f32 v32, v33  }
0xae: {  	v41 =	vld [tilespmem:s29+$0x830];
	[tilespmem:s29+$0x7A0] =	vst v3;
	v3 =	vmul.f32 v34, v33  }
0xaf: {  	v40 =	vld [tilespmem:s29+$0x820];
	[tilespmem:s29+$0x7B0] =	vst v1;
	v1 =	vmul.f32 v35, v33  }
0xb0: {  	v42 =	vbroadcast v2, $0xC;
	v43 =	vld [tilespmem:s29+$0x840];
	[tilespmem:s29+$0x7C0] =	vst v3;
	v3 =	vmul.f32 v36, v33  }
0xb1: {  	v44 =	vld [tilespmem:s29+$0x850];
	[tilespmem:s29+$0x7D0] =	vst v1;
	v1 =	vmul.f32 v37, v33  }
0xb2: {  	v45 =	vld [tilespmem:s29+$0x860];
	[tilespmem:s29+$0x7E0] =	vst v3;
	v3 =	vmul.f32 v38, v42  }
0xb3: {  	v46 =	vld [tilespmem:s29+$0x870];
	[tilespmem:s29+$0x7F0] =	vst v1;
	v1 =	vmul.f32 v39, v42  }
0xb4: {  	v47 =	vld [tilespmem:s29+$0x880];
	[tilespmem:s29+$0x800] =	vst v3;
	v3 =	vmul.f32 v40, v42  }
0xb5: {  	v48 =	vld [tilespmem:s29+$0x890];
	[tilespmem:s29+$0x810] =	vst v1;
	v1 =	vmul.f32 v41, v42  }
0xb6: {  	v50 =	vld [tilespmem:s29+$0x8B0];
	[tilespmem:s29+$0x820] =	vst v3;
	v3 =	vmul.f32 v43, v42  }
0xb7: {  	v49 =	vld [tilespmem:s29+$0x8A0];
	[tilespmem:s29+$0x830] =	vst v1;
	v1 =	vmul.f32 v44, v42  }
0xb8: {  	v51 =	vbroadcast v2, $0xD;
	v52 =	vld [tilespmem:s29+$0x8C0];
	[tilespmem:s29+$0x840] =	vst v3;
	v3 =	vmul.f32 v45, v42  }
0xb9: {  	v53 =	vld [tilespmem:s29+$0x8D0];
	[tilespmem:s29+$0x850] =	vst v1;
	v1 =	vmul.f32 v46, v42  }
0xba: {  	v54 =	vld [tilespmem:s29+$0x8E0];
	[tilespmem:s29+$0x860] =	vst v3;
	v3 =	vmul.f32 v47, v51  }
0xbb: {  	v55 =	vld [tilespmem:s29+$0x8F0];
	[tilespmem:s29+$0x870] =	vst v1;
	v1 =	vmul.f32 v48, v51  }
0xbc: {  	v56 =	vld [tilespmem:s29+$0x900];
	[tilespmem:s29+$0x880] =	vst v3;
	v3 =	vmul.f32 v49, v51  }
0xbd: {  	v57 =	vld [tilespmem:s29+$0x910];
	[tilespmem:s29+$0x890] =	vst v1;
	v1 =	vmul.f32 v50, v51  }
0xbe: {  	v59 =	vld [tilespmem:s29+$0x930];
	[tilespmem:s29+$0x8A0] =	vst v3;
	v3 =	vmul.f32 v52, v51  }
0xbf: {  	v58 =	vld [tilespmem:s29+$0x920];
	[tilespmem:s29+$0x8B0] =	vst v1;
	v1 =	vmul.f32 v53, v51  }
0xc0: {  	v60 =	vbroadcast v2, $0xE;
	v61 =	vld [tilespmem:s29+$0x940];
	[tilespmem:s29+$0x8C0] =	vst v3;
	v3 =	vmul.f32 v54, v51  }
0xc1: {  	v62 =	vld [tilespmem:s29+$0x950];
	[tilespmem:s29+$0x8D0] =	vst v1;
	v1 =	vmul.f32 v55, v51  }
0xc2: {  	v63 =	vld [tilespmem:s29+$0x960];
	[tilespmem:s29+$0x8E0] =	vst v3;
	v3 =	vmul.f32 v56, v60  }
0xc3: {  	v6 =	vmul.f32 v57, v60;
	v12 =	vld [tilespmem:s29+$0x970];
	[tilespmem:s29+$0x8F0] =	vst v1  }
0xc4: {  	s30 =	sor.u32 $0x800, s25;
	[tilespmem:s29+$0x900] =	vst v3;
	v3 =	vmul.f32 v58, v60;
	v1 =	vld [tilespmem:s24+$0x110]  }
0xc5: {  	v5 =	vmul.f32 v59, v60;
	v13 =	vld [tilespmem:s29+$0x980];
	[tilespmem:s29+$0x910] =	vst v6;
	s24 =	sand.u32 $0x3FFFF800, s30  }
0xc6: {  	v14 =	vld [tilespmem:s24+$0x200];
	[tilespmem:s29+$0x920] =	vst v3;
	v3 =	vmul.f32 v61, v60  }
0xc7: {  	[tilespmem:s29+$0x930] =	vst v5;
	v4 =	vmul.f32 v62, v60;
	v15 =	vld [tilespmem:s24+$0x210]  }
0xc8: {  	v2 =	vbroadcast v2, $0xF;
	v16 =	vld [tilespmem:s24+$0x220];
	[tilespmem:s29+$0x940] =	vst v3;
	v3 =	vmul.f32 v63, v60  }
0xc9: {  	[tilespmem:s29+$0x950] =	vst v4;
	v17 =	vmul.f32 v12, v60;
	v19 =	vld [tilespmem:s24+$0x230];
	v18 =	vbroadcast v1, $0x0  }
0xca: {  	v20 =	vld [tilespmem:s24+$0x240];
	[tilespmem:s29+$0x960] =	vst v3;
	v3 =	vmul.f32 v13, v2  }
0xcb: {  	[tilespmem:s29+$0x970] =	vst v17;
	v22 =	vld [tilespmem:s24+$0x250];
	v21 =	vmul.f32 v18, v14  }
0xcc: {  	v23 =	vld [tilespmem:s24+$0x260];
	[tilespmem:s29+$0x980] =	vst v3;
	v3 =	vmul.f32 v15, v18  }
0xcd: {  	v25 =	vld [tilespmem:s24+$0x270];
	v24 =	vmul.f32 v16, v18;
	[tilespmem:s24+$0x200] =	vst v21  }
0xce: {  	v9 =	vmul.f32 v19, v18;
	[tilespmem:s24+$0x210] =	vst v3;
	v3 =	vld [tilespmem:s29+$0x990]  }
0xcf: {  	v26 =	vld [tilespmem:s29+$0x9A0];
	v6 =	vmul.f32 v20, v18;
	[tilespmem:s24+$0x220] =	vst v24  }
0xd0: {  	v27 =	vld [tilespmem:s29+$0x9B0];
	v10 =	vmul.f32 v22, v18;
	[tilespmem:s24+$0x230] =	vst v9  }
0xd1: {  	v28 =	vld [tilespmem:s29+$0x9C0];
	v5 =	vmul.f32 v23, v18;
	[tilespmem:s24+$0x240] =	vst v6  }
0xd2: {  	v29 =	vld [tilespmem:s29+$0x9D0];
	v7 =	vmul.f32 v25, v18;
	[tilespmem:s24+$0x250] =	vst v10  }
0xd3: {  	v30 =	vld [tilespmem:s29+$0x9E0];
	[tilespmem:s24+$0x260] =	vst v5;
	v3 =	vmul.f32 v3, v2  }
0xd4: {  	v31 =	vld [tilespmem:s29+$0x9F0];
	v4 =	vmul.f32 v26, v2;
	[tilespmem:s24+$0x270] =	vst v7  }
0xd5: {  	v7 =	vld [tilespmem:s29+$0xA80];
	[tilespmem:s29+$0x990] =	vst v3;
	v3 =	vmul.f32 v27, v2  }
0xd6: {  	[tilespmem:s29+$0x9A0] =	vst v4;
	v32 =	vmul.f32 v28, v2;
	v33 =	vld [tilespmem:s29+$0xA90]  }
0xd7: {  	v34 =	vld [tilespmem:s29+$0xAA0];
	[tilespmem:s29+$0x9B0] =	vst v3;
	v3 =	vmul.f32 v29, v2  }
0xd8: {  	[tilespmem:s29+$0x9C0] =	vst v32;
	v35 =	vmul.f32 v30, v2;
	v36 =	vbroadcast v1, $0x1;
	v37 =	vld [tilespmem:s29+$0xAB0]  }
0xd9: {  	v2 =	vmul.f32 v31, v2;
	[tilespmem:s29+$0x9D0] =	vst v3;
	v3 =	vld [tilespmem:s29+$0xAC0]  }
0xda: {  	[tilespmem:s29+$0x9E0] =	vst v35;
	v39 =	vld [tilespmem:s29+$0xAD0];
	v38 =	vmul.f32 v7, v36  }
0xdb: {  	v40 =	vld [tilespmem:s29+$0xAE0];
	[tilespmem:s29+$0x9F0] =	vst v2;
	v2 =	vmul.f32 v33, v36  }
0xdc: {  	v42 =	vld [tilespmem:s29+$0xAF0];
	v41 =	vmul.f32 v34, v36;
	[tilespmem:s29+$0xA80] =	vst v38  }
0xdd: {  	v43 =	vld [tilespmem:s29+$0xB00];
	[tilespmem:s29+$0xA90] =	vst v2;
	v2 =	vmul.f32 v37, v36  }
0xde: {  	v44 =	vld [tilespmem:s29+$0xB10];
	[tilespmem:s29+$0xAA0] =	vst v41;
	v3 =	vmul.f32 v3, v36  }
0xdf: {  	v45 =	vld [tilespmem:s29+$0xB20];
	[tilespmem:s29+$0xAB0] =	vst v2;
	v2 =	vmul.f32 v39, v36  }
0xe0: {  	v46 =	vbroadcast v1, $0x2;
	v47 =	vld [tilespmem:s29+$0xB30];
	[tilespmem:s29+$0xAC0] =	vst v3;
	v3 =	vmul.f32 v40, v36  }
0xe1: {  	v48 =	vld [tilespmem:s29+$0xB40];
	[tilespmem:s29+$0xAD0] =	vst v2;
	v2 =	vmul.f32 v42, v36  }
0xe2: {  	v49 =	vld [tilespmem:s29+$0xB50];
	[tilespmem:s29+$0xAE0] =	vst v3;
	v3 =	vmul.f32 v43, v46  }
0xe3: {  	v50 =	vld [tilespmem:s29+$0xB60];
	[tilespmem:s29+$0xAF0] =	vst v2;
	v2 =	vmul.f32 v44, v46  }
0xe4: {  	v51 =	vld [tilespmem:s29+$0xB70];
	[tilespmem:s29+$0xB00] =	vst v3;
	v3 =	vmul.f32 v45, v46  }
0xe5: {  	v52 =	vld [tilespmem:s29+$0xB80];
	[tilespmem:s29+$0xB10] =	vst v2;
	v2 =	vmul.f32 v47, v46  }
0xe6: {  	v53 =	vld [tilespmem:s29+$0xB90];
	[tilespmem:s29+$0xB20] =	vst v3;
	v3 =	vmul.f32 v48, v46  }
0xe7: {  	v54 =	vld [tilespmem:s29+$0xBA0];
	[tilespmem:s29+$0xB30] =	vst v2;
	v2 =	vmul.f32 v49, v46  }
0xe8: {  	v55 =	vbroadcast v1, $0x3;
	v56 =	vld [tilespmem:s29+$0xBB0];
	[tilespmem:s29+$0xB40] =	vst v3;
	v3 =	vmul.f32 v50, v46  }
0xe9: {  	v57 =	vld [tilespmem:s29+$0xBC0];
	[tilespmem:s29+$0xB50] =	vst v2;
	v2 =	vmul.f32 v51, v46  }
0xea: {  	v58 =	vld [tilespmem:s29+$0xBD0];
	[tilespmem:s29+$0xB60] =	vst v3;
	v3 =	vmul.f32 v52, v55  }
0xeb: {  	v59 =	vld [tilespmem:s29+$0xBE0];
	[tilespmem:s29+$0xB70] =	vst v2;
	v2 =	vmul.f32 v53, v55  }
0xec: {  	v60 =	vld [tilespmem:s29+$0xBF0];
	[tilespmem:s29+$0xB80] =	vst v3;
	v3 =	vmul.f32 v54, v55  }
0xed: {  	v61 =	vld [tilespmem:s29+$0xC00];
	[tilespmem:s29+$0xB90] =	vst v2;
	v2 =	vmul.f32 v56, v55  }
0xee: {  	v62 =	vld [tilespmem:s29+$0xC10];
	[tilespmem:s29+$0xBA0] =	vst v3;
	v3 =	vmul.f32 v57, v55  }
0xef: {  	v63 =	vld [tilespmem:s29+$0xC20];
	[tilespmem:s29+$0xBB0] =	vst v2;
	v2 =	vmul.f32 v58, v55  }
0xf0: {  	v12 =	vbroadcast v1, $0x4;
	v13 =	vld [tilespmem:s29+$0xC30];
	[tilespmem:s29+$0xBC0] =	vst v3;
	v3 =	vmul.f32 v59, v55  }
0xf1: {  	v14 =	vld [tilespmem:s29+$0xC40];
	[tilespmem:s29+$0xBD0] =	vst v2;
	v2 =	vmul.f32 v60, v55  }
0xf2: {  	v15 =	vld [tilespmem:s29+$0xC50];
	[tilespmem:s29+$0xBE0] =	vst v3;
	v3 =	vmul.f32 v61, v12  }
0xf3: {  	v16 =	vld [tilespmem:s29+$0xC60];
	[tilespmem:s29+$0xBF0] =	vst v2;
	v2 =	vmul.f32 v62, v12  }
0xf4: {  	v17 =	vld [tilespmem:s29+$0xC70];
	[tilespmem:s29+$0xC00] =	vst v3;
	v3 =	vmul.f32 v63, v12  }
0xf5: {  	v18 =	vld [tilespmem:s29+$0xC80];
	[tilespmem:s29+$0xC10] =	vst v2;
	v2 =	vmul.f32 v13, v12  }
0xf6: {  	v19 =	vld [tilespmem:s29+$0xC90];
	[tilespmem:s29+$0xC20] =	vst v3;
	v3 =	vmul.f32 v14, v12  }
0xf7: {  	v20 =	vld [tilespmem:s29+$0xCA0];
	[tilespmem:s29+$0xC30] =	vst v2;
	v2 =	vmul.f32 v15, v12  }
0xf8: {  	v21 =	vbroadcast v1, $0x5;
	v22 =	vld [tilespmem:s29+$0xCB0];
	[tilespmem:s29+$0xC40] =	vst v3;
	v3 =	vmul.f32 v16, v12  }
0xf9: {  	v23 =	vld [tilespmem:s29+$0xCC0];
	[tilespmem:s29+$0xC50] =	vst v2;
	v2 =	vmul.f32 v17, v12  }
0xfa: {  	v24 =	vld [tilespmem:s29+$0xCD0];
	[tilespmem:s29+$0xC60] =	vst v3;
	v3 =	vmul.f32 v18, v21  }
0xfb: {  	v25 =	vld [tilespmem:s29+$0xCE0];
	[tilespmem:s29+$0xC70] =	vst v2;
	v2 =	vmul.f32 v19, v21  }
0xfc: {  	v26 =	vld [tilespmem:s29+$0xCF0];
	[tilespmem:s29+$0xC80] =	vst v3;
	v3 =	vmul.f32 v20, v21  }
0xfd: {  	v27 =	vld [tilespmem:s29+$0xD00];
	[tilespmem:s29+$0xC90] =	vst v2;
	v2 =	vmul.f32 v22, v21  }
0xfe: {  	v28 =	vld [tilespmem:s29+$0xD10];
	[tilespmem:s29+$0xCA0] =	vst v3;
	v3 =	vmul.f32 v23, v21  }
0xff: {  	v29 =	vld [tilespmem:s29+$0xD20];
	[tilespmem:s29+$0xCB0] =	vst v2;
	v2 =	vmul.f32 v24, v21  }
0x100: {  	v30 =	vbroadcast v1, $0x6;
	v31 =	vld [tilespmem:s29+$0xD30];
	[tilespmem:s29+$0xCC0] =	vst v3;
	v3 =	vmul.f32 v25, v21  }
0x101: {  	v32 =	vld [tilespmem:s29+$0xD40];
	[tilespmem:s29+$0xCD0] =	vst v2;
	v2 =	vmul.f32 v26, v21  }
0x102: {  	v33 =	vld [tilespmem:s29+$0xD50];
	[tilespmem:s29+$0xCE0] =	vst v3;
	v3 =	vmul.f32 v27, v30  }
0x103: {  	v34 =	vld [tilespmem:s29+$0xD60];
	[tilespmem:s29+$0xCF0] =	vst v2;
	v2 =	vmul.f32 v28, v30  }
0x104: {  	v35 =	vld [tilespmem:s29+$0xD70];
	[tilespmem:s29+$0xD00] =	vst v3;
	v3 =	vmul.f32 v29, v30  }
0x105: {  	v36 =	vld [tilespmem:s29+$0xD80];
	[tilespmem:s29+$0xD10] =	vst v2;
	v2 =	vmul.f32 v31, v30  }
0x106: {  	v37 =	vld [tilespmem:s29+$0xD90];
	[tilespmem:s29+$0xD20] =	vst v3;
	v3 =	vmul.f32 v32, v30  }
0x107: {  	v38 =	vld [tilespmem:s29+$0xDA0];
	[tilespmem:s29+$0xD30] =	vst v2;
	v2 =	vmul.f32 v33, v30  }
0x108: {  	v39 =	vbroadcast v1, $0x7;
	v40 =	vld [tilespmem:s29+$0xDB0];
	[tilespmem:s29+$0xD40] =	vst v3;
	v3 =	vmul.f32 v34, v30  }
0x109: {  	v41 =	vld [tilespmem:s29+$0xDC0];
	[tilespmem:s29+$0xD50] =	vst v2;
	v2 =	vmul.f32 v35, v30  }
0x10a: {  	v42 =	vld [tilespmem:s29+$0xDD0];
	[tilespmem:s29+$0xD60] =	vst v3;
	v3 =	vmul.f32 v36, v39  }
0x10b: {  	v43 =	vld [tilespmem:s29+$0xDE0];
	[tilespmem:s29+$0xD70] =	vst v2;
	v2 =	vmul.f32 v37, v39  }
0x10c: {  	v44 =	vld [tilespmem:s29+$0xDF0];
	[tilespmem:s29+$0xD80] =	vst v3;
	v3 =	vmul.f32 v38, v39  }
0x10d: {  	v45 =	vld [tilespmem:s29+$0xE00];
	[tilespmem:s29+$0xD90] =	vst v2;
	v2 =	vmul.f32 v40, v39  }
0x10e: {  	v46 =	vld [tilespmem:s29+$0xE10];
	[tilespmem:s29+$0xDA0] =	vst v3;
	v3 =	vmul.f32 v41, v39  }
0x10f: {  	v47 =	vld [tilespmem:s29+$0xE20];
	[tilespmem:s29+$0xDB0] =	vst v2;
	v2 =	vmul.f32 v42, v39  }
0x110: {  	v49 =	vld [tilespmem:s29+$0xE30];
	v48 =	vbroadcast v1, $0x8;
	[tilespmem:s29+$0xDC0] =	vst v3;
	v3 =	vmul.f32 v43, v39  }
0x111: {  	v50 =	vld [tilespmem:s29+$0xE40];
	[tilespmem:s29+$0xDD0] =	vst v2;
	v2 =	vmul.f32 v44, v39  }
0x112: {  	v51 =	vld [tilespmem:s29+$0xE50];
	[tilespmem:s29+$0xDE0] =	vst v3;
	v3 =	vmul.f32 v45, v48  }
0x113: {  	v52 =	vld [tilespmem:s29+$0xE60];
	[tilespmem:s29+$0xDF0] =	vst v2;
	v2 =	vmul.f32 v46, v48  }
0x114: {  	v53 =	vld [tilespmem:s29+$0xE70];
	[tilespmem:s29+$0xE00] =	vst v3;
	v3 =	vmul.f32 v47, v48  }
0x115: {  	v54 =	vld [tilespmem:s29+$0xE80];
	[tilespmem:s29+$0xE10] =	vst v2;
	v2 =	vmul.f32 v49, v48  }
0x116: {  	v55 =	vld [tilespmem:s29+$0xE90];
	[tilespmem:s29+$0xE20] =	vst v3;
	v3 =	vmul.f32 v50, v48  }
0x117: {  	v56 =	vld [tilespmem:s29+$0xEA0];
	[tilespmem:s29+$0xE30] =	vst v2;
	v2 =	vmul.f32 v51, v48  }
0x118: {  	v58 =	vld [tilespmem:s29+$0xEB0];
	v57 =	vbroadcast v1, $0x9;
	[tilespmem:s29+$0xE40] =	vst v3;
	v3 =	vmul.f32 v52, v48  }
0x119: {  	v59 =	vld [tilespmem:s29+$0xEC0];
	[tilespmem:s29+$0xE50] =	vst v2;
	v2 =	vmul.f32 v53, v48  }
0x11a: {  	v60 =	vld [tilespmem:s29+$0xED0];
	[tilespmem:s29+$0xE60] =	vst v3;
	v3 =	vmul.f32 v54, v57  }
0x11b: {  	v61 =	vld [tilespmem:s29+$0xEE0];
	[tilespmem:s29+$0xE70] =	vst v2;
	v2 =	vmul.f32 v55, v57  }
0x11c: {  	v62 =	vld [tilespmem:s29+$0xEF0];
	[tilespmem:s29+$0xE80] =	vst v3;
	v3 =	vmul.f32 v56, v57  }
0x11d: {  	v63 =	vld [tilespmem:s29+$0xF00];
	[tilespmem:s29+$0xE90] =	vst v2;
	v2 =	vmul.f32 v58, v57  }
0x11e: {  	v12 =	vld [tilespmem:s29+$0xF10];
	[tilespmem:s29+$0xEA0] =	vst v3;
	v3 =	vmul.f32 v59, v57  }
0x11f: {  	v13 =	vld [tilespmem:s29+$0xF20];
	[tilespmem:s29+$0xEB0] =	vst v2;
	v2 =	vmul.f32 v60, v57  }
0x120: {  	v15 =	vld [tilespmem:s29+$0xF30];
	v14 =	vbroadcast v1, $0xA;
	[tilespmem:s29+$0xEC0] =	vst v3;
	v3 =	vmul.f32 v61, v57  }
0x121: {  	v16 =	vld [tilespmem:s29+$0xF40];
	[tilespmem:s29+$0xED0] =	vst v2;
	v2 =	vmul.f32 v62, v57  }
0x122: {  	v17 =	vld [tilespmem:s29+$0xF50];
	[tilespmem:s29+$0xEE0] =	vst v3;
	v3 =	vmul.f32 v63, v14  }
0x123: {  	v18 =	vld [tilespmem:s29+$0xF60];
	[tilespmem:s29+$0xEF0] =	vst v2;
	v2 =	vmul.f32 v12, v14  }
0x124: {  	v19 =	vld [tilespmem:s29+$0xF70];
	[tilespmem:s29+$0xF00] =	vst v3;
	v3 =	vmul.f32 v13, v14  }
0x125: {  	v20 =	vld [tilespmem:s29+$0xF80];
	[tilespmem:s29+$0xF10] =	vst v2;
	v2 =	vmul.f32 v15, v14  }
0x126: {  	v21 =	vld [tilespmem:s29+$0xF90];
	[tilespmem:s29+$0xF20] =	vst v3;
	v3 =	vmul.f32 v16, v14  }
0x127: {  	v22 =	vld [tilespmem:s29+$0xFA0];
	[tilespmem:s29+$0xF30] =	vst v2;
	v2 =	vmul.f32 v17, v14  }
0x128: {  	v24 =	vld [tilespmem:s29+$0xFB0];
	v23 =	vbroadcast v1, $0xB;
	[tilespmem:s29+$0xF40] =	vst v3;
	v3 =	vmul.f32 v18, v14  }
0x129: {  	v25 =	vld [tilespmem:s29+$0xFC0];
	[tilespmem:s29+$0xF50] =	vst v2;
	v2 =	vmul.f32 v19, v14  }
0x12a: {  	v26 =	vld [tilespmem:s29+$0xFD0];
	[tilespmem:s29+$0xF60] =	vst v3;
	v3 =	vmul.f32 v20, v23  }
0x12b: {  	v27 =	vld [tilespmem:s29+$0xFE0];
	[tilespmem:s29+$0xF70] =	vst v2;
	v2 =	vmul.f32 v21, v23  }
0x12c: {  	v28 =	vld [tilespmem:s29+$0xFF0];
	[tilespmem:s29+$0xF80] =	vst v3;
	v3 =	vmul.f32 v22, v23  }
0x12d: {  	v29 =	vld [tilespmem:s29+$0x1000];
	[tilespmem:s29+$0xF90] =	vst v2;
	v2 =	vmul.f32 v24, v23  }
0x12e: {  	v30 =	vld [tilespmem:s29+$0x1010];
	[tilespmem:s29+$0xFA0] =	vst v3;
	v3 =	vmul.f32 v25, v23  }
0x12f: {  	v31 =	vld [tilespmem:s29+$0x1020];
	[tilespmem:s29+$0xFB0] =	vst v2;
	v2 =	vmul.f32 v26, v23  }
0x130: {  	v33 =	vld [tilespmem:s29+$0x1030];
	v32 =	vbroadcast v1, $0xC;
	[tilespmem:s29+$0xFC0] =	vst v3;
	v3 =	vmul.f32 v27, v23  }
0x131: {  	v34 =	vld [tilespmem:s29+$0x1040];
	[tilespmem:s29+$0xFD0] =	vst v2;
	v2 =	vmul.f32 v28, v23  }
0x132: {  	v35 =	vld [tilespmem:s29+$0x1050];
	[tilespmem:s29+$0xFE0] =	vst v3;
	v3 =	vmul.f32 v29, v32  }
0x133: {  	v36 =	vld [tilespmem:s29+$0x1060];
	[tilespmem:s29+$0xFF0] =	vst v2;
	v2 =	vmul.f32 v30, v32  }
0x134: {  	v37 =	vld [tilespmem:s29+$0x1070];
	[tilespmem:s29+$0x1000] =	vst v3;
	v3 =	vmul.f32 v31, v32  }
0x135: {  	v38 =	vld [tilespmem:s29+$0x1080];
	[tilespmem:s29+$0x1010] =	vst v2;
	v2 =	vmul.f32 v33, v32  }
0x136: {  	v39 =	vld [tilespmem:s29+$0x1090];
	[tilespmem:s29+$0x1020] =	vst v3;
	v3 =	vmul.f32 v34, v32  }
0x137: {  	v40 =	vld [tilespmem:s29+$0x10A0];
	[tilespmem:s29+$0x1030] =	vst v2;
	v2 =	vmul.f32 v35, v32  }
0x138: {  	v42 =	vld [tilespmem:s29+$0x10B0];
	v41 =	vbroadcast v1, $0xD;
	[tilespmem:s29+$0x1040] =	vst v3;
	v3 =	vmul.f32 v36, v32  }
0x139: {  	v43 =	vld [tilespmem:s29+$0x10C0];
	[tilespmem:s29+$0x1050] =	vst v2;
	v2 =	vmul.f32 v37, v32  }
0x13a: {  	v44 =	vld [tilespmem:s29+$0x10D0];
	[tilespmem:s29+$0x1060] =	vst v3;
	v3 =	vmul.f32 v38, v41  }
0x13b: {  	v45 =	vld [tilespmem:s29+$0x10E0];
	[tilespmem:s29+$0x1070] =	vst v2;
	v2 =	vmul.f32 v39, v41  }
0x13c: {  	v46 =	vld [tilespmem:s29+$0x10F0];
	[tilespmem:s29+$0x1080] =	vst v3;
	v3 =	vmul.f32 v40, v41  }
0x13d: {  	v47 =	vld [tilespmem:s29+$0x1100];
	[tilespmem:s29+$0x1090] =	vst v2;
	v2 =	vmul.f32 v42, v41  }
0x13e: {  	v48 =	vld [tilespmem:s29+$0x1110];
	[tilespmem:s29+$0x10A0] =	vst v3;
	v3 =	vmul.f32 v43, v41  }
0x13f: {  	v49 =	vld [tilespmem:s29+$0x1120];
	[tilespmem:s29+$0x10B0] =	vst v2;
	v2 =	vmul.f32 v44, v41  }
0x140: {  	v51 =	vld [tilespmem:s29+$0x1130];
	v50 =	vbroadcast v1, $0xE;
	[tilespmem:s29+$0x10C0] =	vst v3;
	v3 =	vmul.f32 v45, v41  }
0x141: {  	v52 =	vld [tilespmem:s29+$0x1140];
	[tilespmem:s29+$0x10D0] =	vst v2;
	v2 =	vmul.f32 v46, v41  }
0x142: {  	v53 =	vld [tilespmem:s29+$0x1150];
	[tilespmem:s29+$0x10E0] =	vst v3;
	v3 =	vmul.f32 v47, v50  }
0x143: {  	v54 =	vld [tilespmem:s29+$0x1160];
	[tilespmem:s29+$0x10F0] =	vst v2;
	v2 =	vmul.f32 v48, v50  }
0x144: {  	v55 =	vld [tilespmem:s29+$0x1170];
	[tilespmem:s29+$0x1100] =	vst v3;
	v3 =	vmul.f32 v49, v50  }
0x145: {  	v56 =	vld [tilespmem:s29+$0x1180];
	[tilespmem:s29+$0x1110] =	vst v2;
	v2 =	vmul.f32 v51, v50  }
0x146: {  	v57 =	vld [tilespmem:s29+$0x1190];
	[tilespmem:s29+$0x1120] =	vst v3;
	v3 =	vmul.f32 v52, v50  }
0x147: {  	v58 =	vld [tilespmem:s29+$0x11A0];
	[tilespmem:s29+$0x1130] =	vst v2;
	v2 =	vmul.f32 v53, v50  }
0x148: {  	v1 =	vbroadcast v1, $0xF;
	v59 =	vld [tilespmem:s29+$0x11B0];
	[tilespmem:s29+$0x1140] =	vst v3;
	v3 =	vmul.f32 v54, v50  }
0x149: {  	v60 =	vld [tilespmem:s29+$0x11C0];
	[tilespmem:s29+$0x1150] =	vst v2;
	v2 =	vmul.f32 v55, v50  }
0x14a: {  	v61 =	vld [tilespmem:s29+$0x11D0];
	[tilespmem:s29+$0x1160] =	vst v3;
	v3 =	vmul.f32 v56, v1  }
0x14b: {  	v62 =	vld [tilespmem:s29+$0x11E0];
	[tilespmem:s29+$0x1170] =	vst v2;
	v2 =	vmul.f32 v57, v1  }
0x14c: {  	v63 =	vld [tilespmem:s29+$0x11F0];
	[tilespmem:s29+$0x1180] =	vst v3;
	v3 =	vmul.f32 v58, v1  }
0x14d: {  	[tilespmem:s29+$0x1190] =	vst v2;
	v2 =	vmul.f32 v59, v1  }
0x14e: {  	p0 =	slt.u32 s22, $0x6;
	[tilespmem:s29+$0x11A0] =	vst v3;
	v3 =	vmul.f32 v60, v1  }
.Ltmp1:
0x14f: {  	[tilespmem:s29+$0x11B0] =	vst v2;
	v2 =	vmul.f32 v61, v1;
	(pc) =	sbr.rel @p0 .LBB2_5-.Ltmp1, $4  }
0x150: {  	[tilespmem:s29+$0x11C0] =	vst v3;
	v3 =	vmul.f32 v62, v1  }
0x151: {  	[tilespmem:s29+$0x11D0] =	vst v2;
	v1 =	vmul.f32 v63, v1  }
0x152: {  	s31 =	sadd.s32 $0x2, s22;
	[tilespmem:s29+$0x11E0] =	vst v3  }
0x153: {  	s22 =	smov.u32 s31;
	[tilespmem:s29+$0x11F0] =	vst v1  }
0x154: {  	s21 =	sadd.s32 $0x1, s21  }
0x155: {  	p0 =	sne.s32 s21, $0x4F  }
.Ltmp2:
0x156: {  	_ = 	snop;
	(pc) =	sbr.rel @p0 .LBB2_4-.Ltmp2, $4  }
0x157: {  	[spmem:s1] =	stream.indirect.scatter.add.f32 [tilespmem:s14], [sflag:$0x2], $0x80, s16, s16, $0xb8;
	[tilespmem:$0x18200] =	vst v63  }
0x158: {  	_ =	swait.ge [sflag:s15], $0x4000  }
0x159: {  	[sflag:s15] =	ssyncset.done $0x0  }
0x15a: {  	[sflag:s15] =	ssyncadd.s32 $0xFFFFC000  }
0x15b: {  	s3 =	sadd.s32 $0x1, s3  }
0x15c: {  	p0 =	sne.s32 s3, s13  }
.Ltmp3:
0x15d: {  	[bflag:$0x0] =	sbarrier.arrive $0xFFFF;
	(pc) =	sbr.rel @p0 .LBB2_1-.Ltmp3, $4  }
0x15e: {  	[hbm:s12], [sflag:s18] =	dma.local [spmem:s19], $0x2800  }
0x15f: {  	_ =	swait.ge [sflag:s15], $0x2800  }
0x160: {  	[sflag:s15] =	ssyncset.done $0x0  }
0x161: {  	[sflag:s15] =	ssyncadd.s32 $0xFFFFD800  }
0x162: {  	_ =	sfence.sel $0x180000  }
0x163: {  	[bflag:$0x0] =	sbarrier.arrive $0xFFFF  }
0x164: {  	p0 =	sne.s32 s2, $0x0;
	_ =	strace $0x9000004A  }
0x165: {  	s0 =	sadd.s32 @!p0 $0x100000, s0;
	[bflag:$0x2] =	sbarrier.arrive $0xFFFF  }
0x166: {  	[sflag:s0] =	ssyncadd.tile.s32 @!p0 $0x1;
	_ =	shalt  }
.Lfunc_end2:
_tile_overlayer_lowered:
.L_overlay_start_2:
0x167: {  	(tag) =	ssettag $0x2  }
0x168: {  	s0 =	rddreg [dreg:$0x0];
	s2 =	stileid.u32  }
0x169: {  	s1 =	rddreg [dreg:$0x1];
	p0 =	sne.s32 s2, $0x0  }
0x16a: {  	s3 =	rddreg [dreg:$0x2];
	[bflag:$0x3] =	sbarrier.arrive $0xFFFF;
	s2 =	simm.s32 @!p0 $0x1C02  }
0x16b: {  	[timem:s3], [sflag:s2] =	dma.local @!p0 [hbm:s0], s1  }
0x16c: {  	s0 =	simm.s32 @!p0 $0x2  }
0x16d: {  	_ =	swait.ge @!p0 [sflag:s0], s1  }
0x16e: {  	s1 =	ssub.s32 @!p0 $0x0, s1;
	[sflag:s0] =	ssyncset.done @!p0 $0x0  }
0x16f: {  	[sflag:s0] =	ssyncadd.s32 @!p0 s1  }
0x170: {  	[bflag:$0x3] =	sbarrier.arrive $0xFFFF  }
0x171: {  	_ =	shalt  }

// kernel: kernel.13.cloned.1.call-start
scs
__scs_entry_jumppad:
0x0: {  	(pc) =	sbr.rel $0x88, $3  }
0x1: {  	(tag) =	ssettag $0x0;
	lr =	simm.s32 $0x1  }
0x2: {  	[smem:$0x3F9A] =	sst lr;
	_ =	strace $0xD0000000  }
0x3: {  	_ = 	snop  }
0x4: {  	_ = 	snop  }
0x5: {  	_ = 	snop  }
0x6: {  	_ = 	snop  }
0x7: {  	_ = 	snop  }
__scs_overlays_trampoline_lowered:
0x8: {  	[smem:$0x3FA9] =	sst s0  }
0x9: {  	[smem:$0x3FAA] =	sst s1  }
0xa: {  	[smem:$0x3FAB] =	sst s2  }
0xb: {  	[smem:$0x3FAC] =	sst s3  }
0xc: {  	[smem:$0x3FAD] =	sst s4  }
0xd: {  	[smem:$0x3FAE] =	sst s5  }
0xe: {  	[smem:$0x3FAF] =	sst s6  }
0xf: {  	[smem:$0x3FB0] =	sst s7  }
0x10: {  	[smem:$0x3FB1] =	sst s8  }
0x11: {  	[smem:$0x3FB2] =	sst s9;
	s0 =	simm.s32 @!p0 $0x0  }
0x12: {  	s1 =	sld [smem:$0x3F98];
	s0 =	simm.s32 @p0 $0x1  }
0x13: {  	[smem:$0x3FB3] =	sst s0;
	s0 =	simm.s32 @!p1 $0x0  }
0x14: {  	s2 =	sld [smem:$0x3F97];
	s0 =	simm.s32 @p1 $0x1  }
0x15: {  	[smem:$0x3FB4] =	sst s0;
	s0 =	simm.s32 @!p2 $0x0  }
0x16: {  	s3 =	sld [smem:$0x3FDB];
	s0 =	simm.s32 @p2 $0x1  }
0x17: {  	s4 =	simm.s32 $0x1BF5;
	[smem:$0x3FB6] =	sst s0  }
0x18: {  	s0 =	sld [smem:$0x3F99];
	_ =	swait.ge [sflag:s4], $0x0  }
0x19: {  	s7 =	sld [smem:$0x3F9A]  }
0x1a: {  	s8 =	sadd.s32 $0xFFFFE003, lr  }
0x1b: {  	s9 =	sadd.s32 $0xFFFFFEF7, lr;
	s5 =	simm.s32 $0xFFFFFFFF;
	p2 =	slt.u32 s8, $0xFFFFF086  }
0x1c: {  	p1 =	slt.u32 s9, $0xF7A;
	s5 =	simm.s32 @!p2 $0x0  }
0x1d: {  	s5 =	simm.s32 @p1 $0x1;
	p0 =	seq.s32 s7, s2  }
0x1e: {  	s7 =	smul.u32 @!p0 $0xF7A, s2;
	p2 =	seq.s32 @!p0 s5, $0x0  }
0x1f: {  	s9 =	smul.u32 $0xF7A, s1;
	s8 =	simm.s32 @!p0 $0x1BF5;
	p2 =	por !p2, p0  }
0x20: {  	[sflag:s8] =	ssyncset.s32 @!p0 $0xFFFFF086;
	s6 =	sadd.s32 @!p0 s3, s7;
	s7 =	simm.s32 @!p0 $0x108  }
0x21: {  	s3 =	sadd.s32 s3, s9;
	s6 =	sadd.s32 @!p0 $0x88, s6;
	s7 =	simm.s32 @p2 $0x1082  }
0x22: {  	[simem:s7], [sflag:s8] =	dma.local @!p0 [hbm:s6], $0xF7A  }
0x23: {  	s9 =	sor.u32 $0xD0000000, s2;
	s6 =	simm.s32 $0x108;
	_ =	swait.ge @!p0 [sflag:s8], $0x0  }
0x24: {  	s3 =	sadd.s32 $0x88, s3;
	s6 =	simm.s32 @!p1 $0x1082;
	[sflag:s4] =	ssyncset.s32 $0xFFFFF086  }
0x25: {  	[simem:s6], [sflag:s4] =	dma.local [hbm:s3], $0xF7A  }
0x26: {  	[smem:$0x3F9A] =	sst s1;
	(tag) =	ssettag s2;
	_ =	strace s9  }
0x27: {  	s1 =	sld [smem:$0x3FAA]  }
0x28: {  	s2 =	sld [smem:$0x3FAB]  }
0x29: {  	s4 =	sld [smem:$0x3FAD]  }
0x2a: {  	p0 =	seq.s32 s5, $0x0;
	s5 =	sld [smem:$0x3FAE]  }
0x2b: {  	s6 =	sld [smem:$0x3FAF]  }
0x2c: {  	s7 =	sld [smem:$0x3FB0]  }
0x2d: {  	s3 =	simm.s32 $0x108;
	s8 =	sld [smem:$0x3FB1]  }
0x2e: {  	s3 =	simm.s32 @!p0 $0x1082;
	s9 =	sld [smem:$0x3FB2]  }
0x2f: {  	lr =	sadd.s32 s0, s3;
	s0 =	sld [smem:$0x3FA9]  }
0x30: {  	s3 =	sld [smem:$0x3FAC]  }
0x31: {  	[smem:$0x3FB5] =	sst s10  }
0x32: {  	s10 =	sld [smem:$0x3FB3];
	_ =	sdelay $0x3  }
0x33: {  	p0 =	seq.s32 s10, $0x1;
	s10 =	sld [smem:$0x3FB5];
	_ =	sdelay $0x3  }
0x34: {  	[smem:$0x3FB5] =	sst s10  }
0x35: {  	s10 =	sld [smem:$0x3FB4];
	_ =	sdelay $0x3  }
0x36: {  	p1 =	seq.s32 s10, $0x1;
	s10 =	sld [smem:$0x3FB5];
	_ =	sdelay $0x3  }
0x37: {  	[smem:$0x3FB5] =	sst s10  }
0x38: {  	s10 =	sld [smem:$0x3FB6]  }
0x39: {  	_ = 	snop;
	(pc) =	sbr.ind lr, $3  }
0x3a: {  	_ = 	snop  }
0x3b: {  	_ = 	snop  }
0x3c: {  	p2 =	seq.s32 s10, $0x1;
	s10 =	sld [smem:$0x3FB5]  }
0x3d: {  	_ =	shalt  }
0x3e: {  	_ =	shalt  }
0x3f: {  	_ =	shalt  }
0x40: {  	_ =	shalt  }
0x41: {  	_ =	shalt  }
0x42: {  	_ =	shalt  }
0x43: {  	_ =	shalt  }
0x44: {  	_ =	shalt  }
0x45: {  	_ =	shalt  }
0x46: {  	_ =	shalt  }
0x47: {  	_ =	shalt  }
0x48: {  	_ =	shalt  }
0x49: {  	_ =	shalt  }
0x4a: {  	_ =	shalt  }
0x4b: {  	_ =	shalt  }
0x4c: {  	_ =	shalt  }
0x4d: {  	_ =	shalt  }
0x4e: {  	_ =	shalt  }
0x4f: {  	_ =	shalt  }
0x50: {  	_ =	shalt  }
0x51: {  	_ =	shalt  }
0x52: {  	_ =	shalt  }
0x53: {  	_ =	shalt  }
0x54: {  	_ =	shalt  }
0x55: {  	_ =	shalt  }
0x56: {  	_ =	shalt  }
0x57: {  	_ =	shalt  }
0x58: {  	_ =	shalt  }
0x59: {  	_ =	shalt  }
0x5a: {  	_ =	shalt  }
0x5b: {  	_ =	shalt  }
0x5c: {  	_ =	shalt  }
0x5d: {  	_ =	shalt  }
0x5e: {  	_ =	shalt  }
0x5f: {  	_ =	shalt  }
0x60: {  	_ =	shalt  }
0x61: {  	_ =	shalt  }
0x62: {  	_ =	shalt  }
0x63: {  	_ =	shalt  }
0x64: {  	_ =	shalt  }
0x65: {  	_ =	shalt  }
0x66: {  	_ =	shalt  }
0x67: {  	_ =	shalt  }
0x68: {  	_ =	shalt  }
0x69: {  	_ =	shalt  }
0x6a: {  	_ =	shalt  }
0x6b: {  	_ =	shalt  }
0x6c: {  	_ =	shalt  }
0x6d: {  	_ =	shalt  }
0x6e: {  	_ =	shalt  }
0x6f: {  	_ =	shalt  }
0x70: {  	_ =	shalt  }
0x71: {  	_ =	shalt  }
0x72: {  	_ =	shalt  }
0x73: {  	_ =	shalt  }
0x74: {  	_ =	shalt  }
0x75: {  	_ =	shalt  }
0x76: {  	_ =	shalt  }
0x77: {  	_ =	shalt  }
0x78: {  	_ =	shalt  }
0x79: {  	_ =	shalt  }
0x7a: {  	_ =	shalt  }
0x7b: {  	_ =	shalt  }
0x7c: {  	_ =	shalt  }
0x7d: {  	_ =	shalt  }
0x7e: {  	_ =	shalt  }
0x7f: {  	_ =	shalt  }
0x80: {  	_ =	shalt  }
0x81: {  	_ =	shalt  }
0x82: {  	_ =	shalt  }
0x83: {  	_ =	shalt  }
0x84: {  	_ =	shalt  }
0x85: {  	_ =	shalt  }
0x86: {  	_ =	shalt  }
0x87: {  	_ =	shalt  }
.Lfunc_end0:
.L_simem_size_0:
called_computation.2_lowered:
.L_overlay_start_0:
0x88: {  	s2 =	sld [smem:$0x3FD9]  }
0x89: {  	s3 =	sld [smem:$0x3FFE];
	_ =	sdelay $0x1  }
0x8a: {  	s1 =	srdreg.scid  }
0x8b: {  	s0 =	sand.u32 $0x1, s1  }
0x8c: {  	s17 =	sshll.u32 s0, $0xA;
	s2 =	sadd.s32 s3, s2  }
0x8d: {  	s2 =	sadd.s32 s2, s17  }
0x8e: {  	[smem:$0x3FC1] =	sst s2  }
0x8f: {  	_ = 	snop  }
0x90: {  	s18 =	sld [smem:$0x3FC7];
	(tm) =	ssettm $0x1  }
0x91: {  	s19 =	sld [smem:$0x3FFB];
	_ =	sdelay $0x3  }
0x92: {  	_ =	strace s19  }
0x93: {  	s2 =	sld [smem:$0x3FFC];
	_ =	sdelay $0x3  }
0x94: {  	_ =	strace s2  }
0x95: {  	s2 =	sld [smem:$0x3FFD];
	_ =	sdelay $0x3  }
0x96: {  	_ =	strace s2  }
0x97: {  	_ =	strace $0x8FFFFFFF  }
0x98: {  	s20 =	sld [smem:$0x3FDB];
	_ =	sdelay $0x1  }
0x99: {  	s4 =	simm.s32 $_scs_section_size  }
0x9a: {  	s5 =	simm.s32 $_size__tile_overlayer_lowered;
	s6 =	simm.s32 $_tile_overlayer_lowered  }
0x9b: {  	s7 =	simm.s32 $0x1BFF;
	s21 =	sshll.u32 s6, $0x1;
	s4 =	sadd.s32 s4, s20  }
0x9c: {  	s22 =	simm.s32 $0x0;
	s5 =	sshll.u32 s5, $0x1;
	s6 =	sadd.s32 s21, s4  }
0x9d: {  	[timem:s22], [sflag:s7] =	dma.local [hbm:s6], s5  }
0x9e: {  	_ =	swait.ge [sflag:s7], s5  }
0x9f: {  	s5 =	ssub.s32 $0x0, s5;
	[sflag:s7] =	ssyncset.done $0x0  }
0xa0: {  	[sflag:s7] =	ssyncadd.s32 s5;
	_ =	sdelay $0x1  }
0xa1: {  	s23 =	simm.s32 $0x1B8B  }
0xa2: {  	_ =	swait.ge [sflag:s23], $0x1  }
0xa3: {  	[sflag:s23] =	ssyncset.done $0x0  }
0xa4: {  	[sflag:s23] =	ssyncadd.s32 $0xFFFFFFFF  }
0xa5: {  	s5 =	sld [smem:$0x0]  }
0xa6: {  	s6 =	sand.u32 $0xFFFFFFFE, s1  }
0xa7: {  	p0 =	sne.s32 s1, s6  }
0xa8: {  	s6 =	sshll.u32 @p0 s6, $0xE  }
0xa9: {  	s6 =	sadd.s32 @p0 $0x11B8D, s6;
	s7 =	sshll.u32 @p0 s5, $0x11  }
0xaa: {  	s6 =	sor.u32 @p0 s7, s6  }
0xab: {  	[sflag:s6] =	ssyncadd.remote.s32 @p0 $0x1;
	_ =	sdelay $0x1  }
0xac: {  	s6 =	simm.s32 @p0 $0x1B8D  }
0xad: {  	_ =	swait.eq @p0 [sflag:s6], $0x1  }
0xae: {  	[sflag:s6] =	ssyncadd.s32 @p0 $0xFFFFFFFF  }
0xaf: {  	s7 =	sshll.u32 @!p0 s1, $0xE  }
0xb0: {  	s7 =	sor.u32 @!p0 $0x4000, s7;
	s6 =	simm.s32 @!p0 $0x1B8D  }
0xb1: {  	s5 =	sshll.u32 @!p0 s5, $0x11;
	s7 =	sadd.s32 @!p0 $0x11B8D, s7;
	_ =	swait.eq @!p0 [sflag:s6], $0x1  }
0xb2: {  	s5 =	sor.u32 @!p0 s5, s7;
	[sflag:s6] =	ssyncadd.s32 @!p0 $0xFFFFFFFF  }
0xb3: {  	s25 =	simm.s32 $0x1B8E;
	s24 =	sld [smem:$0x3FFE];
	[sflag:s5] =	ssyncadd.remote.s32 @!p0 $0x1  }
0xb4: {  	s26 =	simm.s32 $execute0_lowered;
	[smem:$0x3FD2] =	sst s25  }
0xb5: {  	s6 =	sshll.u32 s26, $0x1;
	_ =	strace $0x8000004C;
	[dreg:$0x1] =	wrdreg $0xFFFFFFFF  }
0xb6: {  	s28 =	simm.s32 $_size_execute0_lowered;
	s4 =	sadd.s32 s4, s6;
	[dreg:$0x0] =	wrdreg $0x0  }
0xb7: {  	s6 =	sshll.u32 s28, $0x1;
	[dreg:$0x2] =	wrdreg s4  }
0xb8: {  	[dreg:$0x3] =	wrdreg s6  }
0xb9: {  	[dreg:$0x4] =	wrdreg $0xC0  }
0xba: {  	_ =	task [dreg:s22], $0x5FFFF  }
0xbb: {  	[dreg:$0x1] =	wrdreg $0xFFFFFFFF  }
0xbc: {  	[dreg:$0x0] =	wrdreg $0x60  }
0xbd: {  	[dreg:$0x2] =	wrdreg s24  }
0xbe: {  	[dreg:$0x3] =	wrdreg s18  }
0xbf: {  	[dreg:$0x4] =	wrdreg $0xA  }
0xc0: {  	_ =	task.clear_ibuf [dreg:s22], $0x5FFFF;
	_ =	strace $0x9000004C  }
0xc1: {  	s29 =	simm.s32 $0xA;
	_ =	strace $0x8000004E  }
0xc2: {  	_ =	swait.ge [sflag:s29], $0x1  }
0xc3: {  	[sflag:s29] =	ssyncadd.s32 $0xFFFFFFFF  }
0xc4: {  	_ =	strace $0x9000004E  }
0xc5: {  	_ =	sfence  }
0xc6: {  	s30 =	sld [smem:$0x0];
	_ =	sdelay $0x2  }
0xc7: {  	s31 =	sshll.u32 s1, $0xD;
	s1 =	sshrl.u32 s1, $0x2  }
0xc8: {  	s4 =	sand.u32 $0x4000, s31;
	s1 =	sadd.s32 s1, s30  }
0xc9: {  	s0 =	sor.u32 s4, s0;
	s1 =	sshll.u32 s1, $0x11  }
0xca: {  	s0 =	sor.u32 s1, s0  }
0xcb: {  	s0 =	sadd.s32 $0x8F2B, s0  }
0xcc: {  	[sflag:s0] =	ssyncadd.remote.s32 $0x1  }
0xcd: {  	_ =	sfence.sel $0xFFFF  }
0xce: {  	[dreg:$0x0] =	wrdreg $0xFFFFFFFF;
	(pc) =	sbr.abs _section_cstart, $3  }
0xcf: {  	[dreg:$0x1] =	wrdreg $0xFFFFFFFF  }
0xd0: {  	_ =	task.clear_ibuf [dreg:s22], $0x2FFFF;
	_ =	strace $0x9FFFFFFF  }
0xd1: {  	(tm) =	ssettm $0x7FFFFFFF  }
tec
execute0_lowered:
.L_overlay_start_1:
0x0: {  	(tag) =	ssettag $0x1  }
0x1: {  	s4 =	rddreg [dreg:$0x0]  }
0x2: {  	s0 =	srdreg.scid;
	s6 =	rddreg [dreg:$0x1]  }
0x3: {  	s2 =	simm.s32 $0x0;
	s12 =	simm.s32 $0x7680;
	s13 =	simm.s32 $0x9E80  }
0x4: {  	s14 =	simm.s32 $0x80;
	s15 =	simm.s32 $0x400;
	s3 =	sand.u32 $0x1, s0  }
0x5: {  	s0 =	stileid.u32;
	[smem:$0x7FF] =	sst s2;
	s1 =	sshll.u32 s3, $0x4  }
0x6: {  	s8 =	sshll.u32 s0, $0x7;
	s30 =	ssub.s32 $0x2, s3;
	s5 =	sor.u32 s0, s1  }
0x7: {  	s3 =	sadd.s32 $0x15A00, s4;
	s1 =	rddreg [dreg:$0x2];
	s7 =	sshrl.u32 s5, $0x3  }
0x8: {  	s29 =	sand.u32 $0x380, s8;
	s10 =	sshrl.u32 s30, $0x1;
	s7 =	smul.u32 $0x14000, s7  }
0x9: {  	_ =	strace $0x8000004D;
	s9 =	smul.u32 $0x4E2, s5;
	s10 =	ssub.s32 s30, s10  }
0xa: {  	s8 =	smax.u32 s10, $0x1;
	s10 =	simm.s32 $0x2780;
	s5 =	sor.u32 s29, s7  }
0xb: {  	s31 =	sadd.s32 s9, s4;
	s6 =	sadd.s32 s6, s9;
	s5 =	sshrl.u32 s5, $0x3  }
0xc: {  	s9 =	simm.s32 $0x1;
	s11 =	sadd.s32 s5, s4;
	s4 =	sadd.s32 $0xBC00, s31  }
0xd: {  	v0 =	vimm.f32 $0.0e+00;
	s5 =	sadd.s32 $0x1E00, s31;
	s7 =	sadd.s32 $0x16000, s11;
	s11 =	simm.s32 $0x4F00  }
.LBB2_1:
0xe: {  	s16 =	simm.s32 $0x40;
	s17 =	simm.s32 $0x0  }
.LBB2_2:
0xf: {  	p0 =	sne.s32 s16, $0x9FC0;
	[tilespmem:s17+$0x9E80] =	vst v0;
	s17 =	smov.u32 s16;
	s16 =	sadd.s32 $0x40, s16  }
.Ltmp0:
0x10: {  	(pc) =	sbr.rel @p0 .LBB2_2-.Ltmp0, $2  }
0x11: {  	_ =	sdelay $0x2  }
0x12: {  	s17 =	sshra.s32 s17, $0x2  }
0x13: {  	[tilespmem:s17+$0x9E80] =	vst v0;
	s16 =	simm.s32 $0x0  }
0x14: {  	[tilespmem:s16], [sflag:$0x1] =	stream.linear.gather [hbm4b:s4+s16], $0x2710, $0x38;
	[tilespmem:$0xC680] =	vst v63  }
0x15: {  	_ =	swait.ge [sflag:s9], $0x2710  }
0x16: {  	[sflag:s9] =	ssyncset.done $0x0  }
0x17: {  	[sflag:s9] =	ssyncadd.s32 $0xFFFFD8F0  }
0x18: {  	[tilespmem:s10], [sflag:$0x1] =	stream.linear.gather [hbm4b:s5+s16], $0x2710, $0x38;
	[tilespmem:$0xC680] =	vst v63  }
0x19: {  	_ =	swait.ge [sflag:s9], $0x2710  }
0x1a: {  	[sflag:s9] =	ssyncset.done $0x0  }
0x1b: {  	[sflag:s9] =	ssyncadd.s32 $0xFFFFD8F0  }
0x1c: {  	[tilespmem:s11], [sflag:$0x1] =	stream.linear.gather [hbm4b:s6+s16], $0x2710, $0x38;
	[tilespmem:$0xC680] =	vst v63  }
0x1d: {  	_ =	swait.ge [sflag:s9], $0x2710  }
0x1e: {  	[sflag:s9] =	ssyncset.done $0x0  }
0x1f: {  	[sflag:s9] =	ssyncadd.s32 $0xFFFFD8F0  }
0x20: {  	[tilespmem:s12], [sflag:$0x1] =	stream.linear.gather [hbm4b:s3+s16], $0x2800, $0x38;
	[tilespmem:$0xC680] =	vst v63  }
0x21: {  	_ =	swait.ge [sflag:s9], $0x2800  }
0x22: {  	[sflag:s9] =	ssyncset.done $0x0  }
0x23: {  	s17 =	simm.s32 $0x0;
	s16 =	simm.s32 $0x40;
	[sflag:s9] =	ssyncadd.s32 $0xFFFFD800  }
.LBB2_4:
0x24: {  	p0 =	sne.s32 s16, $0x9C00;
	v1 =	vld [tilespmem:s17+$0x2780];
	_ =	sdelay $0x6  }
0x25: {  	v2 =	vld [tilespmem:s17+$0x0]  }
0x26: {  	v1 =	vld.idx.msk [tilespmem:v1+s12+$0x0], $0xffff  }
0x27: {  	v3 =	vld [tilespmem:s17+$0x4F00];
	_ =	sdelay $0x2  }
.Ltmp1:
0x28: {  	(pc) =	sbr.rel @p0 .LBB2_4-.Ltmp1, $3  }
0x29: {  	_ = 	snop  }
0x2a: {  	v1 =	vmul.f32 v3, v1;
	_ =	sdelay $0x1  }
0x2b: {  	s17 =	sshra.s32 s16, $0x2;
	s16 =	sadd.s32 $0x40, s16;
	[tilespmem:v2+s13+$0x0] =	vst.idx.add.f32.msk $0xffff, v1  }
0x2c: {  	v1 =	vld [tilespmem:s17+$0x2780];
	_ =	sdelay $0x5  }
0x2d: {  	v2 =	vld [tilespmem:s17+$0x0]  }
0x2e: {  	v3 =	vld [tilespmem:s17+$0x4F00]  }
0x2f: {  	v1 =	vld.idx.msk [tilespmem:v1+s12+$0x0], $0xffff;
	_ =	sdelay $0x4  }
0x30: {  	s2 =	sadd.s32 $0x1, s2;
	v1 =	vmul.f32 v3, v1  }
0x31: {  	p0 =	sne.s32 s2, s8  }
.Ltmp2:
0x32: {  	[tilespmem:v2+s13+$0x0] =	vst.idx.add.f32.msk $0xffff, v1;
	(pc) =	sbr.rel @p0 .LBB2_1-.Ltmp2, $4  }
0x33: {  	[hbm4b:s7+s14] =	stream.strided.scatter [tilespmem:s13], [sflag:$0x1], $0x2800, s15, s14, $0x38;
	[tilespmem:$0xC680] =	vst v63  }
0x34: {  	_ =	swait.ge [sflag:s9], $0x2800  }
0x35: {  	[sflag:s9] =	ssyncset.done $0x0  }
0x36: {  	[sflag:s9] =	ssyncadd.s32 $0xFFFFD800  }
0x37: {  	_ =	sfence.sel $0x180000  }
0x38: {  	[bflag:$0x0] =	sbarrier.arrive $0xFFFF  }
0x39: {  	p0 =	sne.s32 s0, $0x0;
	_ =	strace $0x9000004D  }
0x3a: {  	s0 =	sadd.s32 @!p0 $0x100000, s1;
	[bflag:$0x2] =	sbarrier.arrive $0xFFFF  }
0x3b: {  	[sflag:s0] =	ssyncadd.tile.s32 @!p0 $0x1;
	_ =	shalt  }
.Lfunc_end2:
_tile_overlayer_lowered:
.L_overlay_start_2:
0x3c: {  	(tag) =	ssettag $0x2  }
0x3d: {  	s0 =	rddreg [dreg:$0x0];
	s2 =	stileid.u32  }
0x3e: {  	s1 =	rddreg [dreg:$0x1];
	p0 =	sne.s32 s2, $0x0  }
0x3f: {  	s3 =	rddreg [dreg:$0x2];
	[bflag:$0x3] =	sbarrier.arrive $0xFFFF;
	s2 =	simm.s32 @!p0 $0x1C01  }
0x40: {  	[timem:s3], [sflag:s2] =	dma.local @!p0 [hbm:s0], s1  }
0x41: {  	s0 =	simm.s32 @!p0 $0x1  }
0x42: {  	_ =	swait.ge @!p0 [sflag:s0], s1  }
0x43: {  	s1 =	ssub.s32 @!p0 $0x0, s1;
	[sflag:s0] =	ssyncset.done @!p0 $0x0  }
0x44: {  	[sflag:s0] =	ssyncadd.s32 @!p0 s1  }
0x45: {  	[bflag:$0x3] =	sbarrier.arrive $0xFFFF  }
0x46: {  	_ =	shalt  }

// kernel: kernel.7.cloned.1.call-start
scs
__scs_entry_jumppad:
0x0: {  	(pc) =	sbr.rel $0x88, $3  }
0x1: {  	(tag) =	ssettag $0x0;
	lr =	simm.s32 $0x1  }
0x2: {  	[smem:$0x3F9A] =	sst lr;
	_ =	strace $0xD0000000  }
0x3: {  	_ = 	snop  }
0x4: {  	_ = 	snop  }
0x5: {  	_ = 	snop  }
0x6: {  	_ = 	snop  }
0x7: {  	_ = 	snop  }
__scs_overlays_trampoline_lowered:
0x8: {  	[smem:$0x3FA9] =	sst s0  }
0x9: {  	[smem:$0x3FAA] =	sst s1  }
0xa: {  	[smem:$0x3FAB] =	sst s2  }
0xb: {  	[smem:$0x3FAC] =	sst s3  }
0xc: {  	[smem:$0x3FAD] =	sst s4  }
0xd: {  	[smem:$0x3FAE] =	sst s5  }
0xe: {  	[smem:$0x3FAF] =	sst s6  }
0xf: {  	[smem:$0x3FB0] =	sst s7  }
0x10: {  	[smem:$0x3FB1] =	sst s8  }
0x11: {  	[smem:$0x3FB2] =	sst s9;
	s0 =	simm.s32 @!p0 $0x0  }
0x12: {  	s1 =	sld [smem:$0x3F98];
	s0 =	simm.s32 @p0 $0x1  }
0x13: {  	[smem:$0x3FB3] =	sst s0;
	s0 =	simm.s32 @!p1 $0x0  }
0x14: {  	s2 =	sld [smem:$0x3F97];
	s0 =	simm.s32 @p1 $0x1  }
0x15: {  	[smem:$0x3FB4] =	sst s0;
	s0 =	simm.s32 @!p2 $0x0  }
0x16: {  	s3 =	sld [smem:$0x3FDB];
	s0 =	simm.s32 @p2 $0x1  }
0x17: {  	s4 =	simm.s32 $0x1BF5;
	[smem:$0x3FB6] =	sst s0  }
0x18: {  	s0 =	sld [smem:$0x3F99];
	_ =	swait.ge [sflag:s4], $0x0  }
0x19: {  	s7 =	sld [smem:$0x3F9A]  }
0x1a: {  	s8 =	sadd.s32 $0xFFFFE003, lr  }
0x1b: {  	s9 =	sadd.s32 $0xFFFFFEF7, lr;
	s5 =	simm.s32 $0xFFFFFFFF;
	p2 =	slt.u32 s8, $0xFFFFF086  }
0x1c: {  	p1 =	slt.u32 s9, $0xF7A;
	s5 =	simm.s32 @!p2 $0x0  }
0x1d: {  	s5 =	simm.s32 @p1 $0x1;
	p0 =	seq.s32 s7, s2  }
0x1e: {  	s7 =	smul.u32 @!p0 $0xF7A, s2;
	p2 =	seq.s32 @!p0 s5, $0x0  }
0x1f: {  	s9 =	smul.u32 $0xF7A, s1;
	s8 =	simm.s32 @!p0 $0x1BF5;
	p2 =	por !p2, p0  }
0x20: {  	[sflag:s8] =	ssyncset.s32 @!p0 $0xFFFFF086;
	s6 =	sadd.s32 @!p0 s3, s7;
	s7 =	simm.s32 @!p0 $0x108  }
0x21: {  	s3 =	sadd.s32 s3, s9;
	s6 =	sadd.s32 @!p0 $0x88, s6;
	s7 =	simm.s32 @p2 $0x1082  }
0x22: {  	[simem:s7], [sflag:s8] =	dma.local @!p0 [hbm:s6], $0xF7A  }
0x23: {  	s9 =	sor.u32 $0xD0000000, s2;
	s6 =	simm.s32 $0x108;
	_ =	swait.ge @!p0 [sflag:s8], $0x0  }
0x24: {  	s3 =	sadd.s32 $0x88, s3;
	s6 =	simm.s32 @!p1 $0x1082;
	[sflag:s4] =	ssyncset.s32 $0xFFFFF086  }
0x25: {  	[simem:s6], [sflag:s4] =	dma.local [hbm:s3], $0xF7A  }
0x26: {  	[smem:$0x3F9A] =	sst s1;
	(tag) =	ssettag s2;
	_ =	strace s9  }
0x27: {  	s1 =	sld [smem:$0x3FAA]  }
0x28: {  	s2 =	sld [smem:$0x3FAB]  }
0x29: {  	s4 =	sld [smem:$0x3FAD]  }
0x2a: {  	p0 =	seq.s32 s5, $0x0;
	s5 =	sld [smem:$0x3FAE]  }
0x2b: {  	s6 =	sld [smem:$0x3FAF]  }
0x2c: {  	s7 =	sld [smem:$0x3FB0]  }
0x2d: {  	s3 =	simm.s32 $0x108;
	s8 =	sld [smem:$0x3FB1]  }
0x2e: {  	s3 =	simm.s32 @!p0 $0x1082;
	s9 =	sld [smem:$0x3FB2]  }
0x2f: {  	lr =	sadd.s32 s0, s3;
	s0 =	sld [smem:$0x3FA9]  }
0x30: {  	s3 =	sld [smem:$0x3FAC]  }
0x31: {  	[smem:$0x3FB5] =	sst s10  }
0x32: {  	s10 =	sld [smem:$0x3FB3];
	_ =	sdelay $0x3  }
0x33: {  	p0 =	seq.s32 s10, $0x1;
	s10 =	sld [smem:$0x3FB5];
	_ =	sdelay $0x3  }
0x34: {  	[smem:$0x3FB5] =	sst s10  }
0x35: {  	s10 =	sld [smem:$0x3FB4];
	_ =	sdelay $0x3  }
0x36: {  	p1 =	seq.s32 s10, $0x1;
	s10 =	sld [smem:$0x3FB5];
	_ =	sdelay $0x3  }
0x37: {  	[smem:$0x3FB5] =	sst s10  }
0x38: {  	s10 =	sld [smem:$0x3FB6]  }
0x39: {  	_ = 	snop;
	(pc) =	sbr.ind lr, $3  }
0x3a: {  	_ = 	snop  }
0x3b: {  	_ = 	snop  }
0x3c: {  	p2 =	seq.s32 s10, $0x1;
	s10 =	sld [smem:$0x3FB5]  }
0x3d: {  	_ =	shalt  }
0x3e: {  	_ =	shalt  }
0x3f: {  	_ =	shalt  }
0x40: {  	_ =	shalt  }
0x41: {  	_ =	shalt  }
0x42: {  	_ =	shalt  }
0x43: {  	_ =	shalt  }
0x44: {  	_ =	shalt  }
0x45: {  	_ =	shalt  }
0x46: {  	_ =	shalt  }
0x47: {  	_ =	shalt  }
0x48: {  	_ =	shalt  }
0x49: {  	_ =	shalt  }
0x4a: {  	_ =	shalt  }
0x4b: {  	_ =	shalt  }
0x4c: {  	_ =	shalt  }
0x4d: {  	_ =	shalt  }
0x4e: {  	_ =	shalt  }
0x4f: {  	_ =	shalt  }
0x50: {  	_ =	shalt  }
0x51: {  	_ =	shalt  }
0x52: {  	_ =	shalt  }
0x53: {  	_ =	shalt  }
0x54: {  	_ =	shalt  }
0x55: {  	_ =	shalt  }
0x56: {  	_ =	shalt  }
0x57: {  	_ =	shalt  }
0x58: {  	_ =	shalt  }
0x59: {  	_ =	shalt  }
0x5a: {  	_ =	shalt  }
0x5b: {  	_ =	shalt  }
0x5c: {  	_ =	shalt  }
0x5d: {  	_ =	shalt  }
0x5e: {  	_ =	shalt  }
0x5f: {  	_ =	shalt  }
0x60: {  	_ =	shalt  }
0x61: {  	_ =	shalt  }
0x62: {  	_ =	shalt  }
0x63: {  	_ =	shalt  }
0x64: {  	_ =	shalt  }
0x65: {  	_ =	shalt  }
0x66: {  	_ =	shalt  }
0x67: {  	_ =	shalt  }
0x68: {  	_ =	shalt  }
0x69: {  	_ =	shalt  }
0x6a: {  	_ =	shalt  }
0x6b: {  	_ =	shalt  }
0x6c: {  	_ =	shalt  }
0x6d: {  	_ =	shalt  }
0x6e: {  	_ =	shalt  }
0x6f: {  	_ =	shalt  }
0x70: {  	_ =	shalt  }
0x71: {  	_ =	shalt  }
0x72: {  	_ =	shalt  }
0x73: {  	_ =	shalt  }
0x74: {  	_ =	shalt  }
0x75: {  	_ =	shalt  }
0x76: {  	_ =	shalt  }
0x77: {  	_ =	shalt  }
0x78: {  	_ =	shalt  }
0x79: {  	_ =	shalt  }
0x7a: {  	_ =	shalt  }
0x7b: {  	_ =	shalt  }
0x7c: {  	_ =	shalt  }
0x7d: {  	_ =	shalt  }
0x7e: {  	_ =	shalt  }
0x7f: {  	_ =	shalt  }
0x80: {  	_ =	shalt  }
0x81: {  	_ =	shalt  }
0x82: {  	_ =	shalt  }
0x83: {  	_ =	shalt  }
0x84: {  	_ =	shalt  }
0x85: {  	_ =	shalt  }
0x86: {  	_ =	shalt  }
0x87: {  	_ =	shalt  }
.Lfunc_end0:
.L_simem_size_0:
called_computation_lowered:
.L_overlay_start_0:
0x88: {  	s2 =	sld [smem:$0x3FD9]  }
0x89: {  	s3 =	sld [smem:$0x3FFE];
	_ =	sdelay $0x1  }
0x8a: {  	s1 =	srdreg.scid  }
0x8b: {  	s0 =	sand.u32 $0x1, s1  }
0x8c: {  	s16 =	sshll.u32 s0, $0xA;
	s2 =	sadd.s32 s3, s2  }
0x8d: {  	s2 =	sadd.s32 s2, s16  }
0x8e: {  	[smem:$0x3FC1] =	sst s2  }
0x8f: {  	_ = 	snop  }
0x90: {  	(tm) =	ssettm $0x1  }
0x91: {  	s17 =	sld [smem:$0x3FFB];
	_ =	sdelay $0x3  }
0x92: {  	_ =	strace s17  }
0x93: {  	s2 =	sld [smem:$0x3FFC];
	_ =	sdelay $0x3  }
0x94: {  	_ =	strace s2  }
0x95: {  	s2 =	sld [smem:$0x3FFD];
	_ =	sdelay $0x3  }
0x96: {  	_ =	strace s2  }
0x97: {  	_ =	strace $0x8FFFFFFF  }
0x98: {  	s18 =	sld [smem:$0x3FDB];
	_ =	sdelay $0x1  }
0x99: {  	s19 =	simm.s32 $_scs_section_size  }
0x9a: {  	s4 =	simm.s32 $_size__tile_overlayer_lowered;
	s5 =	simm.s32 $_tile_overlayer_lowered  }
0x9b: {  	s22 =	simm.s32 $0x1BFF;
	s21 =	sshll.u32 s5, $0x1;
	s2 =	sadd.s32 s19, s18  }
0x9c: {  	s6 =	simm.s32 $0x0;
	s20 =	sshll.u32 s4, $0x1;
	s4 =	sadd.s32 s21, s2  }
0x9d: {  	[timem:s6], [sflag:s22] =	dma.local [hbm:s4], s20  }
0x9e: {  	_ =	swait.ge [sflag:s22], s20  }
0x9f: {  	s3 =	ssub.s32 $0x0, s20;
	[sflag:s22] =	ssyncset.done $0x0  }
0xa0: {  	[sflag:s22] =	ssyncadd.s32 s3;
	_ =	sdelay $0x1  }
0xa1: {  	s23 =	simm.s32 $0x1B8B  }
0xa2: {  	_ =	swait.ge [sflag:s23], $0x1  }
0xa3: {  	[sflag:s23] =	ssyncset.done $0x0  }
0xa4: {  	s25 =	simm.s32 $0x1B8E;
	s24 =	sld [smem:$0x3FFE];
	[sflag:s23] =	ssyncadd.s32 $0xFFFFFFFF  }
0xa5: {  	s26 =	simm.s32 $execute0_lowered;
	[smem:$0x3FD2] =	sst s25  }
0xa6: {  	s4 =	sshll.u32 s26, $0x1;
	_ =	strace $0x80000046;
	[dreg:$0x1] =	wrdreg $0xFFFFFFFF  }
0xa7: {  	s28 =	simm.s32 $_size_execute0_lowered;
	s2 =	sadd.s32 s2, s4;
	[dreg:$0x0] =	wrdreg $0x0  }
0xa8: {  	s4 =	sshll.u32 s28, $0x1;
	[dreg:$0x2] =	wrdreg s2  }
0xa9: {  	[dreg:$0x3] =	wrdreg s4  }
0xaa: {  	[dreg:$0x4] =	wrdreg $0xC0  }
0xab: {  	_ =	task [dreg:s6], $0x5FFFF  }
0xac: {  	[dreg:$0x1] =	wrdreg $0xFFFFFFFF  }
0xad: {  	[dreg:$0x0] =	wrdreg $0x60  }
0xae: {  	[dreg:$0x2] =	wrdreg s24  }
0xaf: {  	[dreg:$0x3] =	wrdreg $0x9  }
0xb0: {  	_ =	task.clear_ibuf [dreg:s6], $0x4FFFF;
	_ =	strace $0x90000046  }
0xb1: {  	s29 =	simm.s32 $0x9;
	_ =	strace $0x80000048  }
0xb2: {  	_ =	swait.ge [sflag:s29], $0x1  }
0xb3: {  	[sflag:s29] =	ssyncadd.s32 $0xFFFFFFFF  }
0xb4: {  	_ =	strace $0x90000048  }
0xb5: {  	_ =	sfence  }
0xb6: {  	s30 =	sld [smem:$0x0];
	_ =	sdelay $0x2  }
0xb7: {  	s31 =	sshll.u32 s1, $0xD;
	s1 =	sshrl.u32 s1, $0x2  }
0xb8: {  	s3 =	sand.u32 $0x4000, s31;
	s1 =	sadd.s32 s1, s30  }
0xb9: {  	s0 =	sor.u32 s3, s0;
	s1 =	sshll.u32 s1, $0x11  }
0xba: {  	s0 =	sor.u32 s1, s0  }
0xbb: {  	s0 =	sadd.s32 $0x8F2B, s0  }
0xbc: {  	[sflag:s0] =	ssyncadd.remote.s32 $0x1  }
0xbd: {  	_ =	sfence.sel $0xFFFF  }
0xbe: {  	[dreg:$0x0] =	wrdreg $0xFFFFFFFF;
	(pc) =	sbr.abs _section_cstart, $3  }
0xbf: {  	[dreg:$0x1] =	wrdreg $0xFFFFFFFF  }
0xc0: {  	_ =	task.clear_ibuf [dreg:s6], $0x2FFFF;
	_ =	strace $0x9FFFFFFF  }
0xc1: {  	(tm) =	ssettm $0x7FFFFFFF  }
tec
execute0_lowered:
.L_overlay_start_1:
0x0: {  	(tag) =	ssettag $0x1  }
0x1: {  	s3 =	rddreg [dreg:$0x0]  }
0x2: {  	s1 =	srdreg.scid;
	s0 =	rddreg [dreg:$0x1]  }
0x3: {  	s2 =	simm.s32 $0x0;
	s10 =	simm.s32 $0x7780;
	s11 =	simm.s32 $0x2800  }
0x4: {  	s12 =	simm.s32 $0x80;
	s13 =	simm.s32 $0x400;
	s4 =	sand.u32 $0x1, s1  }
0x5: {  	s14 =	simm.s32 $0x0;
	s1 =	stileid.u32;
	s5 =	sshll.u32 s4, $0x4  }
0x6: {  	[smem:$0x7FF] =	sst s2;
	s9 =	sadd.s32 $0x15A00, s3;
	s5 =	sor.u32 s1, s5  }
0x7: {  	_ =	strace $0x80000047;
	s6 =	smul.u32 $0x4E2, s5;
	s5 =	sshrl.u32 s5, $0x3  }
0x8: {  	s4 =	ssub.s32 $0x2, s4;
	s7 =	sshll.u32 s1, $0x7;
	s5 =	smul.u32 $0x14000, s5  }
0x9: {  	s8 =	sshrl.u32 s4, $0x1;
	s7 =	sand.u32 $0x380, s7;
	s6 =	sadd.s32 s6, s3  }
0xa: {  	s8 =	ssub.s32 s4, s8;
	s30 =	sor.u32 s7, s5;
	s3 =	sadd.s32 $0xBC00, s6  }
0xb: {  	s4 =	sadd.s32 $0x1E00, s6;
	s5 =	sshrl.u32 s30, $0x3;
	s7 =	sadd.s32 $0x50000, s30  }
0xc: {  	s5 =	sadd.s32 s9, s5;
	s31 =	sshrl.u32 s7, $0x3;
	s7 =	smax.u32 s8, $0x1  }
0xd: {  	v0 =	vimm.f32 $0.0e+00;
	v1 =	vimm.f32 $1.000000000e+00;
	s8 =	simm.s32 $0x5000;
	s6 =	sadd.s32 s9, s31;
	s9 =	simm.s32 $0x1  }
.LBB2_1:
0xe: {  	s15 =	simm.s32 $0x0  }
.LBB2_2:
0xf: {  	p0 =	sne.s32 s15, $0x9FC0  }
.Ltmp0:
0x10: {  	_ = 	snop;
	(pc) =	sbr.rel @p0 .LBB2_2-.Ltmp0, $3  }
0x11: {  	_ =	sdelay $0x1  }
0x12: {  	s16 =	sshra.s32 s15, $0x2  }
0x13: {  	s15 =	sadd.s32 $0x40, s15;
	[tilespmem:s16+$0x0] =	vst v0  }
0x14: {  	s15 =	simm.s32 $0x40;
	s16 =	simm.s32 $0x0  }
.LBB2_4:
0x15: {  	p0 =	sne.s32 s15, $0x9FC0;
	[tilespmem:s16+$0x2800] =	vst v0;
	s16 =	smov.u32 s15;
	s15 =	sadd.s32 $0x40, s15  }
.Ltmp1:
0x16: {  	(pc) =	sbr.rel @p0 .LBB2_4-.Ltmp1, $2  }
0x17: {  	_ =	sdelay $0x2  }
0x18: {  	s16 =	sshra.s32 s16, $0x2  }
0x19: {  	[tilespmem:s16+$0x2800] =	vst v0;
	s15 =	simm.s32 $0x0  }
0x1a: {  	[tilespmem:s8], [sflag:$0x1] =	stream.linear.gather [hbm4b:s3+s15], $0x2710, $0x38;
	[tilespmem:$0x9F00] =	vst v63  }
0x1b: {  	_ =	swait.ge [sflag:s9], $0x2710  }
0x1c: {  	[sflag:s9] =	ssyncset.done $0x0  }
0x1d: {  	[sflag:s9] =	ssyncadd.s32 $0xFFFFD8F0  }
0x1e: {  	[tilespmem:s10], [sflag:$0x1] =	stream.linear.gather [hbm4b:s4+s15], $0x2710, $0x38;
	[tilespmem:$0x9F00] =	vst v63  }
0x1f: {  	_ =	swait.ge [sflag:s9], $0x2710  }
0x20: {  	[sflag:s9] =	ssyncset.done $0x0  }
0x21: {  	s16 =	simm.s32 $0x0;
	s15 =	simm.s32 $0x40;
	[sflag:s9] =	ssyncadd.s32 $0xFFFFD8F0  }
.LBB2_6:
0x22: {  	p0 =	sne.s32 s15, $0x9C00;
	v2 =	vld [tilespmem:s16+$0x5000];
	_ =	sdelay $0x7  }
0x23: {  	[tilespmem:v2+s2+$0x0] =	vst.idx.add.f32.msk $0xffff, v1  }
0x24: {  	v2 =	vld [tilespmem:s16+$0x7780];
	_ =	sdelay $0x3  }
.Ltmp2:
0x25: {  	(pc) =	sbr.rel @p0 .LBB2_6-.Ltmp2, $2  }
0x26: {  	_ =	sdelay $0x2  }
0x27: {  	s16 =	sshra.s32 s15, $0x2;
	s15 =	sadd.s32 $0x40, s15;
	[tilespmem:v2+s11+$0x0] =	vst.idx.add.f32.msk $0xffff, v1  }
0x28: {  	v2 =	vld [tilespmem:s16+$0x5000];
	_ =	sdelay $0x7  }
0x29: {  	[tilespmem:v2+s2+$0x0] =	vst.idx.add.f32.msk $0xffff, v1  }
0x2a: {  	v2 =	vld [tilespmem:s16+$0x7780];
	_ =	sdelay $0x7  }
0x2b: {  	[tilespmem:v2+s11+$0x0] =	vst.idx.add.f32.msk $0xffff, v1  }
0x2c: {  	[hbm4b:s5+s12] =	stream.strided.scatter [tilespmem:s2], [sflag:$0x1], $0x2800, s13, s12, $0x38;
	[tilespmem:$0x9F00] =	vst v63  }
0x2d: {  	s14 =	sadd.s32 $0x1, s14;
	_ =	swait.ge [sflag:s9], $0x2800  }
0x2e: {  	p0 =	sne.s32 s14, s7;
	[sflag:s9] =	ssyncset.done $0x0  }
.Ltmp3:
0x2f: {  	[sflag:s9] =	ssyncadd.s32 $0xFFFFD800;
	(pc) =	sbr.rel @p0 .LBB2_1-.Ltmp3, $4  }
0x30: {  	[hbm4b:s6+s12] =	stream.strided.scatter [tilespmem:s11], [sflag:$0x1], $0x2800, s13, s12, $0x38;
	[tilespmem:$0x9F00] =	vst v63  }
0x31: {  	_ =	swait.ge [sflag:s9], $0x2800  }
0x32: {  	[sflag:s9] =	ssyncset.done $0x0  }
0x33: {  	[sflag:s9] =	ssyncadd.s32 $0xFFFFD800  }
0x34: {  	_ =	sfence.sel $0x180000  }
0x35: {  	[bflag:$0x0] =	sbarrier.arrive $0xFFFF  }
0x36: {  	p0 =	sne.s32 s1, $0x0;
	_ =	strace $0x90000047  }
0x37: {  	s0 =	sadd.s32 @!p0 $0x100000, s0;
	[bflag:$0x2] =	sbarrier.arrive $0xFFFF  }
0x38: {  	[sflag:s0] =	ssyncadd.tile.s32 @!p0 $0x1;
	_ =	shalt  }
.Lfunc_end2:
_tile_overlayer_lowered:
.L_overlay_start_2:
0x39: {  	(tag) =	ssettag $0x2  }
0x3a: {  	s0 =	rddreg [dreg:$0x0];
	s2 =	stileid.u32  }
0x3b: {  	s1 =	rddreg [dreg:$0x1];
	p0 =	sne.s32 s2, $0x0  }
0x3c: {  	s3 =	rddreg [dreg:$0x2];
	[bflag:$0x3] =	sbarrier.arrive $0xFFFF;
	s2 =	simm.s32 @!p0 $0x1C01  }
0x3d: {  	[timem:s3], [sflag:s2] =	dma.local @!p0 [hbm:s0], s1  }
0x3e: {  	s0 =	simm.s32 @!p0 $0x1  }
0x3f: {  	_ =	swait.ge @!p0 [sflag:s0], s1  }
0x40: {  	s1 =	ssub.s32 @!p0 $0x0, s1;
	[sflag:s0] =	ssyncset.done @!p0 $0x0  }
0x41: {  	[sflag:s0] =	ssyncadd.s32 @!p0 s1  }
0x42: {  	[bflag:$0x3] =	sbarrier.arrive $0xFFFF  }
0x43: {  	_ =	shalt  }

</sc_bundles>
